<compile_context>
chip_gen: v7x
topology: tpu7x:2x2x1
jax: 0.10.2.dev20260603
libtpu: 0.0.44.dev20260713+nightly
codegen_flags: <defaults>
</compile_context>

<pallas_src>
import functools

import jax
import jax.numpy as jnp
from jax import lax
from jax.experimental import pallas as pl
from jax.experimental.pallas import tpu as pltpu
from jax.experimental.pallas import tpu_sc as plsc

N = 10000
E = 160000
D = 256
G = 64

NSUB = 16
K = 80
EPS = 10240
EPAD = NSUB * EPS
NCHUNK = EPS // K
ACC_ROWS = 10008
ZROWS = 640

BR = 2000
NB = N // BR



def _mm_split_body(x_ref, w_ref, o_ref):
    m = jnp.dot(x_ref[...], w_ref[...], preferred_element_type=jnp.float32)
    o_ref[0] = m[:, :128]
    o_ref[1] = m[:, 128:]


def _mm_split(x, w):
    return pl.pallas_call(
        _mm_split_body,
        grid=(NB,),
        in_specs=[
            pl.BlockSpec((BR, D), lambda i: (i, 0)),
            pl.BlockSpec((D, D), lambda i: (0, 0)),
        ],
        out_specs=pl.BlockSpec((2, BR, 128), lambda i: (0, i, 0)),
        out_shape=jax.ShapeDtypeStruct((2, N, 128), jnp.float32),
    )(x, w)


def _norm_mm_body(agg_ref, b_ref, w_ref, o_ref):
    a = jnp.concatenate([agg_ref[0], agg_ref[1]], axis=1)
    h = jnp.maximum(a + b_ref[...], 0.0)
    n = jnp.sqrt(jnp.sum(h * h, axis=1, keepdims=True))
    h = h / jnp.maximum(n, 1e-12)
    m = jnp.dot(h, w_ref[...], preferred_element_type=jnp.float32)
    o_ref[0] = m[:, :128]
    o_ref[1] = m[:, 128:]


def _norm_mm(agg, b, w):
    return pl.pallas_call(
        _norm_mm_body,
        grid=(NB,),
        in_specs=[
            pl.BlockSpec((2, BR, 128), lambda i: (0, i, 0)),
            pl.BlockSpec((1, D), lambda i: (0, 0)),
            pl.BlockSpec((D, D), lambda i: (0, 0)),
        ],
        out_specs=pl.BlockSpec((2, BR, 128), lambda i: (0, i, 0)),
        out_shape=jax.ShapeDtypeStruct((2, N, 128), jnp.float32),
    )(agg, b.reshape(1, D), w)


def _pool_mlp_body(agg_ref, b_ref, batch_ref, wf1_ref, bf1_ref, wf2_ref,
                   bf2_ref, wo_ref, bo_ref, o_ref, sums_ref, cnt_ref):
    i = pl.program_id(0)

    a = jnp.concatenate([agg_ref[0], agg_ref[1]], axis=1)
    h = jnp.maximum(a + b_ref[...], 0.0)
    n = jnp.sqrt(jnp.sum(h * h, axis=1, keepdims=True))
    h = h / jnp.maximum(n, 1e-12)

    bb = batch_ref[0, 0]
    oh = (bb[:, None] == lax.broadcasted_iota(jnp.int32, (BR, G), 1)
          ).astype(jnp.float32)

    @pl.when(i == 0)
    def _():
        sums_ref[...] = jnp.zeros_like(sums_ref)
        cnt_ref[...] = jnp.zeros_like(cnt_ref)

    dn = (((0,), (0,)), ((), ()))
    sums_ref[...] += lax.dot_general(oh, h, dn,
                                     preferred_element_type=jnp.float32,
                                     precision=lax.Precision.HIGHEST)
    cnt_ref[...] += lax.dot_general(oh, jnp.ones((BR, 128), jnp.float32), dn,
                                    preferred_element_type=jnp.float32,
                                    precision=lax.Precision.HIGHEST)

    @pl.when(i == NB - 1)
    def _():
        mean = sums_ref[...] / jnp.maximum(cnt_ref[...][:, :1], 1.0)
        f = jnp.maximum(
            jnp.dot(mean, wf1_ref[...], preferred_element_type=jnp.float32)
            + bf1_ref[...], 0.0)
        f = jnp.maximum(
            jnp.dot(f, wf2_ref[...], preferred_element_type=jnp.float32)
            + bf2_ref[...], 0.0)
        o_ref[...] = (jnp.dot(f, wo_ref[...],
                              preferred_element_type=jnp.float32)
                      + bo_ref[...])


def _pool_mlp(agg, b, batch, wf1, bf1, wf2, bf2, wo, bo):
    return pl.pallas_call(
        _pool_mlp_body,
        grid=(NB,),
        in_specs=[
            pl.BlockSpec((2, BR, 128), lambda i: (0, i, 0)),
            pl.BlockSpec((1, D), lambda i: (0, 0)),
            pl.BlockSpec((1, 1, BR), lambda i: (i, 0, 0)),
            pl.BlockSpec((D, D), lambda i: (0, 0)),
            pl.BlockSpec((1, D), lambda i: (0, 0)),
            pl.BlockSpec((D, 128), lambda i: (0, 0)),
            pl.BlockSpec((1, 128), lambda i: (0, 0)),
            pl.BlockSpec((128, 1), lambda i: (0, 0)),
            pl.BlockSpec((1, 1), lambda i: (0, 0)),
        ],
        out_specs=pl.BlockSpec((G, 1), lambda i: (0, 0)),
        out_shape=jax.ShapeDtypeStruct((G, 1), jnp.float32),
        scratch_shapes=[
            pltpu.VMEM((G, D), jnp.float32),
            pltpu.VMEM((G, 128), jnp.float32),
        ],
    )(agg, b.reshape(1, D), batch.reshape(NB, 1, BR), wf1,
      bf1.reshape(1, D), wf2, bf2.reshape(1, 128), wo.reshape(128, 1),
      bo.reshape(1, 1))



def _seg_body(mtab_hbm, sd_hbm, out_hbm, ibuf, rows4, zbuf, acc, *sems):
    c = lax.axis_index("c")
    s = lax.axis_index("s")
    isems = sems[0:8]
    gsems = sems[8:12]
    ssems = sems[12:16]

    pltpu.sync_copy(sd_hbm.at[c, s, 0], ibuf.at[0])
    for q in range(1, 5):
        pltpu.async_copy(sd_hbm.at[c, s, q], ibuf.at[q], isems[q])
    pltpu.async_copy(mtab_hbm.at[ibuf.at[0, 0]], rows4.at[0], gsems[0])
    for q in (1, 2):
        pltpu.make_async_copy(sd_hbm.at[c, s, q], ibuf.at[q],
                              isems[q]).wait()
        pltpu.async_copy(mtab_hbm.at[ibuf.at[q, 0]], rows4.at[q], gsems[q])

    for j in range(8):
        for r in range(8):
            zbuf[r, pl.ds(j * 16, 16)] = jnp.zeros((16,), jnp.float32)

    @pl.when(s < NSUB - 1)
    def _():
        @pl.loop(0, ZROWS // 8)
        def _(t):
            pltpu.sync_copy(zbuf, acc.at[pl.ds(s * ZROWS + t * 8, 8)])

    @pl.when(s == NSUB - 1)
    def _():
        @pl.loop(0, (ACC_ROWS - (NSUB - 1) * ZROWS) // 8)
        def _(t):
            pltpu.sync_copy(zbuf, acc.at[pl.ds((NSUB - 1) * ZROWS + t * 8,
                                               8)])

    plsc.subcore_barrier()

    @pl.loop(0, NCHUNK, step=8)
    def _(i):
        for b in range(8):
            j = i + b
            r = b % 4
            r3 = (b + 3) % 4
            q = b
            q3 = (b + 3) % 8
            q5 = (b + 5) % 8
            q7 = (b + 7) % 8

            pltpu.make_async_copy(mtab_hbm.at[ibuf.at[q, 0]], rows4.at[r],
                                  gsems[r]).wait()
            pltpu.async_copy(rows4.at[r], acc.at[ibuf.at[q, 1]], ssems[r],
                             add=True)

            @pl.when(j < NCHUNK - 3)
            def _():
                @pl.when(j > 0)
                def _():
                    pltpu.make_async_copy(rows4.at[r3],
                                          acc.at[ibuf.at[q7, 1]],
                                          ssems[r3]).wait()

                pltpu.make_async_copy(sd_hbm.at[c, s, j + 3], ibuf.at[q3],
                                      isems[q3]).wait()
                pltpu.async_copy(mtab_hbm.at[ibuf.at[q3, 0]], rows4.at[r3],
                                 gsems[r3])

            @pl.when(j < NCHUNK - 5)
            def _():
                pltpu.async_copy(sd_hbm.at[c, s, j + 5], ibuf.at[q5],
                                 isems[q5])

    for jj in range(NCHUNK - 4, NCHUNK):
        pltpu.make_async_copy(rows4.at[jj % 4], acc.at[ibuf.at[jj % 8, 1]],
                              ssems[jj % 4]).wait()

    plsc.subcore_barrier()

    @pl.when(s < NSUB - 1)
    def _():
        pltpu.sync_copy(acc.at[pl.ds(s * ZROWS, ZROWS)],
                        out_hbm.at[c, pl.ds(s * ZROWS, ZROWS)])

    @pl.when(s == NSUB - 1)
    def _():
        r0 = (NSUB - 1) * ZROWS
        pltpu.sync_copy(acc.at[pl.ds(r0, N - r0)],
                        out_hbm.at[c, pl.ds(r0, N - r0)])


def _segment_sum_sc(mtab, sd):
    mesh = plsc.VectorSubcoreMesh(core_axis_name="c", subcore_axis_name="s")
    k = pl.kernel(
        _seg_body,
        out_type=jax.ShapeDtypeStruct((2, N, 128), jnp.float32),
        mesh=mesh,
        scratch_types=[
            pltpu.VMEM((8, 2, K), jnp.int32),
            pltpu.VMEM((4, K, 128), jnp.float32),
            pltpu.VMEM((8, 128), jnp.float32),
            pltpu.VMEM_SHARED((ACC_ROWS, 128), jnp.float32),
        ] + [pltpu.SemaphoreType.DMA] * 16,
    )
    return k(mtab, sd)



def kernel(x, edge_index, batch, W1, b1, W2, b2, Wf1, bf1, Wf2, bf2, Wo, bo):
    src = edge_index[0].astype(jnp.int32)
    dst = edge_index[1].astype(jnp.int32)
    pad = EPAD - E
    src_p = jnp.concatenate([src, jnp.zeros((pad,), jnp.int32)])
    src2 = jnp.stack([src_p, src_p + N])
    dstp = jnp.concatenate([dst, jnp.full((pad,), N, jnp.int32)])
    s4 = src2.reshape(2, NSUB, NCHUNK, 1, K)
    d4 = jnp.broadcast_to(dstp.reshape(1, NSUB, NCHUNK, 1, K),
                          (2, NSUB, NCHUNK, 1, K))
    sd = jnp.concatenate([s4, d4], axis=3)

    m1 = _mm_split(x, W1)
    agg1 = _segment_sum_sc(m1.reshape(2 * N, 128), sd)
    m2 = _norm_mm(agg1, b1, W2)
    agg2 = _segment_sum_sc(m2.reshape(2 * N, 128), sd)
    return _pool_mlp(agg2, b2, batch.astype(jnp.int32), Wf1, bf1, Wf2, bf2,
                     Wo, bo)

# --- scband reference (transcript-rebuilt; emitter-appended) ---
"""Pipeline reference for scband-gcn-62577673503020 (READ-ONLY COPY).

The authoritative reference and input builder live on the scoring server;
editing this copy changes nothing except your own understanding.
"""

import jax, jax.numpy as jnp
import numpy as np

N = 10000
E = 160000
D = 256
H1 = 256
H2 = 256
F1 = 256
F2 = 128
G = 64


def setup_inputs(seed: int = 0) -> dict:
    key = jax.random.key(seed)
    ks = jax.random.split(key, 16)
    x = jax.random.normal(ks[0], (N, D), dtype=jnp.float32)
    edge_index = jax.random.randint(ks[1], (2, E), 0, N)
    batch = jnp.sort(jax.random.randint(ks[2], (N,), 0, G))
    def glorot(k, fan_in, fan_out):
        s = jnp.sqrt(6.0 / (fan_in + fan_out))
        return jax.random.uniform(k, (fan_in, fan_out), dtype=jnp.float32, minval=-s, maxval=s)
    W1 = glorot(ks[3], D, H1)
    b1 = jnp.zeros((H1,), dtype=jnp.float32)
    W2 = glorot(ks[4], H1, H2)
    b2 = jnp.zeros((H2,), dtype=jnp.float32)
    Wf1 = glorot(ks[5], H2, F1)
    bf1 = jnp.zeros((F1,), dtype=jnp.float32)
    Wf2 = glorot(ks[6], F1, F2)
    bf2 = jnp.zeros((F2,), dtype=jnp.float32)
    Wo = glorot(ks[7], F2, 1)
    bo = jnp.zeros((1,), dtype=jnp.float32)
    return {"x": x, "edge_index": edge_index, "batch": batch,
            "W1": W1, "b1": b1, "W2": W2, "b2": b2,
            "Wf1": Wf1, "bf1": bf1, "Wf2": Wf2, "bf2": bf2,
            "Wo": Wo, "bo": bo}


def reference(x, edge_index, batch, W1, b1, W2, b2, Wf1, bf1, Wf2, bf2, Wo, bo):
    src = edge_index[0]
    dst = edge_index[1]

    def gcn_conv(h, W, b):
        # GCNConv(normalize=False): linear transform, then sum-aggregate src->dst, add bias
        m = h @ W
        agg = jax.ops.segment_sum(m[src], dst, num_segments=N)
        return agg + b

    def l2_normalize(h):
        # F.normalize(x, 2, 1)
        n = jnp.linalg.norm(h, ord=2, axis=1, keepdims=True)
        return h / jnp.maximum(n, 1e-12)

    h = jax.nn.relu(gcn_conv(x, W1, b1))
    h = l2_normalize(h)
    h = jax.nn.relu(gcn_conv(h, W2, b2))
    h = l2_normalize(h)

    # global_mean_pool over batch
    sums = jax.ops.segment_sum(h, batch, num_segments=G)
    cnt = jax.ops.segment_sum(jnp.ones((N, 1), dtype=h.dtype), batch, num_segments=G)
    h = sums / jnp.maximum(cnt, 1.0)

    h = jax.nn.relu(h @ Wf1 + bf1)
    h = jax.nn.relu(h @ Wf2 + bf2)
    return h @ Wo + bo

if __name__ == "__main__":
    import jax
    _d = setup_inputs()
    print(jax.jit(kernel)(*tuple(_d.values())))

</pallas_src>

<mosaic_0001>
#map = affine_map<(d0, d1) -> (0, 0)>
#map1 = affine_map<(d0, d1) -> (0, 0, 0, 0, 0)>
#map2 = affine_map<(d0, d1) -> (0, 0, 0)>
module attributes {stable_mosaic.version = 14 : i64} {
  func.func @_seg_body(%arg0: i32, %arg1: i32, %arg2: memref<20000x128xf32, #tpu.memory_space<hbm>>, %arg3: memref<2x16x128x2x80xi32, #tpu.memory_space<hbm>>, %arg4: memref<2x10000x128xf32, #tpu.memory_space<hbm>>, %arg5: memref<8x2x80xi32, #tpu.memory_space<vmem>>, %arg6: memref<4x80x128xf32, #tpu.memory_space<vmem>>, %arg7: memref<8x128xf32, #tpu.memory_space<vmem>>, %arg8: memref<10008x128xf32, #tpu.memory_space<vmem_shared>>, %arg9: memref<!tpu.dma_semaphore, #tpu.memory_space<semaphore_mem>>, %arg10: memref<!tpu.dma_semaphore, #tpu.memory_space<semaphore_mem>>, %arg11: memref<!tpu.dma_semaphore, #tpu.memory_space<semaphore_mem>>, %arg12: memref<!tpu.dma_semaphore, #tpu.memory_space<semaphore_mem>>, %arg13: memref<!tpu.dma_semaphore, #tpu.memory_space<semaphore_mem>>, %arg14: memref<!tpu.dma_semaphore, #tpu.memory_space<semaphore_mem>>, %arg15: memref<!tpu.dma_semaphore, #tpu.memory_space<semaphore_mem>>, %arg16: memref<!tpu.dma_semaphore, #tpu.memory_space<semaphore_mem>>, %arg17: memref<!tpu.dma_semaphore, #tpu.memory_space<semaphore_mem>>, %arg18: memref<!tpu.dma_semaphore, #tpu.memory_space<semaphore_mem>>, %arg19: memref<!tpu.dma_semaphore, #tpu.memory_space<semaphore_mem>>, %arg20: memref<!tpu.dma_semaphore, #tpu.memory_space<semaphore_mem>>, %arg21: memref<!tpu.dma_semaphore, #tpu.memory_space<semaphore_mem>>, %arg22: memref<!tpu.dma_semaphore, #tpu.memory_space<semaphore_mem>>, %arg23: memref<!tpu.dma_semaphore, #tpu.memory_space<semaphore_mem>>, %arg24: memref<!tpu.dma_semaphore, #tpu.memory_space<semaphore_mem>>) attributes {dimension_semantics = [#tpu.dimension_semantics<core_parallel>, #tpu.dimension_semantics<subcore_parallel>], iteration_bounds = array<i64: 2, 16>, scalar_prefetch = 0 : i64, scratch_operands = 20 : i64, tpu.core_type = #tpu.core_type<sc_vector_subcore>, window_params = [{transform_indices = #map}, {transform_indices = #map1}, {transform_indices = #map2}]} {
    %run_scoped3A = arith.constant 0 : i32
    %run_scoped3A_0 = arith.constant 0 : i32
    "tpu.region"() ({
      %run_scoped3A_729 = tpu.sem_alloc : memref<!tpu.dma_semaphore, #tpu.memory_space<semaphore_mem>>
      %dma_start3A_730 = arith.constant 0 : i32
      %dma_start3A_731 = arith.constant 0 : i32
      %dma_start3A_732 = tpu.memref_slice %arg5[%run_scoped3A_0, %dma_start3A_730, %dma_start3A_731] : memref<8x2x80xi32, #tpu.memory_space<vmem>> -> memref<1x2x80xi32, #tpu.memory_space<vmem>>
      %dma_start3A_733 = tpu.memref_squeeze %dma_start3A_732 : memref<1x2x80xi32, #tpu.memory_space<vmem>> -> memref<2x80xi32, #tpu.memory_space<vmem>>
      %dma_start3A_734 = arith.constant 0 : i32
      %dma_start3A_735 = arith.constant 0 : i32
      %dma_start3A_736 = tpu.memref_slice %arg3[%arg0, %arg1, %run_scoped3A, %dma_start3A_734, %dma_start3A_735] : memref<2x16x128x2x80xi32, #tpu.memory_space<hbm>> -> memref<1x1x1x2x80xi32, #tpu.memory_space<hbm>>
      %dma_start3A_737 = tpu.memref_squeeze %dma_start3A_736 : memref<1x1x1x2x80xi32, #tpu.memory_space<hbm>> -> memref<2x80xi32, #tpu.memory_space<hbm>>
      %dma_start3A_738 = arith.constant 0 : i32
      %dma_start3A_739 = arith.constant 0 : i32
      %dma_start3A_740 = tpu.memref_slice %arg5[%run_scoped3A_0, %dma_start3A_738, %dma_start3A_739] : memref<8x2x80xi32, #tpu.memory_space<vmem>> -> memref<1x2x80xi32, #tpu.memory_space<vmem>>
      %dma_start3A_741 = tpu.memref_squeeze %dma_start3A_740 : memref<1x2x80xi32, #tpu.memory_space<vmem>> -> memref<2x80xi32, #tpu.memory_space<vmem>>
      %dma_start3A_742 = arith.constant 0 : i32
      %dma_start3A_743 = arith.constant 0 : i32
      %dma_start3A_744 = tpu.memref_slice %arg3[%arg0, %arg1, %run_scoped3A, %dma_start3A_742, %dma_start3A_743] : memref<2x16x128x2x80xi32, #tpu.memory_space<hbm>> -> memref<1x1x1x2x80xi32, #tpu.memory_space<hbm>>
      %dma_start3A_745 = tpu.memref_squeeze %dma_start3A_744 : memref<1x1x1x2x80xi32, #tpu.memory_space<hbm>> -> memref<2x80xi32, #tpu.memory_space<hbm>>
      tpu.enqueue_dma source(%dma_start3A_745 : memref<2x80xi32, #tpu.memory_space<hbm>>) target(%dma_start3A_741 : memref<2x80xi32, #tpu.memory_space<vmem>>) target_semaphore(%run_scoped3A_729 : memref<!tpu.dma_semaphore, #tpu.memory_space<semaphore_mem>>)
      %dma_wait3A_746 = arith.constant 0 : i32
      %dma_wait3A_747 = arith.constant 0 : i32
      %dma_wait3A_748 = tpu.memref_slice %arg5[%run_scoped3A_0, %dma_wait3A_746, %dma_wait3A_747] : memref<8x2x80xi32, #tpu.memory_space<vmem>> -> memref<1x2x80xi32, #tpu.memory_space<vmem>>
      %dma_wait3A_749 = tpu.memref_squeeze %dma_wait3A_748 : memref<1x2x80xi32, #tpu.memory_space<vmem>> -> memref<2x80xi32, #tpu.memory_space<vmem>>
      %dma_wait3A_750 = arith.constant 0 : i32
      %dma_wait3A_751 = arith.constant 0 : i32
      %dma_wait3A_752 = tpu.memref_slice %arg3[%arg0, %arg1, %run_scoped3A, %dma_wait3A_750, %dma_wait3A_751] : memref<2x16x128x2x80xi32, #tpu.memory_space<hbm>> -> memref<1x1x1x2x80xi32, #tpu.memory_space<hbm>>
      %dma_wait3A_753 = tpu.memref_squeeze %dma_wait3A_752 : memref<1x1x1x2x80xi32, #tpu.memory_space<hbm>> -> memref<2x80xi32, #tpu.memory_space<hbm>>
      %dma_wait3A_754 = arith.constant 0 : i32
      %dma_wait3A_755 = arith.constant 0 : i32
      %dma_wait3A_756 = tpu.memref_slice %arg5[%run_scoped3A_0, %dma_wait3A_754, %dma_wait3A_755] : memref<8x2x80xi32, #tpu.memory_space<vmem>> -> memref<1x2x80xi32, #tpu.memory_space<vmem>>
      %dma_wait3A_757 = tpu.memref_squeeze %dma_wait3A_756 : memref<1x2x80xi32, #tpu.memory_space<vmem>> -> memref<2x80xi32, #tpu.memory_space<vmem>>
      %dma_wait3A_758 = arith.constant 0 : i32
      %dma_wait3A_759 = arith.constant 0 : i32
      %dma_wait3A_760 = tpu.memref_slice %arg3[%arg0, %arg1, %run_scoped3A, %dma_wait3A_758, %dma_wait3A_759] : memref<2x16x128x2x80xi32, #tpu.memory_space<hbm>> -> memref<1x1x1x2x80xi32, #tpu.memory_space<hbm>>
      %dma_wait3A_761 = tpu.memref_squeeze %dma_wait3A_760 : memref<1x1x1x2x80xi32, #tpu.memory_space<hbm>> -> memref<2x80xi32, #tpu.memory_space<hbm>>
      tpu.wait_dma2 semaphore(%run_scoped3A_729 : memref<!tpu.dma_semaphore, #tpu.memory_space<semaphore_mem>>) src(%dma_wait3A_761 : memref<2x80xi32, #tpu.memory_space<hbm>>) dst(%dma_wait3A_757 : memref<2x80xi32, #tpu.memory_space<vmem>>)
      tpu.yield
    }) : () -> ()
    %dma_start3A = arith.constant 1 : i32
    %dma_start3A_1 = arith.constant 1 : i32
    %dma_start3A_2 = arith.constant 0 : i32
    %dma_start3A_3 = arith.constant 0 : i32
    %dma_start3A_4 = tpu.memref_slice %arg5[%dma_start3A_1, %dma_start3A_2, %dma_start3A_3] : memref<8x2x80xi32, #tpu.memory_space<vmem>> -> memref<1x2x80xi32, #tpu.memory_space<vmem>>
    %dma_start3A_5 = tpu.memref_squeeze %dma_start3A_4 : memref<1x2x80xi32, #tpu.memory_space<vmem>> -> memref<2x80xi32, #tpu.memory_space<vmem>>
    %dma_start3A_6 = arith.constant 0 : i32
    %dma_start3A_7 = arith.constant 0 : i32
    %dma_start3A_8 = tpu.memref_slice %arg3[%arg0, %arg1, %dma_start3A, %dma_start3A_6, %dma_start3A_7] : memref<2x16x128x2x80xi32, #tpu.memory_space<hbm>> -> memref<1x1x1x2x80xi32, #tpu.memory_space<hbm>>
    %dma_start3A_9 = tpu.memref_squeeze %dma_start3A_8 : memref<1x1x1x2x80xi32, #tpu.memory_space<hbm>> -> memref<2x80xi32, #tpu.memory_space<hbm>>
    %dma_start3A_10 = arith.constant 0 : i32
    %dma_start3A_11 = arith.constant 0 : i32
    %dma_start3A_12 = tpu.memref_slice %arg5[%dma_start3A_1, %dma_start3A_10, %dma_start3A_11] : memref<8x2x80xi32, #tpu.memory_space<vmem>> -> memref<1x2x80xi32, #tpu.memory_space<vmem>>
    %dma_start3A_13 = tpu.memref_squeeze %dma_start3A_12 : memref<1x2x80xi32, #tpu.memory_space<vmem>> -> memref<2x80xi32, #tpu.memory_space<vmem>>
    %dma_start3A_14 = arith.constant 0 : i32
    %dma_start3A_15 = arith.constant 0 : i32
    %dma_start3A_16 = tpu.memref_slice %arg3[%arg0, %arg1, %dma_start3A, %dma_start3A_14, %dma_start3A_15] : memref<2x16x128x2x80xi32, #tpu.memory_space<hbm>> -> memref<1x1x1x2x80xi32, #tpu.memory_space<hbm>>
    %dma_start3A_17 = tpu.memref_squeeze %dma_start3A_16 : memref<1x1x1x2x80xi32, #tpu.memory_space<hbm>> -> memref<2x80xi32, #tpu.memory_space<hbm>>
    tpu.enqueue_dma source(%dma_start3A_17 : memref<2x80xi32, #tpu.memory_space<hbm>>) target(%dma_start3A_13 : memref<2x80xi32, #tpu.memory_space<vmem>>) target_semaphore(%arg10 : memref<!tpu.dma_semaphore, #tpu.memory_space<semaphore_mem>>)
    %dma_start3A_18 = arith.constant 2 : i32
    %dma_start3A_19 = arith.constant 2 : i32
    %dma_start3A_20 = arith.constant 0 : i32
    %dma_start3A_21 = arith.constant 0 : i32
    %dma_start3A_22 = tpu.memref_slice %arg5[%dma_start3A_19, %dma_start3A_20, %dma_start3A_21] : memref<8x2x80xi32, #tpu.memory_space<vmem>> -> memref<1x2x80xi32, #tpu.memory_space<vmem>>
    %dma_start3A_23 = tpu.memref_squeeze %dma_start3A_22 : memref<1x2x80xi32, #tpu.memory_space<vmem>> -> memref<2x80xi32, #tpu.memory_space<vmem>>
    %dma_start3A_24 = arith.constant 0 : i32
    %dma_start3A_25 = arith.constant 0 : i32
    %dma_start3A_26 = tpu.memref_slice %arg3[%arg0, %arg1, %dma_start3A_18, %dma_start3A_24, %dma_start3A_25] : memref<2x16x128x2x80xi32, #tpu.memory_space<hbm>> -> memref<1x1x1x2x80xi32, #tpu.memory_space<hbm>>
    %dma_start3A_27 = tpu.memref_squeeze %dma_start3A_26 : memref<1x1x1x2x80xi32, #tpu.memory_space<hbm>> -> memref<2x80xi32, #tpu.memory_space<hbm>>
    %dma_start3A_28 = arith.constant 0 : i32
    %dma_start3A_29 = arith.constant 0 : i32
    %dma_start3A_30 = tpu.memref_slice %arg5[%dma_start3A_19, %dma_start3A_28, %dma_start3A_29] : memref<8x2x80xi32, #tpu.memory_space<vmem>> -> memref<1x2x80xi32, #tpu.memory_space<vmem>>
    %dma_start3A_31 = tpu.memref_squeeze %dma_start3A_30 : memref<1x2x80xi32, #tpu.memory_space<vmem>> -> memref<2x80xi32, #tpu.memory_space<vmem>>
    %dma_start3A_32 = arith.constant 0 : i32
    %dma_start3A_33 = arith.constant 0 : i32
    %dma_start3A_34 = tpu.memref_slice %arg3[%arg0, %arg1, %dma_start3A_18, %dma_start3A_32, %dma_start3A_33] : memref<2x16x128x2x80xi32, #tpu.memory_space<hbm>> -> memref<1x1x1x2x80xi32, #tpu.memory_space<hbm>>
    %dma_start3A_35 = tpu.memref_squeeze %dma_start3A_34 : memref<1x1x1x2x80xi32, #tpu.memory_space<hbm>> -> memref<2x80xi32, #tpu.memory_space<hbm>>
    tpu.enqueue_dma source(%dma_start3A_35 : memref<2x80xi32, #tpu.memory_space<hbm>>) target(%dma_start3A_31 : memref<2x80xi32, #tpu.memory_space<vmem>>) target_semaphore(%arg11 : memref<!tpu.dma_semaphore, #tpu.memory_space<semaphore_mem>>)
    %dma_start3A_36 = arith.constant 3 : i32
    %dma_start3A_37 = arith.constant 3 : i32
    %dma_start3A_38 = arith.constant 0 : i32
    %dma_start3A_39 = arith.constant 0 : i32
    %dma_start3A_40 = tpu.memref_slice %arg5[%dma_start3A_37, %dma_start3A_38, %dma_start3A_39] : memref<8x2x80xi32, #tpu.memory_space<vmem>> -> memref<1x2x80xi32, #tpu.memory_space<vmem>>
    %dma_start3A_41 = tpu.memref_squeeze %dma_start3A_40 : memref<1x2x80xi32, #tpu.memory_space<vmem>> -> memref<2x80xi32, #tpu.memory_space<vmem>>
    %dma_start3A_42 = arith.constant 0 : i32
    %dma_start3A_43 = arith.constant 0 : i32
    %dma_start3A_44 = tpu.memref_slice %arg3[%arg0, %arg1, %dma_start3A_36, %dma_start3A_42, %dma_start3A_43] : memref<2x16x128x2x80xi32, #tpu.memory_space<hbm>> -> memref<1x1x1x2x80xi32, #tpu.memory_space<hbm>>
    %dma_start3A_45 = tpu.memref_squeeze %dma_start3A_44 : memref<1x1x1x2x80xi32, #tpu.memory_space<hbm>> -> memref<2x80xi32, #tpu.memory_space<hbm>>
    %dma_start3A_46 = arith.constant 0 : i32
    %dma_start3A_47 = arith.constant 0 : i32
    %dma_start3A_48 = tpu.memref_slice %arg5[%dma_start3A_37, %dma_start3A_46, %dma_start3A_47] : memref<8x2x80xi32, #tpu.memory_space<vmem>> -> memref<1x2x80xi32, #tpu.memory_space<vmem>>
    %dma_start3A_49 = tpu.memref_squeeze %dma_start3A_48 : memref<1x2x80xi32, #tpu.memory_space<vmem>> -> memref<2x80xi32, #tpu.memory_space<vmem>>
    %dma_start3A_50 = arith.constant 0 : i32
    %dma_start3A_51 = arith.constant 0 : i32
    %dma_start3A_52 = tpu.memref_slice %arg3[%arg0, %arg1, %dma_start3A_36, %dma_start3A_50, %dma_start3A_51] : memref<2x16x128x2x80xi32, #tpu.memory_space<hbm>> -> memref<1x1x1x2x80xi32, #tpu.memory_space<hbm>>
    %dma_start3A_53 = tpu.memref_squeeze %dma_start3A_52 : memref<1x1x1x2x80xi32, #tpu.memory_space<hbm>> -> memref<2x80xi32, #tpu.memory_space<hbm>>
    tpu.enqueue_dma source(%dma_start3A_53 : memref<2x80xi32, #tpu.memory_space<hbm>>) target(%dma_start3A_49 : memref<2x80xi32, #tpu.memory_space<vmem>>) target_semaphore(%arg12 : memref<!tpu.dma_semaphore, #tpu.memory_space<semaphore_mem>>)
    %dma_start3A_54 = arith.constant 4 : i32
    %dma_start3A_55 = arith.constant 4 : i32
    %dma_start3A_56 = arith.constant 0 : i32
    %dma_start3A_57 = arith.constant 0 : i32
    %dma_start3A_58 = tpu.memref_slice %arg5[%dma_start3A_55, %dma_start3A_56, %dma_start3A_57] : memref<8x2x80xi32, #tpu.memory_space<vmem>> -> memref<1x2x80xi32, #tpu.memory_space<vmem>>
    %dma_start3A_59 = tpu.memref_squeeze %dma_start3A_58 : memref<1x2x80xi32, #tpu.memory_space<vmem>> -> memref<2x80xi32, #tpu.memory_space<vmem>>
    %dma_start3A_60 = arith.constant 0 : i32
    %dma_start3A_61 = arith.constant 0 : i32
    %dma_start3A_62 = tpu.memref_slice %arg3[%arg0, %arg1, %dma_start3A_54, %dma_start3A_60, %dma_start3A_61] : memref<2x16x128x2x80xi32, #tpu.memory_space<hbm>> -> memref<1x1x1x2x80xi32, #tpu.memory_space<hbm>>
    %dma_start3A_63 = tpu.memref_squeeze %dma_start3A_62 : memref<1x1x1x2x80xi32, #tpu.memory_space<hbm>> -> memref<2x80xi32, #tpu.memory_space<hbm>>
    %dma_start3A_64 = arith.constant 0 : i32
    %dma_start3A_65 = arith.constant 0 : i32
    %dma_start3A_66 = tpu.memref_slice %arg5[%dma_start3A_55, %dma_start3A_64, %dma_start3A_65] : memref<8x2x80xi32, #tpu.memory_space<vmem>> -> memref<1x2x80xi32, #tpu.memory_space<vmem>>
    %dma_start3A_67 = tpu.memref_squeeze %dma_start3A_66 : memref<1x2x80xi32, #tpu.memory_space<vmem>> -> memref<2x80xi32, #tpu.memory_space<vmem>>
    %dma_start3A_68 = arith.constant 0 : i32
    %dma_start3A_69 = arith.constant 0 : i32
    %dma_start3A_70 = tpu.memref_slice %arg3[%arg0, %arg1, %dma_start3A_54, %dma_start3A_68, %dma_start3A_69] : memref<2x16x128x2x80xi32, #tpu.memory_space<hbm>> -> memref<1x1x1x2x80xi32, #tpu.memory_space<hbm>>
    %dma_start3A_71 = tpu.memref_squeeze %dma_start3A_70 : memref<1x1x1x2x80xi32, #tpu.memory_space<hbm>> -> memref<2x80xi32, #tpu.memory_space<hbm>>
    tpu.enqueue_dma source(%dma_start3A_71 : memref<2x80xi32, #tpu.memory_space<hbm>>) target(%dma_start3A_67 : memref<2x80xi32, #tpu.memory_space<vmem>>) target_semaphore(%arg13 : memref<!tpu.dma_semaphore, #tpu.memory_space<semaphore_mem>>)
    %dma_start3A_72 = arith.constant 0 : i32
    %dma_start3A_73 = arith.constant 0 : i32
    %dma_start3A_74 = arith.constant 0 : i32
    %dma_start3A_75 = arith.constant 0 : i32
    %dma_start3A_76 = arith.constant 0 : i32
    %dma_start3A_77 = tpu.memref_slice %arg6[%dma_start3A_74, %dma_start3A_75, %dma_start3A_76] : memref<4x80x128xf32, #tpu.memory_space<vmem>> -> memref<1x80x128xf32, #tpu.memory_space<vmem>>
    %dma_start3A_78 = tpu.memref_squeeze %dma_start3A_77 : memref<1x80x128xf32, #tpu.memory_space<vmem>> -> memref<80x128xf32, #tpu.memory_space<vmem>>
    %dma_start3A_79 = arith.constant 0 : i32
    %dma_start3A_80 = tpu.memref_slice %arg5[%dma_start3A_72, %dma_start3A_73, %dma_start3A_79] : memref<8x2x80xi32, #tpu.memory_space<vmem>> -> memref<1x1x80xi32, #tpu.memory_space<vmem>>
    %dma_start3A_81 = tpu.memref_squeeze %dma_start3A_80 : memref<1x1x80xi32, #tpu.memory_space<vmem>> -> memref<80xi32, #tpu.memory_space<vmem>>
    %dma_start3A_82 = arith.constant 0 : i32
    %dma_start3A_83 = arith.constant 0 : i32
    %dma_start3A_84 = tpu.memref_slice %arg2[%dma_start3A_82, %dma_start3A_83] : memref<20000x128xf32, #tpu.memory_space<hbm>> -> memref<20000x128xf32, #tpu.memory_space<hbm>>
    tpu.enqueue_indirect_dma source(%dma_start3A_84 : memref<20000x128xf32, #tpu.memory_space<hbm>>) target(%dma_start3A_78 : memref<80x128xf32, #tpu.memory_space<vmem>>) offsets(%dma_start3A_81 : memref<80xi32, #tpu.memory_space<vmem>>) semaphore(%arg17 : memref<!tpu.dma_semaphore, #tpu.memory_space<semaphore_mem>>)
    %dma_wait3A = arith.constant 1 : i32
    %dma_wait3A_85 = arith.constant 1 : i32
    %dma_wait3A_86 = arith.constant 0 : i32
    %dma_wait3A_87 = arith.constant 0 : i32
    %dma_wait3A_88 = tpu.memref_slice %arg5[%dma_wait3A_85, %dma_wait3A_86, %dma_wait3A_87] : memref<8x2x80xi32, #tpu.memory_space<vmem>> -> memref<1x2x80xi32, #tpu.memory_space<vmem>>
    %dma_wait3A_89 = tpu.memref_squeeze %dma_wait3A_88 : memref<1x2x80xi32, #tpu.memory_space<vmem>> -> memref<2x80xi32, #tpu.memory_space<vmem>>
    %dma_wait3A_90 = arith.constant 0 : i32
    %dma_wait3A_91 = arith.constant 0 : i32
    %dma_wait3A_92 = tpu.memref_slice %arg3[%arg0, %arg1, %dma_wait3A, %dma_wait3A_90, %dma_wait3A_91] : memref<2x16x128x2x80xi32, #tpu.memory_space<hbm>> -> memref<1x1x1x2x80xi32, #tpu.memory_space<hbm>>
    %dma_wait3A_93 = tpu.memref_squeeze %dma_wait3A_92 : memref<1x1x1x2x80xi32, #tpu.memory_space<hbm>> -> memref<2x80xi32, #tpu.memory_space<hbm>>
    %dma_wait3A_94 = arith.constant 0 : i32
    %dma_wait3A_95 = arith.constant 0 : i32
    %dma_wait3A_96 = tpu.memref_slice %arg5[%dma_wait3A_85, %dma_wait3A_94, %dma_wait3A_95] : memref<8x2x80xi32, #tpu.memory_space<vmem>> -> memref<1x2x80xi32, #tpu.memory_space<vmem>>
    %dma_wait3A_97 = tpu.memref_squeeze %dma_wait3A_96 : memref<1x2x80xi32, #tpu.memory_space<vmem>> -> memref<2x80xi32, #tpu.memory_space<vmem>>
    %dma_wait3A_98 = arith.constant 0 : i32
    %dma_wait3A_99 = arith.constant 0 : i32
    %dma_wait3A_100 = tpu.memref_slice %arg3[%arg0, %arg1, %dma_wait3A, %dma_wait3A_98, %dma_wait3A_99] : memref<2x16x128x2x80xi32, #tpu.memory_space<hbm>> -> memref<1x1x1x2x80xi32, #tpu.memory_space<hbm>>
    %dma_wait3A_101 = tpu.memref_squeeze %dma_wait3A_100 : memref<1x1x1x2x80xi32, #tpu.memory_space<hbm>> -> memref<2x80xi32, #tpu.memory_space<hbm>>
    tpu.wait_dma2 semaphore(%arg10 : memref<!tpu.dma_semaphore, #tpu.memory_space<semaphore_mem>>) src(%dma_wait3A_101 : memref<2x80xi32, #tpu.memory_space<hbm>>) dst(%dma_wait3A_97 : memref<2x80xi32, #tpu.memory_space<vmem>>)
    %dma_start3A_102 = arith.constant 1 : i32
    %dma_start3A_103 = arith.constant 0 : i32
    %dma_start3A_104 = arith.constant 1 : i32
    %dma_start3A_105 = arith.constant 0 : i32
    %dma_start3A_106 = arith.constant 0 : i32
    %dma_start3A_107 = tpu.memref_slice %arg6[%dma_start3A_104, %dma_start3A_105, %dma_start3A_106] : memref<4x80x128xf32, #tpu.memory_space<vmem>> -> memref<1x80x128xf32, #tpu.memory_space<vmem>>
    %dma_start3A_108 = tpu.memref_squeeze %dma_start3A_107 : memref<1x80x128xf32, #tpu.memory_space<vmem>> -> memref<80x128xf32, #tpu.memory_space<vmem>>
    %dma_start3A_109 = arith.constant 0 : i32
    %dma_start3A_110 = tpu.memref_slice %arg5[%dma_start3A_102, %dma_start3A_103, %dma_start3A_109] : memref<8x2x80xi32, #tpu.memory_space<vmem>> -> memref<1x1x80xi32, #tpu.memory_space<vmem>>
    %dma_start3A_111 = tpu.memref_squeeze %dma_start3A_110 : memref<1x1x80xi32, #tpu.memory_space<vmem>> -> memref<80xi32, #tpu.memory_space<vmem>>
    %dma_start3A_112 = arith.constant 0 : i32
    %dma_start3A_113 = arith.constant 0 : i32
    %dma_start3A_114 = tpu.memref_slice %arg2[%dma_start3A_112, %dma_start3A_113] : memref<20000x128xf32, #tpu.memory_space<hbm>> -> memref<20000x128xf32, #tpu.memory_space<hbm>>
    tpu.enqueue_indirect_dma source(%dma_start3A_114 : memref<20000x128xf32, #tpu.memory_space<hbm>>) target(%dma_start3A_108 : memref<80x128xf32, #tpu.memory_space<vmem>>) offsets(%dma_start3A_111 : memref<80xi32, #tpu.memory_space<vmem>>) semaphore(%arg18 : memref<!tpu.dma_semaphore, #tpu.memory_space<semaphore_mem>>)
    %dma_wait3A_115 = arith.constant 2 : i32
    %dma_wait3A_116 = arith.constant 2 : i32
    %dma_wait3A_117 = arith.constant 0 : i32
    %dma_wait3A_118 = arith.constant 0 : i32
    %dma_wait3A_119 = tpu.memref_slice %arg5[%dma_wait3A_116, %dma_wait3A_117, %dma_wait3A_118] : memref<8x2x80xi32, #tpu.memory_space<vmem>> -> memref<1x2x80xi32, #tpu.memory_space<vmem>>
    %dma_wait3A_120 = tpu.memref_squeeze %dma_wait3A_119 : memref<1x2x80xi32, #tpu.memory_space<vmem>> -> memref<2x80xi32, #tpu.memory_space<vmem>>
    %dma_wait3A_121 = arith.constant 0 : i32
    %dma_wait3A_122 = arith.constant 0 : i32
    %dma_wait3A_123 = tpu.memref_slice %arg3[%arg0, %arg1, %dma_wait3A_115, %dma_wait3A_121, %dma_wait3A_122] : memref<2x16x128x2x80xi32, #tpu.memory_space<hbm>> -> memref<1x1x1x2x80xi32, #tpu.memory_space<hbm>>
    %dma_wait3A_124 = tpu.memref_squeeze %dma_wait3A_123 : memref<1x1x1x2x80xi32, #tpu.memory_space<hbm>> -> memref<2x80xi32, #tpu.memory_space<hbm>>
    %dma_wait3A_125 = arith.constant 0 : i32
    %dma_wait3A_126 = arith.constant 0 : i32
    %dma_wait3A_127 = tpu.memref_slice %arg5[%dma_wait3A_116, %dma_wait3A_125, %dma_wait3A_126] : memref<8x2x80xi32, #tpu.memory_space<vmem>> -> memref<1x2x80xi32, #tpu.memory_space<vmem>>
    %dma_wait3A_128 = tpu.memref_squeeze %dma_wait3A_127 : memref<1x2x80xi32, #tpu.memory_space<vmem>> -> memref<2x80xi32, #tpu.memory_space<vmem>>
    %dma_wait3A_129 = arith.constant 0 : i32
    %dma_wait3A_130 = arith.constant 0 : i32
    %dma_wait3A_131 = tpu.memref_slice %arg3[%arg0, %arg1, %dma_wait3A_115, %dma_wait3A_129, %dma_wait3A_130] : memref<2x16x128x2x80xi32, #tpu.memory_space<hbm>> -> memref<1x1x1x2x80xi32, #tpu.memory_space<hbm>>
    %dma_wait3A_132 = tpu.memref_squeeze %dma_wait3A_131 : memref<1x1x1x2x80xi32, #tpu.memory_space<hbm>> -> memref<2x80xi32, #tpu.memory_space<hbm>>
    tpu.wait_dma2 semaphore(%arg11 : memref<!tpu.dma_semaphore, #tpu.memory_space<semaphore_mem>>) src(%dma_wait3A_132 : memref<2x80xi32, #tpu.memory_space<hbm>>) dst(%dma_wait3A_128 : memref<2x80xi32, #tpu.memory_space<vmem>>)
    %dma_start3A_133 = arith.constant 2 : i32
    %dma_start3A_134 = arith.constant 0 : i32
    %dma_start3A_135 = arith.constant 2 : i32
    %dma_start3A_136 = arith.constant 0 : i32
    %dma_start3A_137 = arith.constant 0 : i32
    %dma_start3A_138 = tpu.memref_slice %arg6[%dma_start3A_135, %dma_start3A_136, %dma_start3A_137] : memref<4x80x128xf32, #tpu.memory_space<vmem>> -> memref<1x80x128xf32, #tpu.memory_space<vmem>>
    %dma_start3A_139 = tpu.memref_squeeze %dma_start3A_138 : memref<1x80x128xf32, #tpu.memory_space<vmem>> -> memref<80x128xf32, #tpu.memory_space<vmem>>
    %dma_start3A_140 = arith.constant 0 : i32
    %dma_start3A_141 = tpu.memref_slice %arg5[%dma_start3A_133, %dma_start3A_134, %dma_start3A_140] : memref<8x2x80xi32, #tpu.memory_space<vmem>> -> memref<1x1x80xi32, #tpu.memory_space<vmem>>
    %dma_start3A_142 = tpu.memref_squeeze %dma_start3A_141 : memref<1x1x80xi32, #tpu.memory_space<vmem>> -> memref<80xi32, #tpu.memory_space<vmem>>
    %dma_start3A_143 = arith.constant 0 : i32
    %dma_start3A_144 = arith.constant 0 : i32
    %dma_start3A_145 = tpu.memref_slice %arg2[%dma_start3A_143, %dma_start3A_144] : memref<20000x128xf32, #tpu.memory_space<hbm>> -> memref<20000x128xf32, #tpu.memory_space<hbm>>
    tpu.enqueue_indirect_dma source(%dma_start3A_145 : memref<20000x128xf32, #tpu.memory_space<hbm>>) target(%dma_start3A_139 : memref<80x128xf32, #tpu.memory_space<vmem>>) offsets(%dma_start3A_142 : memref<80xi32, #tpu.memory_space<vmem>>) semaphore(%arg19 : memref<!tpu.dma_semaphore, #tpu.memory_space<semaphore_mem>>)
    %broadcast_in_dim3A = arith.constant 0.000000e+00 : f32
    %broadcast_in_dim3A_146 = vector.broadcast %broadcast_in_dim3A : f32 to vector<16xf32>
    %swap3A = arith.constant 0 : i32
    %swap3A_147 = arith.index_cast %swap3A : i32 to index
    %swap3A_148 = arith.constant 0 : index
    %swap3A_149 = tpu.vector_load %arg7[%swap3A_147, %swap3A_148] {strides = array<i32>} : memref<8x128xf32, #tpu.memory_space<vmem>>, vector<1x16xf32>,
    %swap3A_150 = vector.shape_cast %swap3A_149 : vector<1x16xf32> to vector<16xf32>
    %swap3A_151 = vector.shape_cast %broadcast_in_dim3A_146 : vector<16xf32> to vector<1x16xf32>
    tpu.vector_store %arg7[%swap3A_147, %swap3A_148], %swap3A_151 {strides = array<i32>} : memref<8x128xf32, #tpu.memory_space<vmem>>, vector<1x16xf32>,
    %broadcast_in_dim3A_152 = arith.constant 0.000000e+00 : f32
    %broadcast_in_dim3A_153 = vector.broadcast %broadcast_in_dim3A_152 : f32 to vector<16xf32>
    %swap3A_154 = arith.constant 1 : i32
    %swap3A_155 = arith.index_cast %swap3A_154 : i32 to index
    %swap3A_156 = arith.constant 0 : index
    %swap3A_157 = tpu.vector_load %arg7[%swap3A_155, %swap3A_156] {strides = array<i32>} : memref<8x128xf32, #tpu.memory_space<vmem>>, vector<1x16xf32>,
    %swap3A_158 = vector.shape_cast %swap3A_157 : vector<1x16xf32> to vector<16xf32>
    %swap3A_159 = vector.shape_cast %broadcast_in_dim3A_153 : vector<16xf32> to vector<1x16xf32>
    tpu.vector_store %arg7[%swap3A_155, %swap3A_156], %swap3A_159 {strides = array<i32>} : memref<8x128xf32, #tpu.memory_space<vmem>>, vector<1x16xf32>,
    %broadcast_in_dim3A_160 = arith.constant 0.000000e+00 : f32
    %broadcast_in_dim3A_161 = vector.broadcast %broadcast_in_dim3A_160 : f32 to vector<16xf32>
    %swap3A_162 = arith.constant 2 : i32
    %swap3A_163 = arith.index_cast %swap3A_162 : i32 to index
    %swap3A_164 = arith.constant 0 : index
    %swap3A_165 = tpu.vector_load %arg7[%swap3A_163, %swap3A_164] {strides = array<i32>} : memref<8x128xf32, #tpu.memory_space<vmem>>, vector<1x16xf32>,
    %swap3A_166 = vector.shape_cast %swap3A_165 : vector<1x16xf32> to vector<16xf32>
    %swap3A_167 = vector.shape_cast %broadcast_in_dim3A_161 : vector<16xf32> to vector<1x16xf32>
    tpu.vector_store %arg7[%swap3A_163, %swap3A_164], %swap3A_167 {strides = array<i32>} : memref<8x128xf32, #tpu.memory_space<vmem>>, vector<1x16xf32>,
    %broadcast_in_dim3A_168 = arith.constant 0.000000e+00 : f32
    %broadcast_in_dim3A_169 = vector.broadcast %broadcast_in_dim3A_168 : f32 to vector<16xf32>
    %swap3A_170 = arith.constant 3 : i32
    %swap3A_171 = arith.index_cast %swap3A_170 : i32 to index
    %swap3A_172 = arith.constant 0 : index
    %swap3A_173 = tpu.vector_load %arg7[%swap3A_171, %swap3A_172] {strides = array<i32>} : memref<8x128xf32, #tpu.memory_space<vmem>>, vector<1x16xf32>,
    %swap3A_174 = vector.shape_cast %swap3A_173 : vector<1x16xf32> to vector<16xf32>
    %swap3A_175 = vector.shape_cast %broadcast_in_dim3A_169 : vector<16xf32> to vector<1x16xf32>
    tpu.vector_store %arg7[%swap3A_171, %swap3A_172], %swap3A_175 {strides = array<i32>} : memref<8x128xf32, #tpu.memory_space<vmem>>, vector<1x16xf32>,
    %broadcast_in_dim3A_176 = arith.constant 0.000000e+00 : f32
    %broadcast_in_dim3A_177 = vector.broadcast %broadcast_in_dim3A_176 : f32 to vector<16xf32>
    %swap3A_178 = arith.constant 4 : i32
    %swap3A_179 = arith.index_cast %swap3A_178 : i32 to index
    %swap3A_180 = arith.constant 0 : index
    %swap3A_181 = tpu.vector_load %arg7[%swap3A_179, %swap3A_180] {strides = array<i32>} : memref<8x128xf32, #tpu.memory_space<vmem>>, vector<1x16xf32>,
    %swap3A_182 = vector.shape_cast %swap3A_181 : vector<1x16xf32> to vector<16xf32>
    %swap3A_183 = vector.shape_cast %broadcast_in_dim3A_177 : vector<16xf32> to vector<1x16xf32>
    tpu.vector_store %arg7[%swap3A_179, %swap3A_180], %swap3A_183 {strides = array<i32>} : memref<8x128xf32, #tpu.memory_space<vmem>>, vector<1x16xf32>,
    %broadcast_in_dim3A_184 = arith.constant 0.000000e+00 : f32
    %broadcast_in_dim3A_185 = vector.broadcast %broadcast_in_dim3A_184 : f32 to vector<16xf32>
    %swap3A_186 = arith.constant 5 : i32
    %swap3A_187 = arith.index_cast %swap3A_186 : i32 to index
    %swap3A_188 = arith.constant 0 : index
    %swap3A_189 = tpu.vector_load %arg7[%swap3A_187, %swap3A_188] {strides = array<i32>} : memref<8x128xf32, #tpu.memory_space<vmem>>, vector<1x16xf32>,
    %swap3A_190 = vector.shape_cast %swap3A_189 : vector<1x16xf32> to vector<16xf32>
    %swap3A_191 = vector.shape_cast %broadcast_in_dim3A_185 : vector<16xf32> to vector<1x16xf32>
    tpu.vector_store %arg7[%swap3A_187, %swap3A_188], %swap3A_191 {strides = array<i32>} : memref<8x128xf32, #tpu.memory_space<vmem>>, vector<1x16xf32>,
    %broadcast_in_dim3A_192 = arith.constant 0.000000e+00 : f32
    %broadcast_in_dim3A_193 = vector.broadcast %broadcast_in_dim3A_192 : f32 to vector<16xf32>
    %swap3A_194 = arith.constant 6 : i32
    %swap3A_195 = arith.index_cast %swap3A_194 : i32 to index
    %swap3A_196 = arith.constant 0 : index
    %swap3A_197 = tpu.vector_load %arg7[%swap3A_195, %swap3A_196] {strides = array<i32>} : memref<8x128xf32, #tpu.memory_space<vmem>>, vector<1x16xf32>,
    %swap3A_198 = vector.shape_cast %swap3A_197 : vector<1x16xf32> to vector<16xf32>
    %swap3A_199 = vector.shape_cast %broadcast_in_dim3A_193 : vector<16xf32> to vector<1x16xf32>
    tpu.vector_store %arg7[%swap3A_195, %swap3A_196], %swap3A_199 {strides = array<i32>} : memref<8x128xf32, #tpu.memory_space<vmem>>, vector<1x16xf32>,
    %broadcast_in_dim3A_200 = arith.constant 0.000000e+00 : f32
    %broadcast_in_dim3A_201 = vector.broadcast %broadcast_in_dim3A_200 : f32 to vector<16xf32>
    %swap3A_202 = arith.constant 7 : i32
    %swap3A_203 = arith.index_cast %swap3A_202 : i32 to index
    %swap3A_204 = arith.constant 0 : index
    %swap3A_205 = tpu.vector_load %arg7[%swap3A_203, %swap3A_204] {strides = array<i32>} : memref<8x128xf32, #tpu.memory_space<vmem>>, vector<1x16xf32>,
    %swap3A_206 = vector.shape_cast %swap3A_205 : vector<1x16xf32> to vector<16xf32>
    %swap3A_207 = vector.shape_cast %broadcast_in_dim3A_201 : vector<16xf32> to vector<1x16xf32>
    tpu.vector_store %arg7[%swap3A_203, %swap3A_204], %swap3A_207 {strides = array<i32>} : memref<8x128xf32, #tpu.memory_space<vmem>>, vector<1x16xf32>,
    %broadcast_in_dim3A_208 = arith.constant 0.000000e+00 : f32
    %broadcast_in_dim3A_209 = vector.broadcast %broadcast_in_dim3A_208 : f32 to vector<16xf32>
    %swap3A_210 = arith.constant 0 : i32
    %swap3A_211 = arith.index_cast %swap3A_210 : i32 to index
    %swap3A_212 = arith.constant 16 : index
    %swap3A_213 = tpu.vector_load %arg7[%swap3A_211, %swap3A_212] {strides = array<i32>} : memref<8x128xf32, #tpu.memory_space<vmem>>, vector<1x16xf32>,
    %swap3A_214 = vector.shape_cast %swap3A_213 : vector<1x16xf32> to vector<16xf32>
    %swap3A_215 = vector.shape_cast %broadcast_in_dim3A_209 : vector<16xf32> to vector<1x16xf32>
    tpu.vector_store %arg7[%swap3A_211, %swap3A_212], %swap3A_215 {strides = array<i32>} : memref<8x128xf32, #tpu.memory_space<vmem>>, vector<1x16xf32>,
    %broadcast_in_dim3A_216 = arith.constant 0.000000e+00 : f32
    %broadcast_in_dim3A_217 = vector.broadcast %broadcast_in_dim3A_216 : f32 to vector<16xf32>
    %swap3A_218 = arith.constant 1 : i32
    %swap3A_219 = arith.index_cast %swap3A_218 : i32 to index
    %swap3A_220 = arith.constant 16 : index
    %swap3A_221 = tpu.vector_load %arg7[%swap3A_219, %swap3A_220] {strides = array<i32>} : memref<8x128xf32, #tpu.memory_space<vmem>>, vector<1x16xf32>,
    %swap3A_222 = vector.shape_cast %swap3A_221 : vector<1x16xf32> to vector<16xf32>
    %swap3A_223 = vector.shape_cast %broadcast_in_dim3A_217 : vector<16xf32> to vector<1x16xf32>
    tpu.vector_store %arg7[%swap3A_219, %swap3A_220], %swap3A_223 {strides = array<i32>} : memref<8x128xf32, #tpu.memory_space<vmem>>, vector<1x16xf32>,
    %broadcast_in_dim3A_224 = arith.constant 0.000000e+00 : f32
    %broadcast_in_dim3A_225 = vector.broadcast %broadcast_in_dim3A_224 : f32 to vector<16xf32>
    %swap3A_226 = arith.constant 2 : i32
    %swap3A_227 = arith.index_cast %swap3A_226 : i32 to index
    %swap3A_228 = arith.constant 16 : index
    %swap3A_229 = tpu.vector_load %arg7[%swap3A_227, %swap3A_228] {strides = array<i32>} : memref<8x128xf32, #tpu.memory_space<vmem>>, vector<1x16xf32>,
    %swap3A_230 = vector.shape_cast %swap3A_229 : vector<1x16xf32> to vector<16xf32>
    %swap3A_231 = vector.shape_cast %broadcast_in_dim3A_225 : vector<16xf32> to vector<1x16xf32>
    tpu.vector_store %arg7[%swap3A_227, %swap3A_228], %swap3A_231 {strides = array<i32>} : memref<8x128xf32, #tpu.memory_space<vmem>>, vector<1x16xf32>,
    %broadcast_in_dim3A_232 = arith.constant 0.000000e+00 : f32
    %broadcast_in_dim3A_233 = vector.broadcast %broadcast_in_dim3A_232 : f32 to vector<16xf32>
    %swap3A_234 = arith.constant 3 : i32
    %swap3A_235 = arith.index_cast %swap3A_234 : i32 to index
    %swap3A_236 = arith.constant 16 : index
    %swap3A_237 = tpu.vector_load %arg7[%swap3A_235, %swap3A_236] {strides = array<i32>} : memref<8x128xf32, #tpu.memory_space<vmem>>, vector<1x16xf32>,
    %swap3A_238 = vector.shape_cast %swap3A_237 : vector<1x16xf32> to vector<16xf32>
    %swap3A_239 = vector.shape_cast %broadcast_in_dim3A_233 : vector<16xf32> to vector<1x16xf32>
    tpu.vector_store %arg7[%swap3A_235, %swap3A_236], %swap3A_239 {strides = array<i32>} : memref<8x128xf32, #tpu.memory_space<vmem>>, vector<1x16xf32>,
    %broadcast_in_dim3A_240 = arith.constant 0.000000e+00 : f32
    %broadcast_in_dim3A_241 = vector.broadcast %broadcast_in_dim3A_240 : f32 to vector<16xf32>
    %swap3A_242 = arith.constant 4 : i32
    %swap3A_243 = arith.index_cast %swap3A_242 : i32 to index
    %swap3A_244 = arith.constant 16 : index
    %swap3A_245 = tpu.vector_load %arg7[%swap3A_243, %swap3A_244] {strides = array<i32>} : memref<8x128xf32, #tpu.memory_space<vmem>>, vector<1x16xf32>,
    %swap3A_246 = vector.shape_cast %swap3A_245 : vector<1x16xf32> to vector<16xf32>
    %swap3A_247 = vector.shape_cast %broadcast_in_dim3A_241 : vector<16xf32> to vector<1x16xf32>
    tpu.vector_store %arg7[%swap3A_243, %swap3A_244], %swap3A_247 {strides = array<i32>} : memref<8x128xf32, #tpu.memory_space<vmem>>, vector<1x16xf32>,
    %broadcast_in_dim3A_248 = arith.constant 0.000000e+00 : f32
    %broadcast_in_dim3A_249 = vector.broadcast %broadcast_in_dim3A_248 : f32 to vector<16xf32>
    %swap3A_250 = arith.constant 5 : i32
    %swap3A_251 = arith.index_cast %swap3A_250 : i32 to index
    %swap3A_252 = arith.constant 16 : index
    %swap3A_253 = tpu.vector_load %arg7[%swap3A_251, %swap3A_252] {strides = array<i32>} : memref<8x128xf32, #tpu.memory_space<vmem>>, vector<1x16xf32>,
    %swap3A_254 = vector.shape_cast %swap3A_253 : vector<1x16xf32> to vector<16xf32>
    %swap3A_255 = vector.shape_cast %broadcast_in_dim3A_249 : vector<16xf32> to vector<1x16xf32>
    tpu.vector_store %arg7[%swap3A_251, %swap3A_252], %swap3A_255 {strides = array<i32>} : memref<8x128xf32, #tpu.memory_space<vmem>>, vector<1x16xf32>,
    %broadcast_in_dim3A_256 = arith.constant 0.000000e+00 : f32
    %broadcast_in_dim3A_257 = vector.broadcast %broadcast_in_dim3A_256 : f32 to vector<16xf32>
    %swap3A_258 = arith.constant 6 : i32
    %swap3A_259 = arith.index_cast %swap3A_258 : i32 to index
    %swap3A_260 = arith.constant 16 : index
    %swap3A_261 = tpu.vector_load %arg7[%swap3A_259, %swap3A_260] {strides = array<i32>} : memref<8x128xf32, #tpu.memory_space<vmem>>, vector<1x16xf32>,
    %swap3A_262 = vector.shape_cast %swap3A_261 : vector<1x16xf32> to vector<16xf32>
    %swap3A_263 = vector.shape_cast %broadcast_in_dim3A_257 : vector<16xf32> to vector<1x16xf32>
    tpu.vector_store %arg7[%swap3A_259, %swap3A_260], %swap3A_263 {strides = array<i32>} : memref<8x128xf32, #tpu.memory_space<vmem>>, vector<1x16xf32>,
    %broadcast_in_dim3A_264 = arith.constant 0.000000e+00 : f32
    %broadcast_in_dim3A_265 = vector.broadcast %broadcast_in_dim3A_264 : f32 to vector<16xf32>
    %swap3A_266 = arith.constant 7 : i32
    %swap3A_267 = arith.index_cast %swap3A_266 : i32 to index
    %swap3A_268 = arith.constant 16 : index
    %swap3A_269 = tpu.vector_load %arg7[%swap3A_267, %swap3A_268] {strides = array<i32>} : memref<8x128xf32, #tpu.memory_space<vmem>>, vector<1x16xf32>,
    %swap3A_270 = vector.shape_cast %swap3A_269 : vector<1x16xf32> to vector<16xf32>
    %swap3A_271 = vector.shape_cast %broadcast_in_dim3A_265 : vector<16xf32> to vector<1x16xf32>
    tpu.vector_store %arg7[%swap3A_267, %swap3A_268], %swap3A_271 {strides = array<i32>} : memref<8x128xf32, #tpu.memory_space<vmem>>, vector<1x16xf32>,
    %broadcast_in_dim3A_272 = arith.constant 0.000000e+00 : f32
    %broadcast_in_dim3A_273 = vector.broadcast %broadcast_in_dim3A_272 : f32 to vector<16xf32>
    %swap3A_274 = arith.constant 0 : i32
    %swap3A_275 = arith.index_cast %swap3A_274 : i32 to index
    %swap3A_276 = arith.constant 32 : index
    %swap3A_277 = tpu.vector_load %arg7[%swap3A_275, %swap3A_276] {strides = array<i32>} : memref<8x128xf32, #tpu.memory_space<vmem>>, vector<1x16xf32>,
    %swap3A_278 = vector.shape_cast %swap3A_277 : vector<1x16xf32> to vector<16xf32>
    %swap3A_279 = vector.shape_cast %broadcast_in_dim3A_273 : vector<16xf32> to vector<1x16xf32>
    tpu.vector_store %arg7[%swap3A_275, %swap3A_276], %swap3A_279 {strides = array<i32>} : memref<8x128xf32, #tpu.memory_space<vmem>>, vector<1x16xf32>,
    %broadcast_in_dim3A_280 = arith.constant 0.000000e+00 : f32
    %broadcast_in_dim3A_281 = vector.broadcast %broadcast_in_dim3A_280 : f32 to vector<16xf32>
    %swap3A_282 = arith.constant 1 : i32
    %swap3A_283 = arith.index_cast %swap3A_282 : i32 to index
    %swap3A_284 = arith.constant 32 : index
    %swap3A_285 = tpu.vector_load %arg7[%swap3A_283, %swap3A_284] {strides = array<i32>} : memref<8x128xf32, #tpu.memory_space<vmem>>, vector<1x16xf32>,
    %swap3A_286 = vector.shape_cast %swap3A_285 : vector<1x16xf32> to vector<16xf32>
    %swap3A_287 = vector.shape_cast %broadcast_in_dim3A_281 : vector<16xf32> to vector<1x16xf32>
    tpu.vector_store %arg7[%swap3A_283, %swap3A_284], %swap3A_287 {strides = array<i32>} : memref<8x128xf32, #tpu.memory_space<vmem>>, vector<1x16xf32>,
    %broadcast_in_dim3A_288 = arith.constant 0.000000e+00 : f32
    %broadcast_in_dim3A_289 = vector.broadcast %broadcast_in_dim3A_288 : f32 to vector<16xf32>
    %swap3A_290 = arith.constant 2 : i32
    %swap3A_291 = arith.index_cast %swap3A_290 : i32 to index
    %swap3A_292 = arith.constant 32 : index
    %swap3A_293 = tpu.vector_load %arg7[%swap3A_291, %swap3A_292] {strides = array<i32>} : memref<8x128xf32, #tpu.memory_space<vmem>>, vector<1x16xf32>,
    %swap3A_294 = vector.shape_cast %swap3A_293 : vector<1x16xf32> to vector<16xf32>
    %swap3A_295 = vector.shape_cast %broadcast_in_dim3A_289 : vector<16xf32> to vector<1x16xf32>
    tpu.vector_store %arg7[%swap3A_291, %swap3A_292], %swap3A_295 {strides = array<i32>} : memref<8x128xf32, #tpu.memory_space<vmem>>, vector<1x16xf32>,
    %broadcast_in_dim3A_296 = arith.constant 0.000000e+00 : f32
    %broadcast_in_dim3A_297 = vector.broadcast %broadcast_in_dim3A_296 : f32 to vector<16xf32>
    %swap3A_298 = arith.constant 3 : i32
    %swap3A_299 = arith.index_cast %swap3A_298 : i32 to index
    %swap3A_300 = arith.constant 32 : index
    %swap3A_301 = tpu.vector_load %arg7[%swap3A_299, %swap3A_300] {strides = array<i32>} : memref<8x128xf32, #tpu.memory_space<vmem>>, vector<1x16xf32>,
    %swap3A_302 = vector.shape_cast %swap3A_301 : vector<1x16xf32> to vector<16xf32>
    %swap3A_303 = vector.shape_cast %broadcast_in_dim3A_297 : vector<16xf32> to vector<1x16xf32>
    tpu.vector_store %arg7[%swap3A_299, %swap3A_300], %swap3A_303 {strides = array<i32>} : memref<8x128xf32, #tpu.memory_space<vmem>>, vector<1x16xf32>,
    %broadcast_in_dim3A_304 = arith.constant 0.000000e+00 : f32
    %broadcast_in_dim3A_305 = vector.broadcast %broadcast_in_dim3A_304 : f32 to vector<16xf32>
    %swap3A_306 = arith.constant 4 : i32
    %swap3A_307 = arith.index_cast %swap3A_306 : i32 to index
    %swap3A_308 = arith.constant 32 : index
    %swap3A_309 = tpu.vector_load %arg7[%swap3A_307, %swap3A_308] {strides = array<i32>} : memref<8x128xf32, #tpu.memory_space<vmem>>, vector<1x16xf32>,
    %swap3A_310 = vector.shape_cast %swap3A_309 : vector<1x16xf32> to vector<16xf32>
    %swap3A_311 = vector.shape_cast %broadcast_in_dim3A_305 : vector<16xf32> to vector<1x16xf32>
    tpu.vector_store %arg7[%swap3A_307, %swap3A_308], %swap3A_311 {strides = array<i32>} : memref<8x128xf32, #tpu.memory_space<vmem>>, vector<1x16xf32>,
    %broadcast_in_dim3A_312 = arith.constant 0.000000e+00 : f32
    %broadcast_in_dim3A_313 = vector.broadcast %broadcast_in_dim3A_312 : f32 to vector<16xf32>
    %swap3A_314 = arith.constant 5 : i32
    %swap3A_315 = arith.index_cast %swap3A_314 : i32 to index
    %swap3A_316 = arith.constant 32 : index
    %swap3A_317 = tpu.vector_load %arg7[%swap3A_315, %swap3A_316] {strides = array<i32>} : memref<8x128xf32, #tpu.memory_space<vmem>>, vector<1x16xf32>,
    %swap3A_318 = vector.shape_cast %swap3A_317 : vector<1x16xf32> to vector<16xf32>
    %swap3A_319 = vector.shape_cast %broadcast_in_dim3A_313 : vector<16xf32> to vector<1x16xf32>
    tpu.vector_store %arg7[%swap3A_315, %swap3A_316], %swap3A_319 {strides = array<i32>} : memref<8x128xf32, #tpu.memory_space<vmem>>, vector<1x16xf32>,
    %broadcast_in_dim3A_320 = arith.constant 0.000000e+00 : f32
    %broadcast_in_dim3A_321 = vector.broadcast %broadcast_in_dim3A_320 : f32 to vector<16xf32>
    %swap3A_322 = arith.constant 6 : i32
    %swap3A_323 = arith.index_cast %swap3A_322 : i32 to index
    %swap3A_324 = arith.constant 32 : index
    %swap3A_325 = tpu.vector_load %arg7[%swap3A_323, %swap3A_324] {strides = array<i32>} : memref<8x128xf32, #tpu.memory_space<vmem>>, vector<1x16xf32>,
    %swap3A_326 = vector.shape_cast %swap3A_325 : vector<1x16xf32> to vector<16xf32>
    %swap3A_327 = vector.shape_cast %broadcast_in_dim3A_321 : vector<16xf32> to vector<1x16xf32>
    tpu.vector_store %arg7[%swap3A_323, %swap3A_324], %swap3A_327 {strides = array<i32>} : memref<8x128xf32, #tpu.memory_space<vmem>>, vector<1x16xf32>,
    %broadcast_in_dim3A_328 = arith.constant 0.000000e+00 : f32
    %broadcast_in_dim3A_329 = vector.broadcast %broadcast_in_dim3A_328 : f32 to vector<16xf32>
    %swap3A_330 = arith.constant 7 : i32
    %swap3A_331 = arith.index_cast %swap3A_330 : i32 to index
    %swap3A_332 = arith.constant 32 : index
    %swap3A_333 = tpu.vector_load %arg7[%swap3A_331, %swap3A_332] {strides = array<i32>} : memref<8x128xf32, #tpu.memory_space<vmem>>, vector<1x16xf32>,
    %swap3A_334 = vector.shape_cast %swap3A_333 : vector<1x16xf32> to vector<16xf32>
    %swap3A_335 = vector.shape_cast %broadcast_in_dim3A_329 : vector<16xf32> to vector<1x16xf32>
    tpu.vector_store %arg7[%swap3A_331, %swap3A_332], %swap3A_335 {strides = array<i32>} : memref<8x128xf32, #tpu.memory_space<vmem>>, vector<1x16xf32>,
    %broadcast_in_dim3A_336 = arith.constant 0.000000e+00 : f32
    %broadcast_in_dim3A_337 = vector.broadcast %broadcast_in_dim3A_336 : f32 to vector<16xf32>
    %swap3A_338 = arith.constant 0 : i32
    %swap3A_339 = arith.index_cast %swap3A_338 : i32 to index
    %swap3A_340 = arith.constant 48 : index
    %swap3A_341 = tpu.vector_load %arg7[%swap3A_339, %swap3A_340] {strides = array<i32>} : memref<8x128xf32, #tpu.memory_space<vmem>>, vector<1x16xf32>,
    %swap3A_342 = vector.shape_cast %swap3A_341 : vector<1x16xf32> to vector<16xf32>
    %swap3A_343 = vector.shape_cast %broadcast_in_dim3A_337 : vector<16xf32> to vector<1x16xf32>
    tpu.vector_store %arg7[%swap3A_339, %swap3A_340], %swap3A_343 {strides = array<i32>} : memref<8x128xf32, #tpu.memory_space<vmem>>, vector<1x16xf32>,
    %broadcast_in_dim3A_344 = arith.constant 0.000000e+00 : f32
    %broadcast_in_dim3A_345 = vector.broadcast %broadcast_in_dim3A_344 : f32 to vector<16xf32>
    %swap3A_346 = arith.constant 1 : i32
    %swap3A_347 = arith.index_cast %swap3A_346 : i32 to index
    %swap3A_348 = arith.constant 48 : index
    %swap3A_349 = tpu.vector_load %arg7[%swap3A_347, %swap3A_348] {strides = array<i32>} : memref<8x128xf32, #tpu.memory_space<vmem>>, vector<1x16xf32>,
    %swap3A_350 = vector.shape_cast %swap3A_349 : vector<1x16xf32> to vector<16xf32>
    %swap3A_351 = vector.shape_cast %broadcast_in_dim3A_345 : vector<16xf32> to vector<1x16xf32>
    tpu.vector_store %arg7[%swap3A_347, %swap3A_348], %swap3A_351 {strides = array<i32>} : memref<8x128xf32, #tpu.memory_space<vmem>>, vector<1x16xf32>,
    %broadcast_in_dim3A_352 = arith.constant 0.000000e+00 : f32
    %broadcast_in_dim3A_353 = vector.broadcast %broadcast_in_dim3A_352 : f32 to vector<16xf32>
    %swap3A_354 = arith.constant 2 : i32
    %swap3A_355 = arith.index_cast %swap3A_354 : i32 to index
    %swap3A_356 = arith.constant 48 : index
    %swap3A_357 = tpu.vector_load %arg7[%swap3A_355, %swap3A_356] {strides = array<i32>} : memref<8x128xf32, #tpu.memory_space<vmem>>, vector<1x16xf32>,
    %swap3A_358 = vector.shape_cast %swap3A_357 : vector<1x16xf32> to vector<16xf32>
    %swap3A_359 = vector.shape_cast %broadcast_in_dim3A_353 : vector<16xf32> to vector<1x16xf32>
    tpu.vector_store %arg7[%swap3A_355, %swap3A_356], %swap3A_359 {strides = array<i32>} : memref<8x128xf32, #tpu.memory_space<vmem>>, vector<1x16xf32>,
    %broadcast_in_dim3A_360 = arith.constant 0.000000e+00 : f32
    %broadcast_in_dim3A_361 = vector.broadcast %broadcast_in_dim3A_360 : f32 to vector<16xf32>
    %swap3A_362 = arith.constant 3 : i32
    %swap3A_363 = arith.index_cast %swap3A_362 : i32 to index
    %swap3A_364 = arith.constant 48 : index
    %swap3A_365 = tpu.vector_load %arg7[%swap3A_363, %swap3A_364] {strides = array<i32>} : memref<8x128xf32, #tpu.memory_space<vmem>>, vector<1x16xf32>,
    %swap3A_366 = vector.shape_cast %swap3A_365 : vector<1x16xf32> to vector<16xf32>
    %swap3A_367 = vector.shape_cast %broadcast_in_dim3A_361 : vector<16xf32> to vector<1x16xf32>
    tpu.vector_store %arg7[%swap3A_363, %swap3A_364], %swap3A_367 {strides = array<i32>} : memref<8x128xf32, #tpu.memory_space<vmem>>, vector<1x16xf32>,
    %broadcast_in_dim3A_368 = arith.constant 0.000000e+00 : f32
    %broadcast_in_dim3A_369 = vector.broadcast %broadcast_in_dim3A_368 : f32 to vector<16xf32>
    %swap3A_370 = arith.constant 4 : i32
    %swap3A_371 = arith.index_cast %swap3A_370 : i32 to index
    %swap3A_372 = arith.constant 48 : index
    %swap3A_373 = tpu.vector_load %arg7[%swap3A_371, %swap3A_372] {strides = array<i32>} : memref<8x128xf32, #tpu.memory_space<vmem>>, vector<1x16xf32>,
    %swap3A_374 = vector.shape_cast %swap3A_373 : vector<1x16xf32> to vector<16xf32>
    %swap3A_375 = vector.shape_cast %broadcast_in_dim3A_369 : vector<16xf32> to vector<1x16xf32>
    tpu.vector_store %arg7[%swap3A_371, %swap3A_372], %swap3A_375 {strides = array<i32>} : memref<8x128xf32, #tpu.memory_space<vmem>>, vector<1x16xf32>,
    %broadcast_in_dim3A_376 = arith.constant 0.000000e+00 : f32
    %broadcast_in_dim3A_377 = vector.broadcast %broadcast_in_dim3A_376 : f32 to vector<16xf32>
    %swap3A_378 = arith.constant 5 : i32
    %swap3A_379 = arith.index_cast %swap3A_378 : i32 to index
    %swap3A_380 = arith.constant 48 : index
    %swap3A_381 = tpu.vector_load %arg7[%swap3A_379, %swap3A_380] {strides = array<i32>} : memref<8x128xf32, #tpu.memory_space<vmem>>, vector<1x16xf32>,
    %swap3A_382 = vector.shape_cast %swap3A_381 : vector<1x16xf32> to vector<16xf32>
    %swap3A_383 = vector.shape_cast %broadcast_in_dim3A_377 : vector<16xf32> to vector<1x16xf32>
    tpu.vector_store %arg7[%swap3A_379, %swap3A_380], %swap3A_383 {strides = array<i32>} : memref<8x128xf32, #tpu.memory_space<vmem>>, vector<1x16xf32>,
    %broadcast_in_dim3A_384 = arith.constant 0.000000e+00 : f32
    %broadcast_in_dim3A_385 = vector.broadcast %broadcast_in_dim3A_384 : f32 to vector<16xf32>
    %swap3A_386 = arith.constant 6 : i32
    %swap3A_387 = arith.index_cast %swap3A_386 : i32 to index
    %swap3A_388 = arith.constant 48 : index
    %swap3A_389 = tpu.vector_load %arg7[%swap3A_387, %swap3A_388] {strides = array<i32>} : memref<8x128xf32, #tpu.memory_space<vmem>>, vector<1x16xf32>,
    %swap3A_390 = vector.shape_cast %swap3A_389 : vector<1x16xf32> to vector<16xf32>
    %swap3A_391 = vector.shape_cast %broadcast_in_dim3A_385 : vector<16xf32> to vector<1x16xf32>
    tpu.vector_store %arg7[%swap3A_387, %swap3A_388], %swap3A_391 {strides = array<i32>} : memref<8x128xf32, #tpu.memory_space<vmem>>, vector<1x16xf32>,
    %broadcast_in_dim3A_392 = arith.constant 0.000000e+00 : f32
    %broadcast_in_dim3A_393 = vector.broadcast %broadcast_in_dim3A_392 : f32 to vector<16xf32>
    %swap3A_394 = arith.constant 7 : i32
    %swap3A_395 = arith.index_cast %swap3A_394 : i32 to index
    %swap3A_396 = arith.constant 48 : index
    %swap3A_397 = tpu.vector_load %arg7[%swap3A_395, %swap3A_396] {strides = array<i32>} : memref<8x128xf32, #tpu.memory_space<vmem>>, vector<1x16xf32>,
    %swap3A_398 = vector.shape_cast %swap3A_397 : vector<1x16xf32> to vector<16xf32>
    %swap3A_399 = vector.shape_cast %broadcast_in_dim3A_393 : vector<16xf32> to vector<1x16xf32>
    tpu.vector_store %arg7[%swap3A_395, %swap3A_396], %swap3A_399 {strides = array<i32>} : memref<8x128xf32, #tpu.memory_space<vmem>>, vector<1x16xf32>,
    %broadcast_in_dim3A_400 = arith.constant 0.000000e+00 : f32
    %broadcast_in_dim3A_401 = vector.broadcast %broadcast_in_dim3A_400 : f32 to vector<16xf32>
    %swap3A_402 = arith.constant 0 : i32
    %swap3A_403 = arith.index_cast %swap3A_402 : i32 to index
    %swap3A_404 = arith.constant 64 : index
    %swap3A_405 = tpu.vector_load %arg7[%swap3A_403, %swap3A_404] {strides = array<i32>} : memref<8x128xf32, #tpu.memory_space<vmem>>, vector<1x16xf32>,
    %swap3A_406 = vector.shape_cast %swap3A_405 : vector<1x16xf32> to vector<16xf32>
    %swap3A_407 = vector.shape_cast %broadcast_in_dim3A_401 : vector<16xf32> to vector<1x16xf32>
    tpu.vector_store %arg7[%swap3A_403, %swap3A_404], %swap3A_407 {strides = array<i32>} : memref<8x128xf32, #tpu.memory_space<vmem>>, vector<1x16xf32>,
    %broadcast_in_dim3A_408 = arith.constant 0.000000e+00 : f32
    %broadcast_in_dim3A_409 = vector.broadcast %broadcast_in_dim3A_408 : f32 to vector<16xf32>
    %swap3A_410 = arith.constant 1 : i32
    %swap3A_411 = arith.index_cast %swap3A_410 : i32 to index
    %swap3A_412 = arith.constant 64 : index
    %swap3A_413 = tpu.vector_load %arg7[%swap3A_411, %swap3A_412] {strides = array<i32>} : memref<8x128xf32, #tpu.memory_space<vmem>>, vector<1x16xf32>,
    %swap3A_414 = vector.shape_cast %swap3A_413 : vector<1x16xf32> to vector<16xf32>
    %swap3A_415 = vector.shape_cast %broadcast_in_dim3A_409 : vector<16xf32> to vector<1x16xf32>
    tpu.vector_store %arg7[%swap3A_411, %swap3A_412], %swap3A_415 {strides = array<i32>} : memref<8x128xf32, #tpu.memory_space<vmem>>, vector<1x16xf32>,
    %broadcast_in_dim3A_416 = arith.constant 0.000000e+00 : f32
    %broadcast_in_dim3A_417 = vector.broadcast %broadcast_in_dim3A_416 : f32 to vector<16xf32>
    %swap3A_418 = arith.constant 2 : i32
    %swap3A_419 = arith.index_cast %swap3A_418 : i32 to index
    %swap3A_420 = arith.constant 64 : index
    %swap3A_421 = tpu.vector_load %arg7[%swap3A_419, %swap3A_420] {strides = array<i32>} : memref<8x128xf32, #tpu.memory_space<vmem>>, vector<1x16xf32>,
    %swap3A_422 = vector.shape_cast %swap3A_421 : vector<1x16xf32> to vector<16xf32>
    %swap3A_423 = vector.shape_cast %broadcast_in_dim3A_417 : vector<16xf32> to vector<1x16xf32>
    tpu.vector_store %arg7[%swap3A_419, %swap3A_420], %swap3A_423 {strides = array<i32>} : memref<8x128xf32, #tpu.memory_space<vmem>>, vector<1x16xf32>,
    %broadcast_in_dim3A_424 = arith.constant 0.000000e+00 : f32
    %broadcast_in_dim3A_425 = vector.broadcast %broadcast_in_dim3A_424 : f32 to vector<16xf32>
    %swap3A_426 = arith.constant 3 : i32
    %swap3A_427 = arith.index_cast %swap3A_426 : i32 to index
    %swap3A_428 = arith.constant 64 : index
    %swap3A_429 = tpu.vector_load %arg7[%swap3A_427, %swap3A_428] {strides = array<i32>} : memref<8x128xf32, #tpu.memory_space<vmem>>, vector<1x16xf32>,
    %swap3A_430 = vector.shape_cast %swap3A_429 : vector<1x16xf32> to vector<16xf32>
    %swap3A_431 = vector.shape_cast %broadcast_in_dim3A_425 : vector<16xf32> to vector<1x16xf32>
    tpu.vector_store %arg7[%swap3A_427, %swap3A_428], %swap3A_431 {strides = array<i32>} : memref<8x128xf32, #tpu.memory_space<vmem>>, vector<1x16xf32>,
    %broadcast_in_dim3A_432 = arith.constant 0.000000e+00 : f32
    %broadcast_in_dim3A_433 = vector.broadcast %broadcast_in_dim3A_432 : f32 to vector<16xf32>
    %swap3A_434 = arith.constant 4 : i32
    %swap3A_435 = arith.index_cast %swap3A_434 : i32 to index
    %swap3A_436 = arith.constant 64 : index
    %swap3A_437 = tpu.vector_load %arg7[%swap3A_435, %swap3A_436] {strides = array<i32>} : memref<8x128xf32, #tpu.memory_space<vmem>>, vector<1x16xf32>,
    %swap3A_438 = vector.shape_cast %swap3A_437 : vector<1x16xf32> to vector<16xf32>
    %swap3A_439 = vector.shape_cast %broadcast_in_dim3A_433 : vector<16xf32> to vector<1x16xf32>
    tpu.vector_store %arg7[%swap3A_435, %swap3A_436], %swap3A_439 {strides = array<i32>} : memref<8x128xf32, #tpu.memory_space<vmem>>, vector<1x16xf32>,
    %broadcast_in_dim3A_440 = arith.constant 0.000000e+00 : f32
    %broadcast_in_dim3A_441 = vector.broadcast %broadcast_in_dim3A_440 : f32 to vector<16xf32>
    %swap3A_442 = arith.constant 5 : i32
    %swap3A_443 = arith.index_cast %swap3A_442 : i32 to index
    %swap3A_444 = arith.constant 64 : index
    %swap3A_445 = tpu.vector_load %arg7[%swap3A_443, %swap3A_444] {strides = array<i32>} : memref<8x128xf32, #tpu.memory_space<vmem>>, vector<1x16xf32>,
    %swap3A_446 = vector.shape_cast %swap3A_445 : vector<1x16xf32> to vector<16xf32>
    %swap3A_447 = vector.shape_cast %broadcast_in_dim3A_441 : vector<16xf32> to vector<1x16xf32>
    tpu.vector_store %arg7[%swap3A_443, %swap3A_444], %swap3A_447 {strides = array<i32>} : memref<8x128xf32, #tpu.memory_space<vmem>>, vector<1x16xf32>,
    %broadcast_in_dim3A_448 = arith.constant 0.000000e+00 : f32
    %broadcast_in_dim3A_449 = vector.broadcast %broadcast_in_dim3A_448 : f32 to vector<16xf32>
    %swap3A_450 = arith.constant 6 : i32
    %swap3A_451 = arith.index_cast %swap3A_450 : i32 to index
    %swap3A_452 = arith.constant 64 : index
    %swap3A_453 = tpu.vector_load %arg7[%swap3A_451, %swap3A_452] {strides = array<i32>} : memref<8x128xf32, #tpu.memory_space<vmem>>, vector<1x16xf32>,
    %swap3A_454 = vector.shape_cast %swap3A_453 : vector<1x16xf32> to vector<16xf32>
    %swap3A_455 = vector.shape_cast %broadcast_in_dim3A_449 : vector<16xf32> to vector<1x16xf32>
    tpu.vector_store %arg7[%swap3A_451, %swap3A_452], %swap3A_455 {strides = array<i32>} : memref<8x128xf32, #tpu.memory_space<vmem>>, vector<1x16xf32>,
    %broadcast_in_dim3A_456 = arith.constant 0.000000e+00 : f32
    %broadcast_in_dim3A_457 = vector.broadcast %broadcast_in_dim3A_456 : f32 to vector<16xf32>
    %swap3A_458 = arith.constant 7 : i32
    %swap3A_459 = arith.index_cast %swap3A_458 : i32 to index
    %swap3A_460 = arith.constant 64 : index
    %swap3A_461 = tpu.vector_load %arg7[%swap3A_459, %swap3A_460] {strides = array<i32>} : memref<8x128xf32, #tpu.memory_space<vmem>>, vector<1x16xf32>,
    %swap3A_462 = vector.shape_cast %swap3A_461 : vector<1x16xf32> to vector<16xf32>
    %swap3A_463 = vector.shape_cast %broadcast_in_dim3A_457 : vector<16xf32> to vector<1x16xf32>
    tpu.vector_store %arg7[%swap3A_459, %swap3A_460], %swap3A_463 {strides = array<i32>} : memref<8x128xf32, #tpu.memory_space<vmem>>, vector<1x16xf32>,
    %broadcast_in_dim3A_464 = arith.constant 0.000000e+00 : f32
    %broadcast_in_dim3A_465 = vector.broadcast %broadcast_in_dim3A_464 : f32 to vector<16xf32>
    %swap3A_466 = arith.constant 0 : i32
    %swap3A_467 = arith.index_cast %swap3A_466 : i32 to index
    %swap3A_468 = arith.constant 80 : index
    %swap3A_469 = tpu.vector_load %arg7[%swap3A_467, %swap3A_468] {strides = array<i32>} : memref<8x128xf32, #tpu.memory_space<vmem>>, vector<1x16xf32>,
    %swap3A_470 = vector.shape_cast %swap3A_469 : vector<1x16xf32> to vector<16xf32>
    %swap3A_471 = vector.shape_cast %broadcast_in_dim3A_465 : vector<16xf32> to vector<1x16xf32>
    tpu.vector_store %arg7[%swap3A_467, %swap3A_468], %swap3A_471 {strides = array<i32>} : memref<8x128xf32, #tpu.memory_space<vmem>>, vector<1x16xf32>,
    %broadcast_in_dim3A_472 = arith.constant 0.000000e+00 : f32
    %broadcast_in_dim3A_473 = vector.broadcast %broadcast_in_dim3A_472 : f32 to vector<16xf32>
    %swap3A_474 = arith.constant 1 : i32
    %swap3A_475 = arith.index_cast %swap3A_474 : i32 to index
    %swap3A_476 = arith.constant 80 : index
    %swap3A_477 = tpu.vector_load %arg7[%swap3A_475, %swap3A_476] {strides = array<i32>} : memref<8x128xf32, #tpu.memory_space<vmem>>, vector<1x16xf32>,
    %swap3A_478 = vector.shape_cast %swap3A_477 : vector<1x16xf32> to vector<16xf32>
    %swap3A_479 = vector.shape_cast %broadcast_in_dim3A_473 : vector<16xf32> to vector<1x16xf32>
    tpu.vector_store %arg7[%swap3A_475, %swap3A_476], %swap3A_479 {strides = array<i32>} : memref<8x128xf32, #tpu.memory_space<vmem>>, vector<1x16xf32>,
    %broadcast_in_dim3A_480 = arith.constant 0.000000e+00 : f32
    %broadcast_in_dim3A_481 = vector.broadcast %broadcast_in_dim3A_480 : f32 to vector<16xf32>
    %swap3A_482 = arith.constant 2 : i32
    %swap3A_483 = arith.index_cast %swap3A_482 : i32 to index
    %swap3A_484 = arith.constant 80 : index
    %swap3A_485 = tpu.vector_load %arg7[%swap3A_483, %swap3A_484] {strides = array<i32>} : memref<8x128xf32, #tpu.memory_space<vmem>>, vector<1x16xf32>,
    %swap3A_486 = vector.shape_cast %swap3A_485 : vector<1x16xf32> to vector<16xf32>
    %swap3A_487 = vector.shape_cast %broadcast_in_dim3A_481 : vector<16xf32> to vector<1x16xf32>
    tpu.vector_store %arg7[%swap3A_483, %swap3A_484], %swap3A_487 {strides = array<i32>} : memref<8x128xf32, #tpu.memory_space<vmem>>, vector<1x16xf32>,
    %broadcast_in_dim3A_488 = arith.constant 0.000000e+00 : f32
    %broadcast_in_dim3A_489 = vector.broadcast %broadcast_in_dim3A_488 : f32 to vector<16xf32>
    %swap3A_490 = arith.constant 3 : i32
    %swap3A_491 = arith.index_cast %swap3A_490 : i32 to index
    %swap3A_492 = arith.constant 80 : index
    %swap3A_493 = tpu.vector_load %arg7[%swap3A_491, %swap3A_492] {strides = array<i32>} : memref<8x128xf32, #tpu.memory_space<vmem>>, vector<1x16xf32>,
    %swap3A_494 = vector.shape_cast %swap3A_493 : vector<1x16xf32> to vector<16xf32>
    %swap3A_495 = vector.shape_cast %broadcast_in_dim3A_489 : vector<16xf32> to vector<1x16xf32>
    tpu.vector_store %arg7[%swap3A_491, %swap3A_492], %swap3A_495 {strides = array<i32>} : memref<8x128xf32, #tpu.memory_space<vmem>>, vector<1x16xf32>,
    %broadcast_in_dim3A_496 = arith.constant 0.000000e+00 : f32
    %broadcast_in_dim3A_497 = vector.broadcast %broadcast_in_dim3A_496 : f32 to vector<16xf32>
    %swap3A_498 = arith.constant 4 : i32
    %swap3A_499 = arith.index_cast %swap3A_498 : i32 to index
    %swap3A_500 = arith.constant 80 : index
    %swap3A_501 = tpu.vector_load %arg7[%swap3A_499, %swap3A_500] {strides = array<i32>} : memref<8x128xf32, #tpu.memory_space<vmem>>, vector<1x16xf32>,
    %swap3A_502 = vector.shape_cast %swap3A_501 : vector<1x16xf32> to vector<16xf32>
    %swap3A_503 = vector.shape_cast %broadcast_in_dim3A_497 : vector<16xf32> to vector<1x16xf32>
    tpu.vector_store %arg7[%swap3A_499, %swap3A_500], %swap3A_503 {strides = array<i32>} : memref<8x128xf32, #tpu.memory_space<vmem>>, vector<1x16xf32>,
    %broadcast_in_dim3A_504 = arith.constant 0.000000e+00 : f32
    %broadcast_in_dim3A_505 = vector.broadcast %broadcast_in_dim3A_504 : f32 to vector<16xf32>
    %swap3A_506 = arith.constant 5 : i32
    %swap3A_507 = arith.index_cast %swap3A_506 : i32 to index
    %swap3A_508 = arith.constant 80 : index
    %swap3A_509 = tpu.vector_load %arg7[%swap3A_507, %swap3A_508] {strides = array<i32>} : memref<8x128xf32, #tpu.memory_space<vmem>>, vector<1x16xf32>,
    %swap3A_510 = vector.shape_cast %swap3A_509 : vector<1x16xf32> to vector<16xf32>
    %swap3A_511 = vector.shape_cast %broadcast_in_dim3A_505 : vector<16xf32> to vector<1x16xf32>
    tpu.vector_store %arg7[%swap3A_507, %swap3A_508], %swap3A_511 {strides = array<i32>} : memref<8x128xf32, #tpu.memory_space<vmem>>, vector<1x16xf32>,
    %broadcast_in_dim3A_512 = arith.constant 0.000000e+00 : f32
    %broadcast_in_dim3A_513 = vector.broadcast %broadcast_in_dim3A_512 : f32 to vector<16xf32>
    %swap3A_514 = arith.constant 6 : i32
    %swap3A_515 = arith.index_cast %swap3A_514 : i32 to index
    %swap3A_516 = arith.constant 80 : index
    %swap3A_517 = tpu.vector_load %arg7[%swap3A_515, %swap3A_516] {strides = array<i32>} : memref<8x128xf32, #tpu.memory_space<vmem>>, vector<1x16xf32>,
    %swap3A_518 = vector.shape_cast %swap3A_517 : vector<1x16xf32> to vector<16xf32>
    %swap3A_519 = vector.shape_cast %broadcast_in_dim3A_513 : vector<16xf32> to vector<1x16xf32>
    tpu.vector_store %arg7[%swap3A_515, %swap3A_516], %swap3A_519 {strides = array<i32>} : memref<8x128xf32, #tpu.memory_space<vmem>>, vector<1x16xf32>,
    %broadcast_in_dim3A_520 = arith.constant 0.000000e+00 : f32
    %broadcast_in_dim3A_521 = vector.broadcast %broadcast_in_dim3A_520 : f32 to vector<16xf32>
    %swap3A_522 = arith.constant 7 : i32
    %swap3A_523 = arith.index_cast %swap3A_522 : i32 to index
    %swap3A_524 = arith.constant 80 : index
    %swap3A_525 = tpu.vector_load %arg7[%swap3A_523, %swap3A_524] {strides = array<i32>} : memref<8x128xf32, #tpu.memory_space<vmem>>, vector<1x16xf32>,
    %swap3A_526 = vector.shape_cast %swap3A_525 : vector<1x16xf32> to vector<16xf32>
    %swap3A_527 = vector.shape_cast %broadcast_in_dim3A_521 : vector<16xf32> to vector<1x16xf32>
    tpu.vector_store %arg7[%swap3A_523, %swap3A_524], %swap3A_527 {strides = array<i32>} : memref<8x128xf32, #tpu.memory_space<vmem>>, vector<1x16xf32>,
    %broadcast_in_dim3A_528 = arith.constant 0.000000e+00 : f32
    %broadcast_in_dim3A_529 = vector.broadcast %broadcast_in_dim3A_528 : f32 to vector<16xf32>
    %swap3A_530 = arith.constant 0 : i32
    %swap3A_531 = arith.index_cast %swap3A_530 : i32 to index
    %swap3A_532 = arith.constant 96 : index
    %swap3A_533 = tpu.vector_load %arg7[%swap3A_531, %swap3A_532] {strides = array<i32>} : memref<8x128xf32, #tpu.memory_space<vmem>>, vector<1x16xf32>,
    %swap3A_534 = vector.shape_cast %swap3A_533 : vector<1x16xf32> to vector<16xf32>
    %swap3A_535 = vector.shape_cast %broadcast_in_dim3A_529 : vector<16xf32> to vector<1x16xf32>
    tpu.vector_store %arg7[%swap3A_531, %swap3A_532], %swap3A_535 {strides = array<i32>} : memref<8x128xf32, #tpu.memory_space<vmem>>, vector<1x16xf32>,
    %broadcast_in_dim3A_536 = arith.constant 0.000000e+00 : f32
    %broadcast_in_dim3A_537 = vector.broadcast %broadcast_in_dim3A_536 : f32 to vector<16xf32>
    %swap3A_538 = arith.constant 1 : i32
    %swap3A_539 = arith.index_cast %swap3A_538 : i32 to index
    %swap3A_540 = arith.constant 96 : index
    %swap3A_541 = tpu.vector_load %arg7[%swap3A_539, %swap3A_540] {strides = array<i32>} : memref<8x128xf32, #tpu.memory_space<vmem>>, vector<1x16xf32>,
    %swap3A_542 = vector.shape_cast %swap3A_541 : vector<1x16xf32> to vector<16xf32>
    %swap3A_543 = vector.shape_cast %broadcast_in_dim3A_537 : vector<16xf32> to vector<1x16xf32>
    tpu.vector_store %arg7[%swap3A_539, %swap3A_540], %swap3A_543 {strides = array<i32>} : memref<8x128xf32, #tpu.memory_space<vmem>>, vector<1x16xf32>,
    %broadcast_in_dim3A_544 = arith.constant 0.000000e+00 : f32
    %broadcast_in_dim3A_545 = vector.broadcast %broadcast_in_dim3A_544 : f32 to vector<16xf32>
    %swap3A_546 = arith.constant 2 : i32
    %swap3A_547 = arith.index_cast %swap3A_546 : i32 to index
    %swap3A_548 = arith.constant 96 : index
    %swap3A_549 = tpu.vector_load %arg7[%swap3A_547, %swap3A_548] {strides = array<i32>} : memref<8x128xf32, #tpu.memory_space<vmem>>, vector<1x16xf32>,
    %swap3A_550 = vector.shape_cast %swap3A_549 : vector<1x16xf32> to vector<16xf32>
    %swap3A_551 = vector.shape_cast %broadcast_in_dim3A_545 : vector<16xf32> to vector<1x16xf32>
    tpu.vector_store %arg7[%swap3A_547, %swap3A_548], %swap3A_551 {strides = array<i32>} : memref<8x128xf32, #tpu.memory_space<vmem>>, vector<1x16xf32>,
    %broadcast_in_dim3A_552 = arith.constant 0.000000e+00 : f32
    %broadcast_in_dim3A_553 = vector.broadcast %broadcast_in_dim3A_552 : f32 to vector<16xf32>
    %swap3A_554 = arith.constant 3 : i32
    %swap3A_555 = arith.index_cast %swap3A_554 : i32 to index
    %swap3A_556 = arith.constant 96 : index
    %swap3A_557 = tpu.vector_load %arg7[%swap3A_555, %swap3A_556] {strides = array<i32>} : memref<8x128xf32, #tpu.memory_space<vmem>>, vector<1x16xf32>,
    %swap3A_558 = vector.shape_cast %swap3A_557 : vector<1x16xf32> to vector<16xf32>
    %swap3A_559 = vector.shape_cast %broadcast_in_dim3A_553 : vector<16xf32> to vector<1x16xf32>
    tpu.vector_store %arg7[%swap3A_555, %swap3A_556], %swap3A_559 {strides = array<i32>} : memref<8x128xf32, #tpu.memory_space<vmem>>, vector<1x16xf32>,
    %broadcast_in_dim3A_560 = arith.constant 0.000000e+00 : f32
    %broadcast_in_dim3A_561 = vector.broadcast %broadcast_in_dim3A_560 : f32 to vector<16xf32>
    %swap3A_562 = arith.constant 4 : i32
    %swap3A_563 = arith.index_cast %swap3A_562 : i32 to index
    %swap3A_564 = arith.constant 96 : index
    %swap3A_565 = tpu.vector_load %arg7[%swap3A_563, %swap3A_564] {strides = array<i32>} : memref<8x128xf32, #tpu.memory_space<vmem>>, vector<1x16xf32>,
    %swap3A_566 = vector.shape_cast %swap3A_565 : vector<1x16xf32> to vector<16xf32>
    %swap3A_567 = vector.shape_cast %broadcast_in_dim3A_561 : vector<16xf32> to vector<1x16xf32>
    tpu.vector_store %arg7[%swap3A_563, %swap3A_564], %swap3A_567 {strides = array<i32>} : memref<8x128xf32, #tpu.memory_space<vmem>>, vector<1x16xf32>,
    %broadcast_in_dim3A_568 = arith.constant 0.000000e+00 : f32
    %broadcast_in_dim3A_569 = vector.broadcast %broadcast_in_dim3A_568 : f32 to vector<16xf32>
    %swap3A_570 = arith.constant 5 : i32
    %swap3A_571 = arith.index_cast %swap3A_570 : i32 to index
    %swap3A_572 = arith.constant 96 : index
    %swap3A_573 = tpu.vector_load %arg7[%swap3A_571, %swap3A_572] {strides = array<i32>} : memref<8x128xf32, #tpu.memory_space<vmem>>, vector<1x16xf32>,
    %swap3A_574 = vector.shape_cast %swap3A_573 : vector<1x16xf32> to vector<16xf32>
    %swap3A_575 = vector.shape_cast %broadcast_in_dim3A_569 : vector<16xf32> to vector<1x16xf32>
    tpu.vector_store %arg7[%swap3A_571, %swap3A_572], %swap3A_575 {strides = array<i32>} : memref<8x128xf32, #tpu.memory_space<vmem>>, vector<1x16xf32>,
    %broadcast_in_dim3A_576 = arith.constant 0.000000e+00 : f32
    %broadcast_in_dim3A_577 = vector.broadcast %broadcast_in_dim3A_576 : f32 to vector<16xf32>
    %swap3A_578 = arith.constant 6 : i32
    %swap3A_579 = arith.index_cast %swap3A_578 : i32 to index
    %swap3A_580 = arith.constant 96 : index
    %swap3A_581 = tpu.vector_load %arg7[%swap3A_579, %swap3A_580] {strides = array<i32>} : memref<8x128xf32, #tpu.memory_space<vmem>>, vector<1x16xf32>,
    %swap3A_582 = vector.shape_cast %swap3A_581 : vector<1x16xf32> to vector<16xf32>
    %swap3A_583 = vector.shape_cast %broadcast_in_dim3A_577 : vector<16xf32> to vector<1x16xf32>
    tpu.vector_store %arg7[%swap3A_579, %swap3A_580], %swap3A_583 {strides = array<i32>} : memref<8x128xf32, #tpu.memory_space<vmem>>, vector<1x16xf32>,
    %broadcast_in_dim3A_584 = arith.constant 0.000000e+00 : f32
    %broadcast_in_dim3A_585 = vector.broadcast %broadcast_in_dim3A_584 : f32 to vector<16xf32>
    %swap3A_586 = arith.constant 7 : i32
    %swap3A_587 = arith.index_cast %swap3A_586 : i32 to index
    %swap3A_588 = arith.constant 96 : index
    %swap3A_589 = tpu.vector_load %arg7[%swap3A_587, %swap3A_588] {strides = array<i32>} : memref<8x128xf32, #tpu.memory_space<vmem>>, vector<1x16xf32>,
    %swap3A_590 = vector.shape_cast %swap3A_589 : vector<1x16xf32> to vector<16xf32>
    %swap3A_591 = vector.shape_cast %broadcast_in_dim3A_585 : vector<16xf32> to vector<1x16xf32>
    tpu.vector_store %arg7[%swap3A_587, %swap3A_588], %swap3A_591 {strides = array<i32>} : memref<8x128xf32, #tpu.memory_space<vmem>>, vector<1x16xf32>,
    %broadcast_in_dim3A_592 = arith.constant 0.000000e+00 : f32
    %broadcast_in_dim3A_593 = vector.broadcast %broadcast_in_dim3A_592 : f32 to vector<16xf32>
    %swap3A_594 = arith.constant 0 : i32
    %swap3A_595 = arith.index_cast %swap3A_594 : i32 to index
    %swap3A_596 = arith.constant 112 : index
    %swap3A_597 = tpu.vector_load %arg7[%swap3A_595, %swap3A_596] {strides = array<i32>} : memref<8x128xf32, #tpu.memory_space<vmem>>, vector<1x16xf32>,
    %swap3A_598 = vector.shape_cast %swap3A_597 : vector<1x16xf32> to vector<16xf32>
    %swap3A_599 = vector.shape_cast %broadcast_in_dim3A_593 : vector<16xf32> to vector<1x16xf32>
    tpu.vector_store %arg7[%swap3A_595, %swap3A_596], %swap3A_599 {strides = array<i32>} : memref<8x128xf32, #tpu.memory_space<vmem>>, vector<1x16xf32>,
    %broadcast_in_dim3A_600 = arith.constant 0.000000e+00 : f32
    %broadcast_in_dim3A_601 = vector.broadcast %broadcast_in_dim3A_600 : f32 to vector<16xf32>
    %swap3A_602 = arith.constant 1 : i32
    %swap3A_603 = arith.index_cast %swap3A_602 : i32 to index
    %swap3A_604 = arith.constant 112 : index
    %swap3A_605 = tpu.vector_load %arg7[%swap3A_603, %swap3A_604] {strides = array<i32>} : memref<8x128xf32, #tpu.memory_space<vmem>>, vector<1x16xf32>,
    %swap3A_606 = vector.shape_cast %swap3A_605 : vector<1x16xf32> to vector<16xf32>
    %swap3A_607 = vector.shape_cast %broadcast_in_dim3A_601 : vector<16xf32> to vector<1x16xf32>
    tpu.vector_store %arg7[%swap3A_603, %swap3A_604], %swap3A_607 {strides = array<i32>} : memref<8x128xf32, #tpu.memory_space<vmem>>, vector<1x16xf32>,
    %broadcast_in_dim3A_608 = arith.constant 0.000000e+00 : f32
    %broadcast_in_dim3A_609 = vector.broadcast %broadcast_in_dim3A_608 : f32 to vector<16xf32>
    %swap3A_610 = arith.constant 2 : i32
    %swap3A_611 = arith.index_cast %swap3A_610 : i32 to index
    %swap3A_612 = arith.constant 112 : index
    %swap3A_613 = tpu.vector_load %arg7[%swap3A_611, %swap3A_612] {strides = array<i32>} : memref<8x128xf32, #tpu.memory_space<vmem>>, vector<1x16xf32>,
    %swap3A_614 = vector.shape_cast %swap3A_613 : vector<1x16xf32> to vector<16xf32>
    %swap3A_615 = vector.shape_cast %broadcast_in_dim3A_609 : vector<16xf32> to vector<1x16xf32>
    tpu.vector_store %arg7[%swap3A_611, %swap3A_612], %swap3A_615 {strides = array<i32>} : memref<8x128xf32, #tpu.memory_space<vmem>>, vector<1x16xf32>,
    %broadcast_in_dim3A_616 = arith.constant 0.000000e+00 : f32
    %broadcast_in_dim3A_617 = vector.broadcast %broadcast_in_dim3A_616 : f32 to vector<16xf32>
    %swap3A_618 = arith.constant 3 : i32
    %swap3A_619 = arith.index_cast %swap3A_618 : i32 to index
    %swap3A_620 = arith.constant 112 : index
    %swap3A_621 = tpu.vector_load %arg7[%swap3A_619, %swap3A_620] {strides = array<i32>} : memref<8x128xf32, #tpu.memory_space<vmem>>, vector<1x16xf32>,
    %swap3A_622 = vector.shape_cast %swap3A_621 : vector<1x16xf32> to vector<16xf32>
    %swap3A_623 = vector.shape_cast %broadcast_in_dim3A_617 : vector<16xf32> to vector<1x16xf32>
    tpu.vector_store %arg7[%swap3A_619, %swap3A_620], %swap3A_623 {strides = array<i32>} : memref<8x128xf32, #tpu.memory_space<vmem>>, vector<1x16xf32>,
    %broadcast_in_dim3A_624 = arith.constant 0.000000e+00 : f32
    %broadcast_in_dim3A_625 = vector.broadcast %broadcast_in_dim3A_624 : f32 to vector<16xf32>
    %swap3A_626 = arith.constant 4 : i32
    %swap3A_627 = arith.index_cast %swap3A_626 : i32 to index
    %swap3A_628 = arith.constant 112 : index
    %swap3A_629 = tpu.vector_load %arg7[%swap3A_627, %swap3A_628] {strides = array<i32>} : memref<8x128xf32, #tpu.memory_space<vmem>>, vector<1x16xf32>,
    %swap3A_630 = vector.shape_cast %swap3A_629 : vector<1x16xf32> to vector<16xf32>
    %swap3A_631 = vector.shape_cast %broadcast_in_dim3A_625 : vector<16xf32> to vector<1x16xf32>
    tpu.vector_store %arg7[%swap3A_627, %swap3A_628], %swap3A_631 {strides = array<i32>} : memref<8x128xf32, #tpu.memory_space<vmem>>, vector<1x16xf32>,
    %broadcast_in_dim3A_632 = arith.constant 0.000000e+00 : f32
    %broadcast_in_dim3A_633 = vector.broadcast %broadcast_in_dim3A_632 : f32 to vector<16xf32>
    %swap3A_634 = arith.constant 5 : i32
    %swap3A_635 = arith.index_cast %swap3A_634 : i32 to index
    %swap3A_636 = arith.constant 112 : index
    %swap3A_637 = tpu.vector_load %arg7[%swap3A_635, %swap3A_636] {strides = array<i32>} : memref<8x128xf32, #tpu.memory_space<vmem>>, vector<1x16xf32>,
    %swap3A_638 = vector.shape_cast %swap3A_637 : vector<1x16xf32> to vector<16xf32>
    %swap3A_639 = vector.shape_cast %broadcast_in_dim3A_633 : vector<16xf32> to vector<1x16xf32>
    tpu.vector_store %arg7[%swap3A_635, %swap3A_636], %swap3A_639 {strides = array<i32>} : memref<8x128xf32, #tpu.memory_space<vmem>>, vector<1x16xf32>,
    %broadcast_in_dim3A_640 = arith.constant 0.000000e+00 : f32
    %broadcast_in_dim3A_641 = vector.broadcast %broadcast_in_dim3A_640 : f32 to vector<16xf32>
    %swap3A_642 = arith.constant 6 : i32
    %swap3A_643 = arith.index_cast %swap3A_642 : i32 to index
    %swap3A_644 = arith.constant 112 : index
    %swap3A_645 = tpu.vector_load %arg7[%swap3A_643, %swap3A_644] {strides = array<i32>} : memref<8x128xf32, #tpu.memory_space<vmem>>, vector<1x16xf32>,
    %swap3A_646 = vector.shape_cast %swap3A_645 : vector<1x16xf32> to vector<16xf32>
    %swap3A_647 = vector.shape_cast %broadcast_in_dim3A_641 : vector<16xf32> to vector<1x16xf32>
    tpu.vector_store %arg7[%swap3A_643, %swap3A_644], %swap3A_647 {strides = array<i32>} : memref<8x128xf32, #tpu.memory_space<vmem>>, vector<1x16xf32>,
    %broadcast_in_dim3A_648 = arith.constant 0.000000e+00 : f32
    %broadcast_in_dim3A_649 = vector.broadcast %broadcast_in_dim3A_648 : f32 to vector<16xf32>
    %swap3A_650 = arith.constant 7 : i32
    %swap3A_651 = arith.index_cast %swap3A_650 : i32 to index
    %swap3A_652 = arith.constant 112 : index
    %swap3A_653 = tpu.vector_load %arg7[%swap3A_651, %swap3A_652] {strides = array<i32>} : memref<8x128xf32, #tpu.memory_space<vmem>>, vector<1x16xf32>,
    %swap3A_654 = vector.shape_cast %swap3A_653 : vector<1x16xf32> to vector<16xf32>
    %swap3A_655 = vector.shape_cast %broadcast_in_dim3A_649 : vector<16xf32> to vector<1x16xf32>
    tpu.vector_store %arg7[%swap3A_651, %swap3A_652], %swap3A_655 {strides = array<i32>} : memref<8x128xf32, #tpu.memory_space<vmem>>, vector<1x16xf32>,
    %lt3A = arith.constant 15 : i32
    %lt3A_656 = arith.cmpi slt, %arg1, %lt3A : i32
    %convert_element_type3A = arith.extui %lt3A_656 : i1 to i32
    %cond3A = arith.constant 0 : i32
    %cond3A_657 = arith.cmpi ne, %convert_element_type3A, %cond3A : i32
    scf.if %cond3A_657 {
      %scan3A_729 = arith.constant 0 : i32
      %scan3A_730 = arith.constant 80 : i32
      %scan3A_731 = arith.addi %scan3A_729, %scan3A_730 : i32
      %scan3A_732 = arith.constant 1 : i32
      scf.for %scan3A_734 = %scan3A_729 to %scan3A_731 step %scan3A_732  : i32 {
        %mul3A = arith.constant 1 : i32
        %mul3A_735 = arith.muli %scan3A_734, %mul3A : i32
        %add3A = arith.constant 0 : i32
        %add3A_736 = arith.addi %add3A, %mul3A_735 : i32
        %mul3A_737 = arith.constant 640 : i32
        %mul3A_738 = arith.muli %arg1, %mul3A_737 : i32
        %mul3A_739 = arith.constant 8 : i32
        %mul3A_740 = arith.muli %add3A_736, %mul3A_739 : i32
        %add3A_741 = arith.addi %mul3A_738, %mul3A_740 : i32
        "tpu.region"() ({
          %run_scoped3A_742 = tpu.sem_alloc : memref<!tpu.dma_semaphore, #tpu.memory_space<semaphore_mem>>
          %dma_start3A_743 = arith.constant 0 : i32
          %dma_start3A_744 = tpu.memref_slice %arg8[%add3A_741, %dma_start3A_743] : memref<10008x128xf32, #tpu.memory_space<vmem_shared>> -> memref<8x128xf32, #tpu.memory_space<vmem_shared>>
          %dma_start3A_745 = arith.constant 0 : i32
          %dma_start3A_746 = tpu.memref_slice %arg8[%add3A_741, %dma_start3A_745] : memref<10008x128xf32, #tpu.memory_space<vmem_shared>> -> memref<8x128xf32, #tpu.memory_space<vmem_shared>>
          tpu.enqueue_dma source(%arg7 : memref<8x128xf32, #tpu.memory_space<vmem>>) target(%dma_start3A_746 : memref<8x128xf32, #tpu.memory_space<vmem_shared>>) target_semaphore(%run_scoped3A_742 : memref<!tpu.dma_semaphore, #tpu.memory_space<semaphore_mem>>)
          %dma_wait3A_747 = arith.constant 0 : i32
          %dma_wait3A_748 = tpu.memref_slice %arg8[%add3A_741, %dma_wait3A_747] : memref<10008x128xf32, #tpu.memory_space<vmem_shared>> -> memref<8x128xf32, #tpu.memory_space<vmem_shared>>
          %dma_wait3A_749 = arith.constant 0 : i32
          %dma_wait3A_750 = tpu.memref_slice %arg8[%add3A_741, %dma_wait3A_749] : memref<10008x128xf32, #tpu.memory_space<vmem_shared>> -> memref<8x128xf32, #tpu.memory_space<vmem_shared>>
          tpu.wait_dma2 semaphore(%run_scoped3A_742 : memref<!tpu.dma_semaphore, #tpu.memory_space<semaphore_mem>>) src(%arg7 : memref<8x128xf32, #tpu.memory_space<vmem>>) dst(%dma_wait3A_750 : memref<8x128xf32, #tpu.memory_space<vmem_shared>>)
          tpu.yield
        }) : () -> ()
      }
      %scan3A_733 = arith.constant 80 : i32
    } else {
    }
    %eq3A = arith.constant 15 : i32
    %eq3A_658 = arith.cmpi eq, %arg1, %eq3A : i32
    %convert_element_type3A_659 = arith.extui %eq3A_658 : i1 to i32
    %cond3A_660 = arith.constant 0 : i32
    %cond3A_661 = arith.cmpi ne, %convert_element_type3A_659, %cond3A_660 : i32
    scf.if %cond3A_661 {
      %scan3A_729 = arith.constant 0 : i32
      %scan3A_730 = arith.constant 51 : i32
      %scan3A_731 = arith.addi %scan3A_729, %scan3A_730 : i32
      %scan3A_732 = arith.constant 1 : i32
      scf.for %scan3A_734 = %scan3A_729 to %scan3A_731 step %scan3A_732  : i32 {
        %mul3A = arith.constant 1 : i32
        %mul3A_735 = arith.muli %scan3A_734, %mul3A : i32
        %add3A = arith.constant 0 : i32
        %add3A_736 = arith.addi %add3A, %mul3A_735 : i32
        %mul3A_737 = arith.constant 8 : i32
        %mul3A_738 = arith.muli %add3A_736, %mul3A_737 : i32
        %add3A_739 = arith.constant 9600 : i32
        %add3A_740 = arith.addi %add3A_739, %mul3A_738 : i32
        "tpu.region"() ({
          %run_scoped3A_741 = tpu.sem_alloc : memref<!tpu.dma_semaphore, #tpu.memory_space<semaphore_mem>>
          %dma_start3A_742 = arith.constant 0 : i32
          %dma_start3A_743 = tpu.memref_slice %arg8[%add3A_740, %dma_start3A_742] : memref<10008x128xf32, #tpu.memory_space<vmem_shared>> -> memref<8x128xf32, #tpu.memory_space<vmem_shared>>
          %dma_start3A_744 = arith.constant 0 : i32
          %dma_start3A_745 = tpu.memref_slice %arg8[%add3A_740, %dma_start3A_744] : memref<10008x128xf32, #tpu.memory_space<vmem_shared>> -> memref<8x128xf32, #tpu.memory_space<vmem_shared>>
          tpu.enqueue_dma source(%arg7 : memref<8x128xf32, #tpu.memory_space<vmem>>) target(%dma_start3A_745 : memref<8x128xf32, #tpu.memory_space<vmem_shared>>) target_semaphore(%run_scoped3A_741 : memref<!tpu.dma_semaphore, #tpu.memory_space<semaphore_mem>>)
          %dma_wait3A_746 = arith.constant 0 : i32
          %dma_wait3A_747 = tpu.memref_slice %arg8[%add3A_740, %dma_wait3A_746] : memref<10008x128xf32, #tpu.memory_space<vmem_shared>> -> memref<8x128xf32, #tpu.memory_space<vmem_shared>>
          %dma_wait3A_748 = arith.constant 0 : i32
          %dma_wait3A_749 = tpu.memref_slice %arg8[%add3A_740, %dma_wait3A_748] : memref<10008x128xf32, #tpu.memory_space<vmem_shared>> -> memref<8x128xf32, #tpu.memory_space<vmem_shared>>
          tpu.wait_dma2 semaphore(%run_scoped3A_741 : memref<!tpu.dma_semaphore, #tpu.memory_space<semaphore_mem>>) src(%arg7 : memref<8x128xf32, #tpu.memory_space<vmem>>) dst(%dma_wait3A_749 : memref<8x128xf32, #tpu.memory_space<vmem_shared>>)
          tpu.yield
        }) : () -> ()
      }
      %scan3A_733 = arith.constant 51 : i32
    } else {
    }
    %barrier3A = arith.constant 0 : index
    tpu.barrier barrier_id(%barrier3A)
    %scan3A = arith.constant 0 : i32
    %scan3A_662 = arith.constant 16 : i32
    %scan3A_663 = arith.addi %scan3A, %scan3A_662 : i32
    %scan3A_664 = arith.constant 1 : i32
    scf.for %scan3A_729 = %scan3A to %scan3A_663 step %scan3A_664  : i32 {
      %mul3A = arith.constant 8 : i32
      %mul3A_730 = arith.muli %scan3A_729, %mul3A : i32
      %add3A = arith.constant 0 : i32
      %add3A_731 = arith.addi %add3A, %mul3A_730 : i32
      %add3A_732 = arith.constant 0 : i32
      %add3A_733 = arith.addi %add3A_731, %add3A_732 : i32
      %dma_wait3A_734 = arith.constant 0 : i32
      %dma_wait3A_735 = arith.constant 0 : i32
      %dma_wait3A_736 = arith.constant 0 : i32
      %dma_wait3A_737 = arith.constant 0 : i32
      %dma_wait3A_738 = arith.constant 0 : i32
      %dma_wait3A_739 = tpu.memref_slice %arg6[%dma_wait3A_736, %dma_wait3A_737, %dma_wait3A_738] : memref<4x80x128xf32, #tpu.memory_space<vmem>> -> memref<1x80x128xf32, #tpu.memory_space<vmem>>
      %dma_wait3A_740 = tpu.memref_squeeze %dma_wait3A_739 : memref<1x80x128xf32, #tpu.memory_space<vmem>> -> memref<80x128xf32, #tpu.memory_space<vmem>>
      %dma_wait3A_741 = arith.constant 0 : i32
      %dma_wait3A_742 = tpu.memref_slice %arg5[%dma_wait3A_734, %dma_wait3A_735, %dma_wait3A_741] : memref<8x2x80xi32, #tpu.memory_space<vmem>> -> memref<1x1x80xi32, #tpu.memory_space<vmem>>
      %dma_wait3A_743 = tpu.memref_squeeze %dma_wait3A_742 : memref<1x1x80xi32, #tpu.memory_space<vmem>> -> memref<80xi32, #tpu.memory_space<vmem>>
      %dma_wait3A_744 = arith.constant 0 : i32
      %dma_wait3A_745 = arith.constant 0 : i32
      %dma_wait3A_746 = tpu.memref_slice %arg2[%dma_wait3A_744, %dma_wait3A_745] : memref<20000x128xf32, #tpu.memory_space<hbm>> -> memref<20000x128xf32, #tpu.memory_space<hbm>>
      tpu.wait_indirect_dma semaphore(%arg17 : memref<!tpu.dma_semaphore, #tpu.memory_space<semaphore_mem>>) src(%dma_wait3A_746 : memref<20000x128xf32, #tpu.memory_space<hbm>>) dst(%dma_wait3A_740 : memref<80x128xf32, #tpu.memory_space<vmem>>)
      %dma_start3A_747 = arith.constant 0 : i32
      %dma_start3A_748 = arith.constant 0 : i32
      %dma_start3A_749 = arith.constant 1 : i32
      %dma_start3A_750 = arith.constant 0 : i32
      %dma_start3A_751 = arith.constant 0 : i32
      %dma_start3A_752 = tpu.memref_slice %arg6[%dma_start3A_747, %dma_start3A_750, %dma_start3A_751] : memref<4x80x128xf32, #tpu.memory_space<vmem>> -> memref<1x80x128xf32, #tpu.memory_space<vmem>>
      %dma_start3A_753 = tpu.memref_squeeze %dma_start3A_752 : memref<1x80x128xf32, #tpu.memory_space<vmem>> -> memref<80x128xf32, #tpu.memory_space<vmem>>
      %dma_start3A_754 = arith.constant 0 : i32
      %dma_start3A_755 = tpu.memref_slice %arg5[%dma_start3A_748, %dma_start3A_749, %dma_start3A_754] : memref<8x2x80xi32, #tpu.memory_space<vmem>> -> memref<1x1x80xi32, #tpu.memory_space<vmem>>
      %dma_start3A_756 = tpu.memref_squeeze %dma_start3A_755 : memref<1x1x80xi32, #tpu.memory_space<vmem>> -> memref<80xi32, #tpu.memory_space<vmem>>
      %dma_start3A_757 = arith.constant 0 : i32
      %dma_start3A_758 = arith.constant 0 : i32
      %dma_start3A_759 = tpu.memref_slice %arg8[%dma_start3A_757, %dma_start3A_758] : memref<10008x128xf32, #tpu.memory_space<vmem_shared>> -> memref<10008x128xf32, #tpu.memory_space<vmem_shared>>
      tpu.enqueue_indirect_dma source(%dma_start3A_753 : memref<80x128xf32, #tpu.memory_space<vmem>>) target(%dma_start3A_759 : memref<10008x128xf32, #tpu.memory_space<vmem_shared>>) offsets(%dma_start3A_756 : memref<80xi32, #tpu.memory_space<vmem>>) semaphore(%arg21 : memref<!tpu.dma_semaphore, #tpu.memory_space<semaphore_mem>>) {add = true}
      %lt3A_760 = arith.constant 125 : i32
      %lt3A_761 = arith.cmpi slt, %add3A_733, %lt3A_760 : i32
      %convert_element_type3A_762 = arith.extui %lt3A_761 : i1 to i32
      %cond3A_763 = arith.constant 0 : i32
      %cond3A_764 = arith.cmpi ne, %convert_element_type3A_762, %cond3A_763 : i32
      scf.if %cond3A_764 {
        %gt3A = arith.constant 0 : i32
        %gt3A_1036 = arith.cmpi sgt, %add3A_733, %gt3A : i32
        %convert_element_type3A_1037 = arith.extui %gt3A_1036 : i1 to i32
        %cond3A_1038 = arith.constant 0 : i32
        %cond3A_1039 = arith.cmpi ne, %convert_element_type3A_1037, %cond3A_1038 : i32
        scf.if %cond3A_1039 {
          %dma_wait3A_1072 = arith.constant 3 : i32
          %dma_wait3A_1073 = arith.constant 7 : i32
          %dma_wait3A_1074 = arith.constant 1 : i32
          %dma_wait3A_1075 = arith.constant 0 : i32
          %dma_wait3A_1076 = arith.constant 0 : i32
          %dma_wait3A_1077 = tpu.memref_slice %arg6[%dma_wait3A_1072, %dma_wait3A_1075, %dma_wait3A_1076] : memref<4x80x128xf32, #tpu.memory_space<vmem>> -> memref<1x80x128xf32, #tpu.memory_space<vmem>>
          %dma_wait3A_1078 = tpu.memref_squeeze %dma_wait3A_1077 : memref<1x80x128xf32, #tpu.memory_space<vmem>> -> memref<80x128xf32, #tpu.memory_space<vmem>>
          %dma_wait3A_1079 = arith.constant 0 : i32
          %dma_wait3A_1080 = tpu.memref_slice %arg5[%dma_wait3A_1073, %dma_wait3A_1074, %dma_wait3A_1079] : memref<8x2x80xi32, #tpu.memory_space<vmem>> -> memref<1x1x80xi32, #tpu.memory_space<vmem>>
          %dma_wait3A_1081 = tpu.memref_squeeze %dma_wait3A_1080 : memref<1x1x80xi32, #tpu.memory_space<vmem>> -> memref<80xi32, #tpu.memory_space<vmem>>
          %dma_wait3A_1082 = arith.constant 0 : i32
          %dma_wait3A_1083 = arith.constant 0 : i32
          %dma_wait3A_1084 = tpu.memref_slice %arg8[%dma_wait3A_1082, %dma_wait3A_1083] : memref<10008x128xf32, #tpu.memory_space<vmem_shared>> -> memref<10008x128xf32, #tpu.memory_space<vmem_shared>>
          tpu.wait_indirect_dma semaphore(%arg24 : memref<!tpu.dma_semaphore, #tpu.memory_space<semaphore_mem>>) src(%dma_wait3A_1078 : memref<80x128xf32, #tpu.memory_space<vmem>>) dst(%dma_wait3A_1084 : memref<10008x128xf32, #tpu.memory_space<vmem_shared>>)
        } else {
        }
        %add3A_1040 = arith.constant 3 : i32
        %add3A_1041 = arith.addi %add3A_733, %add3A_1040 : i32
        %dma_wait3A_1042 = arith.constant 3 : i32
        %dma_wait3A_1043 = arith.constant 0 : i32
        %dma_wait3A_1044 = arith.constant 0 : i32
        %dma_wait3A_1045 = tpu.memref_slice %arg5[%dma_wait3A_1042, %dma_wait3A_1043, %dma_wait3A_1044] : memref<8x2x80xi32, #tpu.memory_space<vmem>> -> memref<1x2x80xi32, #tpu.memory_space<vmem>>
        %dma_wait3A_1046 = tpu.memref_squeeze %dma_wait3A_1045 : memref<1x2x80xi32, #tpu.memory_space<vmem>> -> memref<2x80xi32, #tpu.memory_space<vmem>>
        %dma_wait3A_1047 = arith.constant 0 : i32
        %dma_wait3A_1048 = arith.constant 0 : i32
        %dma_wait3A_1049 = tpu.memref_slice %arg3[%arg0, %arg1, %add3A_1041, %dma_wait3A_1047, %dma_wait3A_1048] : memref<2x16x128x2x80xi32, #tpu.memory_space<hbm>> -> memref<1x1x1x2x80xi32, #tpu.memory_space<hbm>>
        %dma_wait3A_1050 = tpu.memref_squeeze %dma_wait3A_1049 : memref<1x1x1x2x80xi32, #tpu.memory_space<hbm>> -> memref<2x80xi32, #tpu.memory_space<hbm>>
        %dma_wait3A_1051 = arith.constant 0 : i32
        %dma_wait3A_1052 = arith.constant 0 : i32
        %dma_wait3A_1053 = tpu.memref_slice %arg5[%dma_wait3A_1042, %dma_wait3A_1051, %dma_wait3A_1052] : memref<8x2x80xi32, #tpu.memory_space<vmem>> -> memref<1x2x80xi32, #tpu.memory_space<vmem>>
        %dma_wait3A_1054 = tpu.memref_squeeze %dma_wait3A_1053 : memref<1x2x80xi32, #tpu.memory_space<vmem>> -> memref<2x80xi32, #tpu.memory_space<vmem>>
        %dma_wait3A_1055 = arith.constant 0 : i32
        %dma_wait3A_1056 = arith.constant 0 : i32
        %dma_wait3A_1057 = tpu.memref_slice %arg3[%arg0, %arg1, %add3A_1041, %dma_wait3A_1055, %dma_wait3A_1056] : memref<2x16x128x2x80xi32, #tpu.memory_space<hbm>> -> memref<1x1x1x2x80xi32, #tpu.memory_space<hbm>>
        %dma_wait3A_1058 = tpu.memref_squeeze %dma_wait3A_1057 : memref<1x1x1x2x80xi32, #tpu.memory_space<hbm>> -> memref<2x80xi32, #tpu.memory_space<hbm>>
        tpu.wait_dma2 semaphore(%arg12 : memref<!tpu.dma_semaphore, #tpu.memory_space<semaphore_mem>>) src(%dma_wait3A_1058 : memref<2x80xi32, #tpu.memory_space<hbm>>) dst(%dma_wait3A_1054 : memref<2x80xi32, #tpu.memory_space<vmem>>)
        %dma_start3A_1059 = arith.constant 3 : i32
        %dma_start3A_1060 = arith.constant 0 : i32
        %dma_start3A_1061 = arith.constant 3 : i32
        %dma_start3A_1062 = arith.constant 0 : i32
        %dma_start3A_1063 = arith.constant 0 : i32
        %dma_start3A_1064 = tpu.memref_slice %arg6[%dma_start3A_1061, %dma_start3A_1062, %dma_start3A_1063] : memref<4x80x128xf32, #tpu.memory_space<vmem>> -> memref<1x80x128xf32, #tpu.memory_space<vmem>>
        %dma_start3A_1065 = tpu.memref_squeeze %dma_start3A_1064 : memref<1x80x128xf32, #tpu.memory_space<vmem>> -> memref<80x128xf32, #tpu.memory_space<vmem>>
        %dma_start3A_1066 = arith.constant 0 : i32
        %dma_start3A_1067 = tpu.memref_slice %arg5[%dma_start3A_1059, %dma_start3A_1060, %dma_start3A_1066] : memref<8x2x80xi32, #tpu.memory_space<vmem>> -> memref<1x1x80xi32, #tpu.memory_space<vmem>>
        %dma_start3A_1068 = tpu.memref_squeeze %dma_start3A_1067 : memref<1x1x80xi32, #tpu.memory_space<vmem>> -> memref<80xi32, #tpu.memory_space<vmem>>
        %dma_start3A_1069 = arith.constant 0 : i32
        %dma_start3A_1070 = arith.constant 0 : i32
        %dma_start3A_1071 = tpu.memref_slice %arg2[%dma_start3A_1069, %dma_start3A_1070] : memref<20000x128xf32, #tpu.memory_space<hbm>> -> memref<20000x128xf32, #tpu.memory_space<hbm>>
        tpu.enqueue_indirect_dma source(%dma_start3A_1071 : memref<20000x128xf32, #tpu.memory_space<hbm>>) target(%dma_start3A_1065 : memref<80x128xf32, #tpu.memory_space<vmem>>) offsets(%dma_start3A_1068 : memref<80xi32, #tpu.memory_space<vmem>>) semaphore(%arg20 : memref<!tpu.dma_semaphore, #tpu.memory_space<semaphore_mem>>)
      } else {
      }
      %lt3A_765 = arith.constant 123 : i32
      %lt3A_766 = arith.cmpi slt, %add3A_733, %lt3A_765 : i32
      %convert_element_type3A_767 = arith.extui %lt3A_766 : i1 to i32
      %cond3A_768 = arith.constant 0 : i32
      %cond3A_769 = arith.cmpi ne, %convert_element_type3A_767, %cond3A_768 : i32
      scf.if %cond3A_769 {
        %add3A_1036 = arith.constant 5 : i32
        %add3A_1037 = arith.addi %add3A_733, %add3A_1036 : i32
        %dma_start3A_1038 = arith.constant 5 : i32
        %dma_start3A_1039 = arith.constant 0 : i32
        %dma_start3A_1040 = arith.constant 0 : i32
        %dma_start3A_1041 = tpu.memref_slice %arg5[%dma_start3A_1038, %dma_start3A_1039, %dma_start3A_1040] : memref<8x2x80xi32, #tpu.memory_space<vmem>> -> memref<1x2x80xi32, #tpu.memory_space<vmem>>
        %dma_start3A_1042 = tpu.memref_squeeze %dma_start3A_1041 : memref<1x2x80xi32, #tpu.memory_space<vmem>> -> memref<2x80xi32, #tpu.memory_space<vmem>>
        %dma_start3A_1043 = arith.constant 0 : i32
        %dma_start3A_1044 = arith.constant 0 : i32
        %dma_start3A_1045 = tpu.memref_slice %arg3[%arg0, %arg1, %add3A_1037, %dma_start3A_1043, %dma_start3A_1044] : memref<2x16x128x2x80xi32, #tpu.memory_space<hbm>> -> memref<1x1x1x2x80xi32, #tpu.memory_space<hbm>>
        %dma_start3A_1046 = tpu.memref_squeeze %dma_start3A_1045 : memref<1x1x1x2x80xi32, #tpu.memory_space<hbm>> -> memref<2x80xi32, #tpu.memory_space<hbm>>
        %dma_start3A_1047 = arith.constant 0 : i32
        %dma_start3A_1048 = arith.constant 0 : i32
        %dma_start3A_1049 = tpu.memref_slice %arg5[%dma_start3A_1038, %dma_start3A_1047, %dma_start3A_1048] : memref<8x2x80xi32, #tpu.memory_space<vmem>> -> memref<1x2x80xi32, #tpu.memory_space<vmem>>
        %dma_start3A_1050 = tpu.memref_squeeze %dma_start3A_1049 : memref<1x2x80xi32, #tpu.memory_space<vmem>> -> memref<2x80xi32, #tpu.memory_space<vmem>>
        %dma_start3A_1051 = arith.constant 0 : i32
        %dma_start3A_1052 = arith.constant 0 : i32
        %dma_start3A_1053 = tpu.memref_slice %arg3[%arg0, %arg1, %add3A_1037, %dma_start3A_1051, %dma_start3A_1052] : memref<2x16x128x2x80xi32, #tpu.memory_space<hbm>> -> memref<1x1x1x2x80xi32, #tpu.memory_space<hbm>>
        %dma_start3A_1054 = tpu.memref_squeeze %dma_start3A_1053 : memref<1x1x1x2x80xi32, #tpu.memory_space<hbm>> -> memref<2x80xi32, #tpu.memory_space<hbm>>
        tpu.enqueue_dma source(%dma_start3A_1054 : memref<2x80xi32, #tpu.memory_space<hbm>>) target(%dma_start3A_1050 : memref<2x80xi32, #tpu.memory_space<vmem>>) target_semaphore(%arg14 : memref<!tpu.dma_semaphore, #tpu.memory_space<semaphore_mem>>)
      } else {
      }
      %add3A_770 = arith.constant 1 : i32
      %add3A_771 = arith.addi %add3A_731, %add3A_770 : i32
      %dma_wait3A_772 = arith.constant 1 : i32
      %dma_wait3A_773 = arith.constant 0 : i32
      %dma_wait3A_774 = arith.constant 1 : i32
      %dma_wait3A_775 = arith.constant 0 : i32
      %dma_wait3A_776 = arith.constant 0 : i32
      %dma_wait3A_777 = tpu.memref_slice %arg6[%dma_wait3A_774, %dma_wait3A_775, %dma_wait3A_776] : memref<4x80x128xf32, #tpu.memory_space<vmem>> -> memref<1x80x128xf32, #tpu.memory_space<vmem>>
      %dma_wait3A_778 = tpu.memref_squeeze %dma_wait3A_777 : memref<1x80x128xf32, #tpu.memory_space<vmem>> -> memref<80x128xf32, #tpu.memory_space<vmem>>
      %dma_wait3A_779 = arith.constant 0 : i32
      %dma_wait3A_780 = tpu.memref_slice %arg5[%dma_wait3A_772, %dma_wait3A_773, %dma_wait3A_779] : memref<8x2x80xi32, #tpu.memory_space<vmem>> -> memref<1x1x80xi32, #tpu.memory_space<vmem>>
      %dma_wait3A_781 = tpu.memref_squeeze %dma_wait3A_780 : memref<1x1x80xi32, #tpu.memory_space<vmem>> -> memref<80xi32, #tpu.memory_space<vmem>>
      %dma_wait3A_782 = arith.constant 0 : i32
      %dma_wait3A_783 = arith.constant 0 : i32
      %dma_wait3A_784 = tpu.memref_slice %arg2[%dma_wait3A_782, %dma_wait3A_783] : memref<20000x128xf32, #tpu.memory_space<hbm>> -> memref<20000x128xf32, #tpu.memory_space<hbm>>
      tpu.wait_indirect_dma semaphore(%arg18 : memref<!tpu.dma_semaphore, #tpu.memory_space<semaphore_mem>>) src(%dma_wait3A_784 : memref<20000x128xf32, #tpu.memory_space<hbm>>) dst(%dma_wait3A_778 : memref<80x128xf32, #tpu.memory_space<vmem>>)
      %dma_start3A_785 = arith.constant 1 : i32
      %dma_start3A_786 = arith.constant 1 : i32
      %dma_start3A_787 = arith.constant 1 : i32
      %dma_start3A_788 = arith.constant 0 : i32
      %dma_start3A_789 = arith.constant 0 : i32
      %dma_start3A_790 = tpu.memref_slice %arg6[%dma_start3A_785, %dma_start3A_788, %dma_start3A_789] : memref<4x80x128xf32, #tpu.memory_space<vmem>> -> memref<1x80x128xf32, #tpu.memory_space<vmem>>
      %dma_start3A_791 = tpu.memref_squeeze %dma_start3A_790 : memref<1x80x128xf32, #tpu.memory_space<vmem>> -> memref<80x128xf32, #tpu.memory_space<vmem>>
      %dma_start3A_792 = arith.constant 0 : i32
      %dma_start3A_793 = tpu.memref_slice %arg5[%dma_start3A_786, %dma_start3A_787, %dma_start3A_792] : memref<8x2x80xi32, #tpu.memory_space<vmem>> -> memref<1x1x80xi32, #tpu.memory_space<vmem>>
      %dma_start3A_794 = tpu.memref_squeeze %dma_start3A_793 : memref<1x1x80xi32, #tpu.memory_space<vmem>> -> memref<80xi32, #tpu.memory_space<vmem>>
      %dma_start3A_795 = arith.constant 0 : i32
      %dma_start3A_796 = arith.constant 0 : i32
      %dma_start3A_797 = tpu.memref_slice %arg8[%dma_start3A_795, %dma_start3A_796] : memref<10008x128xf32, #tpu.memory_space<vmem_shared>> -> memref<10008x128xf32, #tpu.memory_space<vmem_shared>>
      tpu.enqueue_indirect_dma source(%dma_start3A_791 : memref<80x128xf32, #tpu.memory_space<vmem>>) target(%dma_start3A_797 : memref<10008x128xf32, #tpu.memory_space<vmem_shared>>) offsets(%dma_start3A_794 : memref<80xi32, #tpu.memory_space<vmem>>) semaphore(%arg22 : memref<!tpu.dma_semaphore, #tpu.memory_space<semaphore_mem>>) {add = true}
      %lt3A_798 = arith.constant 125 : i32
      %lt3A_799 = arith.cmpi slt, %add3A_771, %lt3A_798 : i32
      %convert_element_type3A_800 = arith.extui %lt3A_799 : i1 to i32
      %cond3A_801 = arith.constant 0 : i32
      %cond3A_802 = arith.cmpi ne, %convert_element_type3A_800, %cond3A_801 : i32
      scf.if %cond3A_802 {
        %gt3A = arith.constant 0 : i32
        %gt3A_1036 = arith.cmpi sgt, %add3A_771, %gt3A : i32
        %convert_element_type3A_1037 = arith.extui %gt3A_1036 : i1 to i32
        %cond3A_1038 = arith.constant 0 : i32
        %cond3A_1039 = arith.cmpi ne, %convert_element_type3A_1037, %cond3A_1038 : i32
        scf.if %cond3A_1039 {
          %dma_wait3A_1072 = arith.constant 0 : i32
          %dma_wait3A_1073 = arith.constant 0 : i32
          %dma_wait3A_1074 = arith.constant 1 : i32
          %dma_wait3A_1075 = arith.constant 0 : i32
          %dma_wait3A_1076 = arith.constant 0 : i32
          %dma_wait3A_1077 = tpu.memref_slice %arg6[%dma_wait3A_1072, %dma_wait3A_1075, %dma_wait3A_1076] : memref<4x80x128xf32, #tpu.memory_space<vmem>> -> memref<1x80x128xf32, #tpu.memory_space<vmem>>
          %dma_wait3A_1078 = tpu.memref_squeeze %dma_wait3A_1077 : memref<1x80x128xf32, #tpu.memory_space<vmem>> -> memref<80x128xf32, #tpu.memory_space<vmem>>
          %dma_wait3A_1079 = arith.constant 0 : i32
          %dma_wait3A_1080 = tpu.memref_slice %arg5[%dma_wait3A_1073, %dma_wait3A_1074, %dma_wait3A_1079] : memref<8x2x80xi32, #tpu.memory_space<vmem>> -> memref<1x1x80xi32, #tpu.memory_space<vmem>>
          %dma_wait3A_1081 = tpu.memref_squeeze %dma_wait3A_1080 : memref<1x1x80xi32, #tpu.memory_space<vmem>> -> memref<80xi32, #tpu.memory_space<vmem>>
          %dma_wait3A_1082 = arith.constant 0 : i32
          %dma_wait3A_1083 = arith.constant 0 : i32
          %dma_wait3A_1084 = tpu.memref_slice %arg8[%dma_wait3A_1082, %dma_wait3A_1083] : memref<10008x128xf32, #tpu.memory_space<vmem_shared>> -> memref<10008x128xf32, #tpu.memory_space<vmem_shared>>
          tpu.wait_indirect_dma semaphore(%arg21 : memref<!tpu.dma_semaphore, #tpu.memory_space<semaphore_mem>>) src(%dma_wait3A_1078 : memref<80x128xf32, #tpu.memory_space<vmem>>) dst(%dma_wait3A_1084 : memref<10008x128xf32, #tpu.memory_space<vmem_shared>>)
        } else {
        }
        %add3A_1040 = arith.constant 3 : i32
        %add3A_1041 = arith.addi %add3A_771, %add3A_1040 : i32
        %dma_wait3A_1042 = arith.constant 4 : i32
        %dma_wait3A_1043 = arith.constant 0 : i32
        %dma_wait3A_1044 = arith.constant 0 : i32
        %dma_wait3A_1045 = tpu.memref_slice %arg5[%dma_wait3A_1042, %dma_wait3A_1043, %dma_wait3A_1044] : memref<8x2x80xi32, #tpu.memory_space<vmem>> -> memref<1x2x80xi32, #tpu.memory_space<vmem>>
        %dma_wait3A_1046 = tpu.memref_squeeze %dma_wait3A_1045 : memref<1x2x80xi32, #tpu.memory_space<vmem>> -> memref<2x80xi32, #tpu.memory_space<vmem>>
        %dma_wait3A_1047 = arith.constant 0 : i32
        %dma_wait3A_1048 = arith.constant 0 : i32
        %dma_wait3A_1049 = tpu.memref_slice %arg3[%arg0, %arg1, %add3A_1041, %dma_wait3A_1047, %dma_wait3A_1048] : memref<2x16x128x2x80xi32, #tpu.memory_space<hbm>> -> memref<1x1x1x2x80xi32, #tpu.memory_space<hbm>>
        %dma_wait3A_1050 = tpu.memref_squeeze %dma_wait3A_1049 : memref<1x1x1x2x80xi32, #tpu.memory_space<hbm>> -> memref<2x80xi32, #tpu.memory_space<hbm>>
        %dma_wait3A_1051 = arith.constant 0 : i32
        %dma_wait3A_1052 = arith.constant 0 : i32
        %dma_wait3A_1053 = tpu.memref_slice %arg5[%dma_wait3A_1042, %dma_wait3A_1051, %dma_wait3A_1052] : memref<8x2x80xi32, #tpu.memory_space<vmem>> -> memref<1x2x80xi32, #tpu.memory_space<vmem>>
        %dma_wait3A_1054 = tpu.memref_squeeze %dma_wait3A_1053 : memref<1x2x80xi32, #tpu.memory_space<vmem>> -> memref<2x80xi32, #tpu.memory_space<vmem>>
        %dma_wait3A_1055 = arith.constant 0 : i32
        %dma_wait3A_1056 = arith.constant 0 : i32
        %dma_wait3A_1057 = tpu.memref_slice %arg3[%arg0, %arg1, %add3A_1041, %dma_wait3A_1055, %dma_wait3A_1056] : memref<2x16x128x2x80xi32, #tpu.memory_space<hbm>> -> memref<1x1x1x2x80xi32, #tpu.memory_space<hbm>>
        %dma_wait3A_1058 = tpu.memref_squeeze %dma_wait3A_1057 : memref<1x1x1x2x80xi32, #tpu.memory_space<hbm>> -> memref<2x80xi32, #tpu.memory_space<hbm>>
        tpu.wait_dma2 semaphore(%arg13 : memref<!tpu.dma_semaphore, #tpu.memory_space<semaphore_mem>>) src(%dma_wait3A_1058 : memref<2x80xi32, #tpu.memory_space<hbm>>) dst(%dma_wait3A_1054 : memref<2x80xi32, #tpu.memory_space<vmem>>)
        %dma_start3A_1059 = arith.constant 4 : i32
        %dma_start3A_1060 = arith.constant 0 : i32
        %dma_start3A_1061 = arith.constant 0 : i32
        %dma_start3A_1062 = arith.constant 0 : i32
        %dma_start3A_1063 = arith.constant 0 : i32
        %dma_start3A_1064 = tpu.memref_slice %arg6[%dma_start3A_1061, %dma_start3A_1062, %dma_start3A_1063] : memref<4x80x128xf32, #tpu.memory_space<vmem>> -> memref<1x80x128xf32, #tpu.memory_space<vmem>>
        %dma_start3A_1065 = tpu.memref_squeeze %dma_start3A_1064 : memref<1x80x128xf32, #tpu.memory_space<vmem>> -> memref<80x128xf32, #tpu.memory_space<vmem>>
        %dma_start3A_1066 = arith.constant 0 : i32
        %dma_start3A_1067 = tpu.memref_slice %arg5[%dma_start3A_1059, %dma_start3A_1060, %dma_start3A_1066] : memref<8x2x80xi32, #tpu.memory_space<vmem>> -> memref<1x1x80xi32, #tpu.memory_space<vmem>>
        %dma_start3A_1068 = tpu.memref_squeeze %dma_start3A_1067 : memref<1x1x80xi32, #tpu.memory_space<vmem>> -> memref<80xi32, #tpu.memory_space<vmem>>
        %dma_start3A_1069 = arith.constant 0 : i32
        %dma_start3A_1070 = arith.constant 0 : i32
        %dma_start3A_1071 = tpu.memref_slice %arg2[%dma_start3A_1069, %dma_start3A_1070] : memref<20000x128xf32, #tpu.memory_space<hbm>> -> memref<20000x128xf32, #tpu.memory_space<hbm>>
        tpu.enqueue_indirect_dma source(%dma_start3A_1071 : memref<20000x128xf32, #tpu.memory_space<hbm>>) target(%dma_start3A_1065 : memref<80x128xf32, #tpu.memory_space<vmem>>) offsets(%dma_start3A_1068 : memref<80xi32, #tpu.memory_space<vmem>>) semaphore(%arg17 : memref<!tpu.dma_semaphore, #tpu.memory_space<semaphore_mem>>)
      } else {
      }
      %lt3A_803 = arith.constant 123 : i32
      %lt3A_804 = arith.cmpi slt, %add3A_771, %lt3A_803 : i32
      %convert_element_type3A_805 = arith.extui %lt3A_804 : i1 to i32
      %cond3A_806 = arith.constant 0 : i32
      %cond3A_807 = arith.cmpi ne, %convert_element_type3A_805, %cond3A_806 : i32
      scf.if %cond3A_807 {
        %add3A_1036 = arith.constant 5 : i32
        %add3A_1037 = arith.addi %add3A_771, %add3A_1036 : i32
        %dma_start3A_1038 = arith.constant 6 : i32
        %dma_start3A_1039 = arith.constant 0 : i32
        %dma_start3A_1040 = arith.constant 0 : i32
        %dma_start3A_1041 = tpu.memref_slice %arg5[%dma_start3A_1038, %dma_start3A_1039, %dma_start3A_1040] : memref<8x2x80xi32, #tpu.memory_space<vmem>> -> memref<1x2x80xi32, #tpu.memory_space<vmem>>
        %dma_start3A_1042 = tpu.memref_squeeze %dma_start3A_1041 : memref<1x2x80xi32, #tpu.memory_space<vmem>> -> memref<2x80xi32, #tpu.memory_space<vmem>>
        %dma_start3A_1043 = arith.constant 0 : i32
        %dma_start3A_1044 = arith.constant 0 : i32
        %dma_start3A_1045 = tpu.memref_slice %arg3[%arg0, %arg1, %add3A_1037, %dma_start3A_1043, %dma_start3A_1044] : memref<2x16x128x2x80xi32, #tpu.memory_space<hbm>> -> memref<1x1x1x2x80xi32, #tpu.memory_space<hbm>>
        %dma_start3A_1046 = tpu.memref_squeeze %dma_start3A_1045 : memref<1x1x1x2x80xi32, #tpu.memory_space<hbm>> -> memref<2x80xi32, #tpu.memory_space<hbm>>
        %dma_start3A_1047 = arith.constant 0 : i32
        %dma_start3A_1048 = arith.constant 0 : i32
        %dma_start3A_1049 = tpu.memref_slice %arg5[%dma_start3A_1038, %dma_start3A_1047, %dma_start3A_1048] : memref<8x2x80xi32, #tpu.memory_space<vmem>> -> memref<1x2x80xi32, #tpu.memory_space<vmem>>
        %dma_start3A_1050 = tpu.memref_squeeze %dma_start3A_1049 : memref<1x2x80xi32, #tpu.memory_space<vmem>> -> memref<2x80xi32, #tpu.memory_space<vmem>>
        %dma_start3A_1051 = arith.constant 0 : i32
        %dma_start3A_1052 = arith.constant 0 : i32
        %dma_start3A_1053 = tpu.memref_slice %arg3[%arg0, %arg1, %add3A_1037, %dma_start3A_1051, %dma_start3A_1052] : memref<2x16x128x2x80xi32, #tpu.memory_space<hbm>> -> memref<1x1x1x2x80xi32, #tpu.memory_space<hbm>>
        %dma_start3A_1054 = tpu.memref_squeeze %dma_start3A_1053 : memref<1x1x1x2x80xi32, #tpu.memory_space<hbm>> -> memref<2x80xi32, #tpu.memory_space<hbm>>
        tpu.enqueue_dma source(%dma_start3A_1054 : memref<2x80xi32, #tpu.memory_space<hbm>>) target(%dma_start3A_1050 : memref<2x80xi32, #tpu.memory_space<vmem>>) target_semaphore(%arg15 : memref<!tpu.dma_semaphore, #tpu.memory_space<semaphore_mem>>)
      } else {
      }
      %add3A_808 = arith.constant 2 : i32
      %add3A_809 = arith.addi %add3A_731, %add3A_808 : i32
      %dma_wait3A_810 = arith.constant 2 : i32
      %dma_wait3A_811 = arith.constant 0 : i32
      %dma_wait3A_812 = arith.constant 2 : i32
      %dma_wait3A_813 = arith.constant 0 : i32
      %dma_wait3A_814 = arith.constant 0 : i32
      %dma_wait3A_815 = tpu.memref_slice %arg6[%dma_wait3A_812, %dma_wait3A_813, %dma_wait3A_814] : memref<4x80x128xf32, #tpu.memory_space<vmem>> -> memref<1x80x128xf32, #tpu.memory_space<vmem>>
      %dma_wait3A_816 = tpu.memref_squeeze %dma_wait3A_815 : memref<1x80x128xf32, #tpu.memory_space<vmem>> -> memref<80x128xf32, #tpu.memory_space<vmem>>
      %dma_wait3A_817 = arith.constant 0 : i32
      %dma_wait3A_818 = tpu.memref_slice %arg5[%dma_wait3A_810, %dma_wait3A_811, %dma_wait3A_817] : memref<8x2x80xi32, #tpu.memory_space<vmem>> -> memref<1x1x80xi32, #tpu.memory_space<vmem>>
      %dma_wait3A_819 = tpu.memref_squeeze %dma_wait3A_818 : memref<1x1x80xi32, #tpu.memory_space<vmem>> -> memref<80xi32, #tpu.memory_space<vmem>>
      %dma_wait3A_820 = arith.constant 0 : i32
      %dma_wait3A_821 = arith.constant 0 : i32
      %dma_wait3A_822 = tpu.memref_slice %arg2[%dma_wait3A_820, %dma_wait3A_821] : memref<20000x128xf32, #tpu.memory_space<hbm>> -> memref<20000x128xf32, #tpu.memory_space<hbm>>
      tpu.wait_indirect_dma semaphore(%arg19 : memref<!tpu.dma_semaphore, #tpu.memory_space<semaphore_mem>>) src(%dma_wait3A_822 : memref<20000x128xf32, #tpu.memory_space<hbm>>) dst(%dma_wait3A_816 : memref<80x128xf32, #tpu.memory_space<vmem>>)
      %dma_start3A_823 = arith.constant 2 : i32
      %dma_start3A_824 = arith.constant 2 : i32
      %dma_start3A_825 = arith.constant 1 : i32
      %dma_start3A_826 = arith.constant 0 : i32
      %dma_start3A_827 = arith.constant 0 : i32
      %dma_start3A_828 = tpu.memref_slice %arg6[%dma_start3A_823, %dma_start3A_826, %dma_start3A_827] : memref<4x80x128xf32, #tpu.memory_space<vmem>> -> memref<1x80x128xf32, #tpu.memory_space<vmem>>
      %dma_start3A_829 = tpu.memref_squeeze %dma_start3A_828 : memref<1x80x128xf32, #tpu.memory_space<vmem>> -> memref<80x128xf32, #tpu.memory_space<vmem>>
      %dma_start3A_830 = arith.constant 0 : i32
      %dma_start3A_831 = tpu.memref_slice %arg5[%dma_start3A_824, %dma_start3A_825, %dma_start3A_830] : memref<8x2x80xi32, #tpu.memory_space<vmem>> -> memref<1x1x80xi32, #tpu.memory_space<vmem>>
      %dma_start3A_832 = tpu.memref_squeeze %dma_start3A_831 : memref<1x1x80xi32, #tpu.memory_space<vmem>> -> memref<80xi32, #tpu.memory_space<vmem>>
      %dma_start3A_833 = arith.constant 0 : i32
      %dma_start3A_834 = arith.constant 0 : i32
      %dma_start3A_835 = tpu.memref_slice %arg8[%dma_start3A_833, %dma_start3A_834] : memref<10008x128xf32, #tpu.memory_space<vmem_shared>> -> memref<10008x128xf32, #tpu.memory_space<vmem_shared>>
      tpu.enqueue_indirect_dma source(%dma_start3A_829 : memref<80x128xf32, #tpu.memory_space<vmem>>) target(%dma_start3A_835 : memref<10008x128xf32, #tpu.memory_space<vmem_shared>>) offsets(%dma_start3A_832 : memref<80xi32, #tpu.memory_space<vmem>>) semaphore(%arg23 : memref<!tpu.dma_semaphore, #tpu.memory_space<semaphore_mem>>) {add = true}
      %lt3A_836 = arith.constant 125 : i32
      %lt3A_837 = arith.cmpi slt, %add3A_809, %lt3A_836 : i32
      %convert_element_type3A_838 = arith.extui %lt3A_837 : i1 to i32
      %cond3A_839 = arith.constant 0 : i32
      %cond3A_840 = arith.cmpi ne, %convert_element_type3A_838, %cond3A_839 : i32
      scf.if %cond3A_840 {
        %gt3A = arith.constant 0 : i32
        %gt3A_1036 = arith.cmpi sgt, %add3A_809, %gt3A : i32
        %convert_element_type3A_1037 = arith.extui %gt3A_1036 : i1 to i32
        %cond3A_1038 = arith.constant 0 : i32
        %cond3A_1039 = arith.cmpi ne, %convert_element_type3A_1037, %cond3A_1038 : i32
        scf.if %cond3A_1039 {
          %dma_wait3A_1072 = arith.constant 1 : i32
          %dma_wait3A_1073 = arith.constant 1 : i32
          %dma_wait3A_1074 = arith.constant 1 : i32
          %dma_wait3A_1075 = arith.constant 0 : i32
          %dma_wait3A_1076 = arith.constant 0 : i32
          %dma_wait3A_1077 = tpu.memref_slice %arg6[%dma_wait3A_1072, %dma_wait3A_1075, %dma_wait3A_1076] : memref<4x80x128xf32, #tpu.memory_space<vmem>> -> memref<1x80x128xf32, #tpu.memory_space<vmem>>
          %dma_wait3A_1078 = tpu.memref_squeeze %dma_wait3A_1077 : memref<1x80x128xf32, #tpu.memory_space<vmem>> -> memref<80x128xf32, #tpu.memory_space<vmem>>
          %dma_wait3A_1079 = arith.constant 0 : i32
          %dma_wait3A_1080 = tpu.memref_slice %arg5[%dma_wait3A_1073, %dma_wait3A_1074, %dma_wait3A_1079] : memref<8x2x80xi32, #tpu.memory_space<vmem>> -> memref<1x1x80xi32, #tpu.memory_space<vmem>>
          %dma_wait3A_1081 = tpu.memref_squeeze %dma_wait3A_1080 : memref<1x1x80xi32, #tpu.memory_space<vmem>> -> memref<80xi32, #tpu.memory_space<vmem>>
          %dma_wait3A_1082 = arith.constant 0 : i32
          %dma_wait3A_1083 = arith.constant 0 : i32
          %dma_wait3A_1084 = tpu.memref_slice %arg8[%dma_wait3A_1082, %dma_wait3A_1083] : memref<10008x128xf32, #tpu.memory_space<vmem_shared>> -> memref<10008x128xf32, #tpu.memory_space<vmem_shared>>
          tpu.wait_indirect_dma semaphore(%arg22 : memref<!tpu.dma_semaphore, #tpu.memory_space<semaphore_mem>>) src(%dma_wait3A_1078 : memref<80x128xf32, #tpu.memory_space<vmem>>) dst(%dma_wait3A_1084 : memref<10008x128xf32, #tpu.memory_space<vmem_shared>>)
        } else {
        }
        %add3A_1040 = arith.constant 3 : i32
        %add3A_1041 = arith.addi %add3A_809, %add3A_1040 : i32
        %dma_wait3A_1042 = arith.constant 5 : i32
        %dma_wait3A_1043 = arith.constant 0 : i32
        %dma_wait3A_1044 = arith.constant 0 : i32
        %dma_wait3A_1045 = tpu.memref_slice %arg5[%dma_wait3A_1042, %dma_wait3A_1043, %dma_wait3A_1044] : memref<8x2x80xi32, #tpu.memory_space<vmem>> -> memref<1x2x80xi32, #tpu.memory_space<vmem>>
        %dma_wait3A_1046 = tpu.memref_squeeze %dma_wait3A_1045 : memref<1x2x80xi32, #tpu.memory_space<vmem>> -> memref<2x80xi32, #tpu.memory_space<vmem>>
        %dma_wait3A_1047 = arith.constant 0 : i32
        %dma_wait3A_1048 = arith.constant 0 : i32
        %dma_wait3A_1049 = tpu.memref_slice %arg3[%arg0, %arg1, %add3A_1041, %dma_wait3A_1047, %dma_wait3A_1048] : memref<2x16x128x2x80xi32, #tpu.memory_space<hbm>> -> memref<1x1x1x2x80xi32, #tpu.memory_space<hbm>>
        %dma_wait3A_1050 = tpu.memref_squeeze %dma_wait3A_1049 : memref<1x1x1x2x80xi32, #tpu.memory_space<hbm>> -> memref<2x80xi32, #tpu.memory_space<hbm>>
        %dma_wait3A_1051 = arith.constant 0 : i32
        %dma_wait3A_1052 = arith.constant 0 : i32
        %dma_wait3A_1053 = tpu.memref_slice %arg5[%dma_wait3A_1042, %dma_wait3A_1051, %dma_wait3A_1052] : memref<8x2x80xi32, #tpu.memory_space<vmem>> -> memref<1x2x80xi32, #tpu.memory_space<vmem>>
        %dma_wait3A_1054 = tpu.memref_squeeze %dma_wait3A_1053 : memref<1x2x80xi32, #tpu.memory_space<vmem>> -> memref<2x80xi32, #tpu.memory_space<vmem>>
        %dma_wait3A_1055 = arith.constant 0 : i32
        %dma_wait3A_1056 = arith.constant 0 : i32
        %dma_wait3A_1057 = tpu.memref_slice %arg3[%arg0, %arg1, %add3A_1041, %dma_wait3A_1055, %dma_wait3A_1056] : memref<2x16x128x2x80xi32, #tpu.memory_space<hbm>> -> memref<1x1x1x2x80xi32, #tpu.memory_space<hbm>>
        %dma_wait3A_1058 = tpu.memref_squeeze %dma_wait3A_1057 : memref<1x1x1x2x80xi32, #tpu.memory_space<hbm>> -> memref<2x80xi32, #tpu.memory_space<hbm>>
        tpu.wait_dma2 semaphore(%arg14 : memref<!tpu.dma_semaphore, #tpu.memory_space<semaphore_mem>>) src(%dma_wait3A_1058 : memref<2x80xi32, #tpu.memory_space<hbm>>) dst(%dma_wait3A_1054 : memref<2x80xi32, #tpu.memory_space<vmem>>)
        %dma_start3A_1059 = arith.constant 5 : i32
        %dma_start3A_1060 = arith.constant 0 : i32
        %dma_start3A_1061 = arith.constant 1 : i32
        %dma_start3A_1062 = arith.constant 0 : i32
        %dma_start3A_1063 = arith.constant 0 : i32
        %dma_start3A_1064 = tpu.memref_slice %arg6[%dma_start3A_1061, %dma_start3A_1062, %dma_start3A_1063] : memref<4x80x128xf32, #tpu.memory_space<vmem>> -> memref<1x80x128xf32, #tpu.memory_space<vmem>>
        %dma_start3A_1065 = tpu.memref_squeeze %dma_start3A_1064 : memref<1x80x128xf32, #tpu.memory_space<vmem>> -> memref<80x128xf32, #tpu.memory_space<vmem>>
        %dma_start3A_1066 = arith.constant 0 : i32
        %dma_start3A_1067 = tpu.memref_slice %arg5[%dma_start3A_1059, %dma_start3A_1060, %dma_start3A_1066] : memref<8x2x80xi32, #tpu.memory_space<vmem>> -> memref<1x1x80xi32, #tpu.memory_space<vmem>>
        %dma_start3A_1068 = tpu.memref_squeeze %dma_start3A_1067 : memref<1x1x80xi32, #tpu.memory_space<vmem>> -> memref<80xi32, #tpu.memory_space<vmem>>
        %dma_start3A_1069 = arith.constant 0 : i32
        %dma_start3A_1070 = arith.constant 0 : i32
        %dma_start3A_1071 = tpu.memref_slice %arg2[%dma_start3A_1069, %dma_start3A_1070] : memref<20000x128xf32, #tpu.memory_space<hbm>> -> memref<20000x128xf32, #tpu.memory_space<hbm>>
        tpu.enqueue_indirect_dma source(%dma_start3A_1071 : memref<20000x128xf32, #tpu.memory_space<hbm>>) target(%dma_start3A_1065 : memref<80x128xf32, #tpu.memory_space<vmem>>) offsets(%dma_start3A_1068 : memref<80xi32, #tpu.memory_space<vmem>>) semaphore(%arg18 : memref<!tpu.dma_semaphore, #tpu.memory_space<semaphore_mem>>)
      } else {
      }
      %lt3A_841 = arith.constant 123 : i32
      %lt3A_842 = arith.cmpi slt, %add3A_809, %lt3A_841 : i32
      %convert_element_type3A_843 = arith.extui %lt3A_842 : i1 to i32
      %cond3A_844 = arith.constant 0 : i32
      %cond3A_845 = arith.cmpi ne, %convert_element_type3A_843, %cond3A_844 : i32
      scf.if %cond3A_845 {
        %add3A_1036 = arith.constant 5 : i32
        %add3A_1037 = arith.addi %add3A_809, %add3A_1036 : i32
        %dma_start3A_1038 = arith.constant 7 : i32
        %dma_start3A_1039 = arith.constant 0 : i32
        %dma_start3A_1040 = arith.constant 0 : i32
        %dma_start3A_1041 = tpu.memref_slice %arg5[%dma_start3A_1038, %dma_start3A_1039, %dma_start3A_1040] : memref<8x2x80xi32, #tpu.memory_space<vmem>> -> memref<1x2x80xi32, #tpu.memory_space<vmem>>
        %dma_start3A_1042 = tpu.memref_squeeze %dma_start3A_1041 : memref<1x2x80xi32, #tpu.memory_space<vmem>> -> memref<2x80xi32, #tpu.memory_space<vmem>>
        %dma_start3A_1043 = arith.constant 0 : i32
        %dma_start3A_1044 = arith.constant 0 : i32
        %dma_start3A_1045 = tpu.memref_slice %arg3[%arg0, %arg1, %add3A_1037, %dma_start3A_1043, %dma_start3A_1044] : memref<2x16x128x2x80xi32, #tpu.memory_space<hbm>> -> memref<1x1x1x2x80xi32, #tpu.memory_space<hbm>>
        %dma_start3A_1046 = tpu.memref_squeeze %dma_start3A_1045 : memref<1x1x1x2x80xi32, #tpu.memory_space<hbm>> -> memref<2x80xi32, #tpu.memory_space<hbm>>
        %dma_start3A_1047 = arith.constant 0 : i32
        %dma_start3A_1048 = arith.constant 0 : i32
        %dma_start3A_1049 = tpu.memref_slice %arg5[%dma_start3A_1038, %dma_start3A_1047, %dma_start3A_1048] : memref<8x2x80xi32, #tpu.memory_space<vmem>> -> memref<1x2x80xi32, #tpu.memory_space<vmem>>
        %dma_start3A_1050 = tpu.memref_squeeze %dma_start3A_1049 : memref<1x2x80xi32, #tpu.memory_space<vmem>> -> memref<2x80xi32, #tpu.memory_space<vmem>>
        %dma_start3A_1051 = arith.constant 0 : i32
        %dma_start3A_1052 = arith.constant 0 : i32
        %dma_start3A_1053 = tpu.memref_slice %arg3[%arg0, %arg1, %add3A_1037, %dma_start3A_1051, %dma_start3A_1052] : memref<2x16x128x2x80xi32, #tpu.memory_space<hbm>> -> memref<1x1x1x2x80xi32, #tpu.memory_space<hbm>>
        %dma_start3A_1054 = tpu.memref_squeeze %dma_start3A_1053 : memref<1x1x1x2x80xi32, #tpu.memory_space<hbm>> -> memref<2x80xi32, #tpu.memory_space<hbm>>
        tpu.enqueue_dma source(%dma_start3A_1054 : memref<2x80xi32, #tpu.memory_space<hbm>>) target(%dma_start3A_1050 : memref<2x80xi32, #tpu.memory_space<vmem>>) target_semaphore(%arg16 : memref<!tpu.dma_semaphore, #tpu.memory_space<semaphore_mem>>)
      } else {
      }
      %add3A_846 = arith.constant 3 : i32
      %add3A_847 = arith.addi %add3A_731, %add3A_846 : i32
      %dma_wait3A_848 = arith.constant 3 : i32
      %dma_wait3A_849 = arith.constant 0 : i32
      %dma_wait3A_850 = arith.constant 3 : i32
      %dma_wait3A_851 = arith.constant 0 : i32
      %dma_wait3A_852 = arith.constant 0 : i32
      %dma_wait3A_853 = tpu.memref_slice %arg6[%dma_wait3A_850, %dma_wait3A_851, %dma_wait3A_852] : memref<4x80x128xf32, #tpu.memory_space<vmem>> -> memref<1x80x128xf32, #tpu.memory_space<vmem>>
      %dma_wait3A_854 = tpu.memref_squeeze %dma_wait3A_853 : memref<1x80x128xf32, #tpu.memory_space<vmem>> -> memref<80x128xf32, #tpu.memory_space<vmem>>
      %dma_wait3A_855 = arith.constant 0 : i32
      %dma_wait3A_856 = tpu.memref_slice %arg5[%dma_wait3A_848, %dma_wait3A_849, %dma_wait3A_855] : memref<8x2x80xi32, #tpu.memory_space<vmem>> -> memref<1x1x80xi32, #tpu.memory_space<vmem>>
      %dma_wait3A_857 = tpu.memref_squeeze %dma_wait3A_856 : memref<1x1x80xi32, #tpu.memory_space<vmem>> -> memref<80xi32, #tpu.memory_space<vmem>>
      %dma_wait3A_858 = arith.constant 0 : i32
      %dma_wait3A_859 = arith.constant 0 : i32
      %dma_wait3A_860 = tpu.memref_slice %arg2[%dma_wait3A_858, %dma_wait3A_859] : memref<20000x128xf32, #tpu.memory_space<hbm>> -> memref<20000x128xf32, #tpu.memory_space<hbm>>
      tpu.wait_indirect_dma semaphore(%arg20 : memref<!tpu.dma_semaphore, #tpu.memory_space<semaphore_mem>>) src(%dma_wait3A_860 : memref<20000x128xf32, #tpu.memory_space<hbm>>) dst(%dma_wait3A_854 : memref<80x128xf32, #tpu.memory_space<vmem>>)
      %dma_start3A_861 = arith.constant 3 : i32
      %dma_start3A_862 = arith.constant 3 : i32
      %dma_start3A_863 = arith.constant 1 : i32
      %dma_start3A_864 = arith.constant 0 : i32
      %dma_start3A_865 = arith.constant 0 : i32
      %dma_start3A_866 = tpu.memref_slice %arg6[%dma_start3A_861, %dma_start3A_864, %dma_start3A_865] : memref<4x80x128xf32, #tpu.memory_space<vmem>> -> memref<1x80x128xf32, #tpu.memory_space<vmem>>
      %dma_start3A_867 = tpu.memref_squeeze %dma_start3A_866 : memref<1x80x128xf32, #tpu.memory_space<vmem>> -> memref<80x128xf32, #tpu.memory_space<vmem>>
      %dma_start3A_868 = arith.constant 0 : i32
      %dma_start3A_869 = tpu.memref_slice %arg5[%dma_start3A_862, %dma_start3A_863, %dma_start3A_868] : memref<8x2x80xi32, #tpu.memory_space<vmem>> -> memref<1x1x80xi32, #tpu.memory_space<vmem>>
      %dma_start3A_870 = tpu.memref_squeeze %dma_start3A_869 : memref<1x1x80xi32, #tpu.memory_space<vmem>> -> memref<80xi32, #tpu.memory_space<vmem>>
      %dma_start3A_871 = arith.constant 0 : i32
      %dma_start3A_872 = arith.constant 0 : i32
      %dma_start3A_873 = tpu.memref_slice %arg8[%dma_start3A_871, %dma_start3A_872] : memref<10008x128xf32, #tpu.memory_space<vmem_shared>> -> memref<10008x128xf32, #tpu.memory_space<vmem_shared>>
      tpu.enqueue_indirect_dma source(%dma_start3A_867 : memref<80x128xf32, #tpu.memory_space<vmem>>) target(%dma_start3A_873 : memref<10008x128xf32, #tpu.memory_space<vmem_shared>>) offsets(%dma_start3A_870 : memref<80xi32, #tpu.memory_space<vmem>>) semaphore(%arg24 : memref<!tpu.dma_semaphore, #tpu.memory_space<semaphore_mem>>) {add = true}
      %lt3A_874 = arith.constant 125 : i32
      %lt3A_875 = arith.cmpi slt, %add3A_847, %lt3A_874 : i32
      %convert_element_type3A_876 = arith.extui %lt3A_875 : i1 to i32
      %cond3A_877 = arith.constant 0 : i32
      %cond3A_878 = arith.cmpi ne, %convert_element_type3A_876, %cond3A_877 : i32
      scf.if %cond3A_878 {
        %gt3A = arith.constant 0 : i32
        %gt3A_1036 = arith.cmpi sgt, %add3A_847, %gt3A : i32
        %convert_element_type3A_1037 = arith.extui %gt3A_1036 : i1 to i32
        %cond3A_1038 = arith.constant 0 : i32
        %cond3A_1039 = arith.cmpi ne, %convert_element_type3A_1037, %cond3A_1038 : i32
        scf.if %cond3A_1039 {
          %dma_wait3A_1072 = arith.constant 2 : i32
          %dma_wait3A_1073 = arith.constant 2 : i32
          %dma_wait3A_1074 = arith.constant 1 : i32
          %dma_wait3A_1075 = arith.constant 0 : i32
          %dma_wait3A_1076 = arith.constant 0 : i32
          %dma_wait3A_1077 = tpu.memref_slice %arg6[%dma_wait3A_1072, %dma_wait3A_1075, %dma_wait3A_1076] : memref<4x80x128xf32, #tpu.memory_space<vmem>> -> memref<1x80x128xf32, #tpu.memory_space<vmem>>
          %dma_wait3A_1078 = tpu.memref_squeeze %dma_wait3A_1077 : memref<1x80x128xf32, #tpu.memory_space<vmem>> -> memref<80x128xf32, #tpu.memory_space<vmem>>
          %dma_wait3A_1079 = arith.constant 0 : i32
          %dma_wait3A_1080 = tpu.memref_slice %arg5[%dma_wait3A_1073, %dma_wait3A_1074, %dma_wait3A_1079] : memref<8x2x80xi32, #tpu.memory_space<vmem>> -> memref<1x1x80xi32, #tpu.memory_space<vmem>>
          %dma_wait3A_1081 = tpu.memref_squeeze %dma_wait3A_1080 : memref<1x1x80xi32, #tpu.memory_space<vmem>> -> memref<80xi32, #tpu.memory_space<vmem>>
          %dma_wait3A_1082 = arith.constant 0 : i32
          %dma_wait3A_1083 = arith.constant 0 : i32
          %dma_wait3A_1084 = tpu.memref_slice %arg8[%dma_wait3A_1082, %dma_wait3A_1083] : memref<10008x128xf32, #tpu.memory_space<vmem_shared>> -> memref<10008x128xf32, #tpu.memory_space<vmem_shared>>
          tpu.wait_indirect_dma semaphore(%arg23 : memref<!tpu.dma_semaphore, #tpu.memory_space<semaphore_mem>>) src(%dma_wait3A_1078 : memref<80x128xf32, #tpu.memory_space<vmem>>) dst(%dma_wait3A_1084 : memref<10008x128xf32, #tpu.memory_space<vmem_shared>>)
        } else {
        }
        %add3A_1040 = arith.constant 3 : i32
        %add3A_1041 = arith.addi %add3A_847, %add3A_1040 : i32
        %dma_wait3A_1042 = arith.constant 6 : i32
        %dma_wait3A_1043 = arith.constant 0 : i32
        %dma_wait3A_1044 = arith.constant 0 : i32
        %dma_wait3A_1045 = tpu.memref_slice %arg5[%dma_wait3A_1042, %dma_wait3A_1043, %dma_wait3A_1044] : memref<8x2x80xi32, #tpu.memory_space<vmem>> -> memref<1x2x80xi32, #tpu.memory_space<vmem>>
        %dma_wait3A_1046 = tpu.memref_squeeze %dma_wait3A_1045 : memref<1x2x80xi32, #tpu.memory_space<vmem>> -> memref<2x80xi32, #tpu.memory_space<vmem>>
        %dma_wait3A_1047 = arith.constant 0 : i32
        %dma_wait3A_1048 = arith.constant 0 : i32
        %dma_wait3A_1049 = tpu.memref_slice %arg3[%arg0, %arg1, %add3A_1041, %dma_wait3A_1047, %dma_wait3A_1048] : memref<2x16x128x2x80xi32, #tpu.memory_space<hbm>> -> memref<1x1x1x2x80xi32, #tpu.memory_space<hbm>>
        %dma_wait3A_1050 = tpu.memref_squeeze %dma_wait3A_1049 : memref<1x1x1x2x80xi32, #tpu.memory_space<hbm>> -> memref<2x80xi32, #tpu.memory_space<hbm>>
        %dma_wait3A_1051 = arith.constant 0 : i32
        %dma_wait3A_1052 = arith.constant 0 : i32
        %dma_wait3A_1053 = tpu.memref_slice %arg5[%dma_wait3A_1042, %dma_wait3A_1051, %dma_wait3A_1052] : memref<8x2x80xi32, #tpu.memory_space<vmem>> -> memref<1x2x80xi32, #tpu.memory_space<vmem>>
        %dma_wait3A_1054 = tpu.memref_squeeze %dma_wait3A_1053 : memref<1x2x80xi32, #tpu.memory_space<vmem>> -> memref<2x80xi32, #tpu.memory_space<vmem>>
        %dma_wait3A_1055 = arith.constant 0 : i32
        %dma_wait3A_1056 = arith.constant 0 : i32
        %dma_wait3A_1057 = tpu.memref_slice %arg3[%arg0, %arg1, %add3A_1041, %dma_wait3A_1055, %dma_wait3A_1056] : memref<2x16x128x2x80xi32, #tpu.memory_space<hbm>> -> memref<1x1x1x2x80xi32, #tpu.memory_space<hbm>>
        %dma_wait3A_1058 = tpu.memref_squeeze %dma_wait3A_1057 : memref<1x1x1x2x80xi32, #tpu.memory_space<hbm>> -> memref<2x80xi32, #tpu.memory_space<hbm>>
        tpu.wait_dma2 semaphore(%arg15 : memref<!tpu.dma_semaphore, #tpu.memory_space<semaphore_mem>>) src(%dma_wait3A_1058 : memref<2x80xi32, #tpu.memory_space<hbm>>) dst(%dma_wait3A_1054 : memref<2x80xi32, #tpu.memory_space<vmem>>)
        %dma_start3A_1059 = arith.constant 6 : i32
        %dma_start3A_1060 = arith.constant 0 : i32
        %dma_start3A_1061 = arith.constant 2 : i32
        %dma_start3A_1062 = arith.constant 0 : i32
        %dma_start3A_1063 = arith.constant 0 : i32
        %dma_start3A_1064 = tpu.memref_slice %arg6[%dma_start3A_1061, %dma_start3A_1062, %dma_start3A_1063] : memref<4x80x128xf32, #tpu.memory_space<vmem>> -> memref<1x80x128xf32, #tpu.memory_space<vmem>>
        %dma_start3A_1065 = tpu.memref_squeeze %dma_start3A_1064 : memref<1x80x128xf32, #tpu.memory_space<vmem>> -> memref<80x128xf32, #tpu.memory_space<vmem>>
        %dma_start3A_1066 = arith.constant 0 : i32
        %dma_start3A_1067 = tpu.memref_slice %arg5[%dma_start3A_1059, %dma_start3A_1060, %dma_start3A_1066] : memref<8x2x80xi32, #tpu.memory_space<vmem>> -> memref<1x1x80xi32, #tpu.memory_space<vmem>>
        %dma_start3A_1068 = tpu.memref_squeeze %dma_start3A_1067 : memref<1x1x80xi32, #tpu.memory_space<vmem>> -> memref<80xi32, #tpu.memory_space<vmem>>
        %dma_start3A_1069 = arith.constant 0 : i32
        %dma_start3A_1070 = arith.constant 0 : i32
        %dma_start3A_1071 = tpu.memref_slice %arg2[%dma_start3A_1069, %dma_start3A_1070] : memref<20000x128xf32, #tpu.memory_space<hbm>> -> memref<20000x128xf32, #tpu.memory_space<hbm>>
        tpu.enqueue_indirect_dma source(%dma_start3A_1071 : memref<20000x128xf32, #tpu.memory_space<hbm>>) target(%dma_start3A_1065 : memref<80x128xf32, #tpu.memory_space<vmem>>) offsets(%dma_start3A_1068 : memref<80xi32, #tpu.memory_space<vmem>>) semaphore(%arg19 : memref<!tpu.dma_semaphore, #tpu.memory_space<semaphore_mem>>)
      } else {
      }
      %lt3A_879 = arith.constant 123 : i32
      %lt3A_880 = arith.cmpi slt, %add3A_847, %lt3A_879 : i32
      %convert_element_type3A_881 = arith.extui %lt3A_880 : i1 to i32
      %cond3A_882 = arith.constant 0 : i32
      %cond3A_883 = arith.cmpi ne, %convert_element_type3A_881, %cond3A_882 : i32
      scf.if %cond3A_883 {
        %add3A_1036 = arith.constant 5 : i32
        %add3A_1037 = arith.addi %add3A_847, %add3A_1036 : i32
        %dma_start3A_1038 = arith.constant 0 : i32
        %dma_start3A_1039 = arith.constant 0 : i32
        %dma_start3A_1040 = arith.constant 0 : i32
        %dma_start3A_1041 = tpu.memref_slice %arg5[%dma_start3A_1038, %dma_start3A_1039, %dma_start3A_1040] : memref<8x2x80xi32, #tpu.memory_space<vmem>> -> memref<1x2x80xi32, #tpu.memory_space<vmem>>
        %dma_start3A_1042 = tpu.memref_squeeze %dma_start3A_1041 : memref<1x2x80xi32, #tpu.memory_space<vmem>> -> memref<2x80xi32, #tpu.memory_space<vmem>>
        %dma_start3A_1043 = arith.constant 0 : i32
        %dma_start3A_1044 = arith.constant 0 : i32
        %dma_start3A_1045 = tpu.memref_slice %arg3[%arg0, %arg1, %add3A_1037, %dma_start3A_1043, %dma_start3A_1044] : memref<2x16x128x2x80xi32, #tpu.memory_space<hbm>> -> memref<1x1x1x2x80xi32, #tpu.memory_space<hbm>>
        %dma_start3A_1046 = tpu.memref_squeeze %dma_start3A_1045 : memref<1x1x1x2x80xi32, #tpu.memory_space<hbm>> -> memref<2x80xi32, #tpu.memory_space<hbm>>
        %dma_start3A_1047 = arith.constant 0 : i32
        %dma_start3A_1048 = arith.constant 0 : i32
        %dma_start3A_1049 = tpu.memref_slice %arg5[%dma_start3A_1038, %dma_start3A_1047, %dma_start3A_1048] : memref<8x2x80xi32, #tpu.memory_space<vmem>> -> memref<1x2x80xi32, #tpu.memory_space<vmem>>
        %dma_start3A_1050 = tpu.memref_squeeze %dma_start3A_1049 : memref<1x2x80xi32, #tpu.memory_space<vmem>> -> memref<2x80xi32, #tpu.memory_space<vmem>>
        %dma_start3A_1051 = arith.constant 0 : i32
        %dma_start3A_1052 = arith.constant 0 : i32
        %dma_start3A_1053 = tpu.memref_slice %arg3[%arg0, %arg1, %add3A_1037, %dma_start3A_1051, %dma_start3A_1052] : memref<2x16x128x2x80xi32, #tpu.memory_space<hbm>> -> memref<1x1x1x2x80xi32, #tpu.memory_space<hbm>>
        %dma_start3A_1054 = tpu.memref_squeeze %dma_start3A_1053 : memref<1x1x1x2x80xi32, #tpu.memory_space<hbm>> -> memref<2x80xi32, #tpu.memory_space<hbm>>
        tpu.enqueue_dma source(%dma_start3A_1054 : memref<2x80xi32, #tpu.memory_space<hbm>>) target(%dma_start3A_1050 : memref<2x80xi32, #tpu.memory_space<vmem>>) target_semaphore(%arg9 : memref<!tpu.dma_semaphore, #tpu.memory_space<semaphore_mem>>)
      } else {
      }
      %add3A_884 = arith.constant 4 : i32
      %add3A_885 = arith.addi %add3A_731, %add3A_884 : i32
      %dma_wait3A_886 = arith.constant 4 : i32
      %dma_wait3A_887 = arith.constant 0 : i32
      %dma_wait3A_888 = arith.constant 0 : i32
      %dma_wait3A_889 = arith.constant 0 : i32
      %dma_wait3A_890 = arith.constant 0 : i32
      %dma_wait3A_891 = tpu.memref_slice %arg6[%dma_wait3A_888, %dma_wait3A_889, %dma_wait3A_890] : memref<4x80x128xf32, #tpu.memory_space<vmem>> -> memref<1x80x128xf32, #tpu.memory_space<vmem>>
      %dma_wait3A_892 = tpu.memref_squeeze %dma_wait3A_891 : memref<1x80x128xf32, #tpu.memory_space<vmem>> -> memref<80x128xf32, #tpu.memory_space<vmem>>
      %dma_wait3A_893 = arith.constant 0 : i32
      %dma_wait3A_894 = tpu.memref_slice %arg5[%dma_wait3A_886, %dma_wait3A_887, %dma_wait3A_893] : memref<8x2x80xi32, #tpu.memory_space<vmem>> -> memref<1x1x80xi32, #tpu.memory_space<vmem>>
      %dma_wait3A_895 = tpu.memref_squeeze %dma_wait3A_894 : memref<1x1x80xi32, #tpu.memory_space<vmem>> -> memref<80xi32, #tpu.memory_space<vmem>>
      %dma_wait3A_896 = arith.constant 0 : i32
      %dma_wait3A_897 = arith.constant 0 : i32
      %dma_wait3A_898 = tpu.memref_slice %arg2[%dma_wait3A_896, %dma_wait3A_897] : memref<20000x128xf32, #tpu.memory_space<hbm>> -> memref<20000x128xf32, #tpu.memory_space<hbm>>
      tpu.wait_indirect_dma semaphore(%arg17 : memref<!tpu.dma_semaphore, #tpu.memory_space<semaphore_mem>>) src(%dma_wait3A_898 : memref<20000x128xf32, #tpu.memory_space<hbm>>) dst(%dma_wait3A_892 : memref<80x128xf32, #tpu.memory_space<vmem>>)
      %dma_start3A_899 = arith.constant 0 : i32
      %dma_start3A_900 = arith.constant 4 : i32
      %dma_start3A_901 = arith.constant 1 : i32
      %dma_start3A_902 = arith.constant 0 : i32
      %dma_start3A_903 = arith.constant 0 : i32
      %dma_start3A_904 = tpu.memref_slice %arg6[%dma_start3A_899, %dma_start3A_902, %dma_start3A_903] : memref<4x80x128xf32, #tpu.memory_space<vmem>> -> memref<1x80x128xf32, #tpu.memory_space<vmem>>
      %dma_start3A_905 = tpu.memref_squeeze %dma_start3A_904 : memref<1x80x128xf32, #tpu.memory_space<vmem>> -> memref<80x128xf32, #tpu.memory_space<vmem>>
      %dma_start3A_906 = arith.constant 0 : i32
      %dma_start3A_907 = tpu.memref_slice %arg5[%dma_start3A_900, %dma_start3A_901, %dma_start3A_906] : memref<8x2x80xi32, #tpu.memory_space<vmem>> -> memref<1x1x80xi32, #tpu.memory_space<vmem>>
      %dma_start3A_908 = tpu.memref_squeeze %dma_start3A_907 : memref<1x1x80xi32, #tpu.memory_space<vmem>> -> memref<80xi32, #tpu.memory_space<vmem>>
      %dma_start3A_909 = arith.constant 0 : i32
      %dma_start3A_910 = arith.constant 0 : i32
      %dma_start3A_911 = tpu.memref_slice %arg8[%dma_start3A_909, %dma_start3A_910] : memref<10008x128xf32, #tpu.memory_space<vmem_shared>> -> memref<10008x128xf32, #tpu.memory_space<vmem_shared>>
      tpu.enqueue_indirect_dma source(%dma_start3A_905 : memref<80x128xf32, #tpu.memory_space<vmem>>) target(%dma_start3A_911 : memref<10008x128xf32, #tpu.memory_space<vmem_shared>>) offsets(%dma_start3A_908 : memref<80xi32, #tpu.memory_space<vmem>>) semaphore(%arg21 : memref<!tpu.dma_semaphore, #tpu.memory_space<semaphore_mem>>) {add = true}
      %lt3A_912 = arith.constant 125 : i32
      %lt3A_913 = arith.cmpi slt, %add3A_885, %lt3A_912 : i32
      %convert_element_type3A_914 = arith.extui %lt3A_913 : i1 to i32
      %cond3A_915 = arith.constant 0 : i32
      %cond3A_916 = arith.cmpi ne, %convert_element_type3A_914, %cond3A_915 : i32
      scf.if %cond3A_916 {
        %gt3A = arith.constant 0 : i32
        %gt3A_1036 = arith.cmpi sgt, %add3A_885, %gt3A : i32
        %convert_element_type3A_1037 = arith.extui %gt3A_1036 : i1 to i32
        %cond3A_1038 = arith.constant 0 : i32
        %cond3A_1039 = arith.cmpi ne, %convert_element_type3A_1037, %cond3A_1038 : i32
        scf.if %cond3A_1039 {
          %dma_wait3A_1072 = arith.constant 3 : i32
          %dma_wait3A_1073 = arith.constant 3 : i32
          %dma_wait3A_1074 = arith.constant 1 : i32
          %dma_wait3A_1075 = arith.constant 0 : i32
          %dma_wait3A_1076 = arith.constant 0 : i32
          %dma_wait3A_1077 = tpu.memref_slice %arg6[%dma_wait3A_1072, %dma_wait3A_1075, %dma_wait3A_1076] : memref<4x80x128xf32, #tpu.memory_space<vmem>> -> memref<1x80x128xf32, #tpu.memory_space<vmem>>
          %dma_wait3A_1078 = tpu.memref_squeeze %dma_wait3A_1077 : memref<1x80x128xf32, #tpu.memory_space<vmem>> -> memref<80x128xf32, #tpu.memory_space<vmem>>
          %dma_wait3A_1079 = arith.constant 0 : i32
          %dma_wait3A_1080 = tpu.memref_slice %arg5[%dma_wait3A_1073, %dma_wait3A_1074, %dma_wait3A_1079] : memref<8x2x80xi32, #tpu.memory_space<vmem>> -> memref<1x1x80xi32, #tpu.memory_space<vmem>>
          %dma_wait3A_1081 = tpu.memref_squeeze %dma_wait3A_1080 : memref<1x1x80xi32, #tpu.memory_space<vmem>> -> memref<80xi32, #tpu.memory_space<vmem>>
          %dma_wait3A_1082 = arith.constant 0 : i32
          %dma_wait3A_1083 = arith.constant 0 : i32
          %dma_wait3A_1084 = tpu.memref_slice %arg8[%dma_wait3A_1082, %dma_wait3A_1083] : memref<10008x128xf32, #tpu.memory_space<vmem_shared>> -> memref<10008x128xf32, #tpu.memory_space<vmem_shared>>
          tpu.wait_indirect_dma semaphore(%arg24 : memref<!tpu.dma_semaphore, #tpu.memory_space<semaphore_mem>>) src(%dma_wait3A_1078 : memref<80x128xf32, #tpu.memory_space<vmem>>) dst(%dma_wait3A_1084 : memref<10008x128xf32, #tpu.memory_space<vmem_shared>>)
        } else {
        }
        %add3A_1040 = arith.constant 3 : i32
        %add3A_1041 = arith.addi %add3A_885, %add3A_1040 : i32
        %dma_wait3A_1042 = arith.constant 7 : i32
        %dma_wait3A_1043 = arith.constant 0 : i32
        %dma_wait3A_1044 = arith.constant 0 : i32
        %dma_wait3A_1045 = tpu.memref_slice %arg5[%dma_wait3A_1042, %dma_wait3A_1043, %dma_wait3A_1044] : memref<8x2x80xi32, #tpu.memory_space<vmem>> -> memref<1x2x80xi32, #tpu.memory_space<vmem>>
        %dma_wait3A_1046 = tpu.memref_squeeze %dma_wait3A_1045 : memref<1x2x80xi32, #tpu.memory_space<vmem>> -> memref<2x80xi32, #tpu.memory_space<vmem>>
        %dma_wait3A_1047 = arith.constant 0 : i32
        %dma_wait3A_1048 = arith.constant 0 : i32
        %dma_wait3A_1049 = tpu.memref_slice %arg3[%arg0, %arg1, %add3A_1041, %dma_wait3A_1047, %dma_wait3A_1048] : memref<2x16x128x2x80xi32, #tpu.memory_space<hbm>> -> memref<1x1x1x2x80xi32, #tpu.memory_space<hbm>>
        %dma_wait3A_1050 = tpu.memref_squeeze %dma_wait3A_1049 : memref<1x1x1x2x80xi32, #tpu.memory_space<hbm>> -> memref<2x80xi32, #tpu.memory_space<hbm>>
        %dma_wait3A_1051 = arith.constant 0 : i32
        %dma_wait3A_1052 = arith.constant 0 : i32
        %dma_wait3A_1053 = tpu.memref_slice %arg5[%dma_wait3A_1042, %dma_wait3A_1051, %dma_wait3A_1052] : memref<8x2x80xi32, #tpu.memory_space<vmem>> -> memref<1x2x80xi32, #tpu.memory_space<vmem>>
        %dma_wait3A_1054 = tpu.memref_squeeze %dma_wait3A_1053 : memref<1x2x80xi32, #tpu.memory_space<vmem>> -> memref<2x80xi32, #tpu.memory_space<vmem>>
        %dma_wait3A_1055 = arith.constant 0 : i32
        %dma_wait3A_1056 = arith.constant 0 : i32
        %dma_wait3A_1057 = tpu.memref_slice %arg3[%arg0, %arg1, %add3A_1041, %dma_wait3A_1055, %dma_wait3A_1056] : memref<2x16x128x2x80xi32, #tpu.memory_space<hbm>> -> memref<1x1x1x2x80xi32, #tpu.memory_space<hbm>>
        %dma_wait3A_1058 = tpu.memref_squeeze %dma_wait3A_1057 : memref<1x1x1x2x80xi32, #tpu.memory_space<hbm>> -> memref<2x80xi32, #tpu.memory_space<hbm>>
        tpu.wait_dma2 semaphore(%arg16 : memref<!tpu.dma_semaphore, #tpu.memory_space<semaphore_mem>>) src(%dma_wait3A_1058 : memref<2x80xi32, #tpu.memory_space<hbm>>) dst(%dma_wait3A_1054 : memref<2x80xi32, #tpu.memory_space<vmem>>)
        %dma_start3A_1059 = arith.constant 7 : i32
        %dma_start3A_1060 = arith.constant 0 : i32
        %dma_start3A_1061 = arith.constant 3 : i32
        %dma_start3A_1062 = arith.constant 0 : i32
        %dma_start3A_1063 = arith.constant 0 : i32
        %dma_start3A_1064 = tpu.memref_slice %arg6[%dma_start3A_1061, %dma_start3A_1062, %dma_start3A_1063] : memref<4x80x128xf32, #tpu.memory_space<vmem>> -> memref<1x80x128xf32, #tpu.memory_space<vmem>>
        %dma_start3A_1065 = tpu.memref_squeeze %dma_start3A_1064 : memref<1x80x128xf32, #tpu.memory_space<vmem>> -> memref<80x128xf32, #tpu.memory_space<vmem>>
        %dma_start3A_1066 = arith.constant 0 : i32
        %dma_start3A_1067 = tpu.memref_slice %arg5[%dma_start3A_1059, %dma_start3A_1060, %dma_start3A_1066] : memref<8x2x80xi32, #tpu.memory_space<vmem>> -> memref<1x1x80xi32, #tpu.memory_space<vmem>>
        %dma_start3A_1068 = tpu.memref_squeeze %dma_start3A_1067 : memref<1x1x80xi32, #tpu.memory_space<vmem>> -> memref<80xi32, #tpu.memory_space<vmem>>
        %dma_start3A_1069 = arith.constant 0 : i32
        %dma_start3A_1070 = arith.constant 0 : i32
        %dma_start3A_1071 = tpu.memref_slice %arg2[%dma_start3A_1069, %dma_start3A_1070] : memref<20000x128xf32, #tpu.memory_space<hbm>> -> memref<20000x128xf32, #tpu.memory_space<hbm>>
        tpu.enqueue_indirect_dma source(%dma_start3A_1071 : memref<20000x128xf32, #tpu.memory_space<hbm>>) target(%dma_start3A_1065 : memref<80x128xf32, #tpu.memory_space<vmem>>) offsets(%dma_start3A_1068 : memref<80xi32, #tpu.memory_space<vmem>>) semaphore(%arg20 : memref<!tpu.dma_semaphore, #tpu.memory_space<semaphore_mem>>)
      } else {
      }
      %lt3A_917 = arith.constant 123 : i32
      %lt3A_918 = arith.cmpi slt, %add3A_885, %lt3A_917 : i32
      %convert_element_type3A_919 = arith.extui %lt3A_918 : i1 to i32
      %cond3A_920 = arith.constant 0 : i32
      %cond3A_921 = arith.cmpi ne, %convert_element_type3A_919, %cond3A_920 : i32
      scf.if %cond3A_921 {
        %add3A_1036 = arith.constant 5 : i32
        %add3A_1037 = arith.addi %add3A_885, %add3A_1036 : i32
        %dma_start3A_1038 = arith.constant 1 : i32
        %dma_start3A_1039 = arith.constant 0 : i32
        %dma_start3A_1040 = arith.constant 0 : i32
        %dma_start3A_1041 = tpu.memref_slice %arg5[%dma_start3A_1038, %dma_start3A_1039, %dma_start3A_1040] : memref<8x2x80xi32, #tpu.memory_space<vmem>> -> memref<1x2x80xi32, #tpu.memory_space<vmem>>
        %dma_start3A_1042 = tpu.memref_squeeze %dma_start3A_1041 : memref<1x2x80xi32, #tpu.memory_space<vmem>> -> memref<2x80xi32, #tpu.memory_space<vmem>>
        %dma_start3A_1043 = arith.constant 0 : i32
        %dma_start3A_1044 = arith.constant 0 : i32
        %dma_start3A_1045 = tpu.memref_slice %arg3[%arg0, %arg1, %add3A_1037, %dma_start3A_1043, %dma_start3A_1044] : memref<2x16x128x2x80xi32, #tpu.memory_space<hbm>> -> memref<1x1x1x2x80xi32, #tpu.memory_space<hbm>>
        %dma_start3A_1046 = tpu.memref_squeeze %dma_start3A_1045 : memref<1x1x1x2x80xi32, #tpu.memory_space<hbm>> -> memref<2x80xi32, #tpu.memory_space<hbm>>
        %dma_start3A_1047 = arith.constant 0 : i32
        %dma_start3A_1048 = arith.constant 0 : i32
        %dma_start3A_1049 = tpu.memref_slice %arg5[%dma_start3A_1038, %dma_start3A_1047, %dma_start3A_1048] : memref<8x2x80xi32, #tpu.memory_space<vmem>> -> memref<1x2x80xi32, #tpu.memory_space<vmem>>
        %dma_start3A_1050 = tpu.memref_squeeze %dma_start3A_1049 : memref<1x2x80xi32, #tpu.memory_space<vmem>> -> memref<2x80xi32, #tpu.memory_space<vmem>>
        %dma_start3A_1051 = arith.constant 0 : i32
        %dma_start3A_1052 = arith.constant 0 : i32
        %dma_start3A_1053 = tpu.memref_slice %arg3[%arg0, %arg1, %add3A_1037, %dma_start3A_1051, %dma_start3A_1052] : memref<2x16x128x2x80xi32, #tpu.memory_space<hbm>> -> memref<1x1x1x2x80xi32, #tpu.memory_space<hbm>>
        %dma_start3A_1054 = tpu.memref_squeeze %dma_start3A_1053 : memref<1x1x1x2x80xi32, #tpu.memory_space<hbm>> -> memref<2x80xi32, #tpu.memory_space<hbm>>
        tpu.enqueue_dma source(%dma_start3A_1054 : memref<2x80xi32, #tpu.memory_space<hbm>>) target(%dma_start3A_1050 : memref<2x80xi32, #tpu.memory_space<vmem>>) target_semaphore(%arg10 : memref<!tpu.dma_semaphore, #tpu.memory_space<semaphore_mem>>)
      } else {
      }
      %add3A_922 = arith.constant 5 : i32
      %add3A_923 = arith.addi %add3A_731, %add3A_922 : i32
      %dma_wait3A_924 = arith.constant 5 : i32
      %dma_wait3A_925 = arith.constant 0 : i32
      %dma_wait3A_926 = arith.constant 1 : i32
      %dma_wait3A_927 = arith.constant 0 : i32
      %dma_wait3A_928 = arith.constant 0 : i32
      %dma_wait3A_929 = tpu.memref_slice %arg6[%dma_wait3A_926, %dma_wait3A_927, %dma_wait3A_928] : memref<4x80x128xf32, #tpu.memory_space<vmem>> -> memref<1x80x128xf32, #tpu.memory_space<vmem>>
      %dma_wait3A_930 = tpu.memref_squeeze %dma_wait3A_929 : memref<1x80x128xf32, #tpu.memory_space<vmem>> -> memref<80x128xf32, #tpu.memory_space<vmem>>
      %dma_wait3A_931 = arith.constant 0 : i32
      %dma_wait3A_932 = tpu.memref_slice %arg5[%dma_wait3A_924, %dma_wait3A_925, %dma_wait3A_931] : memref<8x2x80xi32, #tpu.memory_space<vmem>> -> memref<1x1x80xi32, #tpu.memory_space<vmem>>
      %dma_wait3A_933 = tpu.memref_squeeze %dma_wait3A_932 : memref<1x1x80xi32, #tpu.memory_space<vmem>> -> memref<80xi32, #tpu.memory_space<vmem>>
      %dma_wait3A_934 = arith.constant 0 : i32
      %dma_wait3A_935 = arith.constant 0 : i32
      %dma_wait3A_936 = tpu.memref_slice %arg2[%dma_wait3A_934, %dma_wait3A_935] : memref<20000x128xf32, #tpu.memory_space<hbm>> -> memref<20000x128xf32, #tpu.memory_space<hbm>>
      tpu.wait_indirect_dma semaphore(%arg18 : memref<!tpu.dma_semaphore, #tpu.memory_space<semaphore_mem>>) src(%dma_wait3A_936 : memref<20000x128xf32, #tpu.memory_space<hbm>>) dst(%dma_wait3A_930 : memref<80x128xf32, #tpu.memory_space<vmem>>)
      %dma_start3A_937 = arith.constant 1 : i32
      %dma_start3A_938 = arith.constant 5 : i32
      %dma_start3A_939 = arith.constant 1 : i32
      %dma_start3A_940 = arith.constant 0 : i32
      %dma_start3A_941 = arith.constant 0 : i32
      %dma_start3A_942 = tpu.memref_slice %arg6[%dma_start3A_937, %dma_start3A_940, %dma_start3A_941] : memref<4x80x128xf32, #tpu.memory_space<vmem>> -> memref<1x80x128xf32, #tpu.memory_space<vmem>>
      %dma_start3A_943 = tpu.memref_squeeze %dma_start3A_942 : memref<1x80x128xf32, #tpu.memory_space<vmem>> -> memref<80x128xf32, #tpu.memory_space<vmem>>
      %dma_start3A_944 = arith.constant 0 : i32
      %dma_start3A_945 = tpu.memref_slice %arg5[%dma_start3A_938, %dma_start3A_939, %dma_start3A_944] : memref<8x2x80xi32, #tpu.memory_space<vmem>> -> memref<1x1x80xi32, #tpu.memory_space<vmem>>
      %dma_start3A_946 = tpu.memref_squeeze %dma_start3A_945 : memref<1x1x80xi32, #tpu.memory_space<vmem>> -> memref<80xi32, #tpu.memory_space<vmem>>
      %dma_start3A_947 = arith.constant 0 : i32
      %dma_start3A_948 = arith.constant 0 : i32
      %dma_start3A_949 = tpu.memref_slice %arg8[%dma_start3A_947, %dma_start3A_948] : memref<10008x128xf32, #tpu.memory_space<vmem_shared>> -> memref<10008x128xf32, #tpu.memory_space<vmem_shared>>
      tpu.enqueue_indirect_dma source(%dma_start3A_943 : memref<80x128xf32, #tpu.memory_space<vmem>>) target(%dma_start3A_949 : memref<10008x128xf32, #tpu.memory_space<vmem_shared>>) offsets(%dma_start3A_946 : memref<80xi32, #tpu.memory_space<vmem>>) semaphore(%arg22 : memref<!tpu.dma_semaphore, #tpu.memory_space<semaphore_mem>>) {add = true}
      %lt3A_950 = arith.constant 125 : i32
      %lt3A_951 = arith.cmpi slt, %add3A_923, %lt3A_950 : i32
      %convert_element_type3A_952 = arith.extui %lt3A_951 : i1 to i32
      %cond3A_953 = arith.constant 0 : i32
      %cond3A_954 = arith.cmpi ne, %convert_element_type3A_952, %cond3A_953 : i32
      scf.if %cond3A_954 {
        %gt3A = arith.constant 0 : i32
        %gt3A_1036 = arith.cmpi sgt, %add3A_923, %gt3A : i32
        %convert_element_type3A_1037 = arith.extui %gt3A_1036 : i1 to i32
        %cond3A_1038 = arith.constant 0 : i32
        %cond3A_1039 = arith.cmpi ne, %convert_element_type3A_1037, %cond3A_1038 : i32
        scf.if %cond3A_1039 {
          %dma_wait3A_1072 = arith.constant 0 : i32
          %dma_wait3A_1073 = arith.constant 4 : i32
          %dma_wait3A_1074 = arith.constant 1 : i32
          %dma_wait3A_1075 = arith.constant 0 : i32
          %dma_wait3A_1076 = arith.constant 0 : i32
          %dma_wait3A_1077 = tpu.memref_slice %arg6[%dma_wait3A_1072, %dma_wait3A_1075, %dma_wait3A_1076] : memref<4x80x128xf32, #tpu.memory_space<vmem>> -> memref<1x80x128xf32, #tpu.memory_space<vmem>>
          %dma_wait3A_1078 = tpu.memref_squeeze %dma_wait3A_1077 : memref<1x80x128xf32, #tpu.memory_space<vmem>> -> memref<80x128xf32, #tpu.memory_space<vmem>>
          %dma_wait3A_1079 = arith.constant 0 : i32
          %dma_wait3A_1080 = tpu.memref_slice %arg5[%dma_wait3A_1073, %dma_wait3A_1074, %dma_wait3A_1079] : memref<8x2x80xi32, #tpu.memory_space<vmem>> -> memref<1x1x80xi32, #tpu.memory_space<vmem>>
          %dma_wait3A_1081 = tpu.memref_squeeze %dma_wait3A_1080 : memref<1x1x80xi32, #tpu.memory_space<vmem>> -> memref<80xi32, #tpu.memory_space<vmem>>
          %dma_wait3A_1082 = arith.constant 0 : i32
          %dma_wait3A_1083 = arith.constant 0 : i32
          %dma_wait3A_1084 = tpu.memref_slice %arg8[%dma_wait3A_1082, %dma_wait3A_1083] : memref<10008x128xf32, #tpu.memory_space<vmem_shared>> -> memref<10008x128xf32, #tpu.memory_space<vmem_shared>>
          tpu.wait_indirect_dma semaphore(%arg21 : memref<!tpu.dma_semaphore, #tpu.memory_space<semaphore_mem>>) src(%dma_wait3A_1078 : memref<80x128xf32, #tpu.memory_space<vmem>>) dst(%dma_wait3A_1084 : memref<10008x128xf32, #tpu.memory_space<vmem_shared>>)
        } else {
        }
        %add3A_1040 = arith.constant 3 : i32
        %add3A_1041 = arith.addi %add3A_923, %add3A_1040 : i32
        %dma_wait3A_1042 = arith.constant 0 : i32
        %dma_wait3A_1043 = arith.constant 0 : i32
        %dma_wait3A_1044 = arith.constant 0 : i32
        %dma_wait3A_1045 = tpu.memref_slice %arg5[%dma_wait3A_1042, %dma_wait3A_1043, %dma_wait3A_1044] : memref<8x2x80xi32, #tpu.memory_space<vmem>> -> memref<1x2x80xi32, #tpu.memory_space<vmem>>
        %dma_wait3A_1046 = tpu.memref_squeeze %dma_wait3A_1045 : memref<1x2x80xi32, #tpu.memory_space<vmem>> -> memref<2x80xi32, #tpu.memory_space<vmem>>
        %dma_wait3A_1047 = arith.constant 0 : i32
        %dma_wait3A_1048 = arith.constant 0 : i32
        %dma_wait3A_1049 = tpu.memref_slice %arg3[%arg0, %arg1, %add3A_1041, %dma_wait3A_1047, %dma_wait3A_1048] : memref<2x16x128x2x80xi32, #tpu.memory_space<hbm>> -> memref<1x1x1x2x80xi32, #tpu.memory_space<hbm>>
        %dma_wait3A_1050 = tpu.memref_squeeze %dma_wait3A_1049 : memref<1x1x1x2x80xi32, #tpu.memory_space<hbm>> -> memref<2x80xi32, #tpu.memory_space<hbm>>
        %dma_wait3A_1051 = arith.constant 0 : i32
        %dma_wait3A_1052 = arith.constant 0 : i32
        %dma_wait3A_1053 = tpu.memref_slice %arg5[%dma_wait3A_1042, %dma_wait3A_1051, %dma_wait3A_1052] : memref<8x2x80xi32, #tpu.memory_space<vmem>> -> memref<1x2x80xi32, #tpu.memory_space<vmem>>
        %dma_wait3A_1054 = tpu.memref_squeeze %dma_wait3A_1053 : memref<1x2x80xi32, #tpu.memory_space<vmem>> -> memref<2x80xi32, #tpu.memory_space<vmem>>
        %dma_wait3A_1055 = arith.constant 0 : i32
        %dma_wait3A_1056 = arith.constant 0 : i32
        %dma_wait3A_1057 = tpu.memref_slice %arg3[%arg0, %arg1, %add3A_1041, %dma_wait3A_1055, %dma_wait3A_1056] : memref<2x16x128x2x80xi32, #tpu.memory_space<hbm>> -> memref<1x1x1x2x80xi32, #tpu.memory_space<hbm>>
        %dma_wait3A_1058 = tpu.memref_squeeze %dma_wait3A_1057 : memref<1x1x1x2x80xi32, #tpu.memory_space<hbm>> -> memref<2x80xi32, #tpu.memory_space<hbm>>
        tpu.wait_dma2 semaphore(%arg9 : memref<!tpu.dma_semaphore, #tpu.memory_space<semaphore_mem>>) src(%dma_wait3A_1058 : memref<2x80xi32, #tpu.memory_space<hbm>>) dst(%dma_wait3A_1054 : memref<2x80xi32, #tpu.memory_space<vmem>>)
        %dma_start3A_1059 = arith.constant 0 : i32
        %dma_start3A_1060 = arith.constant 0 : i32
        %dma_start3A_1061 = arith.constant 0 : i32
        %dma_start3A_1062 = arith.constant 0 : i32
        %dma_start3A_1063 = arith.constant 0 : i32
        %dma_start3A_1064 = tpu.memref_slice %arg6[%dma_start3A_1061, %dma_start3A_1062, %dma_start3A_1063] : memref<4x80x128xf32, #tpu.memory_space<vmem>> -> memref<1x80x128xf32, #tpu.memory_space<vmem>>
        %dma_start3A_1065 = tpu.memref_squeeze %dma_start3A_1064 : memref<1x80x128xf32, #tpu.memory_space<vmem>> -> memref<80x128xf32, #tpu.memory_space<vmem>>
        %dma_start3A_1066 = arith.constant 0 : i32
        %dma_start3A_1067 = tpu.memref_slice %arg5[%dma_start3A_1059, %dma_start3A_1060, %dma_start3A_1066] : memref<8x2x80xi32, #tpu.memory_space<vmem>> -> memref<1x1x80xi32, #tpu.memory_space<vmem>>
        %dma_start3A_1068 = tpu.memref_squeeze %dma_start3A_1067 : memref<1x1x80xi32, #tpu.memory_space<vmem>> -> memref<80xi32, #tpu.memory_space<vmem>>
        %dma_start3A_1069 = arith.constant 0 : i32
        %dma_start3A_1070 = arith.constant 0 : i32
        %dma_start3A_1071 = tpu.memref_slice %arg2[%dma_start3A_1069, %dma_start3A_1070] : memref<20000x128xf32, #tpu.memory_space<hbm>> -> memref<20000x128xf32, #tpu.memory_space<hbm>>
        tpu.enqueue_indirect_dma source(%dma_start3A_1071 : memref<20000x128xf32, #tpu.memory_space<hbm>>) target(%dma_start3A_1065 : memref<80x128xf32, #tpu.memory_space<vmem>>) offsets(%dma_start3A_1068 : memref<80xi32, #tpu.memory_space<vmem>>) semaphore(%arg17 : memref<!tpu.dma_semaphore, #tpu.memory_space<semaphore_mem>>)
      } else {
      }
      %lt3A_955 = arith.constant 123 : i32
      %lt3A_956 = arith.cmpi slt, %add3A_923, %lt3A_955 : i32
      %convert_element_type3A_957 = arith.extui %lt3A_956 : i1 to i32
      %cond3A_958 = arith.constant 0 : i32
      %cond3A_959 = arith.cmpi ne, %convert_element_type3A_957, %cond3A_958 : i32
      scf.if %cond3A_959 {
        %add3A_1036 = arith.constant 5 : i32
        %add3A_1037 = arith.addi %add3A_923, %add3A_1036 : i32
        %dma_start3A_1038 = arith.constant 2 : i32
        %dma_start3A_1039 = arith.constant 0 : i32
        %dma_start3A_1040 = arith.constant 0 : i32
        %dma_start3A_1041 = tpu.memref_slice %arg5[%dma_start3A_1038, %dma_start3A_1039, %dma_start3A_1040] : memref<8x2x80xi32, #tpu.memory_space<vmem>> -> memref<1x2x80xi32, #tpu.memory_space<vmem>>
        %dma_start3A_1042 = tpu.memref_squeeze %dma_start3A_1041 : memref<1x2x80xi32, #tpu.memory_space<vmem>> -> memref<2x80xi32, #tpu.memory_space<vmem>>
        %dma_start3A_1043 = arith.constant 0 : i32
        %dma_start3A_1044 = arith.constant 0 : i32
        %dma_start3A_1045 = tpu.memref_slice %arg3[%arg0, %arg1, %add3A_1037, %dma_start3A_1043, %dma_start3A_1044] : memref<2x16x128x2x80xi32, #tpu.memory_space<hbm>> -> memref<1x1x1x2x80xi32, #tpu.memory_space<hbm>>
        %dma_start3A_1046 = tpu.memref_squeeze %dma_start3A_1045 : memref<1x1x1x2x80xi32, #tpu.memory_space<hbm>> -> memref<2x80xi32, #tpu.memory_space<hbm>>
        %dma_start3A_1047 = arith.constant 0 : i32
        %dma_start3A_1048 = arith.constant 0 : i32
        %dma_start3A_1049 = tpu.memref_slice %arg5[%dma_start3A_1038, %dma_start3A_1047, %dma_start3A_1048] : memref<8x2x80xi32, #tpu.memory_space<vmem>> -> memref<1x2x80xi32, #tpu.memory_space<vmem>>
        %dma_start3A_1050 = tpu.memref_squeeze %dma_start3A_1049 : memref<1x2x80xi32, #tpu.memory_space<vmem>> -> memref<2x80xi32, #tpu.memory_space<vmem>>
        %dma_start3A_1051 = arith.constant 0 : i32
        %dma_start3A_1052 = arith.constant 0 : i32
        %dma_start3A_1053 = tpu.memref_slice %arg3[%arg0, %arg1, %add3A_1037, %dma_start3A_1051, %dma_start3A_1052] : memref<2x16x128x2x80xi32, #tpu.memory_space<hbm>> -> memref<1x1x1x2x80xi32, #tpu.memory_space<hbm>>
        %dma_start3A_1054 = tpu.memref_squeeze %dma_start3A_1053 : memref<1x1x1x2x80xi32, #tpu.memory_space<hbm>> -> memref<2x80xi32, #tpu.memory_space<hbm>>
        tpu.enqueue_dma source(%dma_start3A_1054 : memref<2x80xi32, #tpu.memory_space<hbm>>) target(%dma_start3A_1050 : memref<2x80xi32, #tpu.memory_space<vmem>>) target_semaphore(%arg11 : memref<!tpu.dma_semaphore, #tpu.memory_space<semaphore_mem>>)
      } else {
      }
      %add3A_960 = arith.constant 6 : i32
      %add3A_961 = arith.addi %add3A_731, %add3A_960 : i32
      %dma_wait3A_962 = arith.constant 6 : i32
      %dma_wait3A_963 = arith.constant 0 : i32
      %dma_wait3A_964 = arith.constant 2 : i32
      %dma_wait3A_965 = arith.constant 0 : i32
      %dma_wait3A_966 = arith.constant 0 : i32
      %dma_wait3A_967 = tpu.memref_slice %arg6[%dma_wait3A_964, %dma_wait3A_965, %dma_wait3A_966] : memref<4x80x128xf32, #tpu.memory_space<vmem>> -> memref<1x80x128xf32, #tpu.memory_space<vmem>>
      %dma_wait3A_968 = tpu.memref_squeeze %dma_wait3A_967 : memref<1x80x128xf32, #tpu.memory_space<vmem>> -> memref<80x128xf32, #tpu.memory_space<vmem>>
      %dma_wait3A_969 = arith.constant 0 : i32
      %dma_wait3A_970 = tpu.memref_slice %arg5[%dma_wait3A_962, %dma_wait3A_963, %dma_wait3A_969] : memref<8x2x80xi32, #tpu.memory_space<vmem>> -> memref<1x1x80xi32, #tpu.memory_space<vmem>>
      %dma_wait3A_971 = tpu.memref_squeeze %dma_wait3A_970 : memref<1x1x80xi32, #tpu.memory_space<vmem>> -> memref<80xi32, #tpu.memory_space<vmem>>
      %dma_wait3A_972 = arith.constant 0 : i32
      %dma_wait3A_973 = arith.constant 0 : i32
      %dma_wait3A_974 = tpu.memref_slice %arg2[%dma_wait3A_972, %dma_wait3A_973] : memref<20000x128xf32, #tpu.memory_space<hbm>> -> memref<20000x128xf32, #tpu.memory_space<hbm>>
      tpu.wait_indirect_dma semaphore(%arg19 : memref<!tpu.dma_semaphore, #tpu.memory_space<semaphore_mem>>) src(%dma_wait3A_974 : memref<20000x128xf32, #tpu.memory_space<hbm>>) dst(%dma_wait3A_968 : memref<80x128xf32, #tpu.memory_space<vmem>>)
      %dma_start3A_975 = arith.constant 2 : i32
      %dma_start3A_976 = arith.constant 6 : i32
      %dma_start3A_977 = arith.constant 1 : i32
      %dma_start3A_978 = arith.constant 0 : i32
      %dma_start3A_979 = arith.constant 0 : i32
      %dma_start3A_980 = tpu.memref_slice %arg6[%dma_start3A_975, %dma_start3A_978, %dma_start3A_979] : memref<4x80x128xf32, #tpu.memory_space<vmem>> -> memref<1x80x128xf32, #tpu.memory_space<vmem>>
      %dma_start3A_981 = tpu.memref_squeeze %dma_start3A_980 : memref<1x80x128xf32, #tpu.memory_space<vmem>> -> memref<80x128xf32, #tpu.memory_space<vmem>>
      %dma_start3A_982 = arith.constant 0 : i32
      %dma_start3A_983 = tpu.memref_slice %arg5[%dma_start3A_976, %dma_start3A_977, %dma_start3A_982] : memref<8x2x80xi32, #tpu.memory_space<vmem>> -> memref<1x1x80xi32, #tpu.memory_space<vmem>>
      %dma_start3A_984 = tpu.memref_squeeze %dma_start3A_983 : memref<1x1x80xi32, #tpu.memory_space<vmem>> -> memref<80xi32, #tpu.memory_space<vmem>>
      %dma_start3A_985 = arith.constant 0 : i32
      %dma_start3A_986 = arith.constant 0 : i32
      %dma_start3A_987 = tpu.memref_slice %arg8[%dma_start3A_985, %dma_start3A_986] : memref<10008x128xf32, #tpu.memory_space<vmem_shared>> -> memref<10008x128xf32, #tpu.memory_space<vmem_shared>>
      tpu.enqueue_indirect_dma source(%dma_start3A_981 : memref<80x128xf32, #tpu.memory_space<vmem>>) target(%dma_start3A_987 : memref<10008x128xf32, #tpu.memory_space<vmem_shared>>) offsets(%dma_start3A_984 : memref<80xi32, #tpu.memory_space<vmem>>) semaphore(%arg23 : memref<!tpu.dma_semaphore, #tpu.memory_space<semaphore_mem>>) {add = true}
      %lt3A_988 = arith.constant 125 : i32
      %lt3A_989 = arith.cmpi slt, %add3A_961, %lt3A_988 : i32
      %convert_element_type3A_990 = arith.extui %lt3A_989 : i1 to i32
      %cond3A_991 = arith.constant 0 : i32
      %cond3A_992 = arith.cmpi ne, %convert_element_type3A_990, %cond3A_991 : i32
      scf.if %cond3A_992 {
        %gt3A = arith.constant 0 : i32
        %gt3A_1036 = arith.cmpi sgt, %add3A_961, %gt3A : i32
        %convert_element_type3A_1037 = arith.extui %gt3A_1036 : i1 to i32
        %cond3A_1038 = arith.constant 0 : i32
        %cond3A_1039 = arith.cmpi ne, %convert_element_type3A_1037, %cond3A_1038 : i32
        scf.if %cond3A_1039 {
          %dma_wait3A_1072 = arith.constant 1 : i32
          %dma_wait3A_1073 = arith.constant 5 : i32
          %dma_wait3A_1074 = arith.constant 1 : i32
          %dma_wait3A_1075 = arith.constant 0 : i32
          %dma_wait3A_1076 = arith.constant 0 : i32
          %dma_wait3A_1077 = tpu.memref_slice %arg6[%dma_wait3A_1072, %dma_wait3A_1075, %dma_wait3A_1076] : memref<4x80x128xf32, #tpu.memory_space<vmem>> -> memref<1x80x128xf32, #tpu.memory_space<vmem>>
          %dma_wait3A_1078 = tpu.memref_squeeze %dma_wait3A_1077 : memref<1x80x128xf32, #tpu.memory_space<vmem>> -> memref<80x128xf32, #tpu.memory_space<vmem>>
          %dma_wait3A_1079 = arith.constant 0 : i32
          %dma_wait3A_1080 = tpu.memref_slice %arg5[%dma_wait3A_1073, %dma_wait3A_1074, %dma_wait3A_1079] : memref<8x2x80xi32, #tpu.memory_space<vmem>> -> memref<1x1x80xi32, #tpu.memory_space<vmem>>
          %dma_wait3A_1081 = tpu.memref_squeeze %dma_wait3A_1080 : memref<1x1x80xi32, #tpu.memory_space<vmem>> -> memref<80xi32, #tpu.memory_space<vmem>>
          %dma_wait3A_1082 = arith.constant 0 : i32
          %dma_wait3A_1083 = arith.constant 0 : i32
          %dma_wait3A_1084 = tpu.memref_slice %arg8[%dma_wait3A_1082, %dma_wait3A_1083] : memref<10008x128xf32, #tpu.memory_space<vmem_shared>> -> memref<10008x128xf32, #tpu.memory_space<vmem_shared>>
          tpu.wait_indirect_dma semaphore(%arg22 : memref<!tpu.dma_semaphore, #tpu.memory_space<semaphore_mem>>) src(%dma_wait3A_1078 : memref<80x128xf32, #tpu.memory_space<vmem>>) dst(%dma_wait3A_1084 : memref<10008x128xf32, #tpu.memory_space<vmem_shared>>)
        } else {
        }
        %add3A_1040 = arith.constant 3 : i32
        %add3A_1041 = arith.addi %add3A_961, %add3A_1040 : i32
        %dma_wait3A_1042 = arith.constant 1 : i32
        %dma_wait3A_1043 = arith.constant 0 : i32
        %dma_wait3A_1044 = arith.constant 0 : i32
        %dma_wait3A_1045 = tpu.memref_slice %arg5[%dma_wait3A_1042, %dma_wait3A_1043, %dma_wait3A_1044] : memref<8x2x80xi32, #tpu.memory_space<vmem>> -> memref<1x2x80xi32, #tpu.memory_space<vmem>>
        %dma_wait3A_1046 = tpu.memref_squeeze %dma_wait3A_1045 : memref<1x2x80xi32, #tpu.memory_space<vmem>> -> memref<2x80xi32, #tpu.memory_space<vmem>>
        %dma_wait3A_1047 = arith.constant 0 : i32
        %dma_wait3A_1048 = arith.constant 0 : i32
        %dma_wait3A_1049 = tpu.memref_slice %arg3[%arg0, %arg1, %add3A_1041, %dma_wait3A_1047, %dma_wait3A_1048] : memref<2x16x128x2x80xi32, #tpu.memory_space<hbm>> -> memref<1x1x1x2x80xi32, #tpu.memory_space<hbm>>
        %dma_wait3A_1050 = tpu.memref_squeeze %dma_wait3A_1049 : memref<1x1x1x2x80xi32, #tpu.memory_space<hbm>> -> memref<2x80xi32, #tpu.memory_space<hbm>>
        %dma_wait3A_1051 = arith.constant 0 : i32
        %dma_wait3A_1052 = arith.constant 0 : i32
        %dma_wait3A_1053 = tpu.memref_slice %arg5[%dma_wait3A_1042, %dma_wait3A_1051, %dma_wait3A_1052] : memref<8x2x80xi32, #tpu.memory_space<vmem>> -> memref<1x2x80xi32, #tpu.memory_space<vmem>>
        %dma_wait3A_1054 = tpu.memref_squeeze %dma_wait3A_1053 : memref<1x2x80xi32, #tpu.memory_space<vmem>> -> memref<2x80xi32, #tpu.memory_space<vmem>>
        %dma_wait3A_1055 = arith.constant 0 : i32
        %dma_wait3A_1056 = arith.constant 0 : i32
        %dma_wait3A_1057 = tpu.memref_slice %arg3[%arg0, %arg1, %add3A_1041, %dma_wait3A_1055, %dma_wait3A_1056] : memref<2x16x128x2x80xi32, #tpu.memory_space<hbm>> -> memref<1x1x1x2x80xi32, #tpu.memory_space<hbm>>
        %dma_wait3A_1058 = tpu.memref_squeeze %dma_wait3A_1057 : memref<1x1x1x2x80xi32, #tpu.memory_space<hbm>> -> memref<2x80xi32, #tpu.memory_space<hbm>>
        tpu.wait_dma2 semaphore(%arg10 : memref<!tpu.dma_semaphore, #tpu.memory_space<semaphore_mem>>) src(%dma_wait3A_1058 : memref<2x80xi32, #tpu.memory_space<hbm>>) dst(%dma_wait3A_1054 : memref<2x80xi32, #tpu.memory_space<vmem>>)
        %dma_start3A_1059 = arith.constant 1 : i32
        %dma_start3A_1060 = arith.constant 0 : i32
        %dma_start3A_1061 = arith.constant 1 : i32
        %dma_start3A_1062 = arith.constant 0 : i32
        %dma_start3A_1063 = arith.constant 0 : i32
        %dma_start3A_1064 = tpu.memref_slice %arg6[%dma_start3A_1061, %dma_start3A_1062, %dma_start3A_1063] : memref<4x80x128xf32, #tpu.memory_space<vmem>> -> memref<1x80x128xf32, #tpu.memory_space<vmem>>
        %dma_start3A_1065 = tpu.memref_squeeze %dma_start3A_1064 : memref<1x80x128xf32, #tpu.memory_space<vmem>> -> memref<80x128xf32, #tpu.memory_space<vmem>>
        %dma_start3A_1066 = arith.constant 0 : i32
        %dma_start3A_1067 = tpu.memref_slice %arg5[%dma_start3A_1059, %dma_start3A_1060, %dma_start3A_1066] : memref<8x2x80xi32, #tpu.memory_space<vmem>> -> memref<1x1x80xi32, #tpu.memory_space<vmem>>
        %dma_start3A_1068 = tpu.memref_squeeze %dma_start3A_1067 : memref<1x1x80xi32, #tpu.memory_space<vmem>> -> memref<80xi32, #tpu.memory_space<vmem>>
        %dma_start3A_1069 = arith.constant 0 : i32
        %dma_start3A_1070 = arith.constant 0 : i32
        %dma_start3A_1071 = tpu.memref_slice %arg2[%dma_start3A_1069, %dma_start3A_1070] : memref<20000x128xf32, #tpu.memory_space<hbm>> -> memref<20000x128xf32, #tpu.memory_space<hbm>>
        tpu.enqueue_indirect_dma source(%dma_start3A_1071 : memref<20000x128xf32, #tpu.memory_space<hbm>>) target(%dma_start3A_1065 : memref<80x128xf32, #tpu.memory_space<vmem>>) offsets(%dma_start3A_1068 : memref<80xi32, #tpu.memory_space<vmem>>) semaphore(%arg18 : memref<!tpu.dma_semaphore, #tpu.memory_space<semaphore_mem>>)
      } else {
      }
      %lt3A_993 = arith.constant 123 : i32
      %lt3A_994 = arith.cmpi slt, %add3A_961, %lt3A_993 : i32
      %convert_element_type3A_995 = arith.extui %lt3A_994 : i1 to i32
      %cond3A_996 = arith.constant 0 : i32
      %cond3A_997 = arith.cmpi ne, %convert_element_type3A_995, %cond3A_996 : i32
      scf.if %cond3A_997 {
        %add3A_1036 = arith.constant 5 : i32
        %add3A_1037 = arith.addi %add3A_961, %add3A_1036 : i32
        %dma_start3A_1038 = arith.constant 3 : i32
        %dma_start3A_1039 = arith.constant 0 : i32
        %dma_start3A_1040 = arith.constant 0 : i32
        %dma_start3A_1041 = tpu.memref_slice %arg5[%dma_start3A_1038, %dma_start3A_1039, %dma_start3A_1040] : memref<8x2x80xi32, #tpu.memory_space<vmem>> -> memref<1x2x80xi32, #tpu.memory_space<vmem>>
        %dma_start3A_1042 = tpu.memref_squeeze %dma_start3A_1041 : memref<1x2x80xi32, #tpu.memory_space<vmem>> -> memref<2x80xi32, #tpu.memory_space<vmem>>
        %dma_start3A_1043 = arith.constant 0 : i32
        %dma_start3A_1044 = arith.constant 0 : i32
        %dma_start3A_1045 = tpu.memref_slice %arg3[%arg0, %arg1, %add3A_1037, %dma_start3A_1043, %dma_start3A_1044] : memref<2x16x128x2x80xi32, #tpu.memory_space<hbm>> -> memref<1x1x1x2x80xi32, #tpu.memory_space<hbm>>
        %dma_start3A_1046 = tpu.memref_squeeze %dma_start3A_1045 : memref<1x1x1x2x80xi32, #tpu.memory_space<hbm>> -> memref<2x80xi32, #tpu.memory_space<hbm>>
        %dma_start3A_1047 = arith.constant 0 : i32
        %dma_start3A_1048 = arith.constant 0 : i32
        %dma_start3A_1049 = tpu.memref_slice %arg5[%dma_start3A_1038, %dma_start3A_1047, %dma_start3A_1048] : memref<8x2x80xi32, #tpu.memory_space<vmem>> -> memref<1x2x80xi32, #tpu.memory_space<vmem>>
        %dma_start3A_1050 = tpu.memref_squeeze %dma_start3A_1049 : memref<1x2x80xi32, #tpu.memory_space<vmem>> -> memref<2x80xi32, #tpu.memory_space<vmem>>
        %dma_start3A_1051 = arith.constant 0 : i32
        %dma_start3A_1052 = arith.constant 0 : i32
        %dma_start3A_1053 = tpu.memref_slice %arg3[%arg0, %arg1, %add3A_1037, %dma_start3A_1051, %dma_start3A_1052] : memref<2x16x128x2x80xi32, #tpu.memory_space<hbm>> -> memref<1x1x1x2x80xi32, #tpu.memory_space<hbm>>
        %dma_start3A_1054 = tpu.memref_squeeze %dma_start3A_1053 : memref<1x1x1x2x80xi32, #tpu.memory_space<hbm>> -> memref<2x80xi32, #tpu.memory_space<hbm>>
        tpu.enqueue_dma source(%dma_start3A_1054 : memref<2x80xi32, #tpu.memory_space<hbm>>) target(%dma_start3A_1050 : memref<2x80xi32, #tpu.memory_space<vmem>>) target_semaphore(%arg12 : memref<!tpu.dma_semaphore, #tpu.memory_space<semaphore_mem>>)
      } else {
      }
      %add3A_998 = arith.constant 7 : i32
      %add3A_999 = arith.addi %add3A_731, %add3A_998 : i32
      %dma_wait3A_1000 = arith.constant 7 : i32
      %dma_wait3A_1001 = arith.constant 0 : i32
      %dma_wait3A_1002 = arith.constant 3 : i32
      %dma_wait3A_1003 = arith.constant 0 : i32
      %dma_wait3A_1004 = arith.constant 0 : i32
      %dma_wait3A_1005 = tpu.memref_slice %arg6[%dma_wait3A_1002, %dma_wait3A_1003, %dma_wait3A_1004] : memref<4x80x128xf32, #tpu.memory_space<vmem>> -> memref<1x80x128xf32, #tpu.memory_space<vmem>>
      %dma_wait3A_1006 = tpu.memref_squeeze %dma_wait3A_1005 : memref<1x80x128xf32, #tpu.memory_space<vmem>> -> memref<80x128xf32, #tpu.memory_space<vmem>>
      %dma_wait3A_1007 = arith.constant 0 : i32
      %dma_wait3A_1008 = tpu.memref_slice %arg5[%dma_wait3A_1000, %dma_wait3A_1001, %dma_wait3A_1007] : memref<8x2x80xi32, #tpu.memory_space<vmem>> -> memref<1x1x80xi32, #tpu.memory_space<vmem>>
      %dma_wait3A_1009 = tpu.memref_squeeze %dma_wait3A_1008 : memref<1x1x80xi32, #tpu.memory_space<vmem>> -> memref<80xi32, #tpu.memory_space<vmem>>
      %dma_wait3A_1010 = arith.constant 0 : i32
      %dma_wait3A_1011 = arith.constant 0 : i32
      %dma_wait3A_1012 = tpu.memref_slice %arg2[%dma_wait3A_1010, %dma_wait3A_1011] : memref<20000x128xf32, #tpu.memory_space<hbm>> -> memref<20000x128xf32, #tpu.memory_space<hbm>>
      tpu.wait_indirect_dma semaphore(%arg20 : memref<!tpu.dma_semaphore, #tpu.memory_space<semaphore_mem>>) src(%dma_wait3A_1012 : memref<20000x128xf32, #tpu.memory_space<hbm>>) dst(%dma_wait3A_1006 : memref<80x128xf32, #tpu.memory_space<vmem>>)
      %dma_start3A_1013 = arith.constant 3 : i32
      %dma_start3A_1014 = arith.constant 7 : i32
      %dma_start3A_1015 = arith.constant 1 : i32
      %dma_start3A_1016 = arith.constant 0 : i32
      %dma_start3A_1017 = arith.constant 0 : i32
      %dma_start3A_1018 = tpu.memref_slice %arg6[%dma_start3A_1013, %dma_start3A_1016, %dma_start3A_1017] : memref<4x80x128xf32, #tpu.memory_space<vmem>> -> memref<1x80x128xf32, #tpu.memory_space<vmem>>
      %dma_start3A_1019 = tpu.memref_squeeze %dma_start3A_1018 : memref<1x80x128xf32, #tpu.memory_space<vmem>> -> memref<80x128xf32, #tpu.memory_space<vmem>>
      %dma_start3A_1020 = arith.constant 0 : i32
      %dma_start3A_1021 = tpu.memref_slice %arg5[%dma_start3A_1014, %dma_start3A_1015, %dma_start3A_1020] : memref<8x2x80xi32, #tpu.memory_space<vmem>> -> memref<1x1x80xi32, #tpu.memory_space<vmem>>
      %dma_start3A_1022 = tpu.memref_squeeze %dma_start3A_1021 : memref<1x1x80xi32, #tpu.memory_space<vmem>> -> memref<80xi32, #tpu.memory_space<vmem>>
      %dma_start3A_1023 = arith.constant 0 : i32
      %dma_start3A_1024 = arith.constant 0 : i32
      %dma_start3A_1025 = tpu.memref_slice %arg8[%dma_start3A_1023, %dma_start3A_1024] : memref<10008x128xf32, #tpu.memory_space<vmem_shared>> -> memref<10008x128xf32, #tpu.memory_space<vmem_shared>>
      tpu.enqueue_indirect_dma source(%dma_start3A_1019 : memref<80x128xf32, #tpu.memory_space<vmem>>) target(%dma_start3A_1025 : memref<10008x128xf32, #tpu.memory_space<vmem_shared>>) offsets(%dma_start3A_1022 : memref<80xi32, #tpu.memory_space<vmem>>) semaphore(%arg24 : memref<!tpu.dma_semaphore, #tpu.memory_space<semaphore_mem>>) {add = true}
      %lt3A_1026 = arith.constant 125 : i32
      %lt3A_1027 = arith.cmpi slt, %add3A_999, %lt3A_1026 : i32
      %convert_element_type3A_1028 = arith.extui %lt3A_1027 : i1 to i32
      %cond3A_1029 = arith.constant 0 : i32
      %cond3A_1030 = arith.cmpi ne, %convert_element_type3A_1028, %cond3A_1029 : i32
      scf.if %cond3A_1030 {
        %gt3A = arith.constant 0 : i32
        %gt3A_1036 = arith.cmpi sgt, %add3A_999, %gt3A : i32
        %convert_element_type3A_1037 = arith.extui %gt3A_1036 : i1 to i32
        %cond3A_1038 = arith.constant 0 : i32
        %cond3A_1039 = arith.cmpi ne, %convert_element_type3A_1037, %cond3A_1038 : i32
        scf.if %cond3A_1039 {
          %dma_wait3A_1072 = arith.constant 2 : i32
          %dma_wait3A_1073 = arith.constant 6 : i32
          %dma_wait3A_1074 = arith.constant 1 : i32
          %dma_wait3A_1075 = arith.constant 0 : i32
          %dma_wait3A_1076 = arith.constant 0 : i32
          %dma_wait3A_1077 = tpu.memref_slice %arg6[%dma_wait3A_1072, %dma_wait3A_1075, %dma_wait3A_1076] : memref<4x80x128xf32, #tpu.memory_space<vmem>> -> memref<1x80x128xf32, #tpu.memory_space<vmem>>
          %dma_wait3A_1078 = tpu.memref_squeeze %dma_wait3A_1077 : memref<1x80x128xf32, #tpu.memory_space<vmem>> -> memref<80x128xf32, #tpu.memory_space<vmem>>
          %dma_wait3A_1079 = arith.constant 0 : i32
          %dma_wait3A_1080 = tpu.memref_slice %arg5[%dma_wait3A_1073, %dma_wait3A_1074, %dma_wait3A_1079] : memref<8x2x80xi32, #tpu.memory_space<vmem>> -> memref<1x1x80xi32, #tpu.memory_space<vmem>>
          %dma_wait3A_1081 = tpu.memref_squeeze %dma_wait3A_1080 : memref<1x1x80xi32, #tpu.memory_space<vmem>> -> memref<80xi32, #tpu.memory_space<vmem>>
          %dma_wait3A_1082 = arith.constant 0 : i32
          %dma_wait3A_1083 = arith.constant 0 : i32
          %dma_wait3A_1084 = tpu.memref_slice %arg8[%dma_wait3A_1082, %dma_wait3A_1083] : memref<10008x128xf32, #tpu.memory_space<vmem_shared>> -> memref<10008x128xf32, #tpu.memory_space<vmem_shared>>
          tpu.wait_indirect_dma semaphore(%arg23 : memref<!tpu.dma_semaphore, #tpu.memory_space<semaphore_mem>>) src(%dma_wait3A_1078 : memref<80x128xf32, #tpu.memory_space<vmem>>) dst(%dma_wait3A_1084 : memref<10008x128xf32, #tpu.memory_space<vmem_shared>>)
        } else {
        }
        %add3A_1040 = arith.constant 3 : i32
        %add3A_1041 = arith.addi %add3A_999, %add3A_1040 : i32
        %dma_wait3A_1042 = arith.constant 2 : i32
        %dma_wait3A_1043 = arith.constant 0 : i32
        %dma_wait3A_1044 = arith.constant 0 : i32
        %dma_wait3A_1045 = tpu.memref_slice %arg5[%dma_wait3A_1042, %dma_wait3A_1043, %dma_wait3A_1044] : memref<8x2x80xi32, #tpu.memory_space<vmem>> -> memref<1x2x80xi32, #tpu.memory_space<vmem>>
        %dma_wait3A_1046 = tpu.memref_squeeze %dma_wait3A_1045 : memref<1x2x80xi32, #tpu.memory_space<vmem>> -> memref<2x80xi32, #tpu.memory_space<vmem>>
        %dma_wait3A_1047 = arith.constant 0 : i32
        %dma_wait3A_1048 = arith.constant 0 : i32
        %dma_wait3A_1049 = tpu.memref_slice %arg3[%arg0, %arg1, %add3A_1041, %dma_wait3A_1047, %dma_wait3A_1048] : memref<2x16x128x2x80xi32, #tpu.memory_space<hbm>> -> memref<1x1x1x2x80xi32, #tpu.memory_space<hbm>>
        %dma_wait3A_1050 = tpu.memref_squeeze %dma_wait3A_1049 : memref<1x1x1x2x80xi32, #tpu.memory_space<hbm>> -> memref<2x80xi32, #tpu.memory_space<hbm>>
        %dma_wait3A_1051 = arith.constant 0 : i32
        %dma_wait3A_1052 = arith.constant 0 : i32
        %dma_wait3A_1053 = tpu.memref_slice %arg5[%dma_wait3A_1042, %dma_wait3A_1051, %dma_wait3A_1052] : memref<8x2x80xi32, #tpu.memory_space<vmem>> -> memref<1x2x80xi32, #tpu.memory_space<vmem>>
        %dma_wait3A_1054 = tpu.memref_squeeze %dma_wait3A_1053 : memref<1x2x80xi32, #tpu.memory_space<vmem>> -> memref<2x80xi32, #tpu.memory_space<vmem>>
        %dma_wait3A_1055 = arith.constant 0 : i32
        %dma_wait3A_1056 = arith.constant 0 : i32
        %dma_wait3A_1057 = tpu.memref_slice %arg3[%arg0, %arg1, %add3A_1041, %dma_wait3A_1055, %dma_wait3A_1056] : memref<2x16x128x2x80xi32, #tpu.memory_space<hbm>> -> memref<1x1x1x2x80xi32, #tpu.memory_space<hbm>>
        %dma_wait3A_1058 = tpu.memref_squeeze %dma_wait3A_1057 : memref<1x1x1x2x80xi32, #tpu.memory_space<hbm>> -> memref<2x80xi32, #tpu.memory_space<hbm>>
        tpu.wait_dma2 semaphore(%arg11 : memref<!tpu.dma_semaphore, #tpu.memory_space<semaphore_mem>>) src(%dma_wait3A_1058 : memref<2x80xi32, #tpu.memory_space<hbm>>) dst(%dma_wait3A_1054 : memref<2x80xi32, #tpu.memory_space<vmem>>)
        %dma_start3A_1059 = arith.constant 2 : i32
        %dma_start3A_1060 = arith.constant 0 : i32
        %dma_start3A_1061 = arith.constant 2 : i32
        %dma_start3A_1062 = arith.constant 0 : i32
        %dma_start3A_1063 = arith.constant 0 : i32
        %dma_start3A_1064 = tpu.memref_slice %arg6[%dma_start3A_1061, %dma_start3A_1062, %dma_start3A_1063] : memref<4x80x128xf32, #tpu.memory_space<vmem>> -> memref<1x80x128xf32, #tpu.memory_space<vmem>>
        %dma_start3A_1065 = tpu.memref_squeeze %dma_start3A_1064 : memref<1x80x128xf32, #tpu.memory_space<vmem>> -> memref<80x128xf32, #tpu.memory_space<vmem>>
        %dma_start3A_1066 = arith.constant 0 : i32
        %dma_start3A_1067 = tpu.memref_slice %arg5[%dma_start3A_1059, %dma_start3A_1060, %dma_start3A_1066] : memref<8x2x80xi32, #tpu.memory_space<vmem>> -> memref<1x1x80xi32, #tpu.memory_space<vmem>>
        %dma_start3A_1068 = tpu.memref_squeeze %dma_start3A_1067 : memref<1x1x80xi32, #tpu.memory_space<vmem>> -> memref<80xi32, #tpu.memory_space<vmem>>
        %dma_start3A_1069 = arith.constant 0 : i32
        %dma_start3A_1070 = arith.constant 0 : i32
        %dma_start3A_1071 = tpu.memref_slice %arg2[%dma_start3A_1069, %dma_start3A_1070] : memref<20000x128xf32, #tpu.memory_space<hbm>> -> memref<20000x128xf32, #tpu.memory_space<hbm>>
        tpu.enqueue_indirect_dma source(%dma_start3A_1071 : memref<20000x128xf32, #tpu.memory_space<hbm>>) target(%dma_start3A_1065 : memref<80x128xf32, #tpu.memory_space<vmem>>) offsets(%dma_start3A_1068 : memref<80xi32, #tpu.memory_space<vmem>>) semaphore(%arg19 : memref<!tpu.dma_semaphore, #tpu.memory_space<semaphore_mem>>)
      } else {
      }
      %lt3A_1031 = arith.constant 123 : i32
      %lt3A_1032 = arith.cmpi slt, %add3A_999, %lt3A_1031 : i32
      %convert_element_type3A_1033 = arith.extui %lt3A_1032 : i1 to i32
      %cond3A_1034 = arith.constant 0 : i32
      %cond3A_1035 = arith.cmpi ne, %convert_element_type3A_1033, %cond3A_1034 : i32
      scf.if %cond3A_1035 {
        %add3A_1036 = arith.constant 5 : i32
        %add3A_1037 = arith.addi %add3A_999, %add3A_1036 : i32
        %dma_start3A_1038 = arith.constant 4 : i32
        %dma_start3A_1039 = arith.constant 0 : i32
        %dma_start3A_1040 = arith.constant 0 : i32
        %dma_start3A_1041 = tpu.memref_slice %arg5[%dma_start3A_1038, %dma_start3A_1039, %dma_start3A_1040] : memref<8x2x80xi32, #tpu.memory_space<vmem>> -> memref<1x2x80xi32, #tpu.memory_space<vmem>>
        %dma_start3A_1042 = tpu.memref_squeeze %dma_start3A_1041 : memref<1x2x80xi32, #tpu.memory_space<vmem>> -> memref<2x80xi32, #tpu.memory_space<vmem>>
        %dma_start3A_1043 = arith.constant 0 : i32
        %dma_start3A_1044 = arith.constant 0 : i32
        %dma_start3A_1045 = tpu.memref_slice %arg3[%arg0, %arg1, %add3A_1037, %dma_start3A_1043, %dma_start3A_1044] : memref<2x16x128x2x80xi32, #tpu.memory_space<hbm>> -> memref<1x1x1x2x80xi32, #tpu.memory_space<hbm>>
        %dma_start3A_1046 = tpu.memref_squeeze %dma_start3A_1045 : memref<1x1x1x2x80xi32, #tpu.memory_space<hbm>> -> memref<2x80xi32, #tpu.memory_space<hbm>>
        %dma_start3A_1047 = arith.constant 0 : i32
        %dma_start3A_1048 = arith.constant 0 : i32
        %dma_start3A_1049 = tpu.memref_slice %arg5[%dma_start3A_1038, %dma_start3A_1047, %dma_start3A_1048] : memref<8x2x80xi32, #tpu.memory_space<vmem>> -> memref<1x2x80xi32, #tpu.memory_space<vmem>>
        %dma_start3A_1050 = tpu.memref_squeeze %dma_start3A_1049 : memref<1x2x80xi32, #tpu.memory_space<vmem>> -> memref<2x80xi32, #tpu.memory_space<vmem>>
        %dma_start3A_1051 = arith.constant 0 : i32
        %dma_start3A_1052 = arith.constant 0 : i32
        %dma_start3A_1053 = tpu.memref_slice %arg3[%arg0, %arg1, %add3A_1037, %dma_start3A_1051, %dma_start3A_1052] : memref<2x16x128x2x80xi32, #tpu.memory_space<hbm>> -> memref<1x1x1x2x80xi32, #tpu.memory_space<hbm>>
        %dma_start3A_1054 = tpu.memref_squeeze %dma_start3A_1053 : memref<1x1x1x2x80xi32, #tpu.memory_space<hbm>> -> memref<2x80xi32, #tpu.memory_space<hbm>>
        tpu.enqueue_dma source(%dma_start3A_1054 : memref<2x80xi32, #tpu.memory_space<hbm>>) target(%dma_start3A_1050 : memref<2x80xi32, #tpu.memory_space<vmem>>) target_semaphore(%arg13 : memref<!tpu.dma_semaphore, #tpu.memory_space<semaphore_mem>>)
      } else {
      }
    }
    %scan3A_665 = arith.constant 16 : i32
    %dma_wait3A_666 = arith.constant 0 : i32
    %dma_wait3A_667 = arith.constant 4 : i32
    %dma_wait3A_668 = arith.constant 1 : i32
    %dma_wait3A_669 = arith.constant 0 : i32
    %dma_wait3A_670 = arith.constant 0 : i32
    %dma_wait3A_671 = tpu.memref_slice %arg6[%dma_wait3A_666, %dma_wait3A_669, %dma_wait3A_670] : memref<4x80x128xf32, #tpu.memory_space<vmem>> -> memref<1x80x128xf32, #tpu.memory_space<vmem>>
    %dma_wait3A_672 = tpu.memref_squeeze %dma_wait3A_671 : memref<1x80x128xf32, #tpu.memory_space<vmem>> -> memref<80x128xf32, #tpu.memory_space<vmem>>
    %dma_wait3A_673 = arith.constant 0 : i32
    %dma_wait3A_674 = tpu.memref_slice %arg5[%dma_wait3A_667, %dma_wait3A_668, %dma_wait3A_673] : memref<8x2x80xi32, #tpu.memory_space<vmem>> -> memref<1x1x80xi32, #tpu.memory_space<vmem>>
    %dma_wait3A_675 = tpu.memref_squeeze %dma_wait3A_674 : memref<1x1x80xi32, #tpu.memory_space<vmem>> -> memref<80xi32, #tpu.memory_space<vmem>>
    %dma_wait3A_676 = arith.constant 0 : i32
    %dma_wait3A_677 = arith.constant 0 : i32
    %dma_wait3A_678 = tpu.memref_slice %arg8[%dma_wait3A_676, %dma_wait3A_677] : memref<10008x128xf32, #tpu.memory_space<vmem_shared>> -> memref<10008x128xf32, #tpu.memory_space<vmem_shared>>
    tpu.wait_indirect_dma semaphore(%arg21 : memref<!tpu.dma_semaphore, #tpu.memory_space<semaphore_mem>>) src(%dma_wait3A_672 : memref<80x128xf32, #tpu.memory_space<vmem>>) dst(%dma_wait3A_678 : memref<10008x128xf32, #tpu.memory_space<vmem_shared>>)
    %dma_wait3A_679 = arith.constant 1 : i32
    %dma_wait3A_680 = arith.constant 5 : i32
    %dma_wait3A_681 = arith.constant 1 : i32
    %dma_wait3A_682 = arith.constant 0 : i32
    %dma_wait3A_683 = arith.constant 0 : i32
    %dma_wait3A_684 = tpu.memref_slice %arg6[%dma_wait3A_679, %dma_wait3A_682, %dma_wait3A_683] : memref<4x80x128xf32, #tpu.memory_space<vmem>> -> memref<1x80x128xf32, #tpu.memory_space<vmem>>
    %dma_wait3A_685 = tpu.memref_squeeze %dma_wait3A_684 : memref<1x80x128xf32, #tpu.memory_space<vmem>> -> memref<80x128xf32, #tpu.memory_space<vmem>>
    %dma_wait3A_686 = arith.constant 0 : i32
    %dma_wait3A_687 = tpu.memref_slice %arg5[%dma_wait3A_680, %dma_wait3A_681, %dma_wait3A_686] : memref<8x2x80xi32, #tpu.memory_space<vmem>> -> memref<1x1x80xi32, #tpu.memory_space<vmem>>
    %dma_wait3A_688 = tpu.memref_squeeze %dma_wait3A_687 : memref<1x1x80xi32, #tpu.memory_space<vmem>> -> memref<80xi32, #tpu.memory_space<vmem>>
    %dma_wait3A_689 = arith.constant 0 : i32
    %dma_wait3A_690 = arith.constant 0 : i32
    %dma_wait3A_691 = tpu.memref_slice %arg8[%dma_wait3A_689, %dma_wait3A_690] : memref<10008x128xf32, #tpu.memory_space<vmem_shared>> -> memref<10008x128xf32, #tpu.memory_space<vmem_shared>>
    tpu.wait_indirect_dma semaphore(%arg22 : memref<!tpu.dma_semaphore, #tpu.memory_space<semaphore_mem>>) src(%dma_wait3A_685 : memref<80x128xf32, #tpu.memory_space<vmem>>) dst(%dma_wait3A_691 : memref<10008x128xf32, #tpu.memory_space<vmem_shared>>)
    %dma_wait3A_692 = arith.constant 2 : i32
    %dma_wait3A_693 = arith.constant 6 : i32
    %dma_wait3A_694 = arith.constant 1 : i32
    %dma_wait3A_695 = arith.constant 0 : i32
    %dma_wait3A_696 = arith.constant 0 : i32
    %dma_wait3A_697 = tpu.memref_slice %arg6[%dma_wait3A_692, %dma_wait3A_695, %dma_wait3A_696] : memref<4x80x128xf32, #tpu.memory_space<vmem>> -> memref<1x80x128xf32, #tpu.memory_space<vmem>>
    %dma_wait3A_698 = tpu.memref_squeeze %dma_wait3A_697 : memref<1x80x128xf32, #tpu.memory_space<vmem>> -> memref<80x128xf32, #tpu.memory_space<vmem>>
    %dma_wait3A_699 = arith.constant 0 : i32
    %dma_wait3A_700 = tpu.memref_slice %arg5[%dma_wait3A_693, %dma_wait3A_694, %dma_wait3A_699] : memref<8x2x80xi32, #tpu.memory_space<vmem>> -> memref<1x1x80xi32, #tpu.memory_space<vmem>>
    %dma_wait3A_701 = tpu.memref_squeeze %dma_wait3A_700 : memref<1x1x80xi32, #tpu.memory_space<vmem>> -> memref<80xi32, #tpu.memory_space<vmem>>
    %dma_wait3A_702 = arith.constant 0 : i32
    %dma_wait3A_703 = arith.constant 0 : i32
    %dma_wait3A_704 = tpu.memref_slice %arg8[%dma_wait3A_702, %dma_wait3A_703] : memref<10008x128xf32, #tpu.memory_space<vmem_shared>> -> memref<10008x128xf32, #tpu.memory_space<vmem_shared>>
    tpu.wait_indirect_dma semaphore(%arg23 : memref<!tpu.dma_semaphore, #tpu.memory_space<semaphore_mem>>) src(%dma_wait3A_698 : memref<80x128xf32, #tpu.memory_space<vmem>>) dst(%dma_wait3A_704 : memref<10008x128xf32, #tpu.memory_space<vmem_shared>>)
    %dma_wait3A_705 = arith.constant 3 : i32
    %dma_wait3A_706 = arith.constant 7 : i32
    %dma_wait3A_707 = arith.constant 1 : i32
    %dma_wait3A_708 = arith.constant 0 : i32
    %dma_wait3A_709 = arith.constant 0 : i32
    %dma_wait3A_710 = tpu.memref_slice %arg6[%dma_wait3A_705, %dma_wait3A_708, %dma_wait3A_709] : memref<4x80x128xf32, #tpu.memory_space<vmem>> -> memref<1x80x128xf32, #tpu.memory_space<vmem>>
    %dma_wait3A_711 = tpu.memref_squeeze %dma_wait3A_710 : memref<1x80x128xf32, #tpu.memory_space<vmem>> -> memref<80x128xf32, #tpu.memory_space<vmem>>
    %dma_wait3A_712 = arith.constant 0 : i32
    %dma_wait3A_713 = tpu.memref_slice %arg5[%dma_wait3A_706, %dma_wait3A_707, %dma_wait3A_712] : memref<8x2x80xi32, #tpu.memory_space<vmem>> -> memref<1x1x80xi32, #tpu.memory_space<vmem>>
    %dma_wait3A_714 = tpu.memref_squeeze %dma_wait3A_713 : memref<1x1x80xi32, #tpu.memory_space<vmem>> -> memref<80xi32, #tpu.memory_space<vmem>>
    %dma_wait3A_715 = arith.constant 0 : i32
    %dma_wait3A_716 = arith.constant 0 : i32
    %dma_wait3A_717 = tpu.memref_slice %arg8[%dma_wait3A_715, %dma_wait3A_716] : memref<10008x128xf32, #tpu.memory_space<vmem_shared>> -> memref<10008x128xf32, #tpu.memory_space<vmem_shared>>
    tpu.wait_indirect_dma semaphore(%arg24 : memref<!tpu.dma_semaphore, #tpu.memory_space<semaphore_mem>>) src(%dma_wait3A_711 : memref<80x128xf32, #tpu.memory_space<vmem>>) dst(%dma_wait3A_717 : memref<10008x128xf32, #tpu.memory_space<vmem_shared>>)
    %barrier3A_718 = arith.constant 0 : index
    tpu.barrier barrier_id(%barrier3A_718)
    %lt3A_719 = arith.constant 15 : i32
    %lt3A_720 = arith.cmpi slt, %arg1, %lt3A_719 : i32
    %convert_element_type3A_721 = arith.extui %lt3A_720 : i1 to i32
    %cond3A_722 = arith.constant 0 : i32
    %cond3A_723 = arith.cmpi ne, %convert_element_type3A_721, %cond3A_722 : i32
    scf.if %cond3A_723 {
      %mul3A = arith.constant 640 : i32
      %mul3A_729 = arith.muli %arg1, %mul3A : i32
      %mul3A_730 = arith.constant 640 : i32
      %mul3A_731 = arith.muli %arg1, %mul3A_730 : i32
      "tpu.region"() ({
        %run_scoped3A_732 = tpu.sem_alloc : memref<!tpu.dma_semaphore, #tpu.memory_space<semaphore_mem>>
        %dma_start3A_733 = arith.constant 0 : i32
        %dma_start3A_734 = tpu.memref_slice %arg4[%arg0, %mul3A_731, %dma_start3A_733] : memref<2x10000x128xf32, #tpu.memory_space<hbm>> -> memref<1x640x128xf32, #tpu.memory_space<hbm>>
        %dma_start3A_735 = tpu.memref_squeeze %dma_start3A_734 : memref<1x640x128xf32, #tpu.memory_space<hbm>> -> memref<640x128xf32, #tpu.memory_space<hbm>>
        %dma_start3A_736 = arith.constant 0 : i32
        %dma_start3A_737 = tpu.memref_slice %arg8[%mul3A_729, %dma_start3A_736] : memref<10008x128xf32, #tpu.memory_space<vmem_shared>> -> memref<640x128xf32, #tpu.memory_space<vmem_shared>>
        tpu.enqueue_dma source(%dma_start3A_737 : memref<640x128xf32, #tpu.memory_space<vmem_shared>>) target(%dma_start3A_735 : memref<640x128xf32, #tpu.memory_space<hbm>>) target_semaphore(%run_scoped3A_732 : memref<!tpu.dma_semaphore, #tpu.memory_space<semaphore_mem>>)
        %dma_wait3A_738 = arith.constant 0 : i32
        %dma_wait3A_739 = tpu.memref_slice %arg4[%arg0, %mul3A_731, %dma_wait3A_738] : memref<2x10000x128xf32, #tpu.memory_space<hbm>> -> memref<1x640x128xf32, #tpu.memory_space<hbm>>
        %dma_wait3A_740 = tpu.memref_squeeze %dma_wait3A_739 : memref<1x640x128xf32, #tpu.memory_space<hbm>> -> memref<640x128xf32, #tpu.memory_space<hbm>>
        %dma_wait3A_741 = arith.constant 0 : i32
        %dma_wait3A_742 = tpu.memref_slice %arg8[%mul3A_729, %dma_wait3A_741] : memref<10008x128xf32, #tpu.memory_space<vmem_shared>> -> memref<640x128xf32, #tpu.memory_space<vmem_shared>>
        tpu.wait_dma2 semaphore(%run_scoped3A_732 : memref<!tpu.dma_semaphore, #tpu.memory_space<semaphore_mem>>) src(%dma_wait3A_742 : memref<640x128xf32, #tpu.memory_space<vmem_shared>>) dst(%dma_wait3A_740 : memref<640x128xf32, #tpu.memory_space<hbm>>)
        tpu.yield
      }) : () -> ()
    } else {
    }
    %eq3A_724 = arith.constant 15 : i32
    %eq3A_725 = arith.cmpi eq, %arg1, %eq3A_724 : i32
    %convert_element_type3A_726 = arith.extui %eq3A_725 : i1 to i32
    %cond3A_727 = arith.constant 0 : i32
    %cond3A_728 = arith.cmpi ne, %convert_element_type3A_726, %cond3A_727 : i32
    scf.if %cond3A_728 {
      "tpu.region"() ({
        %run_scoped3A_729 = tpu.sem_alloc : memref<!tpu.dma_semaphore, #tpu.memory_space<semaphore_mem>>
        %dma_start3A_730 = arith.constant 9600 : i32
        %dma_start3A_731 = arith.constant 0 : i32
        %dma_start3A_732 = tpu.memref_slice %arg4[%arg0, %dma_start3A_730, %dma_start3A_731] : memref<2x10000x128xf32, #tpu.memory_space<hbm>> -> memref<1x400x128xf32, #tpu.memory_space<hbm>>
        %dma_start3A_733 = tpu.memref_squeeze %dma_start3A_732 : memref<1x400x128xf32, #tpu.memory_space<hbm>> -> memref<400x128xf32, #tpu.memory_space<hbm>>
        %dma_start3A_734 = arith.constant 9600 : i32
        %dma_start3A_735 = arith.constant 0 : i32
        %dma_start3A_736 = tpu.memref_slice %arg8[%dma_start3A_734, %dma_start3A_735] : memref<10008x128xf32, #tpu.memory_space<vmem_shared>> -> memref<400x128xf32, #tpu.memory_space<vmem_shared>>
        tpu.enqueue_dma source(%dma_start3A_736 : memref<400x128xf32, #tpu.memory_space<vmem_shared>>) target(%dma_start3A_733 : memref<400x128xf32, #tpu.memory_space<hbm>>) target_semaphore(%run_scoped3A_729 : memref<!tpu.dma_semaphore, #tpu.memory_space<semaphore_mem>>)
        %dma_wait3A_737 = arith.constant 9600 : i32
        %dma_wait3A_738 = arith.constant 0 : i32
        %dma_wait3A_739 = tpu.memref_slice %arg4[%arg0, %dma_wait3A_737, %dma_wait3A_738] : memref<2x10000x128xf32, #tpu.memory_space<hbm>> -> memref<1x400x128xf32, #tpu.memory_space<hbm>>
        %dma_wait3A_740 = tpu.memref_squeeze %dma_wait3A_739 : memref<1x400x128xf32, #tpu.memory_space<hbm>> -> memref<400x128xf32, #tpu.memory_space<hbm>>
        %dma_wait3A_741 = arith.constant 9600 : i32
        %dma_wait3A_742 = arith.constant 0 : i32
        %dma_wait3A_743 = tpu.memref_slice %arg8[%dma_wait3A_741, %dma_wait3A_742] : memref<10008x128xf32, #tpu.memory_space<vmem_shared>> -> memref<400x128xf32, #tpu.memory_space<vmem_shared>>
        tpu.wait_dma2 semaphore(%run_scoped3A_729 : memref<!tpu.dma_semaphore, #tpu.memory_space<semaphore_mem>>) src(%dma_wait3A_743 : memref<400x128xf32, #tpu.memory_space<vmem_shared>>) dst(%dma_wait3A_740 : memref<400x128xf32, #tpu.memory_space<hbm>>)
        tpu.yield
      }) : () -> ()
    } else {
    }
    return
  }
}

#map = affine_map<(d0, d1) -> (0, 0)>
#map1 = affine_map<(d0, d1) -> (0, 0, 0, 0, 0)>
#map2 = affine_map<(d0, d1) -> (0, 0, 0)>
module attributes {stable_mosaic.version = 14 : i64} {
  func.func @_seg_body(%arg0: i32, %arg1: i32, %arg2: memref<20000x128xf32, #tpu.memory_space<hbm>>, %arg3: memref<2x16x128x2x80xi32, #tpu.memory_space<hbm>>, %arg4: memref<2x10000x128xf32, #tpu.memory_space<hbm>>, %arg5: memref<8x2x80xi32, #tpu.memory_space<vmem>>, %arg6: memref<4x80x128xf32, #tpu.memory_space<vmem>>, %arg7: memref<8x128xf32, #tpu.memory_space<vmem>>, %arg8: memref<10008x128xf32, #tpu.memory_space<vmem_shared>>, %arg9: memref<!tpu.dma_semaphore, #tpu.memory_space<semaphore_mem>>, %arg10: memref<!tpu.dma_semaphore, #tpu.memory_space<semaphore_mem>>, %arg11: memref<!tpu.dma_semaphore, #tpu.memory_space<semaphore_mem>>, %arg12: memref<!tpu.dma_semaphore, #tpu.memory_space<semaphore_mem>>, %arg13: memref<!tpu.dma_semaphore, #tpu.memory_space<semaphore_mem>>, %arg14: memref<!tpu.dma_semaphore, #tpu.memory_space<semaphore_mem>>, %arg15: memref<!tpu.dma_semaphore, #tpu.memory_space<semaphore_mem>>, %arg16: memref<!tpu.dma_semaphore, #tpu.memory_space<semaphore_mem>>, %arg17: memref<!tpu.dma_semaphore, #tpu.memory_space<semaphore_mem>>, %arg18: memref<!tpu.dma_semaphore, #tpu.memory_space<semaphore_mem>>, %arg19: memref<!tpu.dma_semaphore, #tpu.memory_space<semaphore_mem>>, %arg20: memref<!tpu.dma_semaphore, #tpu.memory_space<semaphore_mem>>, %arg21: memref<!tpu.dma_semaphore, #tpu.memory_space<semaphore_mem>>, %arg22: memref<!tpu.dma_semaphore, #tpu.memory_space<semaphore_mem>>, %arg23: memref<!tpu.dma_semaphore, #tpu.memory_space<semaphore_mem>>, %arg24: memref<!tpu.dma_semaphore, #tpu.memory_space<semaphore_mem>>) attributes {dimension_semantics = [#tpu.dimension_semantics<core_parallel>, #tpu.dimension_semantics<subcore_parallel>], iteration_bounds = array<i64: 2, 16>, scalar_prefetch = 0 : i64, scratch_operands = 20 : i64, tpu.core_type = #tpu.core_type<sc_vector_subcore>, window_params = [{transform_indices = #map}, {transform_indices = #map1}, {transform_indices = #map2}]} {
    %run_scoped3A = arith.constant 0 : i32
    %run_scoped3A_0 = arith.constant 0 : i32
    "tpu.region"() ({
      %run_scoped3A_729 = tpu.sem_alloc : memref<!tpu.dma_semaphore, #tpu.memory_space<semaphore_mem>>
      %dma_start3A_730 = arith.constant 0 : i32
      %dma_start3A_731 = arith.constant 0 : i32
      %dma_start3A_732 = tpu.memref_slice %arg5[%run_scoped3A_0, %dma_start3A_730, %dma_start3A_731] : memref<8x2x80xi32, #tpu.memory_space<vmem>> -> memref<1x2x80xi32, #tpu.memory_space<vmem>>
      %dma_start3A_733 = tpu.memref_squeeze %dma_start3A_732 : memref<1x2x80xi32, #tpu.memory_space<vmem>> -> memref<2x80xi32, #tpu.memory_space<vmem>>
      %dma_start3A_734 = arith.constant 0 : i32
      %dma_start3A_735 = arith.constant 0 : i32
      %dma_start3A_736 = tpu.memref_slice %arg3[%arg0, %arg1, %run_scoped3A, %dma_start3A_734, %dma_start3A_735] : memref<2x16x128x2x80xi32, #tpu.memory_space<hbm>> -> memref<1x1x1x2x80xi32, #tpu.memory_space<hbm>>
      %dma_start3A_737 = tpu.memref_squeeze %dma_start3A_736 : memref<1x1x1x2x80xi32, #tpu.memory_space<hbm>> -> memref<2x80xi32, #tpu.memory_space<hbm>>
      %dma_start3A_738 = arith.constant 0 : i32
      %dma_start3A_739 = arith.constant 0 : i32
      %dma_start3A_740 = tpu.memref_slice %arg5[%run_scoped3A_0, %dma_start3A_738, %dma_start3A_739] : memref<8x2x80xi32, #tpu.memory_space<vmem>> -> memref<1x2x80xi32, #tpu.memory_space<vmem>>
      %dma_start3A_741 = tpu.memref_squeeze %dma_start3A_740 : memref<1x2x80xi32, #tpu.memory_space<vmem>> -> memref<2x80xi32, #tpu.memory_space<vmem>>
      %dma_start3A_742 = arith.constant 0 : i32
      %dma_start3A_743 = arith.constant 0 : i32
      %dma_start3A_744 = tpu.memref_slice %arg3[%arg0, %arg1, %run_scoped3A, %dma_start3A_742, %dma_start3A_743] : memref<2x16x128x2x80xi32, #tpu.memory_space<hbm>> -> memref<1x1x1x2x80xi32, #tpu.memory_space<hbm>>
      %dma_start3A_745 = tpu.memref_squeeze %dma_start3A_744 : memref<1x1x1x2x80xi32, #tpu.memory_space<hbm>> -> memref<2x80xi32, #tpu.memory_space<hbm>>
      tpu.enqueue_dma source(%dma_start3A_745 : memref<2x80xi32, #tpu.memory_space<hbm>>) target(%dma_start3A_741 : memref<2x80xi32, #tpu.memory_space<vmem>>) target_semaphore(%run_scoped3A_729 : memref<!tpu.dma_semaphore, #tpu.memory_space<semaphore_mem>>)
      %dma_wait3A_746 = arith.constant 0 : i32
      %dma_wait3A_747 = arith.constant 0 : i32
      %dma_wait3A_748 = tpu.memref_slice %arg5[%run_scoped3A_0, %dma_wait3A_746, %dma_wait3A_747] : memref<8x2x80xi32, #tpu.memory_space<vmem>> -> memref<1x2x80xi32, #tpu.memory_space<vmem>>
      %dma_wait3A_749 = tpu.memref_squeeze %dma_wait3A_748 : memref<1x2x80xi32, #tpu.memory_space<vmem>> -> memref<2x80xi32, #tpu.memory_space<vmem>>
      %dma_wait3A_750 = arith.constant 0 : i32
      %dma_wait3A_751 = arith.constant 0 : i32
      %dma_wait3A_752 = tpu.memref_slice %arg3[%arg0, %arg1, %run_scoped3A, %dma_wait3A_750, %dma_wait3A_751] : memref<2x16x128x2x80xi32, #tpu.memory_space<hbm>> -> memref<1x1x1x2x80xi32, #tpu.memory_space<hbm>>
      %dma_wait3A_753 = tpu.memref_squeeze %dma_wait3A_752 : memref<1x1x1x2x80xi32, #tpu.memory_space<hbm>> -> memref<2x80xi32, #tpu.memory_space<hbm>>
      %dma_wait3A_754 = arith.constant 0 : i32
      %dma_wait3A_755 = arith.constant 0 : i32
      %dma_wait3A_756 = tpu.memref_slice %arg5[%run_scoped3A_0, %dma_wait3A_754, %dma_wait3A_755] : memref<8x2x80xi32, #tpu.memory_space<vmem>> -> memref<1x2x80xi32, #tpu.memory_space<vmem>>
      %dma_wait3A_757 = tpu.memref_squeeze %dma_wait3A_756 : memref<1x2x80xi32, #tpu.memory_space<vmem>> -> memref<2x80xi32, #tpu.memory_space<vmem>>
      %dma_wait3A_758 = arith.constant 0 : i32
      %dma_wait3A_759 = arith.constant 0 : i32
      %dma_wait3A_760 = tpu.memref_slice %arg3[%arg0, %arg1, %run_scoped3A, %dma_wait3A_758, %dma_wait3A_759] : memref<2x16x128x2x80xi32, #tpu.memory_space<hbm>> -> memref<1x1x1x2x80xi32, #tpu.memory_space<hbm>>
      %dma_wait3A_761 = tpu.memref_squeeze %dma_wait3A_760 : memref<1x1x1x2x80xi32, #tpu.memory_space<hbm>> -> memref<2x80xi32, #tpu.memory_space<hbm>>
      tpu.wait_dma2 semaphore(%run_scoped3A_729 : memref<!tpu.dma_semaphore, #tpu.memory_space<semaphore_mem>>) src(%dma_wait3A_761 : memref<2x80xi32, #tpu.memory_space<hbm>>) dst(%dma_wait3A_757 : memref<2x80xi32, #tpu.memory_space<vmem>>)
      tpu.yield
    }) : () -> ()
    %dma_start3A = arith.constant 1 : i32
    %dma_start3A_1 = arith.constant 1 : i32
    %dma_start3A_2 = arith.constant 0 : i32
    %dma_start3A_3 = arith.constant 0 : i32
    %dma_start3A_4 = tpu.memref_slice %arg5[%dma_start3A_1, %dma_start3A_2, %dma_start3A_3] : memref<8x2x80xi32, #tpu.memory_space<vmem>> -> memref<1x2x80xi32, #tpu.memory_space<vmem>>
    %dma_start3A_5 = tpu.memref_squeeze %dma_start3A_4 : memref<1x2x80xi32, #tpu.memory_space<vmem>> -> memref<2x80xi32, #tpu.memory_space<vmem>>
    %dma_start3A_6 = arith.constant 0 : i32
    %dma_start3A_7 = arith.constant 0 : i32
    %dma_start3A_8 = tpu.memref_slice %arg3[%arg0, %arg1, %dma_start3A, %dma_start3A_6, %dma_start3A_7] : memref<2x16x128x2x80xi32, #tpu.memory_space<hbm>> -> memref<1x1x1x2x80xi32, #tpu.memory_space<hbm>>
    %dma_start3A_9 = tpu.memref_squeeze %dma_start3A_8 : memref<1x1x1x2x80xi32, #tpu.memory_space<hbm>> -> memref<2x80xi32, #tpu.memory_space<hbm>>
    %dma_start3A_10 = arith.constant 0 : i32
    %dma_start3A_11 = arith.constant 0 : i32
    %dma_start3A_12 = tpu.memref_slice %arg5[%dma_start3A_1, %dma_start3A_10, %dma_start3A_11] : memref<8x2x80xi32, #tpu.memory_space<vmem>> -> memref<1x2x80xi32, #tpu.memory_space<vmem>>
    %dma_start3A_13 = tpu.memref_squeeze %dma_start3A_12 : memref<1x2x80xi32, #tpu.memory_space<vmem>> -> memref<2x80xi32, #tpu.memory_space<vmem>>
    %dma_start3A_14 = arith.constant 0 : i32
    %dma_start3A_15 = arith.constant 0 : i32
    %dma_start3A_16 = tpu.memref_slice %arg3[%arg0, %arg1, %dma_start3A, %dma_start3A_14, %dma_start3A_15] : memref<2x16x128x2x80xi32, #tpu.memory_space<hbm>> -> memref<1x1x1x2x80xi32, #tpu.memory_space<hbm>>
    %dma_start3A_17 = tpu.memref_squeeze %dma_start3A_16 : memref<1x1x1x2x80xi32, #tpu.memory_space<hbm>> -> memref<2x80xi32, #tpu.memory_space<hbm>>
    tpu.enqueue_dma source(%dma_start3A_17 : memref<2x80xi32, #tpu.memory_space<hbm>>) target(%dma_start3A_13 : memref<2x80xi32, #tpu.memory_space<vmem>>) target_semaphore(%arg10 : memref<!tpu.dma_semaphore, #tpu.memory_space<semaphore_mem>>)
    %dma_start3A_18 = arith.constant 2 : i32
    %dma_start3A_19 = arith.constant 2 : i32
    %dma_start3A_20 = arith.constant 0 : i32
    %dma_start3A_21 = arith.constant 0 : i32
    %dma_start3A_22 = tpu.memref_slice %arg5[%dma_start3A_19, %dma_start3A_20, %dma_start3A_21] : memref<8x2x80xi32, #tpu.memory_space<vmem>> -> memref<1x2x80xi32, #tpu.memory_space<vmem>>
    %dma_start3A_23 = tpu.memref_squeeze %dma_start3A_22 : memref<1x2x80xi32, #tpu.memory_space<vmem>> -> memref<2x80xi32, #tpu.memory_space<vmem>>
    %dma_start3A_24 = arith.constant 0 : i32
    %dma_start3A_25 = arith.constant 0 : i32
    %dma_start3A_26 = tpu.memref_slice %arg3[%arg0, %arg1, %dma_start3A_18, %dma_start3A_24, %dma_start3A_25] : memref<2x16x128x2x80xi32, #tpu.memory_space<hbm>> -> memref<1x1x1x2x80xi32, #tpu.memory_space<hbm>>
    %dma_start3A_27 = tpu.memref_squeeze %dma_start3A_26 : memref<1x1x1x2x80xi32, #tpu.memory_space<hbm>> -> memref<2x80xi32, #tpu.memory_space<hbm>>
    %dma_start3A_28 = arith.constant 0 : i32
    %dma_start3A_29 = arith.constant 0 : i32
    %dma_start3A_30 = tpu.memref_slice %arg5[%dma_start3A_19, %dma_start3A_28, %dma_start3A_29] : memref<8x2x80xi32, #tpu.memory_space<vmem>> -> memref<1x2x80xi32, #tpu.memory_space<vmem>>
    %dma_start3A_31 = tpu.memref_squeeze %dma_start3A_30 : memref<1x2x80xi32, #tpu.memory_space<vmem>> -> memref<2x80xi32, #tpu.memory_space<vmem>>
    %dma_start3A_32 = arith.constant 0 : i32
    %dma_start3A_33 = arith.constant 0 : i32
    %dma_start3A_34 = tpu.memref_slice %arg3[%arg0, %arg1, %dma_start3A_18, %dma_start3A_32, %dma_start3A_33] : memref<2x16x128x2x80xi32, #tpu.memory_space<hbm>> -> memref<1x1x1x2x80xi32, #tpu.memory_space<hbm>>
    %dma_start3A_35 = tpu.memref_squeeze %dma_start3A_34 : memref<1x1x1x2x80xi32, #tpu.memory_space<hbm>> -> memref<2x80xi32, #tpu.memory_space<hbm>>
    tpu.enqueue_dma source(%dma_start3A_35 : memref<2x80xi32, #tpu.memory_space<hbm>>) target(%dma_start3A_31 : memref<2x80xi32, #tpu.memory_space<vmem>>) target_semaphore(%arg11 : memref<!tpu.dma_semaphore, #tpu.memory_space<semaphore_mem>>)
    %dma_start3A_36 = arith.constant 3 : i32
    %dma_start3A_37 = arith.constant 3 : i32
    %dma_start3A_38 = arith.constant 0 : i32
    %dma_start3A_39 = arith.constant 0 : i32
    %dma_start3A_40 = tpu.memref_slice %arg5[%dma_start3A_37, %dma_start3A_38, %dma_start3A_39] : memref<8x2x80xi32, #tpu.memory_space<vmem>> -> memref<1x2x80xi32, #tpu.memory_space<vmem>>
    %dma_start3A_41 = tpu.memref_squeeze %dma_start3A_40 : memref<1x2x80xi32, #tpu.memory_space<vmem>> -> memref<2x80xi32, #tpu.memory_space<vmem>>
    %dma_start3A_42 = arith.constant 0 : i32
    %dma_start3A_43 = arith.constant 0 : i32
    %dma_start3A_44 = tpu.memref_slice %arg3[%arg0, %arg1, %dma_start3A_36, %dma_start3A_42, %dma_start3A_43] : memref<2x16x128x2x80xi32, #tpu.memory_space<hbm>> -> memref<1x1x1x2x80xi32, #tpu.memory_space<hbm>>
    %dma_start3A_45 = tpu.memref_squeeze %dma_start3A_44 : memref<1x1x1x2x80xi32, #tpu.memory_space<hbm>> -> memref<2x80xi32, #tpu.memory_space<hbm>>
    %dma_start3A_46 = arith.constant 0 : i32
    %dma_start3A_47 = arith.constant 0 : i32
    %dma_start3A_48 = tpu.memref_slice %arg5[%dma_start3A_37, %dma_start3A_46, %dma_start3A_47] : memref<8x2x80xi32, #tpu.memory_space<vmem>> -> memref<1x2x80xi32, #tpu.memory_space<vmem>>
    %dma_start3A_49 = tpu.memref_squeeze %dma_start3A_48 : memref<1x2x80xi32, #tpu.memory_space<vmem>> -> memref<2x80xi32, #tpu.memory_space<vmem>>
    %dma_start3A_50 = arith.constant 0 : i32
    %dma_start3A_51 = arith.constant 0 : i32
    %dma_start3A_52 = tpu.memref_slice %arg3[%arg0, %arg1, %dma_start3A_36, %dma_start3A_50, %dma_start3A_51] : memref<2x16x128x2x80xi32, #tpu.memory_space<hbm>> -> memref<1x1x1x2x80xi32, #tpu.memory_space<hbm>>
    %dma_start3A_53 = tpu.memref_squeeze %dma_start3A_52 : memref<1x1x1x2x80xi32, #tpu.memory_space<hbm>> -> memref<2x80xi32, #tpu.memory_space<hbm>>
    tpu.enqueue_dma source(%dma_start3A_53 : memref<2x80xi32, #tpu.memory_space<hbm>>) target(%dma_start3A_49 : memref<2x80xi32, #tpu.memory_space<vmem>>) target_semaphore(%arg12 : memref<!tpu.dma_semaphore, #tpu.memory_space<semaphore_mem>>)
    %dma_start3A_54 = arith.constant 4 : i32
    %dma_start3A_55 = arith.constant 4 : i32
    %dma_start3A_56 = arith.constant 0 : i32
    %dma_start3A_57 = arith.constant 0 : i32
    %dma_start3A_58 = tpu.memref_slice %arg5[%dma_start3A_55, %dma_start3A_56, %dma_start3A_57] : memref<8x2x80xi32, #tpu.memory_space<vmem>> -> memref<1x2x80xi32, #tpu.memory_space<vmem>>
    %dma_start3A_59 = tpu.memref_squeeze %dma_start3A_58 : memref<1x2x80xi32, #tpu.memory_space<vmem>> -> memref<2x80xi32, #tpu.memory_space<vmem>>
    %dma_start3A_60 = arith.constant 0 : i32
    %dma_start3A_61 = arith.constant 0 : i32
    %dma_start3A_62 = tpu.memref_slice %arg3[%arg0, %arg1, %dma_start3A_54, %dma_start3A_60, %dma_start3A_61] : memref<2x16x128x2x80xi32, #tpu.memory_space<hbm>> -> memref<1x1x1x2x80xi32, #tpu.memory_space<hbm>>
    %dma_start3A_63 = tpu.memref_squeeze %dma_start3A_62 : memref<1x1x1x2x80xi32, #tpu.memory_space<hbm>> -> memref<2x80xi32, #tpu.memory_space<hbm>>
    %dma_start3A_64 = arith.constant 0 : i32
    %dma_start3A_65 = arith.constant 0 : i32
    %dma_start3A_66 = tpu.memref_slice %arg5[%dma_start3A_55, %dma_start3A_64, %dma_start3A_65] : memref<8x2x80xi32, #tpu.memory_space<vmem>> -> memref<1x2x80xi32, #tpu.memory_space<vmem>>
    %dma_start3A_67 = tpu.memref_squeeze %dma_start3A_66 : memref<1x2x80xi32, #tpu.memory_space<vmem>> -> memref<2x80xi32, #tpu.memory_space<vmem>>
    %dma_start3A_68 = arith.constant 0 : i32
    %dma_start3A_69 = arith.constant 0 : i32
    %dma_start3A_70 = tpu.memref_slice %arg3[%arg0, %arg1, %dma_start3A_54, %dma_start3A_68, %dma_start3A_69] : memref<2x16x128x2x80xi32, #tpu.memory_space<hbm>> -> memref<1x1x1x2x80xi32, #tpu.memory_space<hbm>>
    %dma_start3A_71 = tpu.memref_squeeze %dma_start3A_70 : memref<1x1x1x2x80xi32, #tpu.memory_space<hbm>> -> memref<2x80xi32, #tpu.memory_space<hbm>>
    tpu.enqueue_dma source(%dma_start3A_71 : memref<2x80xi32, #tpu.memory_space<hbm>>) target(%dma_start3A_67 : memref<2x80xi32, #tpu.memory_space<vmem>>) target_semaphore(%arg13 : memref<!tpu.dma_semaphore, #tpu.memory_space<semaphore_mem>>)
    %dma_start3A_72 = arith.constant 0 : i32
    %dma_start3A_73 = arith.constant 0 : i32
    %dma_start3A_74 = arith.constant 0 : i32
    %dma_start3A_75 = arith.constant 0 : i32
    %dma_start3A_76 = arith.constant 0 : i32
    %dma_start3A_77 = tpu.memref_slice %arg6[%dma_start3A_74, %dma_start3A_75, %dma_start3A_76] : memref<4x80x128xf32, #tpu.memory_space<vmem>> -> memref<1x80x128xf32, #tpu.memory_space<vmem>>
    %dma_start3A_78 = tpu.memref_squeeze %dma_start3A_77 : memref<1x80x128xf32, #tpu.memory_space<vmem>> -> memref<80x128xf32, #tpu.memory_space<vmem>>
    %dma_start3A_79 = arith.constant 0 : i32
    %dma_start3A_80 = tpu.memref_slice %arg5[%dma_start3A_72, %dma_start3A_73, %dma_start3A_79] : memref<8x2x80xi32, #tpu.memory_space<vmem>> -> memref<1x1x80xi32, #tpu.memory_space<vmem>>
    %dma_start3A_81 = tpu.memref_squeeze %dma_start3A_80 : memref<1x1x80xi32, #tpu.memory_space<vmem>> -> memref<80xi32, #tpu.memory_space<vmem>>
    %dma_start3A_82 = arith.constant 0 : i32
    %dma_start3A_83 = arith.constant 0 : i32
    %dma_start3A_84 = tpu.memref_slice %arg2[%dma_start3A_82, %dma_start3A_83] : memref<20000x128xf32, #tpu.memory_space<hbm>> -> memref<20000x128xf32, #tpu.memory_space<hbm>>
    tpu.enqueue_indirect_dma source(%dma_start3A_84 : memref<20000x128xf32, #tpu.memory_space<hbm>>) target(%dma_start3A_78 : memref<80x128xf32, #tpu.memory_space<vmem>>) offsets(%dma_start3A_81 : memref<80xi32, #tpu.memory_space<vmem>>) semaphore(%arg17 : memref<!tpu.dma_semaphore, #tpu.memory_space<semaphore_mem>>)
    %dma_wait3A = arith.constant 1 : i32
    %dma_wait3A_85 = arith.constant 1 : i32
    %dma_wait3A_86 = arith.constant 0 : i32
    %dma_wait3A_87 = arith.constant 0 : i32
    %dma_wait3A_88 = tpu.memref_slice %arg5[%dma_wait3A_85, %dma_wait3A_86, %dma_wait3A_87] : memref<8x2x80xi32, #tpu.memory_space<vmem>> -> memref<1x2x80xi32, #tpu.memory_space<vmem>>
    %dma_wait3A_89 = tpu.memref_squeeze %dma_wait3A_88 : memref<1x2x80xi32, #tpu.memory_space<vmem>> -> memref<2x80xi32, #tpu.memory_space<vmem>>
    %dma_wait3A_90 = arith.constant 0 : i32
    %dma_wait3A_91 = arith.constant 0 : i32
    %dma_wait3A_92 = tpu.memref_slice %arg3[%arg0, %arg1, %dma_wait3A, %dma_wait3A_90, %dma_wait3A_91] : memref<2x16x128x2x80xi32, #tpu.memory_space<hbm>> -> memref<1x1x1x2x80xi32, #tpu.memory_space<hbm>>
    %dma_wait3A_93 = tpu.memref_squeeze %dma_wait3A_92 : memref<1x1x1x2x80xi32, #tpu.memory_space<hbm>> -> memref<2x80xi32, #tpu.memory_space<hbm>>
    %dma_wait3A_94 = arith.constant 0 : i32
    %dma_wait3A_95 = arith.constant 0 : i32
    %dma_wait3A_96 = tpu.memref_slice %arg5[%dma_wait3A_85, %dma_wait3A_94, %dma_wait3A_95] : memref<8x2x80xi32, #tpu.memory_space<vmem>> -> memref<1x2x80xi32, #tpu.memory_space<vmem>>
    %dma_wait3A_97 = tpu.memref_squeeze %dma_wait3A_96 : memref<1x2x80xi32, #tpu.memory_space<vmem>> -> memref<2x80xi32, #tpu.memory_space<vmem>>
    %dma_wait3A_98 = arith.constant 0 : i32
    %dma_wait3A_99 = arith.constant 0 : i32
    %dma_wait3A_100 = tpu.memref_slice %arg3[%arg0, %arg1, %dma_wait3A, %dma_wait3A_98, %dma_wait3A_99] : memref<2x16x128x2x80xi32, #tpu.memory_space<hbm>> -> memref<1x1x1x2x80xi32, #tpu.memory_space<hbm>>
    %dma_wait3A_101 = tpu.memref_squeeze %dma_wait3A_100 : memref<1x1x1x2x80xi32, #tpu.memory_space<hbm>> -> memref<2x80xi32, #tpu.memory_space<hbm>>
    tpu.wait_dma2 semaphore(%arg10 : memref<!tpu.dma_semaphore, #tpu.memory_space<semaphore_mem>>) src(%dma_wait3A_101 : memref<2x80xi32, #tpu.memory_space<hbm>>) dst(%dma_wait3A_97 : memref<2x80xi32, #tpu.memory_space<vmem>>)
    %dma_start3A_102 = arith.constant 1 : i32
    %dma_start3A_103 = arith.constant 0 : i32
    %dma_start3A_104 = arith.constant 1 : i32
    %dma_start3A_105 = arith.constant 0 : i32
    %dma_start3A_106 = arith.constant 0 : i32
    %dma_start3A_107 = tpu.memref_slice %arg6[%dma_start3A_104, %dma_start3A_105, %dma_start3A_106] : memref<4x80x128xf32, #tpu.memory_space<vmem>> -> memref<1x80x128xf32, #tpu.memory_space<vmem>>
    %dma_start3A_108 = tpu.memref_squeeze %dma_start3A_107 : memref<1x80x128xf32, #tpu.memory_space<vmem>> -> memref<80x128xf32, #tpu.memory_space<vmem>>
    %dma_start3A_109 = arith.constant 0 : i32
    %dma_start3A_110 = tpu.memref_slice %arg5[%dma_start3A_102, %dma_start3A_103, %dma_start3A_109] : memref<8x2x80xi32, #tpu.memory_space<vmem>> -> memref<1x1x80xi32, #tpu.memory_space<vmem>>
    %dma_start3A_111 = tpu.memref_squeeze %dma_start3A_110 : memref<1x1x80xi32, #tpu.memory_space<vmem>> -> memref<80xi32, #tpu.memory_space<vmem>>
    %dma_start3A_112 = arith.constant 0 : i32
    %dma_start3A_113 = arith.constant 0 : i32
    %dma_start3A_114 = tpu.memref_slice %arg2[%dma_start3A_112, %dma_start3A_113] : memref<20000x128xf32, #tpu.memory_space<hbm>> -> memref<20000x128xf32, #tpu.memory_space<hbm>>
    tpu.enqueue_indirect_dma source(%dma_start3A_114 : memref<20000x128xf32, #tpu.memory_space<hbm>>) target(%dma_start3A_108 : memref<80x128xf32, #tpu.memory_space<vmem>>) offsets(%dma_start3A_111 : memref<80xi32, #tpu.memory_space<vmem>>) semaphore(%arg18 : memref<!tpu.dma_semaphore, #tpu.memory_space<semaphore_mem>>)
    %dma_wait3A_115 = arith.constant 2 : i32
    %dma_wait3A_116 = arith.constant 2 : i32
    %dma_wait3A_117 = arith.constant 0 : i32
    %dma_wait3A_118 = arith.constant 0 : i32
    %dma_wait3A_119 = tpu.memref_slice %arg5[%dma_wait3A_116, %dma_wait3A_117, %dma_wait3A_118] : memref<8x2x80xi32, #tpu.memory_space<vmem>> -> memref<1x2x80xi32, #tpu.memory_space<vmem>>
    %dma_wait3A_120 = tpu.memref_squeeze %dma_wait3A_119 : memref<1x2x80xi32, #tpu.memory_space<vmem>> -> memref<2x80xi32, #tpu.memory_space<vmem>>
    %dma_wait3A_121 = arith.constant 0 : i32
    %dma_wait3A_122 = arith.constant 0 : i32
    %dma_wait3A_123 = tpu.memref_slice %arg3[%arg0, %arg1, %dma_wait3A_115, %dma_wait3A_121, %dma_wait3A_122] : memref<2x16x128x2x80xi32, #tpu.memory_space<hbm>> -> memref<1x1x1x2x80xi32, #tpu.memory_space<hbm>>
    %dma_wait3A_124 = tpu.memref_squeeze %dma_wait3A_123 : memref<1x1x1x2x80xi32, #tpu.memory_space<hbm>> -> memref<2x80xi32, #tpu.memory_space<hbm>>
    %dma_wait3A_125 = arith.constant 0 : i32
    %dma_wait3A_126 = arith.constant 0 : i32
    %dma_wait3A_127 = tpu.memref_slice %arg5[%dma_wait3A_116, %dma_wait3A_125, %dma_wait3A_126] : memref<8x2x80xi32, #tpu.memory_space<vmem>> -> memref<1x2x80xi32, #tpu.memory_space<vmem>>
    %dma_wait3A_128 = tpu.memref_squeeze %dma_wait3A_127 : memref<1x2x80xi32, #tpu.memory_space<vmem>> -> memref<2x80xi32, #tpu.memory_space<vmem>>
    %dma_wait3A_129 = arith.constant 0 : i32
    %dma_wait3A_130 = arith.constant 0 : i32
    %dma_wait3A_131 = tpu.memref_slice %arg3[%arg0, %arg1, %dma_wait3A_115, %dma_wait3A_129, %dma_wait3A_130] : memref<2x16x128x2x80xi32, #tpu.memory_space<hbm>> -> memref<1x1x1x2x80xi32, #tpu.memory_space<hbm>>
    %dma_wait3A_132 = tpu.memref_squeeze %dma_wait3A_131 : memref<1x1x1x2x80xi32, #tpu.memory_space<hbm>> -> memref<2x80xi32, #tpu.memory_space<hbm>>
    tpu.wait_dma2 semaphore(%arg11 : memref<!tpu.dma_semaphore, #tpu.memory_space<semaphore_mem>>) src(%dma_wait3A_132 : memref<2x80xi32, #tpu.memory_space<hbm>>) dst(%dma_wait3A_128 : memref<2x80xi32, #tpu.memory_space<vmem>>)
    %dma_start3A_133 = arith.constant 2 : i32
    %dma_start3A_134 = arith.constant 0 : i32
    %dma_start3A_135 = arith.constant 2 : i32
    %dma_start3A_136 = arith.constant 0 : i32
    %dma_start3A_137 = arith.constant 0 : i32
    %dma_start3A_138 = tpu.memref_slice %arg6[%dma_start3A_135, %dma_start3A_136, %dma_start3A_137] : memref<4x80x128xf32, #tpu.memory_space<vmem>> -> memref<1x80x128xf32, #tpu.memory_space<vmem>>
    %dma_start3A_139 = tpu.memref_squeeze %dma_start3A_138 : memref<1x80x128xf32, #tpu.memory_space<vmem>> -> memref<80x128xf32, #tpu.memory_space<vmem>>
    %dma_start3A_140 = arith.constant 0 : i32
    %dma_start3A_141 = tpu.memref_slice %arg5[%dma_start3A_133, %dma_start3A_134, %dma_start3A_140] : memref<8x2x80xi32, #tpu.memory_space<vmem>> -> memref<1x1x80xi32, #tpu.memory_space<vmem>>
    %dma_start3A_142 = tpu.memref_squeeze %dma_start3A_141 : memref<1x1x80xi32, #tpu.memory_space<vmem>> -> memref<80xi32, #tpu.memory_space<vmem>>
    %dma_start3A_143 = arith.constant 0 : i32
    %dma_start3A_144 = arith.constant 0 : i32
    %dma_start3A_145 = tpu.memref_slice %arg2[%dma_start3A_143, %dma_start3A_144] : memref<20000x128xf32, #tpu.memory_space<hbm>> -> memref<20000x128xf32, #tpu.memory_space<hbm>>
    tpu.enqueue_indirect_dma source(%dma_start3A_145 : memref<20000x128xf32, #tpu.memory_space<hbm>>) target(%dma_start3A_139 : memref<80x128xf32, #tpu.memory_space<vmem>>) offsets(%dma_start3A_142 : memref<80xi32, #tpu.memory_space<vmem>>) semaphore(%arg19 : memref<!tpu.dma_semaphore, #tpu.memory_space<semaphore_mem>>)
    %broadcast_in_dim3A = arith.constant 0.000000e+00 : f32
    %broadcast_in_dim3A_146 = vector.broadcast %broadcast_in_dim3A : f32 to vector<16xf32>
    %swap3A = arith.constant 0 : i32
    %swap3A_147 = arith.index_cast %swap3A : i32 to index
    %swap3A_148 = arith.constant 0 : index
    %swap3A_149 = tpu.vector_load %arg7[%swap3A_147, %swap3A_148] {strides = array<i32>} : memref<8x128xf32, #tpu.memory_space<vmem>>, vector<1x16xf32>,
    %swap3A_150 = vector.shape_cast %swap3A_149 : vector<1x16xf32> to vector<16xf32>
    %swap3A_151 = vector.shape_cast %broadcast_in_dim3A_146 : vector<16xf32> to vector<1x16xf32>
    tpu.vector_store %arg7[%swap3A_147, %swap3A_148], %swap3A_151 {strides = array<i32>} : memref<8x128xf32, #tpu.memory_space<vmem>>, vector<1x16xf32>,
    %broadcast_in_dim3A_152 = arith.constant 0.000000e+00 : f32
    %broadcast_in_dim3A_153 = vector.broadcast %broadcast_in_dim3A_152 : f32 to vector<16xf32>
    %swap3A_154 = arith.constant 1 : i32
    %swap3A_155 = arith.index_cast %swap3A_154 : i32 to index
    %swap3A_156 = arith.constant 0 : index
    %swap3A_157 = tpu.vector_load %arg7[%swap3A_155, %swap3A_156] {strides = array<i32>} : memref<8x128xf32, #tpu.memory_space<vmem>>, vector<1x16xf32>,
    %swap3A_158 = vector.shape_cast %swap3A_157 : vector<1x16xf32> to vector<16xf32>
    %swap3A_159 = vector.shape_cast %broadcast_in_dim3A_153 : vector<16xf32> to vector<1x16xf32>
    tpu.vector_store %arg7[%swap3A_155, %swap3A_156], %swap3A_159 {strides = array<i32>} : memref<8x128xf32, #tpu.memory_space<vmem>>, vector<1x16xf32>,
    %broadcast_in_dim3A_160 = arith.constant 0.000000e+00 : f32
    %broadcast_in_dim3A_161 = vector.broadcast %broadcast_in_dim3A_160 : f32 to vector<16xf32>
    %swap3A_162 = arith.constant 2 : i32
    %swap3A_163 = arith.index_cast %swap3A_162 : i32 to index
    %swap3A_164 = arith.constant 0 : index
    %swap3A_165 = tpu.vector_load %arg7[%swap3A_163, %swap3A_164] {strides = array<i32>} : memref<8x128xf32, #tpu.memory_space<vmem>>, vector<1x16xf32>,
    %swap3A_166 = vector.shape_cast %swap3A_165 : vector<1x16xf32> to vector<16xf32>
    %swap3A_167 = vector.shape_cast %broadcast_in_dim3A_161 : vector<16xf32> to vector<1x16xf32>
    tpu.vector_store %arg7[%swap3A_163, %swap3A_164], %swap3A_167 {strides = array<i32>} : memref<8x128xf32, #tpu.memory_space<vmem>>, vector<1x16xf32>,
    %broadcast_in_dim3A_168 = arith.constant 0.000000e+00 : f32
    %broadcast_in_dim3A_169 = vector.broadcast %broadcast_in_dim3A_168 : f32 to vector<16xf32>
    %swap3A_170 = arith.constant 3 : i32
    %swap3A_171 = arith.index_cast %swap3A_170 : i32 to index
    %swap3A_172 = arith.constant 0 : index
    %swap3A_173 = tpu.vector_load %arg7[%swap3A_171, %swap3A_172] {strides = array<i32>} : memref<8x128xf32, #tpu.memory_space<vmem>>, vector<1x16xf32>,
    %swap3A_174 = vector.shape_cast %swap3A_173 : vector<1x16xf32> to vector<16xf32>
    %swap3A_175 = vector.shape_cast %broadcast_in_dim3A_169 : vector<16xf32> to vector<1x16xf32>
    tpu.vector_store %arg7[%swap3A_171, %swap3A_172], %swap3A_175 {strides = array<i32>} : memref<8x128xf32, #tpu.memory_space<vmem>>, vector<1x16xf32>,
    %broadcast_in_dim3A_176 = arith.constant 0.000000e+00 : f32
    %broadcast_in_dim3A_177 = vector.broadcast %broadcast_in_dim3A_176 : f32 to vector<16xf32>
    %swap3A_178 = arith.constant 4 : i32
    %swap3A_179 = arith.index_cast %swap3A_178 : i32 to index
    %swap3A_180 = arith.constant 0 : index
    %swap3A_181 = tpu.vector_load %arg7[%swap3A_179, %swap3A_180] {strides = array<i32>} : memref<8x128xf32, #tpu.memory_space<vmem>>, vector<1x16xf32>,
    %swap3A_182 = vector.shape_cast %swap3A_181 : vector<1x16xf32> to vector<16xf32>
    %swap3A_183 = vector.shape_cast %broadcast_in_dim3A_177 : vector<16xf32> to vector<1x16xf32>
    tpu.vector_store %arg7[%swap3A_179, %swap3A_180], %swap3A_183 {strides = array<i32>} : memref<8x128xf32, #tpu.memory_space<vmem>>, vector<1x16xf32>,
    %broadcast_in_dim3A_184 = arith.constant 0.000000e+00 : f32
    %broadcast_in_dim3A_185 = vector.broadcast %broadcast_in_dim3A_184 : f32 to vector<16xf32>
    %swap3A_186 = arith.constant 5 : i32
    %swap3A_187 = arith.index_cast %swap3A_186 : i32 to index
    %swap3A_188 = arith.constant 0 : index
    %swap3A_189 = tpu.vector_load %arg7[%swap3A_187, %swap3A_188] {strides = array<i32>} : memref<8x128xf32, #tpu.memory_space<vmem>>, vector<1x16xf32>,
    %swap3A_190 = vector.shape_cast %swap3A_189 : vector<1x16xf32> to vector<16xf32>
    %swap3A_191 = vector.shape_cast %broadcast_in_dim3A_185 : vector<16xf32> to vector<1x16xf32>
    tpu.vector_store %arg7[%swap3A_187, %swap3A_188], %swap3A_191 {strides = array<i32>} : memref<8x128xf32, #tpu.memory_space<vmem>>, vector<1x16xf32>,
    %broadcast_in_dim3A_192 = arith.constant 0.000000e+00 : f32
    %broadcast_in_dim3A_193 = vector.broadcast %broadcast_in_dim3A_192 : f32 to vector<16xf32>
    %swap3A_194 = arith.constant 6 : i32
    %swap3A_195 = arith.index_cast %swap3A_194 : i32 to index
    %swap3A_196 = arith.constant 0 : index
    %swap3A_197 = tpu.vector_load %arg7[%swap3A_195, %swap3A_196] {strides = array<i32>} : memref<8x128xf32, #tpu.memory_space<vmem>>, vector<1x16xf32>,
    %swap3A_198 = vector.shape_cast %swap3A_197 : vector<1x16xf32> to vector<16xf32>
    %swap3A_199 = vector.shape_cast %broadcast_in_dim3A_193 : vector<16xf32> to vector<1x16xf32>
    tpu.vector_store %arg7[%swap3A_195, %swap3A_196], %swap3A_199 {strides = array<i32>} : memref<8x128xf32, #tpu.memory_space<vmem>>, vector<1x16xf32>,
    %broadcast_in_dim3A_200 = arith.constant 0.000000e+00 : f32
    %broadcast_in_dim3A_201 = vector.broadcast %broadcast_in_dim3A_200 : f32 to vector<16xf32>
    %swap3A_202 = arith.constant 7 : i32
    %swap3A_203 = arith.index_cast %swap3A_202 : i32 to index
    %swap3A_204 = arith.constant 0 : index
    %swap3A_205 = tpu.vector_load %arg7[%swap3A_203, %swap3A_204] {strides = array<i32>} : memref<8x128xf32, #tpu.memory_space<vmem>>, vector<1x16xf32>,
    %swap3A_206 = vector.shape_cast %swap3A_205 : vector<1x16xf32> to vector<16xf32>
    %swap3A_207 = vector.shape_cast %broadcast_in_dim3A_201 : vector<16xf32> to vector<1x16xf32>
    tpu.vector_store %arg7[%swap3A_203, %swap3A_204], %swap3A_207 {strides = array<i32>} : memref<8x128xf32, #tpu.memory_space<vmem>>, vector<1x16xf32>,
    %broadcast_in_dim3A_208 = arith.constant 0.000000e+00 : f32
    %broadcast_in_dim3A_209 = vector.broadcast %broadcast_in_dim3A_208 : f32 to vector<16xf32>
    %swap3A_210 = arith.constant 0 : i32
    %swap3A_211 = arith.index_cast %swap3A_210 : i32 to index
    %swap3A_212 = arith.constant 16 : index
    %swap3A_213 = tpu.vector_load %arg7[%swap3A_211, %swap3A_212] {strides = array<i32>} : memref<8x128xf32, #tpu.memory_space<vmem>>, vector<1x16xf32>,
    %swap3A_214 = vector.shape_cast %swap3A_213 : vector<1x16xf32> to vector<16xf32>
    %swap3A_215 = vector.shape_cast %broadcast_in_dim3A_209 : vector<16xf32> to vector<1x16xf32>
    tpu.vector_store %arg7[%swap3A_211, %swap3A_212], %swap3A_215 {strides = array<i32>} : memref<8x128xf32, #tpu.memory_space<vmem>>, vector<1x16xf32>,
    %broadcast_in_dim3A_216 = arith.constant 0.000000e+00 : f32
    %broadcast_in_dim3A_217 = vector.broadcast %broadcast_in_dim3A_216 : f32 to vector<16xf32>
    %swap3A_218 = arith.constant 1 : i32
    %swap3A_219 = arith.index_cast %swap3A_218 : i32 to index
    %swap3A_220 = arith.constant 16 : index
    %swap3A_221 = tpu.vector_load %arg7[%swap3A_219, %swap3A_220] {strides = array<i32>} : memref<8x128xf32, #tpu.memory_space<vmem>>, vector<1x16xf32>,
    %swap3A_222 = vector.shape_cast %swap3A_221 : vector<1x16xf32> to vector<16xf32>
    %swap3A_223 = vector.shape_cast %broadcast_in_dim3A_217 : vector<16xf32> to vector<1x16xf32>
    tpu.vector_store %arg7[%swap3A_219, %swap3A_220], %swap3A_223 {strides = array<i32>} : memref<8x128xf32, #tpu.memory_space<vmem>>, vector<1x16xf32>,
    %broadcast_in_dim3A_224 = arith.constant 0.000000e+00 : f32
    %broadcast_in_dim3A_225 = vector.broadcast %broadcast_in_dim3A_224 : f32 to vector<16xf32>
    %swap3A_226 = arith.constant 2 : i32
    %swap3A_227 = arith.index_cast %swap3A_226 : i32 to index
    %swap3A_228 = arith.constant 16 : index
    %swap3A_229 = tpu.vector_load %arg7[%swap3A_227, %swap3A_228] {strides = array<i32>} : memref<8x128xf32, #tpu.memory_space<vmem>>, vector<1x16xf32>,
    %swap3A_230 = vector.shape_cast %swap3A_229 : vector<1x16xf32> to vector<16xf32>
    %swap3A_231 = vector.shape_cast %broadcast_in_dim3A_225 : vector<16xf32> to vector<1x16xf32>
    tpu.vector_store %arg7[%swap3A_227, %swap3A_228], %swap3A_231 {strides = array<i32>} : memref<8x128xf32, #tpu.memory_space<vmem>>, vector<1x16xf32>,
    %broadcast_in_dim3A_232 = arith.constant 0.000000e+00 : f32
    %broadcast_in_dim3A_233 = vector.broadcast %broadcast_in_dim3A_232 : f32 to vector<16xf32>
    %swap3A_234 = arith.constant 3 : i32
    %swap3A_235 = arith.index_cast %swap3A_234 : i32 to index
    %swap3A_236 = arith.constant 16 : index
    %swap3A_237 = tpu.vector_load %arg7[%swap3A_235, %swap3A_236] {strides = array<i32>} : memref<8x128xf32, #tpu.memory_space<vmem>>, vector<1x16xf32>,
    %swap3A_238 = vector.shape_cast %swap3A_237 : vector<1x16xf32> to vector<16xf32>
    %swap3A_239 = vector.shape_cast %broadcast_in_dim3A_233 : vector<16xf32> to vector<1x16xf32>
    tpu.vector_store %arg7[%swap3A_235, %swap3A_236], %swap3A_239 {strides = array<i32>} : memref<8x128xf32, #tpu.memory_space<vmem>>, vector<1x16xf32>,
    %broadcast_in_dim3A_240 = arith.constant 0.000000e+00 : f32
    %broadcast_in_dim3A_241 = vector.broadcast %broadcast_in_dim3A_240 : f32 to vector<16xf32>
    %swap3A_242 = arith.constant 4 : i32
    %swap3A_243 = arith.index_cast %swap3A_242 : i32 to index
    %swap3A_244 = arith.constant 16 : index
    %swap3A_245 = tpu.vector_load %arg7[%swap3A_243, %swap3A_244] {strides = array<i32>} : memref<8x128xf32, #tpu.memory_space<vmem>>, vector<1x16xf32>,
    %swap3A_246 = vector.shape_cast %swap3A_245 : vector<1x16xf32> to vector<16xf32>
    %swap3A_247 = vector.shape_cast %broadcast_in_dim3A_241 : vector<16xf32> to vector<1x16xf32>
    tpu.vector_store %arg7[%swap3A_243, %swap3A_244], %swap3A_247 {strides = array<i32>} : memref<8x128xf32, #tpu.memory_space<vmem>>, vector<1x16xf32>,
    %broadcast_in_dim3A_248 = arith.constant 0.000000e+00 : f32
    %broadcast_in_dim3A_249 = vector.broadcast %broadcast_in_dim3A_248 : f32 to vector<16xf32>
    %swap3A_250 = arith.constant 5 : i32
    %swap3A_251 = arith.index_cast %swap3A_250 : i32 to index
    %swap3A_252 = arith.constant 16 : index
    %swap3A_253 = tpu.vector_load %arg7[%swap3A_251, %swap3A_252] {strides = array<i32>} : memref<8x128xf32, #tpu.memory_space<vmem>>, vector<1x16xf32>,
    %swap3A_254 = vector.shape_cast %swap3A_253 : vector<1x16xf32> to vector<16xf32>
    %swap3A_255 = vector.shape_cast %broadcast_in_dim3A_249 : vector<16xf32> to vector<1x16xf32>
    tpu.vector_store %arg7[%swap3A_251, %swap3A_252], %swap3A_255 {strides = array<i32>} : memref<8x128xf32, #tpu.memory_space<vmem>>, vector<1x16xf32>,
    %broadcast_in_dim3A_256 = arith.constant 0.000000e+00 : f32
    %broadcast_in_dim3A_257 = vector.broadcast %broadcast_in_dim3A_256 : f32 to vector<16xf32>
    %swap3A_258 = arith.constant 6 : i32
    %swap3A_259 = arith.index_cast %swap3A_258 : i32 to index
    %swap3A_260 = arith.constant 16 : index
    %swap3A_261 = tpu.vector_load %arg7[%swap3A_259, %swap3A_260] {strides = array<i32>} : memref<8x128xf32, #tpu.memory_space<vmem>>, vector<1x16xf32>,
    %swap3A_262 = vector.shape_cast %swap3A_261 : vector<1x16xf32> to vector<16xf32>
    %swap3A_263 = vector.shape_cast %broadcast_in_dim3A_257 : vector<16xf32> to vector<1x16xf32>
    tpu.vector_store %arg7[%swap3A_259, %swap3A_260], %swap3A_263 {strides = array<i32>} : memref<8x128xf32, #tpu.memory_space<vmem>>, vector<1x16xf32>,
    %broadcast_in_dim3A_264 = arith.constant 0.000000e+00 : f32
    %broadcast_in_dim3A_265 = vector.broadcast %broadcast_in_dim3A_264 : f32 to vector<16xf32>
    %swap3A_266 = arith.constant 7 : i32
    %swap3A_267 = arith.index_cast %swap3A_266 : i32 to index
    %swap3A_268 = arith.constant 16 : index
    %swap3A_269 = tpu.vector_load %arg7[%swap3A_267, %swap3A_268] {strides = array<i32>} : memref<8x128xf32, #tpu.memory_space<vmem>>, vector<1x16xf32>,
    %swap3A_270 = vector.shape_cast %swap3A_269 : vector<1x16xf32> to vector<16xf32>
    %swap3A_271 = vector.shape_cast %broadcast_in_dim3A_265 : vector<16xf32> to vector<1x16xf32>
    tpu.vector_store %arg7[%swap3A_267, %swap3A_268], %swap3A_271 {strides = array<i32>} : memref<8x128xf32, #tpu.memory_space<vmem>>, vector<1x16xf32>,
    %broadcast_in_dim3A_272 = arith.constant 0.000000e+00 : f32
    %broadcast_in_dim3A_273 = vector.broadcast %broadcast_in_dim3A_272 : f32 to vector<16xf32>
    %swap3A_274 = arith.constant 0 : i32
    %swap3A_275 = arith.index_cast %swap3A_274 : i32 to index
    %swap3A_276 = arith.constant 32 : index
    %swap3A_277 = tpu.vector_load %arg7[%swap3A_275, %swap3A_276] {strides = array<i32>} : memref<8x128xf32, #tpu.memory_space<vmem>>, vector<1x16xf32>,
    %swap3A_278 = vector.shape_cast %swap3A_277 : vector<1x16xf32> to vector<16xf32>
    %swap3A_279 = vector.shape_cast %broadcast_in_dim3A_273 : vector<16xf32> to vector<1x16xf32>
    tpu.vector_store %arg7[%swap3A_275, %swap3A_276], %swap3A_279 {strides = array<i32>} : memref<8x128xf32, #tpu.memory_space<vmem>>, vector<1x16xf32>,
    %broadcast_in_dim3A_280 = arith.constant 0.000000e+00 : f32
    %broadcast_in_dim3A_281 = vector.broadcast %broadcast_in_dim3A_280 : f32 to vector<16xf32>
    %swap3A_282 = arith.constant 1 : i32
    %swap3A_283 = arith.index_cast %swap3A_282 : i32 to index
    %swap3A_284 = arith.constant 32 : index
    %swap3A_285 = tpu.vector_load %arg7[%swap3A_283, %swap3A_284] {strides = array<i32>} : memref<8x128xf32, #tpu.memory_space<vmem>>, vector<1x16xf32>,
    %swap3A_286 = vector.shape_cast %swap3A_285 : vector<1x16xf32> to vector<16xf32>
    %swap3A_287 = vector.shape_cast %broadcast_in_dim3A_281 : vector<16xf32> to vector<1x16xf32>
    tpu.vector_store %arg7[%swap3A_283, %swap3A_284], %swap3A_287 {strides = array<i32>} : memref<8x128xf32, #tpu.memory_space<vmem>>, vector<1x16xf32>,
    %broadcast_in_dim3A_288 = arith.constant 0.000000e+00 : f32
    %broadcast_in_dim3A_289 = vector.broadcast %broadcast_in_dim3A_288 : f32 to vector<16xf32>
    %swap3A_290 = arith.constant 2 : i32
    %swap3A_291 = arith.index_cast %swap3A_290 : i32 to index
    %swap3A_292 = arith.constant 32 : index
    %swap3A_293 = tpu.vector_load %arg7[%swap3A_291, %swap3A_292] {strides = array<i32>} : memref<8x128xf32, #tpu.memory_space<vmem>>, vector<1x16xf32>,
    %swap3A_294 = vector.shape_cast %swap3A_293 : vector<1x16xf32> to vector<16xf32>
    %swap3A_295 = vector.shape_cast %broadcast_in_dim3A_289 : vector<16xf32> to vector<1x16xf32>
    tpu.vector_store %arg7[%swap3A_291, %swap3A_292], %swap3A_295 {strides = array<i32>} : memref<8x128xf32, #tpu.memory_space<vmem>>, vector<1x16xf32>,
    %broadcast_in_dim3A_296 = arith.constant 0.000000e+00 : f32
    %broadcast_in_dim3A_297 = vector.broadcast %broadcast_in_dim3A_296 : f32 to vector<16xf32>
    %swap3A_298 = arith.constant 3 : i32
    %swap3A_299 = arith.index_cast %swap3A_298 : i32 to index
    %swap3A_300 = arith.constant 32 : index
    %swap3A_301 = tpu.vector_load %arg7[%swap3A_299, %swap3A_300] {strides = array<i32>} : memref<8x128xf32, #tpu.memory_space<vmem>>, vector<1x16xf32>,
    %swap3A_302 = vector.shape_cast %swap3A_301 : vector<1x16xf32> to vector<16xf32>
    %swap3A_303 = vector.shape_cast %broadcast_in_dim3A_297 : vector<16xf32> to vector<1x16xf32>
    tpu.vector_store %arg7[%swap3A_299, %swap3A_300], %swap3A_303 {strides = array<i32>} : memref<8x128xf32, #tpu.memory_space<vmem>>, vector<1x16xf32>,
    %broadcast_in_dim3A_304 = arith.constant 0.000000e+00 : f32
    %broadcast_in_dim3A_305 = vector.broadcast %broadcast_in_dim3A_304 : f32 to vector<16xf32>
    %swap3A_306 = arith.constant 4 : i32
    %swap3A_307 = arith.index_cast %swap3A_306 : i32 to index
    %swap3A_308 = arith.constant 32 : index
    %swap3A_309 = tpu.vector_load %arg7[%swap3A_307, %swap3A_308] {strides = array<i32>} : memref<8x128xf32, #tpu.memory_space<vmem>>, vector<1x16xf32>,
    %swap3A_310 = vector.shape_cast %swap3A_309 : vector<1x16xf32> to vector<16xf32>
    %swap3A_311 = vector.shape_cast %broadcast_in_dim3A_305 : vector<16xf32> to vector<1x16xf32>
    tpu.vector_store %arg7[%swap3A_307, %swap3A_308], %swap3A_311 {strides = array<i32>} : memref<8x128xf32, #tpu.memory_space<vmem>>, vector<1x16xf32>,
    %broadcast_in_dim3A_312 = arith.constant 0.000000e+00 : f32
    %broadcast_in_dim3A_313 = vector.broadcast %broadcast_in_dim3A_312 : f32 to vector<16xf32>
    %swap3A_314 = arith.constant 5 : i32
    %swap3A_315 = arith.index_cast %swap3A_314 : i32 to index
    %swap3A_316 = arith.constant 32 : index
    %swap3A_317 = tpu.vector_load %arg7[%swap3A_315, %swap3A_316] {strides = array<i32>} : memref<8x128xf32, #tpu.memory_space<vmem>>, vector<1x16xf32>,
    %swap3A_318 = vector.shape_cast %swap3A_317 : vector<1x16xf32> to vector<16xf32>
    %swap3A_319 = vector.shape_cast %broadcast_in_dim3A_313 : vector<16xf32> to vector<1x16xf32>
    tpu.vector_store %arg7[%swap3A_315, %swap3A_316], %swap3A_319 {strides = array<i32>} : memref<8x128xf32, #tpu.memory_space<vmem>>, vector<1x16xf32>,
    %broadcast_in_dim3A_320 = arith.constant 0.000000e+00 : f32
    %broadcast_in_dim3A_321 = vector.broadcast %broadcast_in_dim3A_320 : f32 to vector<16xf32>
    %swap3A_322 = arith.constant 6 : i32
    %swap3A_323 = arith.index_cast %swap3A_322 : i32 to index
    %swap3A_324 = arith.constant 32 : index
    %swap3A_325 = tpu.vector_load %arg7[%swap3A_323, %swap3A_324] {strides = array<i32>} : memref<8x128xf32, #tpu.memory_space<vmem>>, vector<1x16xf32>,
    %swap3A_326 = vector.shape_cast %swap3A_325 : vector<1x16xf32> to vector<16xf32>
    %swap3A_327 = vector.shape_cast %broadcast_in_dim3A_321 : vector<16xf32> to vector<1x16xf32>
    tpu.vector_store %arg7[%swap3A_323, %swap3A_324], %swap3A_327 {strides = array<i32>} : memref<8x128xf32, #tpu.memory_space<vmem>>, vector<1x16xf32>,
    %broadcast_in_dim3A_328 = arith.constant 0.000000e+00 : f32
    %broadcast_in_dim3A_329 = vector.broadcast %broadcast_in_dim3A_328 : f32 to vector<16xf32>
    %swap3A_330 = arith.constant 7 : i32
    %swap3A_331 = arith.index_cast %swap3A_330 : i32 to index
    %swap3A_332 = arith.constant 32 : index
    %swap3A_333 = tpu.vector_load %arg7[%swap3A_331, %swap3A_332] {strides = array<i32>} : memref<8x128xf32, #tpu.memory_space<vmem>>, vector<1x16xf32>,
    %swap3A_334 = vector.shape_cast %swap3A_333 : vector<1x16xf32> to vector<16xf32>
    %swap3A_335 = vector.shape_cast %broadcast_in_dim3A_329 : vector<16xf32> to vector<1x16xf32>
    tpu.vector_store %arg7[%swap3A_331, %swap3A_332], %swap3A_335 {strides = array<i32>} : memref<8x128xf32, #tpu.memory_space<vmem>>, vector<1x16xf32>,
    %broadcast_in_dim3A_336 = arith.constant 0.000000e+00 : f32
    %broadcast_in_dim3A_337 = vector.broadcast %broadcast_in_dim3A_336 : f32 to vector<16xf32>
    %swap3A_338 = arith.constant 0 : i32
    %swap3A_339 = arith.index_cast %swap3A_338 : i32 to index
    %swap3A_340 = arith.constant 48 : index
    %swap3A_341 = tpu.vector_load %arg7[%swap3A_339, %swap3A_340] {strides = array<i32>} : memref<8x128xf32, #tpu.memory_space<vmem>>, vector<1x16xf32>,
    %swap3A_342 = vector.shape_cast %swap3A_341 : vector<1x16xf32> to vector<16xf32>
    %swap3A_343 = vector.shape_cast %broadcast_in_dim3A_337 : vector<16xf32> to vector<1x16xf32>
    tpu.vector_store %arg7[%swap3A_339, %swap3A_340], %swap3A_343 {strides = array<i32>} : memref<8x128xf32, #tpu.memory_space<vmem>>, vector<1x16xf32>,
    %broadcast_in_dim3A_344 = arith.constant 0.000000e+00 : f32
    %broadcast_in_dim3A_345 = vector.broadcast %broadcast_in_dim3A_344 : f32 to vector<16xf32>
    %swap3A_346 = arith.constant 1 : i32
    %swap3A_347 = arith.index_cast %swap3A_346 : i32 to index
    %swap3A_348 = arith.constant 48 : index
    %swap3A_349 = tpu.vector_load %arg7[%swap3A_347, %swap3A_348] {strides = array<i32>} : memref<8x128xf32, #tpu.memory_space<vmem>>, vector<1x16xf32>,
    %swap3A_350 = vector.shape_cast %swap3A_349 : vector<1x16xf32> to vector<16xf32>
    %swap3A_351 = vector.shape_cast %broadcast_in_dim3A_345 : vector<16xf32> to vector<1x16xf32>
    tpu.vector_store %arg7[%swap3A_347, %swap3A_348], %swap3A_351 {strides = array<i32>} : memref<8x128xf32, #tpu.memory_space<vmem>>, vector<1x16xf32>,
    %broadcast_in_dim3A_352 = arith.constant 0.000000e+00 : f32
    %broadcast_in_dim3A_353 = vector.broadcast %broadcast_in_dim3A_352 : f32 to vector<16xf32>
    %swap3A_354 = arith.constant 2 : i32
    %swap3A_355 = arith.index_cast %swap3A_354 : i32 to index
    %swap3A_356 = arith.constant 48 : index
    %swap3A_357 = tpu.vector_load %arg7[%swap3A_355, %swap3A_356] {strides = array<i32>} : memref<8x128xf32, #tpu.memory_space<vmem>>, vector<1x16xf32>,
    %swap3A_358 = vector.shape_cast %swap3A_357 : vector<1x16xf32> to vector<16xf32>
    %swap3A_359 = vector.shape_cast %broadcast_in_dim3A_353 : vector<16xf32> to vector<1x16xf32>
    tpu.vector_store %arg7[%swap3A_355, %swap3A_356], %swap3A_359 {strides = array<i32>} : memref<8x128xf32, #tpu.memory_space<vmem>>, vector<1x16xf32>,
    %broadcast_in_dim3A_360 = arith.constant 0.000000e+00 : f32
    %broadcast_in_dim3A_361 = vector.broadcast %broadcast_in_dim3A_360 : f32 to vector<16xf32>
    %swap3A_362 = arith.constant 3 : i32
    %swap3A_363 = arith.index_cast %swap3A_362 : i32 to index
    %swap3A_364 = arith.constant 48 : index
    %swap3A_365 = tpu.vector_load %arg7[%swap3A_363, %swap3A_364] {strides = array<i32>} : memref<8x128xf32, #tpu.memory_space<vmem>>, vector<1x16xf32>,
    %swap3A_366 = vector.shape_cast %swap3A_365 : vector<1x16xf32> to vector<16xf32>
    %swap3A_367 = vector.shape_cast %broadcast_in_dim3A_361 : vector<16xf32> to vector<1x16xf32>
    tpu.vector_store %arg7[%swap3A_363, %swap3A_364], %swap3A_367 {strides = array<i32>} : memref<8x128xf32, #tpu.memory_space<vmem>>, vector<1x16xf32>,
    %broadcast_in_dim3A_368 = arith.constant 0.000000e+00 : f32
    %broadcast_in_dim3A_369 = vector.broadcast %broadcast_in_dim3A_368 : f32 to vector<16xf32>
    %swap3A_370 = arith.constant 4 : i32
    %swap3A_371 = arith.index_cast %swap3A_370 : i32 to index
    %swap3A_372 = arith.constant 48 : index
    %swap3A_373 = tpu.vector_load %arg7[%swap3A_371, %swap3A_372] {strides = array<i32>} : memref<8x128xf32, #tpu.memory_space<vmem>>, vector<1x16xf32>,
    %swap3A_374 = vector.shape_cast %swap3A_373 : vector<1x16xf32> to vector<16xf32>
    %swap3A_375 = vector.shape_cast %broadcast_in_dim3A_369 : vector<16xf32> to vector<1x16xf32>
    tpu.vector_store %arg7[%swap3A_371, %swap3A_372], %swap3A_375 {strides = array<i32>} : memref<8x128xf32, #tpu.memory_space<vmem>>, vector<1x16xf32>,
    %broadcast_in_dim3A_376 = arith.constant 0.000000e+00 : f32
    %broadcast_in_dim3A_377 = vector.broadcast %broadcast_in_dim3A_376 : f32 to vector<16xf32>
    %swap3A_378 = arith.constant 5 : i32
    %swap3A_379 = arith.index_cast %swap3A_378 : i32 to index
    %swap3A_380 = arith.constant 48 : index
    %swap3A_381 = tpu.vector_load %arg7[%swap3A_379, %swap3A_380] {strides = array<i32>} : memref<8x128xf32, #tpu.memory_space<vmem>>, vector<1x16xf32>,
    %swap3A_382 = vector.shape_cast %swap3A_381 : vector<1x16xf32> to vector<16xf32>
    %swap3A_383 = vector.shape_cast %broadcast_in_dim3A_377 : vector<16xf32> to vector<1x16xf32>
    tpu.vector_store %arg7[%swap3A_379, %swap3A_380], %swap3A_383 {strides = array<i32>} : memref<8x128xf32, #tpu.memory_space<vmem>>, vector<1x16xf32>,
    %broadcast_in_dim3A_384 = arith.constant 0.000000e+00 : f32
    %broadcast_in_dim3A_385 = vector.broadcast %broadcast_in_dim3A_384 : f32 to vector<16xf32>
    %swap3A_386 = arith.constant 6 : i32
    %swap3A_387 = arith.index_cast %swap3A_386 : i32 to index
    %swap3A_388 = arith.constant 48 : index
    %swap3A_389 = tpu.vector_load %arg7[%swap3A_387, %swap3A_388] {strides = array<i32>} : memref<8x128xf32, #tpu.memory_space<vmem>>, vector<1x16xf32>,
    %swap3A_390 = vector.shape_cast %swap3A_389 : vector<1x16xf32> to vector<16xf32>
    %swap3A_391 = vector.shape_cast %broadcast_in_dim3A_385 : vector<16xf32> to vector<1x16xf32>
    tpu.vector_store %arg7[%swap3A_387, %swap3A_388], %swap3A_391 {strides = array<i32>} : memref<8x128xf32, #tpu.memory_space<vmem>>, vector<1x16xf32>,
    %broadcast_in_dim3A_392 = arith.constant 0.000000e+00 : f32
    %broadcast_in_dim3A_393 = vector.broadcast %broadcast_in_dim3A_392 : f32 to vector<16xf32>
    %swap3A_394 = arith.constant 7 : i32
    %swap3A_395 = arith.index_cast %swap3A_394 : i32 to index
    %swap3A_396 = arith.constant 48 : index
    %swap3A_397 = tpu.vector_load %arg7[%swap3A_395, %swap3A_396] {strides = array<i32>} : memref<8x128xf32, #tpu.memory_space<vmem>>, vector<1x16xf32>,
    %swap3A_398 = vector.shape_cast %swap3A_397 : vector<1x16xf32> to vector<16xf32>
    %swap3A_399 = vector.shape_cast %broadcast_in_dim3A_393 : vector<16xf32> to vector<1x16xf32>
    tpu.vector_store %arg7[%swap3A_395, %swap3A_396], %swap3A_399 {strides = array<i32>} : memref<8x128xf32, #tpu.memory_space<vmem>>, vector<1x16xf32>,
    %broadcast_in_dim3A_400 = arith.constant 0.000000e+00 : f32
    %broadcast_in_dim3A_401 = vector.broadcast %broadcast_in_dim3A_400 : f32 to vector<16xf32>
    %swap3A_402 = arith.constant 0 : i32
    %swap3A_403 = arith.index_cast %swap3A_402 : i32 to index
    %swap3A_404 = arith.constant 64 : index
    %swap3A_405 = tpu.vector_load %arg7[%swap3A_403, %swap3A_404] {strides = array<i32>} : memref<8x128xf32, #tpu.memory_space<vmem>>, vector<1x16xf32>,
    %swap3A_406 = vector.shape_cast %swap3A_405 : vector<1x16xf32> to vector<16xf32>
    %swap3A_407 = vector.shape_cast %broadcast_in_dim3A_401 : vector<16xf32> to vector<1x16xf32>
    tpu.vector_store %arg7[%swap3A_403, %swap3A_404], %swap3A_407 {strides = array<i32>} : memref<8x128xf32, #tpu.memory_space<vmem>>, vector<1x16xf32>,
    %broadcast_in_dim3A_408 = arith.constant 0.000000e+00 : f32
    %broadcast_in_dim3A_409 = vector.broadcast %broadcast_in_dim3A_408 : f32 to vector<16xf32>
    %swap3A_410 = arith.constant 1 : i32
    %swap3A_411 = arith.index_cast %swap3A_410 : i32 to index
    %swap3A_412 = arith.constant 64 : index
    %swap3A_413 = tpu.vector_load %arg7[%swap3A_411, %swap3A_412] {strides = array<i32>} : memref<8x128xf32, #tpu.memory_space<vmem>>, vector<1x16xf32>,
    %swap3A_414 = vector.shape_cast %swap3A_413 : vector<1x16xf32> to vector<16xf32>
    %swap3A_415 = vector.shape_cast %broadcast_in_dim3A_409 : vector<16xf32> to vector<1x16xf32>
    tpu.vector_store %arg7[%swap3A_411, %swap3A_412], %swap3A_415 {strides = array<i32>} : memref<8x128xf32, #tpu.memory_space<vmem>>, vector<1x16xf32>,
    %broadcast_in_dim3A_416 = arith.constant 0.000000e+00 : f32
    %broadcast_in_dim3A_417 = vector.broadcast %broadcast_in_dim3A_416 : f32 to vector<16xf32>
    %swap3A_418 = arith.constant 2 : i32
    %swap3A_419 = arith.index_cast %swap3A_418 : i32 to index
    %swap3A_420 = arith.constant 64 : index
    %swap3A_421 = tpu.vector_load %arg7[%swap3A_419, %swap3A_420] {strides = array<i32>} : memref<8x128xf32, #tpu.memory_space<vmem>>, vector<1x16xf32>,
    %swap3A_422 = vector.shape_cast %swap3A_421 : vector<1x16xf32> to vector<16xf32>
    %swap3A_423 = vector.shape_cast %broadcast_in_dim3A_417 : vector<16xf32> to vector<1x16xf32>
    tpu.vector_store %arg7[%swap3A_419, %swap3A_420], %swap3A_423 {strides = array<i32>} : memref<8x128xf32, #tpu.memory_space<vmem>>, vector<1x16xf32>,
    %broadcast_in_dim3A_424 = arith.constant 0.000000e+00 : f32
    %broadcast_in_dim3A_425 = vector.broadcast %broadcast_in_dim3A_424 : f32 to vector<16xf32>
    %swap3A_426 = arith.constant 3 : i32
    %swap3A_427 = arith.index_cast %swap3A_426 : i32 to index
    %swap3A_428 = arith.constant 64 : index
    %swap3A_429 = tpu.vector_load %arg7[%swap3A_427, %swap3A_428] {strides = array<i32>} : memref<8x128xf32, #tpu.memory_space<vmem>>, vector<1x16xf32>,
    %swap3A_430 = vector.shape_cast %swap3A_429 : vector<1x16xf32> to vector<16xf32>
    %swap3A_431 = vector.shape_cast %broadcast_in_dim3A_425 : vector<16xf32> to vector<1x16xf32>
    tpu.vector_store %arg7[%swap3A_427, %swap3A_428], %swap3A_431 {strides = array<i32>} : memref<8x128xf32, #tpu.memory_space<vmem>>, vector<1x16xf32>,
    %broadcast_in_dim3A_432 = arith.constant 0.000000e+00 : f32
    %broadcast_in_dim3A_433 = vector.broadcast %broadcast_in_dim3A_432 : f32 to vector<16xf32>
    %swap3A_434 = arith.constant 4 : i32
    %swap3A_435 = arith.index_cast %swap3A_434 : i32 to index
    %swap3A_436 = arith.constant 64 : index
    %swap3A_437 = tpu.vector_load %arg7[%swap3A_435, %swap3A_436] {strides = array<i32>} : memref<8x128xf32, #tpu.memory_space<vmem>>, vector<1x16xf32>,
    %swap3A_438 = vector.shape_cast %swap3A_437 : vector<1x16xf32> to vector<16xf32>
    %swap3A_439 = vector.shape_cast %broadcast_in_dim3A_433 : vector<16xf32> to vector<1x16xf32>
    tpu.vector_store %arg7[%swap3A_435, %swap3A_436], %swap3A_439 {strides = array<i32>} : memref<8x128xf32, #tpu.memory_space<vmem>>, vector<1x16xf32>,
    %broadcast_in_dim3A_440 = arith.constant 0.000000e+00 : f32
    %broadcast_in_dim3A_441 = vector.broadcast %broadcast_in_dim3A_440 : f32 to vector<16xf32>
    %swap3A_442 = arith.constant 5 : i32
    %swap3A_443 = arith.index_cast %swap3A_442 : i32 to index
    %swap3A_444 = arith.constant 64 : index
    %swap3A_445 = tpu.vector_load %arg7[%swap3A_443, %swap3A_444] {strides = array<i32>} : memref<8x128xf32, #tpu.memory_space<vmem>>, vector<1x16xf32>,
    %swap3A_446 = vector.shape_cast %swap3A_445 : vector<1x16xf32> to vector<16xf32>
    %swap3A_447 = vector.shape_cast %broadcast_in_dim3A_441 : vector<16xf32> to vector<1x16xf32>
    tpu.vector_store %arg7[%swap3A_443, %swap3A_444], %swap3A_447 {strides = array<i32>} : memref<8x128xf32, #tpu.memory_space<vmem>>, vector<1x16xf32>,
    %broadcast_in_dim3A_448 = arith.constant 0.000000e+00 : f32
    %broadcast_in_dim3A_449 = vector.broadcast %broadcast_in_dim3A_448 : f32 to vector<16xf32>
    %swap3A_450 = arith.constant 6 : i32
    %swap3A_451 = arith.index_cast %swap3A_450 : i32 to index
    %swap3A_452 = arith.constant 64 : index
    %swap3A_453 = tpu.vector_load %arg7[%swap3A_451, %swap3A_452] {strides = array<i32>} : memref<8x128xf32, #tpu.memory_space<vmem>>, vector<1x16xf32>,
    %swap3A_454 = vector.shape_cast %swap3A_453 : vector<1x16xf32> to vector<16xf32>
    %swap3A_455 = vector.shape_cast %broadcast_in_dim3A_449 : vector<16xf32> to vector<1x16xf32>
    tpu.vector_store %arg7[%swap3A_451, %swap3A_452], %swap3A_455 {strides = array<i32>} : memref<8x128xf32, #tpu.memory_space<vmem>>, vector<1x16xf32>,
    %broadcast_in_dim3A_456 = arith.constant 0.000000e+00 : f32
    %broadcast_in_dim3A_457 = vector.broadcast %broadcast_in_dim3A_456 : f32 to vector<16xf32>
    %swap3A_458 = arith.constant 7 : i32
    %swap3A_459 = arith.index_cast %swap3A_458 : i32 to index
    %swap3A_460 = arith.constant 64 : index
    %swap3A_461 = tpu.vector_load %arg7[%swap3A_459, %swap3A_460] {strides = array<i32>} : memref<8x128xf32, #tpu.memory_space<vmem>>, vector<1x16xf32>,
    %swap3A_462 = vector.shape_cast %swap3A_461 : vector<1x16xf32> to vector<16xf32>
    %swap3A_463 = vector.shape_cast %broadcast_in_dim3A_457 : vector<16xf32> to vector<1x16xf32>
    tpu.vector_store %arg7[%swap3A_459, %swap3A_460], %swap3A_463 {strides = array<i32>} : memref<8x128xf32, #tpu.memory_space<vmem>>, vector<1x16xf32>,
    %broadcast_in_dim3A_464 = arith.constant 0.000000e+00 : f32
    %broadcast_in_dim3A_465 = vector.broadcast %broadcast_in_dim3A_464 : f32 to vector<16xf32>
    %swap3A_466 = arith.constant 0 : i32
    %swap3A_467 = arith.index_cast %swap3A_466 : i32 to index
    %swap3A_468 = arith.constant 80 : index
    %swap3A_469 = tpu.vector_load %arg7[%swap3A_467, %swap3A_468] {strides = array<i32>} : memref<8x128xf32, #tpu.memory_space<vmem>>, vector<1x16xf32>,
    %swap3A_470 = vector.shape_cast %swap3A_469 : vector<1x16xf32> to vector<16xf32>
    %swap3A_471 = vector.shape_cast %broadcast_in_dim3A_465 : vector<16xf32> to vector<1x16xf32>
    tpu.vector_store %arg7[%swap3A_467, %swap3A_468], %swap3A_471 {strides = array<i32>} : memref<8x128xf32, #tpu.memory_space<vmem>>, vector<1x16xf32>,
    %broadcast_in_dim3A_472 = arith.constant 0.000000e+00 : f32
    %broadcast_in_dim3A_473 = vector.broadcast %broadcast_in_dim3A_472 : f32 to vector<16xf32>
    %swap3A_474 = arith.constant 1 : i32
    %swap3A_475 = arith.index_cast %swap3A_474 : i32 to index
    %swap3A_476 = arith.constant 80 : index
    %swap3A_477 = tpu.vector_load %arg7[%swap3A_475, %swap3A_476] {strides = array<i32>} : memref<8x128xf32, #tpu.memory_space<vmem>>, vector<1x16xf32>,
    %swap3A_478 = vector.shape_cast %swap3A_477 : vector<1x16xf32> to vector<16xf32>
    %swap3A_479 = vector.shape_cast %broadcast_in_dim3A_473 : vector<16xf32> to vector<1x16xf32>
    tpu.vector_store %arg7[%swap3A_475, %swap3A_476], %swap3A_479 {strides = array<i32>} : memref<8x128xf32, #tpu.memory_space<vmem>>, vector<1x16xf32>,
    %broadcast_in_dim3A_480 = arith.constant 0.000000e+00 : f32
    %broadcast_in_dim3A_481 = vector.broadcast %broadcast_in_dim3A_480 : f32 to vector<16xf32>
    %swap3A_482 = arith.constant 2 : i32
    %swap3A_483 = arith.index_cast %swap3A_482 : i32 to index
    %swap3A_484 = arith.constant 80 : index
    %swap3A_485 = tpu.vector_load %arg7[%swap3A_483, %swap3A_484] {strides = array<i32>} : memref<8x128xf32, #tpu.memory_space<vmem>>, vector<1x16xf32>,
    %swap3A_486 = vector.shape_cast %swap3A_485 : vector<1x16xf32> to vector<16xf32>
    %swap3A_487 = vector.shape_cast %broadcast_in_dim3A_481 : vector<16xf32> to vector<1x16xf32>
    tpu.vector_store %arg7[%swap3A_483, %swap3A_484], %swap3A_487 {strides = array<i32>} : memref<8x128xf32, #tpu.memory_space<vmem>>, vector<1x16xf32>,
    %broadcast_in_dim3A_488 = arith.constant 0.000000e+00 : f32
    %broadcast_in_dim3A_489 = vector.broadcast %broadcast_in_dim3A_488 : f32 to vector<16xf32>
    %swap3A_490 = arith.constant 3 : i32
    %swap3A_491 = arith.index_cast %swap3A_490 : i32 to index
    %swap3A_492 = arith.constant 80 : index
    %swap3A_493 = tpu.vector_load %arg7[%swap3A_491, %swap3A_492] {strides = array<i32>} : memref<8x128xf32, #tpu.memory_space<vmem>>, vector<1x16xf32>,
    %swap3A_494 = vector.shape_cast %swap3A_493 : vector<1x16xf32> to vector<16xf32>
    %swap3A_495 = vector.shape_cast %broadcast_in_dim3A_489 : vector<16xf32> to vector<1x16xf32>
    tpu.vector_store %arg7[%swap3A_491, %swap3A_492], %swap3A_495 {strides = array<i32>} : memref<8x128xf32, #tpu.memory_space<vmem>>, vector<1x16xf32>,
    %broadcast_in_dim3A_496 = arith.constant 0.000000e+00 : f32
    %broadcast_in_dim3A_497 = vector.broadcast %broadcast_in_dim3A_496 : f32 to vector<16xf32>
    %swap3A_498 = arith.constant 4 : i32
    %swap3A_499 = arith.index_cast %swap3A_498 : i32 to index
    %swap3A_500 = arith.constant 80 : index
    %swap3A_501 = tpu.vector_load %arg7[%swap3A_499, %swap3A_500] {strides = array<i32>} : memref<8x128xf32, #tpu.memory_space<vmem>>, vector<1x16xf32>,
    %swap3A_502 = vector.shape_cast %swap3A_501 : vector<1x16xf32> to vector<16xf32>
    %swap3A_503 = vector.shape_cast %broadcast_in_dim3A_497 : vector<16xf32> to vector<1x16xf32>
    tpu.vector_store %arg7[%swap3A_499, %swap3A_500], %swap3A_503 {strides = array<i32>} : memref<8x128xf32, #tpu.memory_space<vmem>>, vector<1x16xf32>,
    %broadcast_in_dim3A_504 = arith.constant 0.000000e+00 : f32
    %broadcast_in_dim3A_505 = vector.broadcast %broadcast_in_dim3A_504 : f32 to vector<16xf32>
    %swap3A_506 = arith.constant 5 : i32
    %swap3A_507 = arith.index_cast %swap3A_506 : i32 to index
    %swap3A_508 = arith.constant 80 : index
    %swap3A_509 = tpu.vector_load %arg7[%swap3A_507, %swap3A_508] {strides = array<i32>} : memref<8x128xf32, #tpu.memory_space<vmem>>, vector<1x16xf32>,
    %swap3A_510 = vector.shape_cast %swap3A_509 : vector<1x16xf32> to vector<16xf32>
    %swap3A_511 = vector.shape_cast %broadcast_in_dim3A_505 : vector<16xf32> to vector<1x16xf32>
    tpu.vector_store %arg7[%swap3A_507, %swap3A_508], %swap3A_511 {strides = array<i32>} : memref<8x128xf32, #tpu.memory_space<vmem>>, vector<1x16xf32>,
    %broadcast_in_dim3A_512 = arith.constant 0.000000e+00 : f32
    %broadcast_in_dim3A_513 = vector.broadcast %broadcast_in_dim3A_512 : f32 to vector<16xf32>
    %swap3A_514 = arith.constant 6 : i32
    %swap3A_515 = arith.index_cast %swap3A_514 : i32 to index
    %swap3A_516 = arith.constant 80 : index
    %swap3A_517 = tpu.vector_load %arg7[%swap3A_515, %swap3A_516] {strides = array<i32>} : memref<8x128xf32, #tpu.memory_space<vmem>>, vector<1x16xf32>,
    %swap3A_518 = vector.shape_cast %swap3A_517 : vector<1x16xf32> to vector<16xf32>
    %swap3A_519 = vector.shape_cast %broadcast_in_dim3A_513 : vector<16xf32> to vector<1x16xf32>
    tpu.vector_store %arg7[%swap3A_515, %swap3A_516], %swap3A_519 {strides = array<i32>} : memref<8x128xf32, #tpu.memory_space<vmem>>, vector<1x16xf32>,
    %broadcast_in_dim3A_520 = arith.constant 0.000000e+00 : f32
    %broadcast_in_dim3A_521 = vector.broadcast %broadcast_in_dim3A_520 : f32 to vector<16xf32>
    %swap3A_522 = arith.constant 7 : i32
    %swap3A_523 = arith.index_cast %swap3A_522 : i32 to index
    %swap3A_524 = arith.constant 80 : index
    %swap3A_525 = tpu.vector_load %arg7[%swap3A_523, %swap3A_524] {strides = array<i32>} : memref<8x128xf32, #tpu.memory_space<vmem>>, vector<1x16xf32>,
    %swap3A_526 = vector.shape_cast %swap3A_525 : vector<1x16xf32> to vector<16xf32>
    %swap3A_527 = vector.shape_cast %broadcast_in_dim3A_521 : vector<16xf32> to vector<1x16xf32>
    tpu.vector_store %arg7[%swap3A_523, %swap3A_524], %swap3A_527 {strides = array<i32>} : memref<8x128xf32, #tpu.memory_space<vmem>>, vector<1x16xf32>,
    %broadcast_in_dim3A_528 = arith.constant 0.000000e+00 : f32
    %broadcast_in_dim3A_529 = vector.broadcast %broadcast_in_dim3A_528 : f32 to vector<16xf32>
    %swap3A_530 = arith.constant 0 : i32
    %swap3A_531 = arith.index_cast %swap3A_530 : i32 to index
    %swap3A_532 = arith.constant 96 : index
    %swap3A_533 = tpu.vector_load %arg7[%swap3A_531, %swap3A_532] {strides = array<i32>} : memref<8x128xf32, #tpu.memory_space<vmem>>, vector<1x16xf32>,
    %swap3A_534 = vector.shape_cast %swap3A_533 : vector<1x16xf32> to vector<16xf32>
    %swap3A_535 = vector.shape_cast %broadcast_in_dim3A_529 : vector<16xf32> to vector<1x16xf32>
    tpu.vector_store %arg7[%swap3A_531, %swap3A_532], %swap3A_535 {strides = array<i32>} : memref<8x128xf32, #tpu.memory_space<vmem>>, vector<1x16xf32>,
    %broadcast_in_dim3A_536 = arith.constant 0.000000e+00 : f32
    %broadcast_in_dim3A_537 = vector.broadcast %broadcast_in_dim3A_536 : f32 to vector<16xf32>
    %swap3A_538 = arith.constant 1 : i32
    %swap3A_539 = arith.index_cast %swap3A_538 : i32 to index
    %swap3A_540 = arith.constant 96 : index
    %swap3A_541 = tpu.vector_load %arg7[%swap3A_539, %swap3A_540] {strides = array<i32>} : memref<8x128xf32, #tpu.memory_space<vmem>>, vector<1x16xf32>,
    %swap3A_542 = vector.shape_cast %swap3A_541 : vector<1x16xf32> to vector<16xf32>
    %swap3A_543 = vector.shape_cast %broadcast_in_dim3A_537 : vector<16xf32> to vector<1x16xf32>
    tpu.vector_store %arg7[%swap3A_539, %swap3A_540], %swap3A_543 {strides = array<i32>} : memref<8x128xf32, #tpu.memory_space<vmem>>, vector<1x16xf32>,
    %broadcast_in_dim3A_544 = arith.constant 0.000000e+00 : f32
    %broadcast_in_dim3A_545 = vector.broadcast %broadcast_in_dim3A_544 : f32 to vector<16xf32>
    %swap3A_546 = arith.constant 2 : i32
    %swap3A_547 = arith.index_cast %swap3A_546 : i32 to index
    %swap3A_548 = arith.constant 96 : index
    %swap3A_549 = tpu.vector_load %arg7[%swap3A_547, %swap3A_548] {strides = array<i32>} : memref<8x128xf32, #tpu.memory_space<vmem>>, vector<1x16xf32>,
    %swap3A_550 = vector.shape_cast %swap3A_549 : vector<1x16xf32> to vector<16xf32>
    %swap3A_551 = vector.shape_cast %broadcast_in_dim3A_545 : vector<16xf32> to vector<1x16xf32>
    tpu.vector_store %arg7[%swap3A_547, %swap3A_548], %swap3A_551 {strides = array<i32>} : memref<8x128xf32, #tpu.memory_space<vmem>>, vector<1x16xf32>,
    %broadcast_in_dim3A_552 = arith.constant 0.000000e+00 : f32
    %broadcast_in_dim3A_553 = vector.broadcast %broadcast_in_dim3A_552 : f32 to vector<16xf32>
    %swap3A_554 = arith.constant 3 : i32
    %swap3A_555 = arith.index_cast %swap3A_554 : i32 to index
    %swap3A_556 = arith.constant 96 : index
    %swap3A_557 = tpu.vector_load %arg7[%swap3A_555, %swap3A_556] {strides = array<i32>} : memref<8x128xf32, #tpu.memory_space<vmem>>, vector<1x16xf32>,
    %swap3A_558 = vector.shape_cast %swap3A_557 : vector<1x16xf32> to vector<16xf32>
    %swap3A_559 = vector.shape_cast %broadcast_in_dim3A_553 : vector<16xf32> to vector<1x16xf32>
    tpu.vector_store %arg7[%swap3A_555, %swap3A_556], %swap3A_559 {strides = array<i32>} : memref<8x128xf32, #tpu.memory_space<vmem>>, vector<1x16xf32>,
    %broadcast_in_dim3A_560 = arith.constant 0.000000e+00 : f32
    %broadcast_in_dim3A_561 = vector.broadcast %broadcast_in_dim3A_560 : f32 to vector<16xf32>
    %swap3A_562 = arith.constant 4 : i32
    %swap3A_563 = arith.index_cast %swap3A_562 : i32 to index
    %swap3A_564 = arith.constant 96 : index
    %swap3A_565 = tpu.vector_load %arg7[%swap3A_563, %swap3A_564] {strides = array<i32>} : memref<8x128xf32, #tpu.memory_space<vmem>>, vector<1x16xf32>,
    %swap3A_566 = vector.shape_cast %swap3A_565 : vector<1x16xf32> to vector<16xf32>
    %swap3A_567 = vector.shape_cast %broadcast_in_dim3A_561 : vector<16xf32> to vector<1x16xf32>
    tpu.vector_store %arg7[%swap3A_563, %swap3A_564], %swap3A_567 {strides = array<i32>} : memref<8x128xf32, #tpu.memory_space<vmem>>, vector<1x16xf32>,
    %broadcast_in_dim3A_568 = arith.constant 0.000000e+00 : f32
    %broadcast_in_dim3A_569 = vector.broadcast %broadcast_in_dim3A_568 : f32 to vector<16xf32>
    %swap3A_570 = arith.constant 5 : i32
    %swap3A_571 = arith.index_cast %swap3A_570 : i32 to index
    %swap3A_572 = arith.constant 96 : index
    %swap3A_573 = tpu.vector_load %arg7[%swap3A_571, %swap3A_572] {strides = array<i32>} : memref<8x128xf32, #tpu.memory_space<vmem>>, vector<1x16xf32>,
    %swap3A_574 = vector.shape_cast %swap3A_573 : vector<1x16xf32> to vector<16xf32>
    %swap3A_575 = vector.shape_cast %broadcast_in_dim3A_569 : vector<16xf32> to vector<1x16xf32>
    tpu.vector_store %arg7[%swap3A_571, %swap3A_572], %swap3A_575 {strides = array<i32>} : memref<8x128xf32, #tpu.memory_space<vmem>>, vector<1x16xf32>,
    %broadcast_in_dim3A_576 = arith.constant 0.000000e+00 : f32
    %broadcast_in_dim3A_577 = vector.broadcast %broadcast_in_dim3A_576 : f32 to vector<16xf32>
    %swap3A_578 = arith.constant 6 : i32
    %swap3A_579 = arith.index_cast %swap3A_578 : i32 to index
    %swap3A_580 = arith.constant 96 : index
    %swap3A_581 = tpu.vector_load %arg7[%swap3A_579, %swap3A_580] {strides = array<i32>} : memref<8x128xf32, #tpu.memory_space<vmem>>, vector<1x16xf32>,
    %swap3A_582 = vector.shape_cast %swap3A_581 : vector<1x16xf32> to vector<16xf32>
    %swap3A_583 = vector.shape_cast %broadcast_in_dim3A_577 : vector<16xf32> to vector<1x16xf32>
    tpu.vector_store %arg7[%swap3A_579, %swap3A_580], %swap3A_583 {strides = array<i32>} : memref<8x128xf32, #tpu.memory_space<vmem>>, vector<1x16xf32>,
    %broadcast_in_dim3A_584 = arith.constant 0.000000e+00 : f32
    %broadcast_in_dim3A_585 = vector.broadcast %broadcast_in_dim3A_584 : f32 to vector<16xf32>
    %swap3A_586 = arith.constant 7 : i32
    %swap3A_587 = arith.index_cast %swap3A_586 : i32 to index
    %swap3A_588 = arith.constant 96 : index
    %swap3A_589 = tpu.vector_load %arg7[%swap3A_587, %swap3A_588] {strides = array<i32>} : memref<8x128xf32, #tpu.memory_space<vmem>>, vector<1x16xf32>,
    %swap3A_590 = vector.shape_cast %swap3A_589 : vector<1x16xf32> to vector<16xf32>
    %swap3A_591 = vector.shape_cast %broadcast_in_dim3A_585 : vector<16xf32> to vector<1x16xf32>
    tpu.vector_store %arg7[%swap3A_587, %swap3A_588], %swap3A_591 {strides = array<i32>} : memref<8x128xf32, #tpu.memory_space<vmem>>, vector<1x16xf32>,
    %broadcast_in_dim3A_592 = arith.constant 0.000000e+00 : f32
    %broadcast_in_dim3A_593 = vector.broadcast %broadcast_in_dim3A_592 : f32 to vector<16xf32>
    %swap3A_594 = arith.constant 0 : i32
    %swap3A_595 = arith.index_cast %swap3A_594 : i32 to index
    %swap3A_596 = arith.constant 112 : index
    %swap3A_597 = tpu.vector_load %arg7[%swap3A_595, %swap3A_596] {strides = array<i32>} : memref<8x128xf32, #tpu.memory_space<vmem>>, vector<1x16xf32>,
    %swap3A_598 = vector.shape_cast %swap3A_597 : vector<1x16xf32> to vector<16xf32>
    %swap3A_599 = vector.shape_cast %broadcast_in_dim3A_593 : vector<16xf32> to vector<1x16xf32>
    tpu.vector_store %arg7[%swap3A_595, %swap3A_596], %swap3A_599 {strides = array<i32>} : memref<8x128xf32, #tpu.memory_space<vmem>>, vector<1x16xf32>,
    %broadcast_in_dim3A_600 = arith.constant 0.000000e+00 : f32
    %broadcast_in_dim3A_601 = vector.broadcast %broadcast_in_dim3A_600 : f32 to vector<16xf32>
    %swap3A_602 = arith.constant 1 : i32
    %swap3A_603 = arith.index_cast %swap3A_602 : i32 to index
    %swap3A_604 = arith.constant 112 : index
    %swap3A_605 = tpu.vector_load %arg7[%swap3A_603, %swap3A_604] {strides = array<i32>} : memref<8x128xf32, #tpu.memory_space<vmem>>, vector<1x16xf32>,
    %swap3A_606 = vector.shape_cast %swap3A_605 : vector<1x16xf32> to vector<16xf32>
    %swap3A_607 = vector.shape_cast %broadcast_in_dim3A_601 : vector<16xf32> to vector<1x16xf32>
    tpu.vector_store %arg7[%swap3A_603, %swap3A_604], %swap3A_607 {strides = array<i32>} : memref<8x128xf32, #tpu.memory_space<vmem>>, vector<1x16xf32>,
    %broadcast_in_dim3A_608 = arith.constant 0.000000e+00 : f32
    %broadcast_in_dim3A_609 = vector.broadcast %broadcast_in_dim3A_608 : f32 to vector<16xf32>
    %swap3A_610 = arith.constant 2 : i32
    %swap3A_611 = arith.index_cast %swap3A_610 : i32 to index
    %swap3A_612 = arith.constant 112 : index
    %swap3A_613 = tpu.vector_load %arg7[%swap3A_611, %swap3A_612] {strides = array<i32>} : memref<8x128xf32, #tpu.memory_space<vmem>>, vector<1x16xf32>,
    %swap3A_614 = vector.shape_cast %swap3A_613 : vector<1x16xf32> to vector<16xf32>
    %swap3A_615 = vector.shape_cast %broadcast_in_dim3A_609 : vector<16xf32> to vector<1x16xf32>
    tpu.vector_store %arg7[%swap3A_611, %swap3A_612], %swap3A_615 {strides = array<i32>} : memref<8x128xf32, #tpu.memory_space<vmem>>, vector<1x16xf32>,
    %broadcast_in_dim3A_616 = arith.constant 0.000000e+00 : f32
    %broadcast_in_dim3A_617 = vector.broadcast %broadcast_in_dim3A_616 : f32 to vector<16xf32>
    %swap3A_618 = arith.constant 3 : i32
    %swap3A_619 = arith.index_cast %swap3A_618 : i32 to index
    %swap3A_620 = arith.constant 112 : index
    %swap3A_621 = tpu.vector_load %arg7[%swap3A_619, %swap3A_620] {strides = array<i32>} : memref<8x128xf32, #tpu.memory_space<vmem>>, vector<1x16xf32>,
    %swap3A_622 = vector.shape_cast %swap3A_621 : vector<1x16xf32> to vector<16xf32>
    %swap3A_623 = vector.shape_cast %broadcast_in_dim3A_617 : vector<16xf32> to vector<1x16xf32>
    tpu.vector_store %arg7[%swap3A_619, %swap3A_620], %swap3A_623 {strides = array<i32>} : memref<8x128xf32, #tpu.memory_space<vmem>>, vector<1x16xf32>,
    %broadcast_in_dim3A_624 = arith.constant 0.000000e+00 : f32
    %broadcast_in_dim3A_625 = vector.broadcast %broadcast_in_dim3A_624 : f32 to vector<16xf32>
    %swap3A_626 = arith.constant 4 : i32
    %swap3A_627 = arith.index_cast %swap3A_626 : i32 to index
    %swap3A_628 = arith.constant 112 : index
    %swap3A_629 = tpu.vector_load %arg7[%swap3A_627, %swap3A_628] {strides = array<i32>} : memref<8x128xf32, #tpu.memory_space<vmem>>, vector<1x16xf32>,
    %swap3A_630 = vector.shape_cast %swap3A_629 : vector<1x16xf32> to vector<16xf32>
    %swap3A_631 = vector.shape_cast %broadcast_in_dim3A_625 : vector<16xf32> to vector<1x16xf32>
    tpu.vector_store %arg7[%swap3A_627, %swap3A_628], %swap3A_631 {strides = array<i32>} : memref<8x128xf32, #tpu.memory_space<vmem>>, vector<1x16xf32>,
    %broadcast_in_dim3A_632 = arith.constant 0.000000e+00 : f32
    %broadcast_in_dim3A_633 = vector.broadcast %broadcast_in_dim3A_632 : f32 to vector<16xf32>
    %swap3A_634 = arith.constant 5 : i32
    %swap3A_635 = arith.index_cast %swap3A_634 : i32 to index
    %swap3A_636 = arith.constant 112 : index
    %swap3A_637 = tpu.vector_load %arg7[%swap3A_635, %swap3A_636] {strides = array<i32>} : memref<8x128xf32, #tpu.memory_space<vmem>>, vector<1x16xf32>,
    %swap3A_638 = vector.shape_cast %swap3A_637 : vector<1x16xf32> to vector<16xf32>
    %swap3A_639 = vector.shape_cast %broadcast_in_dim3A_633 : vector<16xf32> to vector<1x16xf32>
    tpu.vector_store %arg7[%swap3A_635, %swap3A_636], %swap3A_639 {strides = array<i32>} : memref<8x128xf32, #tpu.memory_space<vmem>>, vector<1x16xf32>,
    %broadcast_in_dim3A_640 = arith.constant 0.000000e+00 : f32
    %broadcast_in_dim3A_641 = vector.broadcast %broadcast_in_dim3A_640 : f32 to vector<16xf32>
    %swap3A_642 = arith.constant 6 : i32
    %swap3A_643 = arith.index_cast %swap3A_642 : i32 to index
    %swap3A_644 = arith.constant 112 : index
    %swap3A_645 = tpu.vector_load %arg7[%swap3A_643, %swap3A_644] {strides = array<i32>} : memref<8x128xf32, #tpu.memory_space<vmem>>, vector<1x16xf32>,
    %swap3A_646 = vector.shape_cast %swap3A_645 : vector<1x16xf32> to vector<16xf32>
    %swap3A_647 = vector.shape_cast %broadcast_in_dim3A_641 : vector<16xf32> to vector<1x16xf32>
    tpu.vector_store %arg7[%swap3A_643, %swap3A_644], %swap3A_647 {strides = array<i32>} : memref<8x128xf32, #tpu.memory_space<vmem>>, vector<1x16xf32>,
    %broadcast_in_dim3A_648 = arith.constant 0.000000e+00 : f32
    %broadcast_in_dim3A_649 = vector.broadcast %broadcast_in_dim3A_648 : f32 to vector<16xf32>
    %swap3A_650 = arith.constant 7 : i32
    %swap3A_651 = arith.index_cast %swap3A_650 : i32 to index
    %swap3A_652 = arith.constant 112 : index
    %swap3A_653 = tpu.vector_load %arg7[%swap3A_651, %swap3A_652] {strides = array<i32>} : memref<8x128xf32, #tpu.memory_space<vmem>>, vector<1x16xf32>,
    %swap3A_654 = vector.shape_cast %swap3A_653 : vector<1x16xf32> to vector<16xf32>
    %swap3A_655 = vector.shape_cast %broadcast_in_dim3A_649 : vector<16xf32> to vector<1x16xf32>
    tpu.vector_store %arg7[%swap3A_651, %swap3A_652], %swap3A_655 {strides = array<i32>} : memref<8x128xf32, #tpu.memory_space<vmem>>, vector<1x16xf32>,
    %lt3A = arith.constant 15 : i32
    %lt3A_656 = arith.cmpi slt, %arg1, %lt3A : i32
    %convert_element_type3A = arith.extui %lt3A_656 : i1 to i32
    %cond3A = arith.constant 0 : i32
    %cond3A_657 = arith.cmpi ne, %convert_element_type3A, %cond3A : i32
    scf.if %cond3A_657 {
      %scan3A_729 = arith.constant 0 : i32
      %scan3A_730 = arith.constant 80 : i32
      %scan3A_731 = arith.addi %scan3A_729, %scan3A_730 : i32
      %scan3A_732 = arith.constant 1 : i32
      scf.for %scan3A_734 = %scan3A_729 to %scan3A_731 step %scan3A_732  : i32 {
        %mul3A = arith.constant 1 : i32
        %mul3A_735 = arith.muli %scan3A_734, %mul3A : i32
        %add3A = arith.constant 0 : i32
        %add3A_736 = arith.addi %add3A, %mul3A_735 : i32
        %mul3A_737 = arith.constant 640 : i32
        %mul3A_738 = arith.muli %arg1, %mul3A_737 : i32
        %mul3A_739 = arith.constant 8 : i32
        %mul3A_740 = arith.muli %add3A_736, %mul3A_739 : i32
        %add3A_741 = arith.addi %mul3A_738, %mul3A_740 : i32
        "tpu.region"() ({
          %run_scoped3A_742 = tpu.sem_alloc : memref<!tpu.dma_semaphore, #tpu.memory_space<semaphore_mem>>
          %dma_start3A_743 = arith.constant 0 : i32
          %dma_start3A_744 = tpu.memref_slice %arg8[%add3A_741, %dma_start3A_743] : memref<10008x128xf32, #tpu.memory_space<vmem_shared>> -> memref<8x128xf32, #tpu.memory_space<vmem_shared>>
          %dma_start3A_745 = arith.constant 0 : i32
          %dma_start3A_746 = tpu.memref_slice %arg8[%add3A_741, %dma_start3A_745] : memref<10008x128xf32, #tpu.memory_space<vmem_shared>> -> memref<8x128xf32, #tpu.memory_space<vmem_shared>>
          tpu.enqueue_dma source(%arg7 : memref<8x128xf32, #tpu.memory_space<vmem>>) target(%dma_start3A_746 : memref<8x128xf32, #tpu.memory_space<vmem_shared>>) target_semaphore(%run_scoped3A_742 : memref<!tpu.dma_semaphore, #tpu.memory_space<semaphore_mem>>)
          %dma_wait3A_747 = arith.constant 0 : i32
          %dma_wait3A_748 = tpu.memref_slice %arg8[%add3A_741, %dma_wait3A_747] : memref<10008x128xf32, #tpu.memory_space<vmem_shared>> -> memref<8x128xf32, #tpu.memory_space<vmem_shared>>
          %dma_wait3A_749 = arith.constant 0 : i32
          %dma_wait3A_750 = tpu.memref_slice %arg8[%add3A_741, %dma_wait3A_749] : memref<10008x128xf32, #tpu.memory_space<vmem_shared>> -> memref<8x128xf32, #tpu.memory_space<vmem_shared>>
          tpu.wait_dma2 semaphore(%run_scoped3A_742 : memref<!tpu.dma_semaphore, #tpu.memory_space<semaphore_mem>>) src(%arg7 : memref<8x128xf32, #tpu.memory_space<vmem>>) dst(%dma_wait3A_750 : memref<8x128xf32, #tpu.memory_space<vmem_shared>>)
          tpu.yield
        }) : () -> ()
      }
      %scan3A_733 = arith.constant 80 : i32
    } else {
    }
    %eq3A = arith.constant 15 : i32
    %eq3A_658 = arith.cmpi eq, %arg1, %eq3A : i32
    %convert_element_type3A_659 = arith.extui %eq3A_658 : i1 to i32
    %cond3A_660 = arith.constant 0 : i32
    %cond3A_661 = arith.cmpi ne, %convert_element_type3A_659, %cond3A_660 : i32
    scf.if %cond3A_661 {
      %scan3A_729 = arith.constant 0 : i32
      %scan3A_730 = arith.constant 51 : i32
      %scan3A_731 = arith.addi %scan3A_729, %scan3A_730 : i32
      %scan3A_732 = arith.constant 1 : i32
      scf.for %scan3A_734 = %scan3A_729 to %scan3A_731 step %scan3A_732  : i32 {
        %mul3A = arith.constant 1 : i32
        %mul3A_735 = arith.muli %scan3A_734, %mul3A : i32
        %add3A = arith.constant 0 : i32
        %add3A_736 = arith.addi %add3A, %mul3A_735 : i32
        %mul3A_737 = arith.constant 8 : i32
        %mul3A_738 = arith.muli %add3A_736, %mul3A_737 : i32
        %add3A_739 = arith.constant 9600 : i32
        %add3A_740 = arith.addi %add3A_739, %mul3A_738 : i32
        "tpu.region"() ({
          %run_scoped3A_741 = tpu.sem_alloc : memref<!tpu.dma_semaphore, #tpu.memory_space<semaphore_mem>>
          %dma_start3A_742 = arith.constant 0 : i32
          %dma_start3A_743 = tpu.memref_slice %arg8[%add3A_740, %dma_start3A_742] : memref<10008x128xf32, #tpu.memory_space<vmem_shared>> -> memref<8x128xf32, #tpu.memory_space<vmem_shared>>
          %dma_start3A_744 = arith.constant 0 : i32
          %dma_start3A_745 = tpu.memref_slice %arg8[%add3A_740, %dma_start3A_744] : memref<10008x128xf32, #tpu.memory_space<vmem_shared>> -> memref<8x128xf32, #tpu.memory_space<vmem_shared>>
          tpu.enqueue_dma source(%arg7 : memref<8x128xf32, #tpu.memory_space<vmem>>) target(%dma_start3A_745 : memref<8x128xf32, #tpu.memory_space<vmem_shared>>) target_semaphore(%run_scoped3A_741 : memref<!tpu.dma_semaphore, #tpu.memory_space<semaphore_mem>>)
          %dma_wait3A_746 = arith.constant 0 : i32
          %dma_wait3A_747 = tpu.memref_slice %arg8[%add3A_740, %dma_wait3A_746] : memref<10008x128xf32, #tpu.memory_space<vmem_shared>> -> memref<8x128xf32, #tpu.memory_space<vmem_shared>>
          %dma_wait3A_748 = arith.constant 0 : i32
          %dma_wait3A_749 = tpu.memref_slice %arg8[%add3A_740, %dma_wait3A_748] : memref<10008x128xf32, #tpu.memory_space<vmem_shared>> -> memref<8x128xf32, #tpu.memory_space<vmem_shared>>
          tpu.wait_dma2 semaphore(%run_scoped3A_741 : memref<!tpu.dma_semaphore, #tpu.memory_space<semaphore_mem>>) src(%arg7 : memref<8x128xf32, #tpu.memory_space<vmem>>) dst(%dma_wait3A_749 : memref<8x128xf32, #tpu.memory_space<vmem_shared>>)
          tpu.yield
        }) : () -> ()
      }
      %scan3A_733 = arith.constant 51 : i32
    } else {
    }
    %barrier3A = arith.constant 0 : index
    tpu.barrier barrier_id(%barrier3A)
    %scan3A = arith.constant 0 : i32
    %scan3A_662 = arith.constant 16 : i32
    %scan3A_663 = arith.addi %scan3A, %scan3A_662 : i32
    %scan3A_664 = arith.constant 1 : i32
    scf.for %scan3A_729 = %scan3A to %scan3A_663 step %scan3A_664  : i32 {
      %mul3A = arith.constant 8 : i32
      %mul3A_730 = arith.muli %scan3A_729, %mul3A : i32
      %add3A = arith.constant 0 : i32
      %add3A_731 = arith.addi %add3A, %mul3A_730 : i32
      %add3A_732 = arith.constant 0 : i32
      %add3A_733 = arith.addi %add3A_731, %add3A_732 : i32
      %dma_wait3A_734 = arith.constant 0 : i32
      %dma_wait3A_735 = arith.constant 0 : i32
      %dma_wait3A_736 = arith.constant 0 : i32
      %dma_wait3A_737 = arith.constant 0 : i32
      %dma_wait3A_738 = arith.constant 0 : i32
      %dma_wait3A_739 = tpu.memref_slice %arg6[%dma_wait3A_736, %dma_wait3A_737, %dma_wait3A_738] : memref<4x80x128xf32, #tpu.memory_space<vmem>> -> memref<1x80x128xf32, #tpu.memory_space<vmem>>
      %dma_wait3A_740 = tpu.memref_squeeze %dma_wait3A_739 : memref<1x80x128xf32, #tpu.memory_space<vmem>> -> memref<80x128xf32, #tpu.memory_space<vmem>>
      %dma_wait3A_741 = arith.constant 0 : i32
      %dma_wait3A_742 = tpu.memref_slice %arg5[%dma_wait3A_734, %dma_wait3A_735, %dma_wait3A_741] : memref<8x2x80xi32, #tpu.memory_space<vmem>> -> memref<1x1x80xi32, #tpu.memory_space<vmem>>
      %dma_wait3A_743 = tpu.memref_squeeze %dma_wait3A_742 : memref<1x1x80xi32, #tpu.memory_space<vmem>> -> memref<80xi32, #tpu.memory_space<vmem>>
      %dma_wait3A_744 = arith.constant 0 : i32
      %dma_wait3A_745 = arith.constant 0 : i32
      %dma_wait3A_746 = tpu.memref_slice %arg2[%dma_wait3A_744, %dma_wait3A_745] : memref<20000x128xf32, #tpu.memory_space<hbm>> -> memref<20000x128xf32, #tpu.memory_space<hbm>>
      tpu.wait_indirect_dma semaphore(%arg17 : memref<!tpu.dma_semaphore, #tpu.memory_space<semaphore_mem>>) src(%dma_wait3A_746 : memref<20000x128xf32, #tpu.memory_space<hbm>>) dst(%dma_wait3A_740 : memref<80x128xf32, #tpu.memory_space<vmem>>)
      %dma_start3A_747 = arith.constant 0 : i32
      %dma_start3A_748 = arith.constant 0 : i32
      %dma_start3A_749 = arith.constant 1 : i32
      %dma_start3A_750 = arith.constant 0 : i32
      %dma_start3A_751 = arith.constant 0 : i32
      %dma_start3A_752 = tpu.memref_slice %arg6[%dma_start3A_747, %dma_start3A_750, %dma_start3A_751] : memref<4x80x128xf32, #tpu.memory_space<vmem>> -> memref<1x80x128xf32, #tpu.memory_space<vmem>>
      %dma_start3A_753 = tpu.memref_squeeze %dma_start3A_752 : memref<1x80x128xf32, #tpu.memory_space<vmem>> -> memref<80x128xf32, #tpu.memory_space<vmem>>
      %dma_start3A_754 = arith.constant 0 : i32
      %dma_start3A_755 = tpu.memref_slice %arg5[%dma_start3A_748, %dma_start3A_749, %dma_start3A_754] : memref<8x2x80xi32, #tpu.memory_space<vmem>> -> memref<1x1x80xi32, #tpu.memory_space<vmem>>
      %dma_start3A_756 = tpu.memref_squeeze %dma_start3A_755 : memref<1x1x80xi32, #tpu.memory_space<vmem>> -> memref<80xi32, #tpu.memory_space<vmem>>
      %dma_start3A_757 = arith.constant 0 : i32
      %dma_start3A_758 = arith.constant 0 : i32
      %dma_start3A_759 = tpu.memref_slice %arg8[%dma_start3A_757, %dma_start3A_758] : memref<10008x128xf32, #tpu.memory_space<vmem_shared>> -> memref<10008x128xf32, #tpu.memory_space<vmem_shared>>
      tpu.enqueue_indirect_dma source(%dma_start3A_753 : memref<80x128xf32, #tpu.memory_space<vmem>>) target(%dma_start3A_759 : memref<10008x128xf32, #tpu.memory_space<vmem_shared>>) offsets(%dma_start3A_756 : memref<80xi32, #tpu.memory_space<vmem>>) semaphore(%arg21 : memref<!tpu.dma_semaphore, #tpu.memory_space<semaphore_mem>>) {add = true}
      %lt3A_760 = arith.constant 125 : i32
      %lt3A_761 = arith.cmpi slt, %add3A_733, %lt3A_760 : i32
      %convert_element_type3A_762 = arith.extui %lt3A_761 : i1 to i32
      %cond3A_763 = arith.constant 0 : i32
      %cond3A_764 = arith.cmpi ne, %convert_element_type3A_762, %cond3A_763 : i32
      scf.if %cond3A_764 {
        %gt3A = arith.constant 0 : i32
        %gt3A_1036 = arith.cmpi sgt, %add3A_733, %gt3A : i32
        %convert_element_type3A_1037 = arith.extui %gt3A_1036 : i1 to i32
        %cond3A_1038 = arith.constant 0 : i32
        %cond3A_1039 = arith.cmpi ne, %convert_element_type3A_1037, %cond3A_1038 : i32
        scf.if %cond3A_1039 {
          %dma_wait3A_1072 = arith.constant 3 : i32
          %dma_wait3A_1073 = arith.constant 7 : i32
          %dma_wait3A_1074 = arith.constant 1 : i32
          %dma_wait3A_1075 = arith.constant 0 : i32
          %dma_wait3A_1076 = arith.constant 0 : i32
          %dma_wait3A_1077 = tpu.memref_slice %arg6[%dma_wait3A_1072, %dma_wait3A_1075, %dma_wait3A_1076] : memref<4x80x128xf32, #tpu.memory_space<vmem>> -> memref<1x80x128xf32, #tpu.memory_space<vmem>>
          %dma_wait3A_1078 = tpu.memref_squeeze %dma_wait3A_1077 : memref<1x80x128xf32, #tpu.memory_space<vmem>> -> memref<80x128xf32, #tpu.memory_space<vmem>>
          %dma_wait3A_1079 = arith.constant 0 : i32
          %dma_wait3A_1080 = tpu.memref_slice %arg5[%dma_wait3A_1073, %dma_wait3A_1074, %dma_wait3A_1079] : memref<8x2x80xi32, #tpu.memory_space<vmem>> -> memref<1x1x80xi32, #tpu.memory_space<vmem>>
          %dma_wait3A_1081 = tpu.memref_squeeze %dma_wait3A_1080 : memref<1x1x80xi32, #tpu.memory_space<vmem>> -> memref<80xi32, #tpu.memory_space<vmem>>
          %dma_wait3A_1082 = arith.constant 0 : i32
          %dma_wait3A_1083 = arith.constant 0 : i32
          %dma_wait3A_1084 = tpu.memref_slice %arg8[%dma_wait3A_1082, %dma_wait3A_1083] : memref<10008x128xf32, #tpu.memory_space<vmem_shared>> -> memref<10008x128xf32, #tpu.memory_space<vmem_shared>>
          tpu.wait_indirect_dma semaphore(%arg24 : memref<!tpu.dma_semaphore, #tpu.memory_space<semaphore_mem>>) src(%dma_wait3A_1078 : memref<80x128xf32, #tpu.memory_space<vmem>>) dst(%dma_wait3A_1084 : memref<10008x128xf32, #tpu.memory_space<vmem_shared>>)
        } else {
        }
        %add3A_1040 = arith.constant 3 : i32
        %add3A_1041 = arith.addi %add3A_733, %add3A_1040 : i32
        %dma_wait3A_1042 = arith.constant 3 : i32
        %dma_wait3A_1043 = arith.constant 0 : i32
        %dma_wait3A_1044 = arith.constant 0 : i32
        %dma_wait3A_1045 = tpu.memref_slice %arg5[%dma_wait3A_1042, %dma_wait3A_1043, %dma_wait3A_1044] : memref<8x2x80xi32, #tpu.memory_space<vmem>> -> memref<1x2x80xi32, #tpu.memory_space<vmem>>
        %dma_wait3A_1046 = tpu.memref_squeeze %dma_wait3A_1045 : memref<1x2x80xi32, #tpu.memory_space<vmem>> -> memref<2x80xi32, #tpu.memory_space<vmem>>
        %dma_wait3A_1047 = arith.constant 0 : i32
        %dma_wait3A_1048 = arith.constant 0 : i32
        %dma_wait3A_1049 = tpu.memref_slice %arg3[%arg0, %arg1, %add3A_1041, %dma_wait3A_1047, %dma_wait3A_1048] : memref<2x16x128x2x80xi32, #tpu.memory_space<hbm>> -> memref<1x1x1x2x80xi32, #tpu.memory_space<hbm>>
        %dma_wait3A_1050 = tpu.memref_squeeze %dma_wait3A_1049 : memref<1x1x1x2x80xi32, #tpu.memory_space<hbm>> -> memref<2x80xi32, #tpu.memory_space<hbm>>
        %dma_wait3A_1051 = arith.constant 0 : i32
        %dma_wait3A_1052 = arith.constant 0 : i32
        %dma_wait3A_1053 = tpu.memref_slice %arg5[%dma_wait3A_1042, %dma_wait3A_1051, %dma_wait3A_1052] : memref<8x2x80xi32, #tpu.memory_space<vmem>> -> memref<1x2x80xi32, #tpu.memory_space<vmem>>
        %dma_wait3A_1054 = tpu.memref_squeeze %dma_wait3A_1053 : memref<1x2x80xi32, #tpu.memory_space<vmem>> -> memref<2x80xi32, #tpu.memory_space<vmem>>
        %dma_wait3A_1055 = arith.constant 0 : i32
        %dma_wait3A_1056 = arith.constant 0 : i32
        %dma_wait3A_1057 = tpu.memref_slice %arg3[%arg0, %arg1, %add3A_1041, %dma_wait3A_1055, %dma_wait3A_1056] : memref<2x16x128x2x80xi32, #tpu.memory_space<hbm>> -> memref<1x1x1x2x80xi32, #tpu.memory_space<hbm>>
        %dma_wait3A_1058 = tpu.memref_squeeze %dma_wait3A_1057 : memref<1x1x1x2x80xi32, #tpu.memory_space<hbm>> -> memref<2x80xi32, #tpu.memory_space<hbm>>
        tpu.wait_dma2 semaphore(%arg12 : memref<!tpu.dma_semaphore, #tpu.memory_space<semaphore_mem>>) src(%dma_wait3A_1058 : memref<2x80xi32, #tpu.memory_space<hbm>>) dst(%dma_wait3A_1054 : memref<2x80xi32, #tpu.memory_space<vmem>>)
        %dma_start3A_1059 = arith.constant 3 : i32
        %dma_start3A_1060 = arith.constant 0 : i32
        %dma_start3A_1061 = arith.constant 3 : i32
        %dma_start3A_1062 = arith.constant 0 : i32
        %dma_start3A_1063 = arith.constant 0 : i32
        %dma_start3A_1064 = tpu.memref_slice %arg6[%dma_start3A_1061, %dma_start3A_1062, %dma_start3A_1063] : memref<4x80x128xf32, #tpu.memory_space<vmem>> -> memref<1x80x128xf32, #tpu.memory_space<vmem>>
        %dma_start3A_1065 = tpu.memref_squeeze %dma_start3A_1064 : memref<1x80x128xf32, #tpu.memory_space<vmem>> -> memref<80x128xf32, #tpu.memory_space<vmem>>
        %dma_start3A_1066 = arith.constant 0 : i32
        %dma_start3A_1067 = tpu.memref_slice %arg5[%dma_start3A_1059, %dma_start3A_1060, %dma_start3A_1066] : memref<8x2x80xi32, #tpu.memory_space<vmem>> -> memref<1x1x80xi32, #tpu.memory_space<vmem>>
        %dma_start3A_1068 = tpu.memref_squeeze %dma_start3A_1067 : memref<1x1x80xi32, #tpu.memory_space<vmem>> -> memref<80xi32, #tpu.memory_space<vmem>>
        %dma_start3A_1069 = arith.constant 0 : i32
        %dma_start3A_1070 = arith.constant 0 : i32
        %dma_start3A_1071 = tpu.memref_slice %arg2[%dma_start3A_1069, %dma_start3A_1070] : memref<20000x128xf32, #tpu.memory_space<hbm>> -> memref<20000x128xf32, #tpu.memory_space<hbm>>
        tpu.enqueue_indirect_dma source(%dma_start3A_1071 : memref<20000x128xf32, #tpu.memory_space<hbm>>) target(%dma_start3A_1065 : memref<80x128xf32, #tpu.memory_space<vmem>>) offsets(%dma_start3A_1068 : memref<80xi32, #tpu.memory_space<vmem>>) semaphore(%arg20 : memref<!tpu.dma_semaphore, #tpu.memory_space<semaphore_mem>>)
      } else {
      }
      %lt3A_765 = arith.constant 123 : i32
      %lt3A_766 = arith.cmpi slt, %add3A_733, %lt3A_765 : i32
      %convert_element_type3A_767 = arith.extui %lt3A_766 : i1 to i32
      %cond3A_768 = arith.constant 0 : i32
      %cond3A_769 = arith.cmpi ne, %convert_element_type3A_767, %cond3A_768 : i32
      scf.if %cond3A_769 {
        %add3A_1036 = arith.constant 5 : i32
        %add3A_1037 = arith.addi %add3A_733, %add3A_1036 : i32
        %dma_start3A_1038 = arith.constant 5 : i32
        %dma_start3A_1039 = arith.constant 0 : i32
        %dma_start3A_1040 = arith.constant 0 : i32
        %dma_start3A_1041 = tpu.memref_slice %arg5[%dma_start3A_1038, %dma_start3A_1039, %dma_start3A_1040] : memref<8x2x80xi32, #tpu.memory_space<vmem>> -> memref<1x2x80xi32, #tpu.memory_space<vmem>>
        %dma_start3A_1042 = tpu.memref_squeeze %dma_start3A_1041 : memref<1x2x80xi32, #tpu.memory_space<vmem>> -> memref<2x80xi32, #tpu.memory_space<vmem>>
        %dma_start3A_1043 = arith.constant 0 : i32
        %dma_start3A_1044 = arith.constant 0 : i32
        %dma_start3A_1045 = tpu.memref_slice %arg3[%arg0, %arg1, %add3A_1037, %dma_start3A_1043, %dma_start3A_1044] : memref<2x16x128x2x80xi32, #tpu.memory_space<hbm>> -> memref<1x1x1x2x80xi32, #tpu.memory_space<hbm>>
        %dma_start3A_1046 = tpu.memref_squeeze %dma_start3A_1045 : memref<1x1x1x2x80xi32, #tpu.memory_space<hbm>> -> memref<2x80xi32, #tpu.memory_space<hbm>>
        %dma_start3A_1047 = arith.constant 0 : i32
        %dma_start3A_1048 = arith.constant 0 : i32
        %dma_start3A_1049 = tpu.memref_slice %arg5[%dma_start3A_1038, %dma_start3A_1047, %dma_start3A_1048] : memref<8x2x80xi32, #tpu.memory_space<vmem>> -> memref<1x2x80xi32, #tpu.memory_space<vmem>>
        %dma_start3A_1050 = tpu.memref_squeeze %dma_start3A_1049 : memref<1x2x80xi32, #tpu.memory_space<vmem>> -> memref<2x80xi32, #tpu.memory_space<vmem>>
        %dma_start3A_1051 = arith.constant 0 : i32
        %dma_start3A_1052 = arith.constant 0 : i32
        %dma_start3A_1053 = tpu.memref_slice %arg3[%arg0, %arg1, %add3A_1037, %dma_start3A_1051, %dma_start3A_1052] : memref<2x16x128x2x80xi32, #tpu.memory_space<hbm>> -> memref<1x1x1x2x80xi32, #tpu.memory_space<hbm>>
        %dma_start3A_1054 = tpu.memref_squeeze %dma_start3A_1053 : memref<1x1x1x2x80xi32, #tpu.memory_space<hbm>> -> memref<2x80xi32, #tpu.memory_space<hbm>>
        tpu.enqueue_dma source(%dma_start3A_1054 : memref<2x80xi32, #tpu.memory_space<hbm>>) target(%dma_start3A_1050 : memref<2x80xi32, #tpu.memory_space<vmem>>) target_semaphore(%arg14 : memref<!tpu.dma_semaphore, #tpu.memory_space<semaphore_mem>>)
      } else {
      }
      %add3A_770 = arith.constant 1 : i32
      %add3A_771 = arith.addi %add3A_731, %add3A_770 : i32
      %dma_wait3A_772 = arith.constant 1 : i32
      %dma_wait3A_773 = arith.constant 0 : i32
      %dma_wait3A_774 = arith.constant 1 : i32
      %dma_wait3A_775 = arith.constant 0 : i32
      %dma_wait3A_776 = arith.constant 0 : i32
      %dma_wait3A_777 = tpu.memref_slice %arg6[%dma_wait3A_774, %dma_wait3A_775, %dma_wait3A_776] : memref<4x80x128xf32, #tpu.memory_space<vmem>> -> memref<1x80x128xf32, #tpu.memory_space<vmem>>
      %dma_wait3A_778 = tpu.memref_squeeze %dma_wait3A_777 : memref<1x80x128xf32, #tpu.memory_space<vmem>> -> memref<80x128xf32, #tpu.memory_space<vmem>>
      %dma_wait3A_779 = arith.constant 0 : i32
      %dma_wait3A_780 = tpu.memref_slice %arg5[%dma_wait3A_772, %dma_wait3A_773, %dma_wait3A_779] : memref<8x2x80xi32, #tpu.memory_space<vmem>> -> memref<1x1x80xi32, #tpu.memory_space<vmem>>
      %dma_wait3A_781 = tpu.memref_squeeze %dma_wait3A_780 : memref<1x1x80xi32, #tpu.memory_space<vmem>> -> memref<80xi32, #tpu.memory_space<vmem>>
      %dma_wait3A_782 = arith.constant 0 : i32
      %dma_wait3A_783 = arith.constant 0 : i32
      %dma_wait3A_784 = tpu.memref_slice %arg2[%dma_wait3A_782, %dma_wait3A_783] : memref<20000x128xf32, #tpu.memory_space<hbm>> -> memref<20000x128xf32, #tpu.memory_space<hbm>>
      tpu.wait_indirect_dma semaphore(%arg18 : memref<!tpu.dma_semaphore, #tpu.memory_space<semaphore_mem>>) src(%dma_wait3A_784 : memref<20000x128xf32, #tpu.memory_space<hbm>>) dst(%dma_wait3A_778 : memref<80x128xf32, #tpu.memory_space<vmem>>)
      %dma_start3A_785 = arith.constant 1 : i32
      %dma_start3A_786 = arith.constant 1 : i32
      %dma_start3A_787 = arith.constant 1 : i32
      %dma_start3A_788 = arith.constant 0 : i32
      %dma_start3A_789 = arith.constant 0 : i32
      %dma_start3A_790 = tpu.memref_slice %arg6[%dma_start3A_785, %dma_start3A_788, %dma_start3A_789] : memref<4x80x128xf32, #tpu.memory_space<vmem>> -> memref<1x80x128xf32, #tpu.memory_space<vmem>>
      %dma_start3A_791 = tpu.memref_squeeze %dma_start3A_790 : memref<1x80x128xf32, #tpu.memory_space<vmem>> -> memref<80x128xf32, #tpu.memory_space<vmem>>
      %dma_start3A_792 = arith.constant 0 : i32
      %dma_start3A_793 = tpu.memref_slice %arg5[%dma_start3A_786, %dma_start3A_787, %dma_start3A_792] : memref<8x2x80xi32, #tpu.memory_space<vmem>> -> memref<1x1x80xi32, #tpu.memory_space<vmem>>
      %dma_start3A_794 = tpu.memref_squeeze %dma_start3A_793 : memref<1x1x80xi32, #tpu.memory_space<vmem>> -> memref<80xi32, #tpu.memory_space<vmem>>
      %dma_start3A_795 = arith.constant 0 : i32
      %dma_start3A_796 = arith.constant 0 : i32
      %dma_start3A_797 = tpu.memref_slice %arg8[%dma_start3A_795, %dma_start3A_796] : memref<10008x128xf32, #tpu.memory_space<vmem_shared>> -> memref<10008x128xf32, #tpu.memory_space<vmem_shared>>
      tpu.enqueue_indirect_dma source(%dma_start3A_791 : memref<80x128xf32, #tpu.memory_space<vmem>>) target(%dma_start3A_797 : memref<10008x128xf32, #tpu.memory_space<vmem_shared>>) offsets(%dma_start3A_794 : memref<80xi32, #tpu.memory_space<vmem>>) semaphore(%arg22 : memref<!tpu.dma_semaphore, #tpu.memory_space<semaphore_mem>>) {add = true}
      %lt3A_798 = arith.constant 125 : i32
      %lt3A_799 = arith.cmpi slt, %add3A_771, %lt3A_798 : i32
      %convert_element_type3A_800 = arith.extui %lt3A_799 : i1 to i32
      %cond3A_801 = arith.constant 0 : i32
      %cond3A_802 = arith.cmpi ne, %convert_element_type3A_800, %cond3A_801 : i32
      scf.if %cond3A_802 {
        %gt3A = arith.constant 0 : i32
        %gt3A_1036 = arith.cmpi sgt, %add3A_771, %gt3A : i32
        %convert_element_type3A_1037 = arith.extui %gt3A_1036 : i1 to i32
        %cond3A_1038 = arith.constant 0 : i32
        %cond3A_1039 = arith.cmpi ne, %convert_element_type3A_1037, %cond3A_1038 : i32
        scf.if %cond3A_1039 {
          %dma_wait3A_1072 = arith.constant 0 : i32
          %dma_wait3A_1073 = arith.constant 0 : i32
          %dma_wait3A_1074 = arith.constant 1 : i32
          %dma_wait3A_1075 = arith.constant 0 : i32
          %dma_wait3A_1076 = arith.constant 0 : i32
          %dma_wait3A_1077 = tpu.memref_slice %arg6[%dma_wait3A_1072, %dma_wait3A_1075, %dma_wait3A_1076] : memref<4x80x128xf32, #tpu.memory_space<vmem>> -> memref<1x80x128xf32, #tpu.memory_space<vmem>>
          %dma_wait3A_1078 = tpu.memref_squeeze %dma_wait3A_1077 : memref<1x80x128xf32, #tpu.memory_space<vmem>> -> memref<80x128xf32, #tpu.memory_space<vmem>>
          %dma_wait3A_1079 = arith.constant 0 : i32
          %dma_wait3A_1080 = tpu.memref_slice %arg5[%dma_wait3A_1073, %dma_wait3A_1074, %dma_wait3A_1079] : memref<8x2x80xi32, #tpu.memory_space<vmem>> -> memref<1x1x80xi32, #tpu.memory_space<vmem>>
          %dma_wait3A_1081 = tpu.memref_squeeze %dma_wait3A_1080 : memref<1x1x80xi32, #tpu.memory_space<vmem>> -> memref<80xi32, #tpu.memory_space<vmem>>
          %dma_wait3A_1082 = arith.constant 0 : i32
          %dma_wait3A_1083 = arith.constant 0 : i32
          %dma_wait3A_1084 = tpu.memref_slice %arg8[%dma_wait3A_1082, %dma_wait3A_1083] : memref<10008x128xf32, #tpu.memory_space<vmem_shared>> -> memref<10008x128xf32, #tpu.memory_space<vmem_shared>>
          tpu.wait_indirect_dma semaphore(%arg21 : memref<!tpu.dma_semaphore, #tpu.memory_space<semaphore_mem>>) src(%dma_wait3A_1078 : memref<80x128xf32, #tpu.memory_space<vmem>>) dst(%dma_wait3A_1084 : memref<10008x128xf32, #tpu.memory_space<vmem_shared>>)
        } else {
        }
        %add3A_1040 = arith.constant 3 : i32
        %add3A_1041 = arith.addi %add3A_771, %add3A_1040 : i32
        %dma_wait3A_1042 = arith.constant 4 : i32
        %dma_wait3A_1043 = arith.constant 0 : i32
        %dma_wait3A_1044 = arith.constant 0 : i32
        %dma_wait3A_1045 = tpu.memref_slice %arg5[%dma_wait3A_1042, %dma_wait3A_1043, %dma_wait3A_1044] : memref<8x2x80xi32, #tpu.memory_space<vmem>> -> memref<1x2x80xi32, #tpu.memory_space<vmem>>
        %dma_wait3A_1046 = tpu.memref_squeeze %dma_wait3A_1045 : memref<1x2x80xi32, #tpu.memory_space<vmem>> -> memref<2x80xi32, #tpu.memory_space<vmem>>
        %dma_wait3A_1047 = arith.constant 0 : i32
        %dma_wait3A_1048 = arith.constant 0 : i32
        %dma_wait3A_1049 = tpu.memref_slice %arg3[%arg0, %arg1, %add3A_1041, %dma_wait3A_1047, %dma_wait3A_1048] : memref<2x16x128x2x80xi32, #tpu.memory_space<hbm>> -> memref<1x1x1x2x80xi32, #tpu.memory_space<hbm>>
        %dma_wait3A_1050 = tpu.memref_squeeze %dma_wait3A_1049 : memref<1x1x1x2x80xi32, #tpu.memory_space<hbm>> -> memref<2x80xi32, #tpu.memory_space<hbm>>
        %dma_wait3A_1051 = arith.constant 0 : i32
        %dma_wait3A_1052 = arith.constant 0 : i32
        %dma_wait3A_1053 = tpu.memref_slice %arg5[%dma_wait3A_1042, %dma_wait3A_1051, %dma_wait3A_1052] : memref<8x2x80xi32, #tpu.memory_space<vmem>> -> memref<1x2x80xi32, #tpu.memory_space<vmem>>
        %dma_wait3A_1054 = tpu.memref_squeeze %dma_wait3A_1053 : memref<1x2x80xi32, #tpu.memory_space<vmem>> -> memref<2x80xi32, #tpu.memory_space<vmem>>
        %dma_wait3A_1055 = arith.constant 0 : i32
        %dma_wait3A_1056 = arith.constant 0 : i32
        %dma_wait3A_1057 = tpu.memref_slice %arg3[%arg0, %arg1, %add3A_1041, %dma_wait3A_1055, %dma_wait3A_1056] : memref<2x16x128x2x80xi32, #tpu.memory_space<hbm>> -> memref<1x1x1x2x80xi32, #tpu.memory_space<hbm>>
        %dma_wait3A_1058 = tpu.memref_squeeze %dma_wait3A_1057 : memref<1x1x1x2x80xi32, #tpu.memory_space<hbm>> -> memref<2x80xi32, #tpu.memory_space<hbm>>
        tpu.wait_dma2 semaphore(%arg13 : memref<!tpu.dma_semaphore, #tpu.memory_space<semaphore_mem>>) src(%dma_wait3A_1058 : memref<2x80xi32, #tpu.memory_space<hbm>>) dst(%dma_wait3A_1054 : memref<2x80xi32, #tpu.memory_space<vmem>>)
        %dma_start3A_1059 = arith.constant 4 : i32
        %dma_start3A_1060 = arith.constant 0 : i32
        %dma_start3A_1061 = arith.constant 0 : i32
        %dma_start3A_1062 = arith.constant 0 : i32
        %dma_start3A_1063 = arith.constant 0 : i32
        %dma_start3A_1064 = tpu.memref_slice %arg6[%dma_start3A_1061, %dma_start3A_1062, %dma_start3A_1063] : memref<4x80x128xf32, #tpu.memory_space<vmem>> -> memref<1x80x128xf32, #tpu.memory_space<vmem>>
        %dma_start3A_1065 = tpu.memref_squeeze %dma_start3A_1064 : memref<1x80x128xf32, #tpu.memory_space<vmem>> -> memref<80x128xf32, #tpu.memory_space<vmem>>
        %dma_start3A_1066 = arith.constant 0 : i32
        %dma_start3A_1067 = tpu.memref_slice %arg5[%dma_start3A_1059, %dma_start3A_1060, %dma_start3A_1066] : memref<8x2x80xi32, #tpu.memory_space<vmem>> -> memref<1x1x80xi32, #tpu.memory_space<vmem>>
        %dma_start3A_1068 = tpu.memref_squeeze %dma_start3A_1067 : memref<1x1x80xi32, #tpu.memory_space<vmem>> -> memref<80xi32, #tpu.memory_space<vmem>>
        %dma_start3A_1069 = arith.constant 0 : i32
        %dma_start3A_1070 = arith.constant 0 : i32
        %dma_start3A_1071 = tpu.memref_slice %arg2[%dma_start3A_1069, %dma_start3A_1070] : memref<20000x128xf32, #tpu.memory_space<hbm>> -> memref<20000x128xf32, #tpu.memory_space<hbm>>
        tpu.enqueue_indirect_dma source(%dma_start3A_1071 : memref<20000x128xf32, #tpu.memory_space<hbm>>) target(%dma_start3A_1065 : memref<80x128xf32, #tpu.memory_space<vmem>>) offsets(%dma_start3A_1068 : memref<80xi32, #tpu.memory_space<vmem>>) semaphore(%arg17 : memref<!tpu.dma_semaphore, #tpu.memory_space<semaphore_mem>>)
      } else {
      }
      %lt3A_803 = arith.constant 123 : i32
      %lt3A_804 = arith.cmpi slt, %add3A_771, %lt3A_803 : i32
      %convert_element_type3A_805 = arith.extui %lt3A_804 : i1 to i32
      %cond3A_806 = arith.constant 0 : i32
      %cond3A_807 = arith.cmpi ne, %convert_element_type3A_805, %cond3A_806 : i32
      scf.if %cond3A_807 {
        %add3A_1036 = arith.constant 5 : i32
        %add3A_1037 = arith.addi %add3A_771, %add3A_1036 : i32
        %dma_start3A_1038 = arith.constant 6 : i32
        %dma_start3A_1039 = arith.constant 0 : i32
        %dma_start3A_1040 = arith.constant 0 : i32
        %dma_start3A_1041 = tpu.memref_slice %arg5[%dma_start3A_1038, %dma_start3A_1039, %dma_start3A_1040] : memref<8x2x80xi32, #tpu.memory_space<vmem>> -> memref<1x2x80xi32, #tpu.memory_space<vmem>>
        %dma_start3A_1042 = tpu.memref_squeeze %dma_start3A_1041 : memref<1x2x80xi32, #tpu.memory_space<vmem>> -> memref<2x80xi32, #tpu.memory_space<vmem>>
        %dma_start3A_1043 = arith.constant 0 : i32
        %dma_start3A_1044 = arith.constant 0 : i32
        %dma_start3A_1045 = tpu.memref_slice %arg3[%arg0, %arg1, %add3A_1037, %dma_start3A_1043, %dma_start3A_1044] : memref<2x16x128x2x80xi32, #tpu.memory_space<hbm>> -> memref<1x1x1x2x80xi32, #tpu.memory_space<hbm>>
        %dma_start3A_1046 = tpu.memref_squeeze %dma_start3A_1045 : memref<1x1x1x2x80xi32, #tpu.memory_space<hbm>> -> memref<2x80xi32, #tpu.memory_space<hbm>>
        %dma_start3A_1047 = arith.constant 0 : i32
        %dma_start3A_1048 = arith.constant 0 : i32
        %dma_start3A_1049 = tpu.memref_slice %arg5[%dma_start3A_1038, %dma_start3A_1047, %dma_start3A_1048] : memref<8x2x80xi32, #tpu.memory_space<vmem>> -> memref<1x2x80xi32, #tpu.memory_space<vmem>>
        %dma_start3A_1050 = tpu.memref_squeeze %dma_start3A_1049 : memref<1x2x80xi32, #tpu.memory_space<vmem>> -> memref<2x80xi32, #tpu.memory_space<vmem>>
        %dma_start3A_1051 = arith.constant 0 : i32
        %dma_start3A_1052 = arith.constant 0 : i32
        %dma_start3A_1053 = tpu.memref_slice %arg3[%arg0, %arg1, %add3A_1037, %dma_start3A_1051, %dma_start3A_1052] : memref<2x16x128x2x80xi32, #tpu.memory_space<hbm>> -> memref<1x1x1x2x80xi32, #tpu.memory_space<hbm>>
        %dma_start3A_1054 = tpu.memref_squeeze %dma_start3A_1053 : memref<1x1x1x2x80xi32, #tpu.memory_space<hbm>> -> memref<2x80xi32, #tpu.memory_space<hbm>>
        tpu.enqueue_dma source(%dma_start3A_1054 : memref<2x80xi32, #tpu.memory_space<hbm>>) target(%dma_start3A_1050 : memref<2x80xi32, #tpu.memory_space<vmem>>) target_semaphore(%arg15 : memref<!tpu.dma_semaphore, #tpu.memory_space<semaphore_mem>>)
      } else {
      }
      %add3A_808 = arith.constant 2 : i32
      %add3A_809 = arith.addi %add3A_731, %add3A_808 : i32
      %dma_wait3A_810 = arith.constant 2 : i32
      %dma_wait3A_811 = arith.constant 0 : i32
      %dma_wait3A_812 = arith.constant 2 : i32
      %dma_wait3A_813 = arith.constant 0 : i32
      %dma_wait3A_814 = arith.constant 0 : i32
      %dma_wait3A_815 = tpu.memref_slice %arg6[%dma_wait3A_812, %dma_wait3A_813, %dma_wait3A_814] : memref<4x80x128xf32, #tpu.memory_space<vmem>> -> memref<1x80x128xf32, #tpu.memory_space<vmem>>
      %dma_wait3A_816 = tpu.memref_squeeze %dma_wait3A_815 : memref<1x80x128xf32, #tpu.memory_space<vmem>> -> memref<80x128xf32, #tpu.memory_space<vmem>>
      %dma_wait3A_817 = arith.constant 0 : i32
      %dma_wait3A_818 = tpu.memref_slice %arg5[%dma_wait3A_810, %dma_wait3A_811, %dma_wait3A_817] : memref<8x2x80xi32, #tpu.memory_space<vmem>> -> memref<1x1x80xi32, #tpu.memory_space<vmem>>
      %dma_wait3A_819 = tpu.memref_squeeze %dma_wait3A_818 : memref<1x1x80xi32, #tpu.memory_space<vmem>> -> memref<80xi32, #tpu.memory_space<vmem>>
      %dma_wait3A_820 = arith.constant 0 : i32
      %dma_wait3A_821 = arith.constant 0 : i32
      %dma_wait3A_822 = tpu.memref_slice %arg2[%dma_wait3A_820, %dma_wait3A_821] : memref<20000x128xf32, #tpu.memory_space<hbm>> -> memref<20000x128xf32, #tpu.memory_space<hbm>>
      tpu.wait_indirect_dma semaphore(%arg19 : memref<!tpu.dma_semaphore, #tpu.memory_space<semaphore_mem>>) src(%dma_wait3A_822 : memref<20000x128xf32, #tpu.memory_space<hbm>>) dst(%dma_wait3A_816 : memref<80x128xf32, #tpu.memory_space<vmem>>)
      %dma_start3A_823 = arith.constant 2 : i32
      %dma_start3A_824 = arith.constant 2 : i32
      %dma_start3A_825 = arith.constant 1 : i32
      %dma_start3A_826 = arith.constant 0 : i32
      %dma_start3A_827 = arith.constant 0 : i32
      %dma_start3A_828 = tpu.memref_slice %arg6[%dma_start3A_823, %dma_start3A_826, %dma_start3A_827] : memref<4x80x128xf32, #tpu.memory_space<vmem>> -> memref<1x80x128xf32, #tpu.memory_space<vmem>>
      %dma_start3A_829 = tpu.memref_squeeze %dma_start3A_828 : memref<1x80x128xf32, #tpu.memory_space<vmem>> -> memref<80x128xf32, #tpu.memory_space<vmem>>
      %dma_start3A_830 = arith.constant 0 : i32
      %dma_start3A_831 = tpu.memref_slice %arg5[%dma_start3A_824, %dma_start3A_825, %dma_start3A_830] : memref<8x2x80xi32, #tpu.memory_space<vmem>> -> memref<1x1x80xi32, #tpu.memory_space<vmem>>
      %dma_start3A_832 = tpu.memref_squeeze %dma_start3A_831 : memref<1x1x80xi32, #tpu.memory_space<vmem>> -> memref<80xi32, #tpu.memory_space<vmem>>
      %dma_start3A_833 = arith.constant 0 : i32
      %dma_start3A_834 = arith.constant 0 : i32
      %dma_start3A_835 = tpu.memref_slice %arg8[%dma_start3A_833, %dma_start3A_834] : memref<10008x128xf32, #tpu.memory_space<vmem_shared>> -> memref<10008x128xf32, #tpu.memory_space<vmem_shared>>
      tpu.enqueue_indirect_dma source(%dma_start3A_829 : memref<80x128xf32, #tpu.memory_space<vmem>>) target(%dma_start3A_835 : memref<10008x128xf32, #tpu.memory_space<vmem_shared>>) offsets(%dma_start3A_832 : memref<80xi32, #tpu.memory_space<vmem>>) semaphore(%arg23 : memref<!tpu.dma_semaphore, #tpu.memory_space<semaphore_mem>>) {add = true}
      %lt3A_836 = arith.constant 125 : i32
      %lt3A_837 = arith.cmpi slt, %add3A_809, %lt3A_836 : i32
      %convert_element_type3A_838 = arith.extui %lt3A_837 : i1 to i32
      %cond3A_839 = arith.constant 0 : i32
      %cond3A_840 = arith.cmpi ne, %convert_element_type3A_838, %cond3A_839 : i32
      scf.if %cond3A_840 {
        %gt3A = arith.constant 0 : i32
        %gt3A_1036 = arith.cmpi sgt, %add3A_809, %gt3A : i32
        %convert_element_type3A_1037 = arith.extui %gt3A_1036 : i1 to i32
        %cond3A_1038 = arith.constant 0 : i32
        %cond3A_1039 = arith.cmpi ne, %convert_element_type3A_1037, %cond3A_1038 : i32
        scf.if %cond3A_1039 {
          %dma_wait3A_1072 = arith.constant 1 : i32
          %dma_wait3A_1073 = arith.constant 1 : i32
          %dma_wait3A_1074 = arith.constant 1 : i32
          %dma_wait3A_1075 = arith.constant 0 : i32
          %dma_wait3A_1076 = arith.constant 0 : i32
          %dma_wait3A_1077 = tpu.memref_slice %arg6[%dma_wait3A_1072, %dma_wait3A_1075, %dma_wait3A_1076] : memref<4x80x128xf32, #tpu.memory_space<vmem>> -> memref<1x80x128xf32, #tpu.memory_space<vmem>>
          %dma_wait3A_1078 = tpu.memref_squeeze %dma_wait3A_1077 : memref<1x80x128xf32, #tpu.memory_space<vmem>> -> memref<80x128xf32, #tpu.memory_space<vmem>>
          %dma_wait3A_1079 = arith.constant 0 : i32
          %dma_wait3A_1080 = tpu.memref_slice %arg5[%dma_wait3A_1073, %dma_wait3A_1074, %dma_wait3A_1079] : memref<8x2x80xi32, #tpu.memory_space<vmem>> -> memref<1x1x80xi32, #tpu.memory_space<vmem>>
          %dma_wait3A_1081 = tpu.memref_squeeze %dma_wait3A_1080 : memref<1x1x80xi32, #tpu.memory_space<vmem>> -> memref<80xi32, #tpu.memory_space<vmem>>
          %dma_wait3A_1082 = arith.constant 0 : i32
          %dma_wait3A_1083 = arith.constant 0 : i32
          %dma_wait3A_1084 = tpu.memref_slice %arg8[%dma_wait3A_1082, %dma_wait3A_1083] : memref<10008x128xf32, #tpu.memory_space<vmem_shared>> -> memref<10008x128xf32, #tpu.memory_space<vmem_shared>>
          tpu.wait_indirect_dma semaphore(%arg22 : memref<!tpu.dma_semaphore, #tpu.memory_space<semaphore_mem>>) src(%dma_wait3A_1078 : memref<80x128xf32, #tpu.memory_space<vmem>>) dst(%dma_wait3A_1084 : memref<10008x128xf32, #tpu.memory_space<vmem_shared>>)
        } else {
        }
        %add3A_1040 = arith.constant 3 : i32
        %add3A_1041 = arith.addi %add3A_809, %add3A_1040 : i32
        %dma_wait3A_1042 = arith.constant 5 : i32
        %dma_wait3A_1043 = arith.constant 0 : i32
        %dma_wait3A_1044 = arith.constant 0 : i32
        %dma_wait3A_1045 = tpu.memref_slice %arg5[%dma_wait3A_1042, %dma_wait3A_1043, %dma_wait3A_1044] : memref<8x2x80xi32, #tpu.memory_space<vmem>> -> memref<1x2x80xi32, #tpu.memory_space<vmem>>
        %dma_wait3A_1046 = tpu.memref_squeeze %dma_wait3A_1045 : memref<1x2x80xi32, #tpu.memory_space<vmem>> -> memref<2x80xi32, #tpu.memory_space<vmem>>
        %dma_wait3A_1047 = arith.constant 0 : i32
        %dma_wait3A_1048 = arith.constant 0 : i32
        %dma_wait3A_1049 = tpu.memref_slice %arg3[%arg0, %arg1, %add3A_1041, %dma_wait3A_1047, %dma_wait3A_1048] : memref<2x16x128x2x80xi32, #tpu.memory_space<hbm>> -> memref<1x1x1x2x80xi32, #tpu.memory_space<hbm>>
        %dma_wait3A_1050 = tpu.memref_squeeze %dma_wait3A_1049 : memref<1x1x1x2x80xi32, #tpu.memory_space<hbm>> -> memref<2x80xi32, #tpu.memory_space<hbm>>
        %dma_wait3A_1051 = arith.constant 0 : i32
        %dma_wait3A_1052 = arith.constant 0 : i32
        %dma_wait3A_1053 = tpu.memref_slice %arg5[%dma_wait3A_1042, %dma_wait3A_1051, %dma_wait3A_1052] : memref<8x2x80xi32, #tpu.memory_space<vmem>> -> memref<1x2x80xi32, #tpu.memory_space<vmem>>
        %dma_wait3A_1054 = tpu.memref_squeeze %dma_wait3A_1053 : memref<1x2x80xi32, #tpu.memory_space<vmem>> -> memref<2x80xi32, #tpu.memory_space<vmem>>
        %dma_wait3A_1055 = arith.constant 0 : i32
        %dma_wait3A_1056 = arith.constant 0 : i32
        %dma_wait3A_1057 = tpu.memref_slice %arg3[%arg0, %arg1, %add3A_1041, %dma_wait3A_1055, %dma_wait3A_1056] : memref<2x16x128x2x80xi32, #tpu.memory_space<hbm>> -> memref<1x1x1x2x80xi32, #tpu.memory_space<hbm>>
        %dma_wait3A_1058 = tpu.memref_squeeze %dma_wait3A_1057 : memref<1x1x1x2x80xi32, #tpu.memory_space<hbm>> -> memref<2x80xi32, #tpu.memory_space<hbm>>
        tpu.wait_dma2 semaphore(%arg14 : memref<!tpu.dma_semaphore, #tpu.memory_space<semaphore_mem>>) src(%dma_wait3A_1058 : memref<2x80xi32, #tpu.memory_space<hbm>>) dst(%dma_wait3A_1054 : memref<2x80xi32, #tpu.memory_space<vmem>>)
        %dma_start3A_1059 = arith.constant 5 : i32
        %dma_start3A_1060 = arith.constant 0 : i32
        %dma_start3A_1061 = arith.constant 1 : i32
        %dma_start3A_1062 = arith.constant 0 : i32
        %dma_start3A_1063 = arith.constant 0 : i32
        %dma_start3A_1064 = tpu.memref_slice %arg6[%dma_start3A_1061, %dma_start3A_1062, %dma_start3A_1063] : memref<4x80x128xf32, #tpu.memory_space<vmem>> -> memref<1x80x128xf32, #tpu.memory_space<vmem>>
        %dma_start3A_1065 = tpu.memref_squeeze %dma_start3A_1064 : memref<1x80x128xf32, #tpu.memory_space<vmem>> -> memref<80x128xf32, #tpu.memory_space<vmem>>
        %dma_start3A_1066 = arith.constant 0 : i32
        %dma_start3A_1067 = tpu.memref_slice %arg5[%dma_start3A_1059, %dma_start3A_1060, %dma_start3A_1066] : memref<8x2x80xi32, #tpu.memory_space<vmem>> -> memref<1x1x80xi32, #tpu.memory_space<vmem>>
        %dma_start3A_1068 = tpu.memref_squeeze %dma_start3A_1067 : memref<1x1x80xi32, #tpu.memory_space<vmem>> -> memref<80xi32, #tpu.memory_space<vmem>>
        %dma_start3A_1069 = arith.constant 0 : i32
        %dma_start3A_1070 = arith.constant 0 : i32
        %dma_start3A_1071 = tpu.memref_slice %arg2[%dma_start3A_1069, %dma_start3A_1070] : memref<20000x128xf32, #tpu.memory_space<hbm>> -> memref<20000x128xf32, #tpu.memory_space<hbm>>
        tpu.enqueue_indirect_dma source(%dma_start3A_1071 : memref<20000x128xf32, #tpu.memory_space<hbm>>) target(%dma_start3A_1065 : memref<80x128xf32, #tpu.memory_space<vmem>>) offsets(%dma_start3A_1068 : memref<80xi32, #tpu.memory_space<vmem>>) semaphore(%arg18 : memref<!tpu.dma_semaphore, #tpu.memory_space<semaphore_mem>>)
      } else {
      }
      %lt3A_841 = arith.constant 123 : i32
      %lt3A_842 = arith.cmpi slt, %add3A_809, %lt3A_841 : i32
      %convert_element_type3A_843 = arith.extui %lt3A_842 : i1 to i32
      %cond3A_844 = arith.constant 0 : i32
      %cond3A_845 = arith.cmpi ne, %convert_element_type3A_843, %cond3A_844 : i32
      scf.if %cond3A_845 {
        %add3A_1036 = arith.constant 5 : i32
        %add3A_1037 = arith.addi %add3A_809, %add3A_1036 : i32
        %dma_start3A_1038 = arith.constant 7 : i32
        %dma_start3A_1039 = arith.constant 0 : i32
        %dma_start3A_1040 = arith.constant 0 : i32
        %dma_start3A_1041 = tpu.memref_slice %arg5[%dma_start3A_1038, %dma_start3A_1039, %dma_start3A_1040] : memref<8x2x80xi32, #tpu.memory_space<vmem>> -> memref<1x2x80xi32, #tpu.memory_space<vmem>>
        %dma_start3A_1042 = tpu.memref_squeeze %dma_start3A_1041 : memref<1x2x80xi32, #tpu.memory_space<vmem>> -> memref<2x80xi32, #tpu.memory_space<vmem>>
        %dma_start3A_1043 = arith.constant 0 : i32
        %dma_start3A_1044 = arith.constant 0 : i32
        %dma_start3A_1045 = tpu.memref_slice %arg3[%arg0, %arg1, %add3A_1037, %dma_start3A_1043, %dma_start3A_1044] : memref<2x16x128x2x80xi32, #tpu.memory_space<hbm>> -> memref<1x1x1x2x80xi32, #tpu.memory_space<hbm>>
        %dma_start3A_1046 = tpu.memref_squeeze %dma_start3A_1045 : memref<1x1x1x2x80xi32, #tpu.memory_space<hbm>> -> memref<2x80xi32, #tpu.memory_space<hbm>>
        %dma_start3A_1047 = arith.constant 0 : i32
        %dma_start3A_1048 = arith.constant 0 : i32
        %dma_start3A_1049 = tpu.memref_slice %arg5[%dma_start3A_1038, %dma_start3A_1047, %dma_start3A_1048] : memref<8x2x80xi32, #tpu.memory_space<vmem>> -> memref<1x2x80xi32, #tpu.memory_space<vmem>>
        %dma_start3A_1050 = tpu.memref_squeeze %dma_start3A_1049 : memref<1x2x80xi32, #tpu.memory_space<vmem>> -> memref<2x80xi32, #tpu.memory_space<vmem>>
        %dma_start3A_1051 = arith.constant 0 : i32
        %dma_start3A_1052 = arith.constant 0 : i32
        %dma_start3A_1053 = tpu.memref_slice %arg3[%arg0, %arg1, %add3A_1037, %dma_start3A_1051, %dma_start3A_1052] : memref<2x16x128x2x80xi32, #tpu.memory_space<hbm>> -> memref<1x1x1x2x80xi32, #tpu.memory_space<hbm>>
        %dma_start3A_1054 = tpu.memref_squeeze %dma_start3A_1053 : memref<1x1x1x2x80xi32, #tpu.memory_space<hbm>> -> memref<2x80xi32, #tpu.memory_space<hbm>>
        tpu.enqueue_dma source(%dma_start3A_1054 : memref<2x80xi32, #tpu.memory_space<hbm>>) target(%dma_start3A_1050 : memref<2x80xi32, #tpu.memory_space<vmem>>) target_semaphore(%arg16 : memref<!tpu.dma_semaphore, #tpu.memory_space<semaphore_mem>>)
      } else {
      }
      %add3A_846 = arith.constant 3 : i32
      %add3A_847 = arith.addi %add3A_731, %add3A_846 : i32
      %dma_wait3A_848 = arith.constant 3 : i32
      %dma_wait3A_849 = arith.constant 0 : i32
      %dma_wait3A_850 = arith.constant 3 : i32
      %dma_wait3A_851 = arith.constant 0 : i32
      %dma_wait3A_852 = arith.constant 0 : i32
      %dma_wait3A_853 = tpu.memref_slice %arg6[%dma_wait3A_850, %dma_wait3A_851, %dma_wait3A_852] : memref<4x80x128xf32, #tpu.memory_space<vmem>> -> memref<1x80x128xf32, #tpu.memory_space<vmem>>
      %dma_wait3A_854 = tpu.memref_squeeze %dma_wait3A_853 : memref<1x80x128xf32, #tpu.memory_space<vmem>> -> memref<80x128xf32, #tpu.memory_space<vmem>>
      %dma_wait3A_855 = arith.constant 0 : i32
      %dma_wait3A_856 = tpu.memref_slice %arg5[%dma_wait3A_848, %dma_wait3A_849, %dma_wait3A_855] : memref<8x2x80xi32, #tpu.memory_space<vmem>> -> memref<1x1x80xi32, #tpu.memory_space<vmem>>
      %dma_wait3A_857 = tpu.memref_squeeze %dma_wait3A_856 : memref<1x1x80xi32, #tpu.memory_space<vmem>> -> memref<80xi32, #tpu.memory_space<vmem>>
      %dma_wait3A_858 = arith.constant 0 : i32
      %dma_wait3A_859 = arith.constant 0 : i32
      %dma_wait3A_860 = tpu.memref_slice %arg2[%dma_wait3A_858, %dma_wait3A_859] : memref<20000x128xf32, #tpu.memory_space<hbm>> -> memref<20000x128xf32, #tpu.memory_space<hbm>>
      tpu.wait_indirect_dma semaphore(%arg20 : memref<!tpu.dma_semaphore, #tpu.memory_space<semaphore_mem>>) src(%dma_wait3A_860 : memref<20000x128xf32, #tpu.memory_space<hbm>>) dst(%dma_wait3A_854 : memref<80x128xf32, #tpu.memory_space<vmem>>)
      %dma_start3A_861 = arith.constant 3 : i32
      %dma_start3A_862 = arith.constant 3 : i32
      %dma_start3A_863 = arith.constant 1 : i32
      %dma_start3A_864 = arith.constant 0 : i32
      %dma_start3A_865 = arith.constant 0 : i32
      %dma_start3A_866 = tpu.memref_slice %arg6[%dma_start3A_861, %dma_start3A_864, %dma_start3A_865] : memref<4x80x128xf32, #tpu.memory_space<vmem>> -> memref<1x80x128xf32, #tpu.memory_space<vmem>>
      %dma_start3A_867 = tpu.memref_squeeze %dma_start3A_866 : memref<1x80x128xf32, #tpu.memory_space<vmem>> -> memref<80x128xf32, #tpu.memory_space<vmem>>
      %dma_start3A_868 = arith.constant 0 : i32
      %dma_start3A_869 = tpu.memref_slice %arg5[%dma_start3A_862, %dma_start3A_863, %dma_start3A_868] : memref<8x2x80xi32, #tpu.memory_space<vmem>> -> memref<1x1x80xi32, #tpu.memory_space<vmem>>
      %dma_start3A_870 = tpu.memref_squeeze %dma_start3A_869 : memref<1x1x80xi32, #tpu.memory_space<vmem>> -> memref<80xi32, #tpu.memory_space<vmem>>
      %dma_start3A_871 = arith.constant 0 : i32
      %dma_start3A_872 = arith.constant 0 : i32
      %dma_start3A_873 = tpu.memref_slice %arg8[%dma_start3A_871, %dma_start3A_872] : memref<10008x128xf32, #tpu.memory_space<vmem_shared>> -> memref<10008x128xf32, #tpu.memory_space<vmem_shared>>
      tpu.enqueue_indirect_dma source(%dma_start3A_867 : memref<80x128xf32, #tpu.memory_space<vmem>>) target(%dma_start3A_873 : memref<10008x128xf32, #tpu.memory_space<vmem_shared>>) offsets(%dma_start3A_870 : memref<80xi32, #tpu.memory_space<vmem>>) semaphore(%arg24 : memref<!tpu.dma_semaphore, #tpu.memory_space<semaphore_mem>>) {add = true}
      %lt3A_874 = arith.constant 125 : i32
      %lt3A_875 = arith.cmpi slt, %add3A_847, %lt3A_874 : i32
      %convert_element_type3A_876 = arith.extui %lt3A_875 : i1 to i32
      %cond3A_877 = arith.constant 0 : i32
      %cond3A_878 = arith.cmpi ne, %convert_element_type3A_876, %cond3A_877 : i32
      scf.if %cond3A_878 {
        %gt3A = arith.constant 0 : i32
        %gt3A_1036 = arith.cmpi sgt, %add3A_847, %gt3A : i32
        %convert_element_type3A_1037 = arith.extui %gt3A_1036 : i1 to i32
        %cond3A_1038 = arith.constant 0 : i32
        %cond3A_1039 = arith.cmpi ne, %convert_element_type3A_1037, %cond3A_1038 : i32
        scf.if %cond3A_1039 {
          %dma_wait3A_1072 = arith.constant 2 : i32
          %dma_wait3A_1073 = arith.constant 2 : i32
          %dma_wait3A_1074 = arith.constant 1 : i32
          %dma_wait3A_1075 = arith.constant 0 : i32
          %dma_wait3A_1076 = arith.constant 0 : i32
          %dma_wait3A_1077 = tpu.memref_slice %arg6[%dma_wait3A_1072, %dma_wait3A_1075, %dma_wait3A_1076] : memref<4x80x128xf32, #tpu.memory_space<vmem>> -> memref<1x80x128xf32, #tpu.memory_space<vmem>>
          %dma_wait3A_1078 = tpu.memref_squeeze %dma_wait3A_1077 : memref<1x80x128xf32, #tpu.memory_space<vmem>> -> memref<80x128xf32, #tpu.memory_space<vmem>>
          %dma_wait3A_1079 = arith.constant 0 : i32
          %dma_wait3A_1080 = tpu.memref_slice %arg5[%dma_wait3A_1073, %dma_wait3A_1074, %dma_wait3A_1079] : memref<8x2x80xi32, #tpu.memory_space<vmem>> -> memref<1x1x80xi32, #tpu.memory_space<vmem>>
          %dma_wait3A_1081 = tpu.memref_squeeze %dma_wait3A_1080 : memref<1x1x80xi32, #tpu.memory_space<vmem>> -> memref<80xi32, #tpu.memory_space<vmem>>
          %dma_wait3A_1082 = arith.constant 0 : i32
          %dma_wait3A_1083 = arith.constant 0 : i32
          %dma_wait3A_1084 = tpu.memref_slice %arg8[%dma_wait3A_1082, %dma_wait3A_1083] : memref<10008x128xf32, #tpu.memory_space<vmem_shared>> -> memref<10008x128xf32, #tpu.memory_space<vmem_shared>>
          tpu.wait_indirect_dma semaphore(%arg23 : memref<!tpu.dma_semaphore, #tpu.memory_space<semaphore_mem>>) src(%dma_wait3A_1078 : memref<80x128xf32, #tpu.memory_space<vmem>>) dst(%dma_wait3A_1084 : memref<10008x128xf32, #tpu.memory_space<vmem_shared>>)
        } else {
        }
        %add3A_1040 = arith.constant 3 : i32
        %add3A_1041 = arith.addi %add3A_847, %add3A_1040 : i32
        %dma_wait3A_1042 = arith.constant 6 : i32
        %dma_wait3A_1043 = arith.constant 0 : i32
        %dma_wait3A_1044 = arith.constant 0 : i32
        %dma_wait3A_1045 = tpu.memref_slice %arg5[%dma_wait3A_1042, %dma_wait3A_1043, %dma_wait3A_1044] : memref<8x2x80xi32, #tpu.memory_space<vmem>> -> memref<1x2x80xi32, #tpu.memory_space<vmem>>
        %dma_wait3A_1046 = tpu.memref_squeeze %dma_wait3A_1045 : memref<1x2x80xi32, #tpu.memory_space<vmem>> -> memref<2x80xi32, #tpu.memory_space<vmem>>
        %dma_wait3A_1047 = arith.constant 0 : i32
        %dma_wait3A_1048 = arith.constant 0 : i32
        %dma_wait3A_1049 = tpu.memref_slice %arg3[%arg0, %arg1, %add3A_1041, %dma_wait3A_1047, %dma_wait3A_1048] : memref<2x16x128x2x80xi32, #tpu.memory_space<hbm>> -> memref<1x1x1x2x80xi32, #tpu.memory_space<hbm>>
        %dma_wait3A_1050 = tpu.memref_squeeze %dma_wait3A_1049 : memref<1x1x1x2x80xi32, #tpu.memory_space<hbm>> -> memref<2x80xi32, #tpu.memory_space<hbm>>
        %dma_wait3A_1051 = arith.constant 0 : i32
        %dma_wait3A_1052 = arith.constant 0 : i32
        %dma_wait3A_1053 = tpu.memref_slice %arg5[%dma_wait3A_1042, %dma_wait3A_1051, %dma_wait3A_1052] : memref<8x2x80xi32, #tpu.memory_space<vmem>> -> memref<1x2x80xi32, #tpu.memory_space<vmem>>
        %dma_wait3A_1054 = tpu.memref_squeeze %dma_wait3A_1053 : memref<1x2x80xi32, #tpu.memory_space<vmem>> -> memref<2x80xi32, #tpu.memory_space<vmem>>
        %dma_wait3A_1055 = arith.constant 0 : i32
        %dma_wait3A_1056 = arith.constant 0 : i32
        %dma_wait3A_1057 = tpu.memref_slice %arg3[%arg0, %arg1, %add3A_1041, %dma_wait3A_1055, %dma_wait3A_1056] : memref<2x16x128x2x80xi32, #tpu.memory_space<hbm>> -> memref<1x1x1x2x80xi32, #tpu.memory_space<hbm>>
        %dma_wait3A_1058 = tpu.memref_squeeze %dma_wait3A_1057 : memref<1x1x1x2x80xi32, #tpu.memory_space<hbm>> -> memref<2x80xi32, #tpu.memory_space<hbm>>
        tpu.wait_dma2 semaphore(%arg15 : memref<!tpu.dma_semaphore, #tpu.memory_space<semaphore_mem>>) src(%dma_wait3A_1058 : memref<2x80xi32, #tpu.memory_space<hbm>>) dst(%dma_wait3A_1054 : memref<2x80xi32, #tpu.memory_space<vmem>>)
        %dma_start3A_1059 = arith.constant 6 : i32
        %dma_start3A_1060 = arith.constant 0 : i32
        %dma_start3A_1061 = arith.constant 2 : i32
        %dma_start3A_1062 = arith.constant 0 : i32
        %dma_start3A_1063 = arith.constant 0 : i32
        %dma_start3A_1064 = tpu.memref_slice %arg6[%dma_start3A_1061, %dma_start3A_1062, %dma_start3A_1063] : memref<4x80x128xf32, #tpu.memory_space<vmem>> -> memref<1x80x128xf32, #tpu.memory_space<vmem>>
        %dma_start3A_1065 = tpu.memref_squeeze %dma_start3A_1064 : memref<1x80x128xf32, #tpu.memory_space<vmem>> -> memref<80x128xf32, #tpu.memory_space<vmem>>
        %dma_start3A_1066 = arith.constant 0 : i32
        %dma_start3A_1067 = tpu.memref_slice %arg5[%dma_start3A_1059, %dma_start3A_1060, %dma_start3A_1066] : memref<8x2x80xi32, #tpu.memory_space<vmem>> -> memref<1x1x80xi32, #tpu.memory_space<vmem>>
        %dma_start3A_1068 = tpu.memref_squeeze %dma_start3A_1067 : memref<1x1x80xi32, #tpu.memory_space<vmem>> -> memref<80xi32, #tpu.memory_space<vmem>>
        %dma_start3A_1069 = arith.constant 0 : i32
        %dma_start3A_1070 = arith.constant 0 : i32
        %dma_start3A_1071 = tpu.memref_slice %arg2[%dma_start3A_1069, %dma_start3A_1070] : memref<20000x128xf32, #tpu.memory_space<hbm>> -> memref<20000x128xf32, #tpu.memory_space<hbm>>
        tpu.enqueue_indirect_dma source(%dma_start3A_1071 : memref<20000x128xf32, #tpu.memory_space<hbm>>) target(%dma_start3A_1065 : memref<80x128xf32, #tpu.memory_space<vmem>>) offsets(%dma_start3A_1068 : memref<80xi32, #tpu.memory_space<vmem>>) semaphore(%arg19 : memref<!tpu.dma_semaphore, #tpu.memory_space<semaphore_mem>>)
      } else {
      }
      %lt3A_879 = arith.constant 123 : i32
      %lt3A_880 = arith.cmpi slt, %add3A_847, %lt3A_879 : i32
      %convert_element_type3A_881 = arith.extui %lt3A_880 : i1 to i32
      %cond3A_882 = arith.constant 0 : i32
      %cond3A_883 = arith.cmpi ne, %convert_element_type3A_881, %cond3A_882 : i32
      scf.if %cond3A_883 {
        %add3A_1036 = arith.constant 5 : i32
        %add3A_1037 = arith.addi %add3A_847, %add3A_1036 : i32
        %dma_start3A_1038 = arith.constant 0 : i32
        %dma_start3A_1039 = arith.constant 0 : i32
        %dma_start3A_1040 = arith.constant 0 : i32
        %dma_start3A_1041 = tpu.memref_slice %arg5[%dma_start3A_1038, %dma_start3A_1039, %dma_start3A_1040] : memref<8x2x80xi32, #tpu.memory_space<vmem>> -> memref<1x2x80xi32, #tpu.memory_space<vmem>>
        %dma_start3A_1042 = tpu.memref_squeeze %dma_start3A_1041 : memref<1x2x80xi32, #tpu.memory_space<vmem>> -> memref<2x80xi32, #tpu.memory_space<vmem>>
        %dma_start3A_1043 = arith.constant 0 : i32
        %dma_start3A_1044 = arith.constant 0 : i32
        %dma_start3A_1045 = tpu.memref_slice %arg3[%arg0, %arg1, %add3A_1037, %dma_start3A_1043, %dma_start3A_1044] : memref<2x16x128x2x80xi32, #tpu.memory_space<hbm>> -> memref<1x1x1x2x80xi32, #tpu.memory_space<hbm>>
        %dma_start3A_1046 = tpu.memref_squeeze %dma_start3A_1045 : memref<1x1x1x2x80xi32, #tpu.memory_space<hbm>> -> memref<2x80xi32, #tpu.memory_space<hbm>>
        %dma_start3A_1047 = arith.constant 0 : i32
        %dma_start3A_1048 = arith.constant 0 : i32
        %dma_start3A_1049 = tpu.memref_slice %arg5[%dma_start3A_1038, %dma_start3A_1047, %dma_start3A_1048] : memref<8x2x80xi32, #tpu.memory_space<vmem>> -> memref<1x2x80xi32, #tpu.memory_space<vmem>>
        %dma_start3A_1050 = tpu.memref_squeeze %dma_start3A_1049 : memref<1x2x80xi32, #tpu.memory_space<vmem>> -> memref<2x80xi32, #tpu.memory_space<vmem>>
        %dma_start3A_1051 = arith.constant 0 : i32
        %dma_start3A_1052 = arith.constant 0 : i32
        %dma_start3A_1053 = tpu.memref_slice %arg3[%arg0, %arg1, %add3A_1037, %dma_start3A_1051, %dma_start3A_1052] : memref<2x16x128x2x80xi32, #tpu.memory_space<hbm>> -> memref<1x1x1x2x80xi32, #tpu.memory_space<hbm>>
        %dma_start3A_1054 = tpu.memref_squeeze %dma_start3A_1053 : memref<1x1x1x2x80xi32, #tpu.memory_space<hbm>> -> memref<2x80xi32, #tpu.memory_space<hbm>>
        tpu.enqueue_dma source(%dma_start3A_1054 : memref<2x80xi32, #tpu.memory_space<hbm>>) target(%dma_start3A_1050 : memref<2x80xi32, #tpu.memory_space<vmem>>) target_semaphore(%arg9 : memref<!tpu.dma_semaphore, #tpu.memory_space<semaphore_mem>>)
      } else {
      }
      %add3A_884 = arith.constant 4 : i32
      %add3A_885 = arith.addi %add3A_731, %add3A_884 : i32
      %dma_wait3A_886 = arith.constant 4 : i32
      %dma_wait3A_887 = arith.constant 0 : i32
      %dma_wait3A_888 = arith.constant 0 : i32
      %dma_wait3A_889 = arith.constant 0 : i32
      %dma_wait3A_890 = arith.constant 0 : i32
      %dma_wait3A_891 = tpu.memref_slice %arg6[%dma_wait3A_888, %dma_wait3A_889, %dma_wait3A_890] : memref<4x80x128xf32, #tpu.memory_space<vmem>> -> memref<1x80x128xf32, #tpu.memory_space<vmem>>
      %dma_wait3A_892 = tpu.memref_squeeze %dma_wait3A_891 : memref<1x80x128xf32, #tpu.memory_space<vmem>> -> memref<80x128xf32, #tpu.memory_space<vmem>>
      %dma_wait3A_893 = arith.constant 0 : i32
      %dma_wait3A_894 = tpu.memref_slice %arg5[%dma_wait3A_886, %dma_wait3A_887, %dma_wait3A_893] : memref<8x2x80xi32, #tpu.memory_space<vmem>> -> memref<1x1x80xi32, #tpu.memory_space<vmem>>
      %dma_wait3A_895 = tpu.memref_squeeze %dma_wait3A_894 : memref<1x1x80xi32, #tpu.memory_space<vmem>> -> memref<80xi32, #tpu.memory_space<vmem>>
      %dma_wait3A_896 = arith.constant 0 : i32
      %dma_wait3A_897 = arith.constant 0 : i32
      %dma_wait3A_898 = tpu.memref_slice %arg2[%dma_wait3A_896, %dma_wait3A_897] : memref<20000x128xf32, #tpu.memory_space<hbm>> -> memref<20000x128xf32, #tpu.memory_space<hbm>>
      tpu.wait_indirect_dma semaphore(%arg17 : memref<!tpu.dma_semaphore, #tpu.memory_space<semaphore_mem>>) src(%dma_wait3A_898 : memref<20000x128xf32, #tpu.memory_space<hbm>>) dst(%dma_wait3A_892 : memref<80x128xf32, #tpu.memory_space<vmem>>)
      %dma_start3A_899 = arith.constant 0 : i32
      %dma_start3A_900 = arith.constant 4 : i32
      %dma_start3A_901 = arith.constant 1 : i32
      %dma_start3A_902 = arith.constant 0 : i32
      %dma_start3A_903 = arith.constant 0 : i32
      %dma_start3A_904 = tpu.memref_slice %arg6[%dma_start3A_899, %dma_start3A_902, %dma_start3A_903] : memref<4x80x128xf32, #tpu.memory_space<vmem>> -> memref<1x80x128xf32, #tpu.memory_space<vmem>>
      %dma_start3A_905 = tpu.memref_squeeze %dma_start3A_904 : memref<1x80x128xf32, #tpu.memory_space<vmem>> -> memref<80x128xf32, #tpu.memory_space<vmem>>
      %dma_start3A_906 = arith.constant 0 : i32
      %dma_start3A_907 = tpu.memref_slice %arg5[%dma_start3A_900, %dma_start3A_901, %dma_start3A_906] : memref<8x2x80xi32, #tpu.memory_space<vmem>> -> memref<1x1x80xi32, #tpu.memory_space<vmem>>
      %dma_start3A_908 = tpu.memref_squeeze %dma_start3A_907 : memref<1x1x80xi32, #tpu.memory_space<vmem>> -> memref<80xi32, #tpu.memory_space<vmem>>
      %dma_start3A_909 = arith.constant 0 : i32
      %dma_start3A_910 = arith.constant 0 : i32
      %dma_start3A_911 = tpu.memref_slice %arg8[%dma_start3A_909, %dma_start3A_910] : memref<10008x128xf32, #tpu.memory_space<vmem_shared>> -> memref<10008x128xf32, #tpu.memory_space<vmem_shared>>
      tpu.enqueue_indirect_dma source(%dma_start3A_905 : memref<80x128xf32, #tpu.memory_space<vmem>>) target(%dma_start3A_911 : memref<10008x128xf32, #tpu.memory_space<vmem_shared>>) offsets(%dma_start3A_908 : memref<80xi32, #tpu.memory_space<vmem>>) semaphore(%arg21 : memref<!tpu.dma_semaphore, #tpu.memory_space<semaphore_mem>>) {add = true}
      %lt3A_912 = arith.constant 125 : i32
      %lt3A_913 = arith.cmpi slt, %add3A_885, %lt3A_912 : i32
      %convert_element_type3A_914 = arith.extui %lt3A_913 : i1 to i32
      %cond3A_915 = arith.constant 0 : i32
      %cond3A_916 = arith.cmpi ne, %convert_element_type3A_914, %cond3A_915 : i32
      scf.if %cond3A_916 {
        %gt3A = arith.constant 0 : i32
        %gt3A_1036 = arith.cmpi sgt, %add3A_885, %gt3A : i32
        %convert_element_type3A_1037 = arith.extui %gt3A_1036 : i1 to i32
        %cond3A_1038 = arith.constant 0 : i32
        %cond3A_1039 = arith.cmpi ne, %convert_element_type3A_1037, %cond3A_1038 : i32
        scf.if %cond3A_1039 {
          %dma_wait3A_1072 = arith.constant 3 : i32
          %dma_wait3A_1073 = arith.constant 3 : i32
          %dma_wait3A_1074 = arith.constant 1 : i32
          %dma_wait3A_1075 = arith.constant 0 : i32
          %dma_wait3A_1076 = arith.constant 0 : i32
          %dma_wait3A_1077 = tpu.memref_slice %arg6[%dma_wait3A_1072, %dma_wait3A_1075, %dma_wait3A_1076] : memref<4x80x128xf32, #tpu.memory_space<vmem>> -> memref<1x80x128xf32, #tpu.memory_space<vmem>>
          %dma_wait3A_1078 = tpu.memref_squeeze %dma_wait3A_1077 : memref<1x80x128xf32, #tpu.memory_space<vmem>> -> memref<80x128xf32, #tpu.memory_space<vmem>>
          %dma_wait3A_1079 = arith.constant 0 : i32
          %dma_wait3A_1080 = tpu.memref_slice %arg5[%dma_wait3A_1073, %dma_wait3A_1074, %dma_wait3A_1079] : memref<8x2x80xi32, #tpu.memory_space<vmem>> -> memref<1x1x80xi32, #tpu.memory_space<vmem>>
          %dma_wait3A_1081 = tpu.memref_squeeze %dma_wait3A_1080 : memref<1x1x80xi32, #tpu.memory_space<vmem>> -> memref<80xi32, #tpu.memory_space<vmem>>
          %dma_wait3A_1082 = arith.constant 0 : i32
          %dma_wait3A_1083 = arith.constant 0 : i32
          %dma_wait3A_1084 = tpu.memref_slice %arg8[%dma_wait3A_1082, %dma_wait3A_1083] : memref<10008x128xf32, #tpu.memory_space<vmem_shared>> -> memref<10008x128xf32, #tpu.memory_space<vmem_shared>>
          tpu.wait_indirect_dma semaphore(%arg24 : memref<!tpu.dma_semaphore, #tpu.memory_space<semaphore_mem>>) src(%dma_wait3A_1078 : memref<80x128xf32, #tpu.memory_space<vmem>>) dst(%dma_wait3A_1084 : memref<10008x128xf32, #tpu.memory_space<vmem_shared>>)
        } else {
        }
        %add3A_1040 = arith.constant 3 : i32
        %add3A_1041 = arith.addi %add3A_885, %add3A_1040 : i32
        %dma_wait3A_1042 = arith.constant 7 : i32
        %dma_wait3A_1043 = arith.constant 0 : i32
        %dma_wait3A_1044 = arith.constant 0 : i32
        %dma_wait3A_1045 = tpu.memref_slice %arg5[%dma_wait3A_1042, %dma_wait3A_1043, %dma_wait3A_1044] : memref<8x2x80xi32, #tpu.memory_space<vmem>> -> memref<1x2x80xi32, #tpu.memory_space<vmem>>
        %dma_wait3A_1046 = tpu.memref_squeeze %dma_wait3A_1045 : memref<1x2x80xi32, #tpu.memory_space<vmem>> -> memref<2x80xi32, #tpu.memory_space<vmem>>
        %dma_wait3A_1047 = arith.constant 0 : i32
        %dma_wait3A_1048 = arith.constant 0 : i32
        %dma_wait3A_1049 = tpu.memref_slice %arg3[%arg0, %arg1, %add3A_1041, %dma_wait3A_1047, %dma_wait3A_1048] : memref<2x16x128x2x80xi32, #tpu.memory_space<hbm>> -> memref<1x1x1x2x80xi32, #tpu.memory_space<hbm>>
        %dma_wait3A_1050 = tpu.memref_squeeze %dma_wait3A_1049 : memref<1x1x1x2x80xi32, #tpu.memory_space<hbm>> -> memref<2x80xi32, #tpu.memory_space<hbm>>
        %dma_wait3A_1051 = arith.constant 0 : i32
        %dma_wait3A_1052 = arith.constant 0 : i32
        %dma_wait3A_1053 = tpu.memref_slice %arg5[%dma_wait3A_1042, %dma_wait3A_1051, %dma_wait3A_1052] : memref<8x2x80xi32, #tpu.memory_space<vmem>> -> memref<1x2x80xi32, #tpu.memory_space<vmem>>
        %dma_wait3A_1054 = tpu.memref_squeeze %dma_wait3A_1053 : memref<1x2x80xi32, #tpu.memory_space<vmem>> -> memref<2x80xi32, #tpu.memory_space<vmem>>
        %dma_wait3A_1055 = arith.constant 0 : i32
        %dma_wait3A_1056 = arith.constant 0 : i32
        %dma_wait3A_1057 = tpu.memref_slice %arg3[%arg0, %arg1, %add3A_1041, %dma_wait3A_1055, %dma_wait3A_1056] : memref<2x16x128x2x80xi32, #tpu.memory_space<hbm>> -> memref<1x1x1x2x80xi32, #tpu.memory_space<hbm>>
        %dma_wait3A_1058 = tpu.memref_squeeze %dma_wait3A_1057 : memref<1x1x1x2x80xi32, #tpu.memory_space<hbm>> -> memref<2x80xi32, #tpu.memory_space<hbm>>
        tpu.wait_dma2 semaphore(%arg16 : memref<!tpu.dma_semaphore, #tpu.memory_space<semaphore_mem>>) src(%dma_wait3A_1058 : memref<2x80xi32, #tpu.memory_space<hbm>>) dst(%dma_wait3A_1054 : memref<2x80xi32, #tpu.memory_space<vmem>>)
        %dma_start3A_1059 = arith.constant 7 : i32
        %dma_start3A_1060 = arith.constant 0 : i32
        %dma_start3A_1061 = arith.constant 3 : i32
        %dma_start3A_1062 = arith.constant 0 : i32
        %dma_start3A_1063 = arith.constant 0 : i32
        %dma_start3A_1064 = tpu.memref_slice %arg6[%dma_start3A_1061, %dma_start3A_1062, %dma_start3A_1063] : memref<4x80x128xf32, #tpu.memory_space<vmem>> -> memref<1x80x128xf32, #tpu.memory_space<vmem>>
        %dma_start3A_1065 = tpu.memref_squeeze %dma_start3A_1064 : memref<1x80x128xf32, #tpu.memory_space<vmem>> -> memref<80x128xf32, #tpu.memory_space<vmem>>
        %dma_start3A_1066 = arith.constant 0 : i32
        %dma_start3A_1067 = tpu.memref_slice %arg5[%dma_start3A_1059, %dma_start3A_1060, %dma_start3A_1066] : memref<8x2x80xi32, #tpu.memory_space<vmem>> -> memref<1x1x80xi32, #tpu.memory_space<vmem>>
        %dma_start3A_1068 = tpu.memref_squeeze %dma_start3A_1067 : memref<1x1x80xi32, #tpu.memory_space<vmem>> -> memref<80xi32, #tpu.memory_space<vmem>>
        %dma_start3A_1069 = arith.constant 0 : i32
        %dma_start3A_1070 = arith.constant 0 : i32
        %dma_start3A_1071 = tpu.memref_slice %arg2[%dma_start3A_1069, %dma_start3A_1070] : memref<20000x128xf32, #tpu.memory_space<hbm>> -> memref<20000x128xf32, #tpu.memory_space<hbm>>
        tpu.enqueue_indirect_dma source(%dma_start3A_1071 : memref<20000x128xf32, #tpu.memory_space<hbm>>) target(%dma_start3A_1065 : memref<80x128xf32, #tpu.memory_space<vmem>>) offsets(%dma_start3A_1068 : memref<80xi32, #tpu.memory_space<vmem>>) semaphore(%arg20 : memref<!tpu.dma_semaphore, #tpu.memory_space<semaphore_mem>>)
      } else {
      }
      %lt3A_917 = arith.constant 123 : i32
      %lt3A_918 = arith.cmpi slt, %add3A_885, %lt3A_917 : i32
      %convert_element_type3A_919 = arith.extui %lt3A_918 : i1 to i32
      %cond3A_920 = arith.constant 0 : i32
      %cond3A_921 = arith.cmpi ne, %convert_element_type3A_919, %cond3A_920 : i32
      scf.if %cond3A_921 {
        %add3A_1036 = arith.constant 5 : i32
        %add3A_1037 = arith.addi %add3A_885, %add3A_1036 : i32
        %dma_start3A_1038 = arith.constant 1 : i32
        %dma_start3A_1039 = arith.constant 0 : i32
        %dma_start3A_1040 = arith.constant 0 : i32
        %dma_start3A_1041 = tpu.memref_slice %arg5[%dma_start3A_1038, %dma_start3A_1039, %dma_start3A_1040] : memref<8x2x80xi32, #tpu.memory_space<vmem>> -> memref<1x2x80xi32, #tpu.memory_space<vmem>>
        %dma_start3A_1042 = tpu.memref_squeeze %dma_start3A_1041 : memref<1x2x80xi32, #tpu.memory_space<vmem>> -> memref<2x80xi32, #tpu.memory_space<vmem>>
        %dma_start3A_1043 = arith.constant 0 : i32
        %dma_start3A_1044 = arith.constant 0 : i32
        %dma_start3A_1045 = tpu.memref_slice %arg3[%arg0, %arg1, %add3A_1037, %dma_start3A_1043, %dma_start3A_1044] : memref<2x16x128x2x80xi32, #tpu.memory_space<hbm>> -> memref<1x1x1x2x80xi32, #tpu.memory_space<hbm>>
        %dma_start3A_1046 = tpu.memref_squeeze %dma_start3A_1045 : memref<1x1x1x2x80xi32, #tpu.memory_space<hbm>> -> memref<2x80xi32, #tpu.memory_space<hbm>>
        %dma_start3A_1047 = arith.constant 0 : i32
        %dma_start3A_1048 = arith.constant 0 : i32
        %dma_start3A_1049 = tpu.memref_slice %arg5[%dma_start3A_1038, %dma_start3A_1047, %dma_start3A_1048] : memref<8x2x80xi32, #tpu.memory_space<vmem>> -> memref<1x2x80xi32, #tpu.memory_space<vmem>>
        %dma_start3A_1050 = tpu.memref_squeeze %dma_start3A_1049 : memref<1x2x80xi32, #tpu.memory_space<vmem>> -> memref<2x80xi32, #tpu.memory_space<vmem>>
        %dma_start3A_1051 = arith.constant 0 : i32
        %dma_start3A_1052 = arith.constant 0 : i32
        %dma_start3A_1053 = tpu.memref_slice %arg3[%arg0, %arg1, %add3A_1037, %dma_start3A_1051, %dma_start3A_1052] : memref<2x16x128x2x80xi32, #tpu.memory_space<hbm>> -> memref<1x1x1x2x80xi32, #tpu.memory_space<hbm>>
        %dma_start3A_1054 = tpu.memref_squeeze %dma_start3A_1053 : memref<1x1x1x2x80xi32, #tpu.memory_space<hbm>> -> memref<2x80xi32, #tpu.memory_space<hbm>>
        tpu.enqueue_dma source(%dma_start3A_1054 : memref<2x80xi32, #tpu.memory_space<hbm>>) target(%dma_start3A_1050 : memref<2x80xi32, #tpu.memory_space<vmem>>) target_semaphore(%arg10 : memref<!tpu.dma_semaphore, #tpu.memory_space<semaphore_mem>>)
      } else {
      }
      %add3A_922 = arith.constant 5 : i32
      %add3A_923 = arith.addi %add3A_731, %add3A_922 : i32
      %dma_wait3A_924 = arith.constant 5 : i32
      %dma_wait3A_925 = arith.constant 0 : i32
      %dma_wait3A_926 = arith.constant 1 : i32
      %dma_wait3A_927 = arith.constant 0 : i32
      %dma_wait3A_928 = arith.constant 0 : i32
      %dma_wait3A_929 = tpu.memref_slice %arg6[%dma_wait3A_926, %dma_wait3A_927, %dma_wait3A_928] : memref<4x80x128xf32, #tpu.memory_space<vmem>> -> memref<1x80x128xf32, #tpu.memory_space<vmem>>
      %dma_wait3A_930 = tpu.memref_squeeze %dma_wait3A_929 : memref<1x80x128xf32, #tpu.memory_space<vmem>> -> memref<80x128xf32, #tpu.memory_space<vmem>>
      %dma_wait3A_931 = arith.constant 0 : i32
      %dma_wait3A_932 = tpu.memref_slice %arg5[%dma_wait3A_924, %dma_wait3A_925, %dma_wait3A_931] : memref<8x2x80xi32, #tpu.memory_space<vmem>> -> memref<1x1x80xi32, #tpu.memory_space<vmem>>
      %dma_wait3A_933 = tpu.memref_squeeze %dma_wait3A_932 : memref<1x1x80xi32, #tpu.memory_space<vmem>> -> memref<80xi32, #tpu.memory_space<vmem>>
      %dma_wait3A_934 = arith.constant 0 : i32
      %dma_wait3A_935 = arith.constant 0 : i32
      %dma_wait3A_936 = tpu.memref_slice %arg2[%dma_wait3A_934, %dma_wait3A_935] : memref<20000x128xf32, #tpu.memory_space<hbm>> -> memref<20000x128xf32, #tpu.memory_space<hbm>>
      tpu.wait_indirect_dma semaphore(%arg18 : memref<!tpu.dma_semaphore, #tpu.memory_space<semaphore_mem>>) src(%dma_wait3A_936 : memref<20000x128xf32, #tpu.memory_space<hbm>>) dst(%dma_wait3A_930 : memref<80x128xf32, #tpu.memory_space<vmem>>)
      %dma_start3A_937 = arith.constant 1 : i32
      %dma_start3A_938 = arith.constant 5 : i32
      %dma_start3A_939 = arith.constant 1 : i32
      %dma_start3A_940 = arith.constant 0 : i32
      %dma_start3A_941 = arith.constant 0 : i32
      %dma_start3A_942 = tpu.memref_slice %arg6[%dma_start3A_937, %dma_start3A_940, %dma_start3A_941] : memref<4x80x128xf32, #tpu.memory_space<vmem>> -> memref<1x80x128xf32, #tpu.memory_space<vmem>>
      %dma_start3A_943 = tpu.memref_squeeze %dma_start3A_942 : memref<1x80x128xf32, #tpu.memory_space<vmem>> -> memref<80x128xf32, #tpu.memory_space<vmem>>
      %dma_start3A_944 = arith.constant 0 : i32
      %dma_start3A_945 = tpu.memref_slice %arg5[%dma_start3A_938, %dma_start3A_939, %dma_start3A_944] : memref<8x2x80xi32, #tpu.memory_space<vmem>> -> memref<1x1x80xi32, #tpu.memory_space<vmem>>
      %dma_start3A_946 = tpu.memref_squeeze %dma_start3A_945 : memref<1x1x80xi32, #tpu.memory_space<vmem>> -> memref<80xi32, #tpu.memory_space<vmem>>
      %dma_start3A_947 = arith.constant 0 : i32
      %dma_start3A_948 = arith.constant 0 : i32
      %dma_start3A_949 = tpu.memref_slice %arg8[%dma_start3A_947, %dma_start3A_948] : memref<10008x128xf32, #tpu.memory_space<vmem_shared>> -> memref<10008x128xf32, #tpu.memory_space<vmem_shared>>
      tpu.enqueue_indirect_dma source(%dma_start3A_943 : memref<80x128xf32, #tpu.memory_space<vmem>>) target(%dma_start3A_949 : memref<10008x128xf32, #tpu.memory_space<vmem_shared>>) offsets(%dma_start3A_946 : memref<80xi32, #tpu.memory_space<vmem>>) semaphore(%arg22 : memref<!tpu.dma_semaphore, #tpu.memory_space<semaphore_mem>>) {add = true}
      %lt3A_950 = arith.constant 125 : i32
      %lt3A_951 = arith.cmpi slt, %add3A_923, %lt3A_950 : i32
      %convert_element_type3A_952 = arith.extui %lt3A_951 : i1 to i32
      %cond3A_953 = arith.constant 0 : i32
      %cond3A_954 = arith.cmpi ne, %convert_element_type3A_952, %cond3A_953 : i32
      scf.if %cond3A_954 {
        %gt3A = arith.constant 0 : i32
        %gt3A_1036 = arith.cmpi sgt, %add3A_923, %gt3A : i32
        %convert_element_type3A_1037 = arith.extui %gt3A_1036 : i1 to i32
        %cond3A_1038 = arith.constant 0 : i32
        %cond3A_1039 = arith.cmpi ne, %convert_element_type3A_1037, %cond3A_1038 : i32
        scf.if %cond3A_1039 {
          %dma_wait3A_1072 = arith.constant 0 : i32
          %dma_wait3A_1073 = arith.constant 4 : i32
          %dma_wait3A_1074 = arith.constant 1 : i32
          %dma_wait3A_1075 = arith.constant 0 : i32
          %dma_wait3A_1076 = arith.constant 0 : i32
          %dma_wait3A_1077 = tpu.memref_slice %arg6[%dma_wait3A_1072, %dma_wait3A_1075, %dma_wait3A_1076] : memref<4x80x128xf32, #tpu.memory_space<vmem>> -> memref<1x80x128xf32, #tpu.memory_space<vmem>>
          %dma_wait3A_1078 = tpu.memref_squeeze %dma_wait3A_1077 : memref<1x80x128xf32, #tpu.memory_space<vmem>> -> memref<80x128xf32, #tpu.memory_space<vmem>>
          %dma_wait3A_1079 = arith.constant 0 : i32
          %dma_wait3A_1080 = tpu.memref_slice %arg5[%dma_wait3A_1073, %dma_wait3A_1074, %dma_wait3A_1079] : memref<8x2x80xi32, #tpu.memory_space<vmem>> -> memref<1x1x80xi32, #tpu.memory_space<vmem>>
          %dma_wait3A_1081 = tpu.memref_squeeze %dma_wait3A_1080 : memref<1x1x80xi32, #tpu.memory_space<vmem>> -> memref<80xi32, #tpu.memory_space<vmem>>
          %dma_wait3A_1082 = arith.constant 0 : i32
          %dma_wait3A_1083 = arith.constant 0 : i32
          %dma_wait3A_1084 = tpu.memref_slice %arg8[%dma_wait3A_1082, %dma_wait3A_1083] : memref<10008x128xf32, #tpu.memory_space<vmem_shared>> -> memref<10008x128xf32, #tpu.memory_space<vmem_shared>>
          tpu.wait_indirect_dma semaphore(%arg21 : memref<!tpu.dma_semaphore, #tpu.memory_space<semaphore_mem>>) src(%dma_wait3A_1078 : memref<80x128xf32, #tpu.memory_space<vmem>>) dst(%dma_wait3A_1084 : memref<10008x128xf32, #tpu.memory_space<vmem_shared>>)
        } else {
        }
        %add3A_1040 = arith.constant 3 : i32
        %add3A_1041 = arith.addi %add3A_923, %add3A_1040 : i32
        %dma_wait3A_1042 = arith.constant 0 : i32
        %dma_wait3A_1043 = arith.constant 0 : i32
        %dma_wait3A_1044 = arith.constant 0 : i32
        %dma_wait3A_1045 = tpu.memref_slice %arg5[%dma_wait3A_1042, %dma_wait3A_1043, %dma_wait3A_1044] : memref<8x2x80xi32, #tpu.memory_space<vmem>> -> memref<1x2x80xi32, #tpu.memory_space<vmem>>
        %dma_wait3A_1046 = tpu.memref_squeeze %dma_wait3A_1045 : memref<1x2x80xi32, #tpu.memory_space<vmem>> -> memref<2x80xi32, #tpu.memory_space<vmem>>
        %dma_wait3A_1047 = arith.constant 0 : i32
        %dma_wait3A_1048 = arith.constant 0 : i32
        %dma_wait3A_1049 = tpu.memref_slice %arg3[%arg0, %arg1, %add3A_1041, %dma_wait3A_1047, %dma_wait3A_1048] : memref<2x16x128x2x80xi32, #tpu.memory_space<hbm>> -> memref<1x1x1x2x80xi32, #tpu.memory_space<hbm>>
        %dma_wait3A_1050 = tpu.memref_squeeze %dma_wait3A_1049 : memref<1x1x1x2x80xi32, #tpu.memory_space<hbm>> -> memref<2x80xi32, #tpu.memory_space<hbm>>
        %dma_wait3A_1051 = arith.constant 0 : i32
        %dma_wait3A_1052 = arith.constant 0 : i32
        %dma_wait3A_1053 = tpu.memref_slice %arg5[%dma_wait3A_1042, %dma_wait3A_1051, %dma_wait3A_1052] : memref<8x2x80xi32, #tpu.memory_space<vmem>> -> memref<1x2x80xi32, #tpu.memory_space<vmem>>
        %dma_wait3A_1054 = tpu.memref_squeeze %dma_wait3A_1053 : memref<1x2x80xi32, #tpu.memory_space<vmem>> -> memref<2x80xi32, #tpu.memory_space<vmem>>
        %dma_wait3A_1055 = arith.constant 0 : i32
        %dma_wait3A_1056 = arith.constant 0 : i32
        %dma_wait3A_1057 = tpu.memref_slice %arg3[%arg0, %arg1, %add3A_1041, %dma_wait3A_1055, %dma_wait3A_1056] : memref<2x16x128x2x80xi32, #tpu.memory_space<hbm>> -> memref<1x1x1x2x80xi32, #tpu.memory_space<hbm>>
        %dma_wait3A_1058 = tpu.memref_squeeze %dma_wait3A_1057 : memref<1x1x1x2x80xi32, #tpu.memory_space<hbm>> -> memref<2x80xi32, #tpu.memory_space<hbm>>
        tpu.wait_dma2 semaphore(%arg9 : memref<!tpu.dma_semaphore, #tpu.memory_space<semaphore_mem>>) src(%dma_wait3A_1058 : memref<2x80xi32, #tpu.memory_space<hbm>>) dst(%dma_wait3A_1054 : memref<2x80xi32, #tpu.memory_space<vmem>>)
        %dma_start3A_1059 = arith.constant 0 : i32
        %dma_start3A_1060 = arith.constant 0 : i32
        %dma_start3A_1061 = arith.constant 0 : i32
        %dma_start3A_1062 = arith.constant 0 : i32
        %dma_start3A_1063 = arith.constant 0 : i32
        %dma_start3A_1064 = tpu.memref_slice %arg6[%dma_start3A_1061, %dma_start3A_1062, %dma_start3A_1063] : memref<4x80x128xf32, #tpu.memory_space<vmem>> -> memref<1x80x128xf32, #tpu.memory_space<vmem>>
        %dma_start3A_1065 = tpu.memref_squeeze %dma_start3A_1064 : memref<1x80x128xf32, #tpu.memory_space<vmem>> -> memref<80x128xf32, #tpu.memory_space<vmem>>
        %dma_start3A_1066 = arith.constant 0 : i32
        %dma_start3A_1067 = tpu.memref_slice %arg5[%dma_start3A_1059, %dma_start3A_1060, %dma_start3A_1066] : memref<8x2x80xi32, #tpu.memory_space<vmem>> -> memref<1x1x80xi32, #tpu.memory_space<vmem>>
        %dma_start3A_1068 = tpu.memref_squeeze %dma_start3A_1067 : memref<1x1x80xi32, #tpu.memory_space<vmem>> -> memref<80xi32, #tpu.memory_space<vmem>>
        %dma_start3A_1069 = arith.constant 0 : i32
        %dma_start3A_1070 = arith.constant 0 : i32
        %dma_start3A_1071 = tpu.memref_slice %arg2[%dma_start3A_1069, %dma_start3A_1070] : memref<20000x128xf32, #tpu.memory_space<hbm>> -> memref<20000x128xf32, #tpu.memory_space<hbm>>
        tpu.enqueue_indirect_dma source(%dma_start3A_1071 : memref<20000x128xf32, #tpu.memory_space<hbm>>) target(%dma_start3A_1065 : memref<80x128xf32, #tpu.memory_space<vmem>>) offsets(%dma_start3A_1068 : memref<80xi32, #tpu.memory_space<vmem>>) semaphore(%arg17 : memref<!tpu.dma_semaphore, #tpu.memory_space<semaphore_mem>>)
      } else {
      }
      %lt3A_955 = arith.constant 123 : i32
      %lt3A_956 = arith.cmpi slt, %add3A_923, %lt3A_955 : i32
      %convert_element_type3A_957 = arith.extui %lt3A_956 : i1 to i32
      %cond3A_958 = arith.constant 0 : i32
      %cond3A_959 = arith.cmpi ne, %convert_element_type3A_957, %cond3A_958 : i32
      scf.if %cond3A_959 {
        %add3A_1036 = arith.constant 5 : i32
        %add3A_1037 = arith.addi %add3A_923, %add3A_1036 : i32
        %dma_start3A_1038 = arith.constant 2 : i32
        %dma_start3A_1039 = arith.constant 0 : i32
        %dma_start3A_1040 = arith.constant 0 : i32
        %dma_start3A_1041 = tpu.memref_slice %arg5[%dma_start3A_1038, %dma_start3A_1039, %dma_start3A_1040] : memref<8x2x80xi32, #tpu.memory_space<vmem>> -> memref<1x2x80xi32, #tpu.memory_space<vmem>>
        %dma_start3A_1042 = tpu.memref_squeeze %dma_start3A_1041 : memref<1x2x80xi32, #tpu.memory_space<vmem>> -> memref<2x80xi32, #tpu.memory_space<vmem>>
        %dma_start3A_1043 = arith.constant 0 : i32
        %dma_start3A_1044 = arith.constant 0 : i32
        %dma_start3A_1045 = tpu.memref_slice %arg3[%arg0, %arg1, %add3A_1037, %dma_start3A_1043, %dma_start3A_1044] : memref<2x16x128x2x80xi32, #tpu.memory_space<hbm>> -> memref<1x1x1x2x80xi32, #tpu.memory_space<hbm>>
        %dma_start3A_1046 = tpu.memref_squeeze %dma_start3A_1045 : memref<1x1x1x2x80xi32, #tpu.memory_space<hbm>> -> memref<2x80xi32, #tpu.memory_space<hbm>>
        %dma_start3A_1047 = arith.constant 0 : i32
        %dma_start3A_1048 = arith.constant 0 : i32
        %dma_start3A_1049 = tpu.memref_slice %arg5[%dma_start3A_1038, %dma_start3A_1047, %dma_start3A_1048] : memref<8x2x80xi32, #tpu.memory_space<vmem>> -> memref<1x2x80xi32, #tpu.memory_space<vmem>>
        %dma_start3A_1050 = tpu.memref_squeeze %dma_start3A_1049 : memref<1x2x80xi32, #tpu.memory_space<vmem>> -> memref<2x80xi32, #tpu.memory_space<vmem>>
        %dma_start3A_1051 = arith.constant 0 : i32
        %dma_start3A_1052 = arith.constant 0 : i32
        %dma_start3A_1053 = tpu.memref_slice %arg3[%arg0, %arg1, %add3A_1037, %dma_start3A_1051, %dma_start3A_1052] : memref<2x16x128x2x80xi32, #tpu.memory_space<hbm>> -> memref<1x1x1x2x80xi32, #tpu.memory_space<hbm>>
        %dma_start3A_1054 = tpu.memref_squeeze %dma_start3A_1053 : memref<1x1x1x2x80xi32, #tpu.memory_space<hbm>> -> memref<2x80xi32, #tpu.memory_space<hbm>>
        tpu.enqueue_dma source(%dma_start3A_1054 : memref<2x80xi32, #tpu.memory_space<hbm>>) target(%dma_start3A_1050 : memref<2x80xi32, #tpu.memory_space<vmem>>) target_semaphore(%arg11 : memref<!tpu.dma_semaphore, #tpu.memory_space<semaphore_mem>>)
      } else {
      }
      %add3A_960 = arith.constant 6 : i32
      %add3A_961 = arith.addi %add3A_731, %add3A_960 : i32
      %dma_wait3A_962 = arith.constant 6 : i32
      %dma_wait3A_963 = arith.constant 0 : i32
      %dma_wait3A_964 = arith.constant 2 : i32
      %dma_wait3A_965 = arith.constant 0 : i32
      %dma_wait3A_966 = arith.constant 0 : i32
      %dma_wait3A_967 = tpu.memref_slice %arg6[%dma_wait3A_964, %dma_wait3A_965, %dma_wait3A_966] : memref<4x80x128xf32, #tpu.memory_space<vmem>> -> memref<1x80x128xf32, #tpu.memory_space<vmem>>
      %dma_wait3A_968 = tpu.memref_squeeze %dma_wait3A_967 : memref<1x80x128xf32, #tpu.memory_space<vmem>> -> memref<80x128xf32, #tpu.memory_space<vmem>>
      %dma_wait3A_969 = arith.constant 0 : i32
      %dma_wait3A_970 = tpu.memref_slice %arg5[%dma_wait3A_962, %dma_wait3A_963, %dma_wait3A_969] : memref<8x2x80xi32, #tpu.memory_space<vmem>> -> memref<1x1x80xi32, #tpu.memory_space<vmem>>
      %dma_wait3A_971 = tpu.memref_squeeze %dma_wait3A_970 : memref<1x1x80xi32, #tpu.memory_space<vmem>> -> memref<80xi32, #tpu.memory_space<vmem>>
      %dma_wait3A_972 = arith.constant 0 : i32
      %dma_wait3A_973 = arith.constant 0 : i32
      %dma_wait3A_974 = tpu.memref_slice %arg2[%dma_wait3A_972, %dma_wait3A_973] : memref<20000x128xf32, #tpu.memory_space<hbm>> -> memref<20000x128xf32, #tpu.memory_space<hbm>>
      tpu.wait_indirect_dma semaphore(%arg19 : memref<!tpu.dma_semaphore, #tpu.memory_space<semaphore_mem>>) src(%dma_wait3A_974 : memref<20000x128xf32, #tpu.memory_space<hbm>>) dst(%dma_wait3A_968 : memref<80x128xf32, #tpu.memory_space<vmem>>)
      %dma_start3A_975 = arith.constant 2 : i32
      %dma_start3A_976 = arith.constant 6 : i32
      %dma_start3A_977 = arith.constant 1 : i32
      %dma_start3A_978 = arith.constant 0 : i32
      %dma_start3A_979 = arith.constant 0 : i32
      %dma_start3A_980 = tpu.memref_slice %arg6[%dma_start3A_975, %dma_start3A_978, %dma_start3A_979] : memref<4x80x128xf32, #tpu.memory_space<vmem>> -> memref<1x80x128xf32, #tpu.memory_space<vmem>>
      %dma_start3A_981 = tpu.memref_squeeze %dma_start3A_980 : memref<1x80x128xf32, #tpu.memory_space<vmem>> -> memref<80x128xf32, #tpu.memory_space<vmem>>
      %dma_start3A_982 = arith.constant 0 : i32
      %dma_start3A_983 = tpu.memref_slice %arg5[%dma_start3A_976, %dma_start3A_977, %dma_start3A_982] : memref<8x2x80xi32, #tpu.memory_space<vmem>> -> memref<1x1x80xi32, #tpu.memory_space<vmem>>
      %dma_start3A_984 = tpu.memref_squeeze %dma_start3A_983 : memref<1x1x80xi32, #tpu.memory_space<vmem>> -> memref<80xi32, #tpu.memory_space<vmem>>
      %dma_start3A_985 = arith.constant 0 : i32
      %dma_start3A_986 = arith.constant 0 : i32
      %dma_start3A_987 = tpu.memref_slice %arg8[%dma_start3A_985, %dma_start3A_986] : memref<10008x128xf32, #tpu.memory_space<vmem_shared>> -> memref<10008x128xf32, #tpu.memory_space<vmem_shared>>
      tpu.enqueue_indirect_dma source(%dma_start3A_981 : memref<80x128xf32, #tpu.memory_space<vmem>>) target(%dma_start3A_987 : memref<10008x128xf32, #tpu.memory_space<vmem_shared>>) offsets(%dma_start3A_984 : memref<80xi32, #tpu.memory_space<vmem>>) semaphore(%arg23 : memref<!tpu.dma_semaphore, #tpu.memory_space<semaphore_mem>>) {add = true}
      %lt3A_988 = arith.constant 125 : i32
      %lt3A_989 = arith.cmpi slt, %add3A_961, %lt3A_988 : i32
      %convert_element_type3A_990 = arith.extui %lt3A_989 : i1 to i32
      %cond3A_991 = arith.constant 0 : i32
      %cond3A_992 = arith.cmpi ne, %convert_element_type3A_990, %cond3A_991 : i32
      scf.if %cond3A_992 {
        %gt3A = arith.constant 0 : i32
        %gt3A_1036 = arith.cmpi sgt, %add3A_961, %gt3A : i32
        %convert_element_type3A_1037 = arith.extui %gt3A_1036 : i1 to i32
        %cond3A_1038 = arith.constant 0 : i32
        %cond3A_1039 = arith.cmpi ne, %convert_element_type3A_1037, %cond3A_1038 : i32
        scf.if %cond3A_1039 {
          %dma_wait3A_1072 = arith.constant 1 : i32
          %dma_wait3A_1073 = arith.constant 5 : i32
          %dma_wait3A_1074 = arith.constant 1 : i32
          %dma_wait3A_1075 = arith.constant 0 : i32
          %dma_wait3A_1076 = arith.constant 0 : i32
          %dma_wait3A_1077 = tpu.memref_slice %arg6[%dma_wait3A_1072, %dma_wait3A_1075, %dma_wait3A_1076] : memref<4x80x128xf32, #tpu.memory_space<vmem>> -> memref<1x80x128xf32, #tpu.memory_space<vmem>>
          %dma_wait3A_1078 = tpu.memref_squeeze %dma_wait3A_1077 : memref<1x80x128xf32, #tpu.memory_space<vmem>> -> memref<80x128xf32, #tpu.memory_space<vmem>>
          %dma_wait3A_1079 = arith.constant 0 : i32
          %dma_wait3A_1080 = tpu.memref_slice %arg5[%dma_wait3A_1073, %dma_wait3A_1074, %dma_wait3A_1079] : memref<8x2x80xi32, #tpu.memory_space<vmem>> -> memref<1x1x80xi32, #tpu.memory_space<vmem>>
          %dma_wait3A_1081 = tpu.memref_squeeze %dma_wait3A_1080 : memref<1x1x80xi32, #tpu.memory_space<vmem>> -> memref<80xi32, #tpu.memory_space<vmem>>
          %dma_wait3A_1082 = arith.constant 0 : i32
          %dma_wait3A_1083 = arith.constant 0 : i32
          %dma_wait3A_1084 = tpu.memref_slice %arg8[%dma_wait3A_1082, %dma_wait3A_1083] : memref<10008x128xf32, #tpu.memory_space<vmem_shared>> -> memref<10008x128xf32, #tpu.memory_space<vmem_shared>>
          tpu.wait_indirect_dma semaphore(%arg22 : memref<!tpu.dma_semaphore, #tpu.memory_space<semaphore_mem>>) src(%dma_wait3A_1078 : memref<80x128xf32, #tpu.memory_space<vmem>>) dst(%dma_wait3A_1084 : memref<10008x128xf32, #tpu.memory_space<vmem_shared>>)
        } else {
        }
        %add3A_1040 = arith.constant 3 : i32
        %add3A_1041 = arith.addi %add3A_961, %add3A_1040 : i32
        %dma_wait3A_1042 = arith.constant 1 : i32
        %dma_wait3A_1043 = arith.constant 0 : i32
        %dma_wait3A_1044 = arith.constant 0 : i32
        %dma_wait3A_1045 = tpu.memref_slice %arg5[%dma_wait3A_1042, %dma_wait3A_1043, %dma_wait3A_1044] : memref<8x2x80xi32, #tpu.memory_space<vmem>> -> memref<1x2x80xi32, #tpu.memory_space<vmem>>
        %dma_wait3A_1046 = tpu.memref_squeeze %dma_wait3A_1045 : memref<1x2x80xi32, #tpu.memory_space<vmem>> -> memref<2x80xi32, #tpu.memory_space<vmem>>
        %dma_wait3A_1047 = arith.constant 0 : i32
        %dma_wait3A_1048 = arith.constant 0 : i32
        %dma_wait3A_1049 = tpu.memref_slice %arg3[%arg0, %arg1, %add3A_1041, %dma_wait3A_1047, %dma_wait3A_1048] : memref<2x16x128x2x80xi32, #tpu.memory_space<hbm>> -> memref<1x1x1x2x80xi32, #tpu.memory_space<hbm>>
        %dma_wait3A_1050 = tpu.memref_squeeze %dma_wait3A_1049 : memref<1x1x1x2x80xi32, #tpu.memory_space<hbm>> -> memref<2x80xi32, #tpu.memory_space<hbm>>
        %dma_wait3A_1051 = arith.constant 0 : i32
        %dma_wait3A_1052 = arith.constant 0 : i32
        %dma_wait3A_1053 = tpu.memref_slice %arg5[%dma_wait3A_1042, %dma_wait3A_1051, %dma_wait3A_1052] : memref<8x2x80xi32, #tpu.memory_space<vmem>> -> memref<1x2x80xi32, #tpu.memory_space<vmem>>
        %dma_wait3A_1054 = tpu.memref_squeeze %dma_wait3A_1053 : memref<1x2x80xi32, #tpu.memory_space<vmem>> -> memref<2x80xi32, #tpu.memory_space<vmem>>
        %dma_wait3A_1055 = arith.constant 0 : i32
        %dma_wait3A_1056 = arith.constant 0 : i32
        %dma_wait3A_1057 = tpu.memref_slice %arg3[%arg0, %arg1, %add3A_1041, %dma_wait3A_1055, %dma_wait3A_1056] : memref<2x16x128x2x80xi32, #tpu.memory_space<hbm>> -> memref<1x1x1x2x80xi32, #tpu.memory_space<hbm>>
        %dma_wait3A_1058 = tpu.memref_squeeze %dma_wait3A_1057 : memref<1x1x1x2x80xi32, #tpu.memory_space<hbm>> -> memref<2x80xi32, #tpu.memory_space<hbm>>
        tpu.wait_dma2 semaphore(%arg10 : memref<!tpu.dma_semaphore, #tpu.memory_space<semaphore_mem>>) src(%dma_wait3A_1058 : memref<2x80xi32, #tpu.memory_space<hbm>>) dst(%dma_wait3A_1054 : memref<2x80xi32, #tpu.memory_space<vmem>>)
        %dma_start3A_1059 = arith.constant 1 : i32
        %dma_start3A_1060 = arith.constant 0 : i32
        %dma_start3A_1061 = arith.constant 1 : i32
        %dma_start3A_1062 = arith.constant 0 : i32
        %dma_start3A_1063 = arith.constant 0 : i32
        %dma_start3A_1064 = tpu.memref_slice %arg6[%dma_start3A_1061, %dma_start3A_1062, %dma_start3A_1063] : memref<4x80x128xf32, #tpu.memory_space<vmem>> -> memref<1x80x128xf32, #tpu.memory_space<vmem>>
        %dma_start3A_1065 = tpu.memref_squeeze %dma_start3A_1064 : memref<1x80x128xf32, #tpu.memory_space<vmem>> -> memref<80x128xf32, #tpu.memory_space<vmem>>
        %dma_start3A_1066 = arith.constant 0 : i32
        %dma_start3A_1067 = tpu.memref_slice %arg5[%dma_start3A_1059, %dma_start3A_1060, %dma_start3A_1066] : memref<8x2x80xi32, #tpu.memory_space<vmem>> -> memref<1x1x80xi32, #tpu.memory_space<vmem>>
        %dma_start3A_1068 = tpu.memref_squeeze %dma_start3A_1067 : memref<1x1x80xi32, #tpu.memory_space<vmem>> -> memref<80xi32, #tpu.memory_space<vmem>>
        %dma_start3A_1069 = arith.constant 0 : i32
        %dma_start3A_1070 = arith.constant 0 : i32
        %dma_start3A_1071 = tpu.memref_slice %arg2[%dma_start3A_1069, %dma_start3A_1070] : memref<20000x128xf32, #tpu.memory_space<hbm>> -> memref<20000x128xf32, #tpu.memory_space<hbm>>
        tpu.enqueue_indirect_dma source(%dma_start3A_1071 : memref<20000x128xf32, #tpu.memory_space<hbm>>) target(%dma_start3A_1065 : memref<80x128xf32, #tpu.memory_space<vmem>>) offsets(%dma_start3A_1068 : memref<80xi32, #tpu.memory_space<vmem>>) semaphore(%arg18 : memref<!tpu.dma_semaphore, #tpu.memory_space<semaphore_mem>>)
      } else {
      }
      %lt3A_993 = arith.constant 123 : i32
      %lt3A_994 = arith.cmpi slt, %add3A_961, %lt3A_993 : i32
      %convert_element_type3A_995 = arith.extui %lt3A_994 : i1 to i32
      %cond3A_996 = arith.constant 0 : i32
      %cond3A_997 = arith.cmpi ne, %convert_element_type3A_995, %cond3A_996 : i32
      scf.if %cond3A_997 {
        %add3A_1036 = arith.constant 5 : i32
        %add3A_1037 = arith.addi %add3A_961, %add3A_1036 : i32
        %dma_start3A_1038 = arith.constant 3 : i32
        %dma_start3A_1039 = arith.constant 0 : i32
        %dma_start3A_1040 = arith.constant 0 : i32
        %dma_start3A_1041 = tpu.memref_slice %arg5[%dma_start3A_1038, %dma_start3A_1039, %dma_start3A_1040] : memref<8x2x80xi32, #tpu.memory_space<vmem>> -> memref<1x2x80xi32, #tpu.memory_space<vmem>>
        %dma_start3A_1042 = tpu.memref_squeeze %dma_start3A_1041 : memref<1x2x80xi32, #tpu.memory_space<vmem>> -> memref<2x80xi32, #tpu.memory_space<vmem>>
        %dma_start3A_1043 = arith.constant 0 : i32
        %dma_start3A_1044 = arith.constant 0 : i32
        %dma_start3A_1045 = tpu.memref_slice %arg3[%arg0, %arg1, %add3A_1037, %dma_start3A_1043, %dma_start3A_1044] : memref<2x16x128x2x80xi32, #tpu.memory_space<hbm>> -> memref<1x1x1x2x80xi32, #tpu.memory_space<hbm>>
        %dma_start3A_1046 = tpu.memref_squeeze %dma_start3A_1045 : memref<1x1x1x2x80xi32, #tpu.memory_space<hbm>> -> memref<2x80xi32, #tpu.memory_space<hbm>>
        %dma_start3A_1047 = arith.constant 0 : i32
        %dma_start3A_1048 = arith.constant 0 : i32
        %dma_start3A_1049 = tpu.memref_slice %arg5[%dma_start3A_1038, %dma_start3A_1047, %dma_start3A_1048] : memref<8x2x80xi32, #tpu.memory_space<vmem>> -> memref<1x2x80xi32, #tpu.memory_space<vmem>>
        %dma_start3A_1050 = tpu.memref_squeeze %dma_start3A_1049 : memref<1x2x80xi32, #tpu.memory_space<vmem>> -> memref<2x80xi32, #tpu.memory_space<vmem>>
        %dma_start3A_1051 = arith.constant 0 : i32
        %dma_start3A_1052 = arith.constant 0 : i32
        %dma_start3A_1053 = tpu.memref_slice %arg3[%arg0, %arg1, %add3A_1037, %dma_start3A_1051, %dma_start3A_1052] : memref<2x16x128x2x80xi32, #tpu.memory_space<hbm>> -> memref<1x1x1x2x80xi32, #tpu.memory_space<hbm>>
        %dma_start3A_1054 = tpu.memref_squeeze %dma_start3A_1053 : memref<1x1x1x2x80xi32, #tpu.memory_space<hbm>> -> memref<2x80xi32, #tpu.memory_space<hbm>>
        tpu.enqueue_dma source(%dma_start3A_1054 : memref<2x80xi32, #tpu.memory_space<hbm>>) target(%dma_start3A_1050 : memref<2x80xi32, #tpu.memory_space<vmem>>) target_semaphore(%arg12 : memref<!tpu.dma_semaphore, #tpu.memory_space<semaphore_mem>>)
      } else {
      }
      %add3A_998 = arith.constant 7 : i32
      %add3A_999 = arith.addi %add3A_731, %add3A_998 : i32
      %dma_wait3A_1000 = arith.constant 7 : i32
      %dma_wait3A_1001 = arith.constant 0 : i32
      %dma_wait3A_1002 = arith.constant 3 : i32
      %dma_wait3A_1003 = arith.constant 0 : i32
      %dma_wait3A_1004 = arith.constant 0 : i32
      %dma_wait3A_1005 = tpu.memref_slice %arg6[%dma_wait3A_1002, %dma_wait3A_1003, %dma_wait3A_1004] : memref<4x80x128xf32, #tpu.memory_space<vmem>> -> memref<1x80x128xf32, #tpu.memory_space<vmem>>
      %dma_wait3A_1006 = tpu.memref_squeeze %dma_wait3A_1005 : memref<1x80x128xf32, #tpu.memory_space<vmem>> -> memref<80x128xf32, #tpu.memory_space<vmem>>
      %dma_wait3A_1007 = arith.constant 0 : i32
      %dma_wait3A_1008 = tpu.memref_slice %arg5[%dma_wait3A_1000, %dma_wait3A_1001, %dma_wait3A_1007] : memref<8x2x80xi32, #tpu.memory_space<vmem>> -> memref<1x1x80xi32, #tpu.memory_space<vmem>>
      %dma_wait3A_1009 = tpu.memref_squeeze %dma_wait3A_1008 : memref<1x1x80xi32, #tpu.memory_space<vmem>> -> memref<80xi32, #tpu.memory_space<vmem>>
      %dma_wait3A_1010 = arith.constant 0 : i32
      %dma_wait3A_1011 = arith.constant 0 : i32
      %dma_wait3A_1012 = tpu.memref_slice %arg2[%dma_wait3A_1010, %dma_wait3A_1011] : memref<20000x128xf32, #tpu.memory_space<hbm>> -> memref<20000x128xf32, #tpu.memory_space<hbm>>
      tpu.wait_indirect_dma semaphore(%arg20 : memref<!tpu.dma_semaphore, #tpu.memory_space<semaphore_mem>>) src(%dma_wait3A_1012 : memref<20000x128xf32, #tpu.memory_space<hbm>>) dst(%dma_wait3A_1006 : memref<80x128xf32, #tpu.memory_space<vmem>>)
      %dma_start3A_1013 = arith.constant 3 : i32
      %dma_start3A_1014 = arith.constant 7 : i32
      %dma_start3A_1015 = arith.constant 1 : i32
      %dma_start3A_1016 = arith.constant 0 : i32
      %dma_start3A_1017 = arith.constant 0 : i32
      %dma_start3A_1018 = tpu.memref_slice %arg6[%dma_start3A_1013, %dma_start3A_1016, %dma_start3A_1017] : memref<4x80x128xf32, #tpu.memory_space<vmem>> -> memref<1x80x128xf32, #tpu.memory_space<vmem>>
      %dma_start3A_1019 = tpu.memref_squeeze %dma_start3A_1018 : memref<1x80x128xf32, #tpu.memory_space<vmem>> -> memref<80x128xf32, #tpu.memory_space<vmem>>
      %dma_start3A_1020 = arith.constant 0 : i32
      %dma_start3A_1021 = tpu.memref_slice %arg5[%dma_start3A_1014, %dma_start3A_1015, %dma_start3A_1020] : memref<8x2x80xi32, #tpu.memory_space<vmem>> -> memref<1x1x80xi32, #tpu.memory_space<vmem>>
      %dma_start3A_1022 = tpu.memref_squeeze %dma_start3A_1021 : memref<1x1x80xi32, #tpu.memory_space<vmem>> -> memref<80xi32, #tpu.memory_space<vmem>>
      %dma_start3A_1023 = arith.constant 0 : i32
      %dma_start3A_1024 = arith.constant 0 : i32
      %dma_start3A_1025 = tpu.memref_slice %arg8[%dma_start3A_1023, %dma_start3A_1024] : memref<10008x128xf32, #tpu.memory_space<vmem_shared>> -> memref<10008x128xf32, #tpu.memory_space<vmem_shared>>
      tpu.enqueue_indirect_dma source(%dma_start3A_1019 : memref<80x128xf32, #tpu.memory_space<vmem>>) target(%dma_start3A_1025 : memref<10008x128xf32, #tpu.memory_space<vmem_shared>>) offsets(%dma_start3A_1022 : memref<80xi32, #tpu.memory_space<vmem>>) semaphore(%arg24 : memref<!tpu.dma_semaphore, #tpu.memory_space<semaphore_mem>>) {add = true}
      %lt3A_1026 = arith.constant 125 : i32
      %lt3A_1027 = arith.cmpi slt, %add3A_999, %lt3A_1026 : i32
      %convert_element_type3A_1028 = arith.extui %lt3A_1027 : i1 to i32
      %cond3A_1029 = arith.constant 0 : i32
      %cond3A_1030 = arith.cmpi ne, %convert_element_type3A_1028, %cond3A_1029 : i32
      scf.if %cond3A_1030 {
        %gt3A = arith.constant 0 : i32
        %gt3A_1036 = arith.cmpi sgt, %add3A_999, %gt3A : i32
        %convert_element_type3A_1037 = arith.extui %gt3A_1036 : i1 to i32
        %cond3A_1038 = arith.constant 0 : i32
        %cond3A_1039 = arith.cmpi ne, %convert_element_type3A_1037, %cond3A_1038 : i32
        scf.if %cond3A_1039 {
          %dma_wait3A_1072 = arith.constant 2 : i32
          %dma_wait3A_1073 = arith.constant 6 : i32
          %dma_wait3A_1074 = arith.constant 1 : i32
          %dma_wait3A_1075 = arith.constant 0 : i32
          %dma_wait3A_1076 = arith.constant 0 : i32
          %dma_wait3A_1077 = tpu.memref_slice %arg6[%dma_wait3A_1072, %dma_wait3A_1075, %dma_wait3A_1076] : memref<4x80x128xf32, #tpu.memory_space<vmem>> -> memref<1x80x128xf32, #tpu.memory_space<vmem>>
          %dma_wait3A_1078 = tpu.memref_squeeze %dma_wait3A_1077 : memref<1x80x128xf32, #tpu.memory_space<vmem>> -> memref<80x128xf32, #tpu.memory_space<vmem>>
          %dma_wait3A_1079 = arith.constant 0 : i32
          %dma_wait3A_1080 = tpu.memref_slice %arg5[%dma_wait3A_1073, %dma_wait3A_1074, %dma_wait3A_1079] : memref<8x2x80xi32, #tpu.memory_space<vmem>> -> memref<1x1x80xi32, #tpu.memory_space<vmem>>
          %dma_wait3A_1081 = tpu.memref_squeeze %dma_wait3A_1080 : memref<1x1x80xi32, #tpu.memory_space<vmem>> -> memref<80xi32, #tpu.memory_space<vmem>>
          %dma_wait3A_1082 = arith.constant 0 : i32
          %dma_wait3A_1083 = arith.constant 0 : i32
          %dma_wait3A_1084 = tpu.memref_slice %arg8[%dma_wait3A_1082, %dma_wait3A_1083] : memref<10008x128xf32, #tpu.memory_space<vmem_shared>> -> memref<10008x128xf32, #tpu.memory_space<vmem_shared>>
          tpu.wait_indirect_dma semaphore(%arg23 : memref<!tpu.dma_semaphore, #tpu.memory_space<semaphore_mem>>) src(%dma_wait3A_1078 : memref<80x128xf32, #tpu.memory_space<vmem>>) dst(%dma_wait3A_1084 : memref<10008x128xf32, #tpu.memory_space<vmem_shared>>)
        } else {
        }
        %add3A_1040 = arith.constant 3 : i32
        %add3A_1041 = arith.addi %add3A_999, %add3A_1040 : i32
        %dma_wait3A_1042 = arith.constant 2 : i32
        %dma_wait3A_1043 = arith.constant 0 : i32
        %dma_wait3A_1044 = arith.constant 0 : i32
        %dma_wait3A_1045 = tpu.memref_slice %arg5[%dma_wait3A_1042, %dma_wait3A_1043, %dma_wait3A_1044] : memref<8x2x80xi32, #tpu.memory_space<vmem>> -> memref<1x2x80xi32, #tpu.memory_space<vmem>>
        %dma_wait3A_1046 = tpu.memref_squeeze %dma_wait3A_1045 : memref<1x2x80xi32, #tpu.memory_space<vmem>> -> memref<2x80xi32, #tpu.memory_space<vmem>>
        %dma_wait3A_1047 = arith.constant 0 : i32
        %dma_wait3A_1048 = arith.constant 0 : i32
        %dma_wait3A_1049 = tpu.memref_slice %arg3[%arg0, %arg1, %add3A_1041, %dma_wait3A_1047, %dma_wait3A_1048] : memref<2x16x128x2x80xi32, #tpu.memory_space<hbm>> -> memref<1x1x1x2x80xi32, #tpu.memory_space<hbm>>
        %dma_wait3A_1050 = tpu.memref_squeeze %dma_wait3A_1049 : memref<1x1x1x2x80xi32, #tpu.memory_space<hbm>> -> memref<2x80xi32, #tpu.memory_space<hbm>>
        %dma_wait3A_1051 = arith.constant 0 : i32
        %dma_wait3A_1052 = arith.constant 0 : i32
        %dma_wait3A_1053 = tpu.memref_slice %arg5[%dma_wait3A_1042, %dma_wait3A_1051, %dma_wait3A_1052] : memref<8x2x80xi32, #tpu.memory_space<vmem>> -> memref<1x2x80xi32, #tpu.memory_space<vmem>>
        %dma_wait3A_1054 = tpu.memref_squeeze %dma_wait3A_1053 : memref<1x2x80xi32, #tpu.memory_space<vmem>> -> memref<2x80xi32, #tpu.memory_space<vmem>>
        %dma_wait3A_1055 = arith.constant 0 : i32
        %dma_wait3A_1056 = arith.constant 0 : i32
        %dma_wait3A_1057 = tpu.memref_slice %arg3[%arg0, %arg1, %add3A_1041, %dma_wait3A_1055, %dma_wait3A_1056] : memref<2x16x128x2x80xi32, #tpu.memory_space<hbm>> -> memref<1x1x1x2x80xi32, #tpu.memory_space<hbm>>
        %dma_wait3A_1058 = tpu.memref_squeeze %dma_wait3A_1057 : memref<1x1x1x2x80xi32, #tpu.memory_space<hbm>> -> memref<2x80xi32, #tpu.memory_space<hbm>>
        tpu.wait_dma2 semaphore(%arg11 : memref<!tpu.dma_semaphore, #tpu.memory_space<semaphore_mem>>) src(%dma_wait3A_1058 : memref<2x80xi32, #tpu.memory_space<hbm>>) dst(%dma_wait3A_1054 : memref<2x80xi32, #tpu.memory_space<vmem>>)
        %dma_start3A_1059 = arith.constant 2 : i32
        %dma_start3A_1060 = arith.constant 0 : i32
        %dma_start3A_1061 = arith.constant 2 : i32
        %dma_start3A_1062 = arith.constant 0 : i32
        %dma_start3A_1063 = arith.constant 0 : i32
        %dma_start3A_1064 = tpu.memref_slice %arg6[%dma_start3A_1061, %dma_start3A_1062, %dma_start3A_1063] : memref<4x80x128xf32, #tpu.memory_space<vmem>> -> memref<1x80x128xf32, #tpu.memory_space<vmem>>
        %dma_start3A_1065 = tpu.memref_squeeze %dma_start3A_1064 : memref<1x80x128xf32, #tpu.memory_space<vmem>> -> memref<80x128xf32, #tpu.memory_space<vmem>>
        %dma_start3A_1066 = arith.constant 0 : i32
        %dma_start3A_1067 = tpu.memref_slice %arg5[%dma_start3A_1059, %dma_start3A_1060, %dma_start3A_1066] : memref<8x2x80xi32, #tpu.memory_space<vmem>> -> memref<1x1x80xi32, #tpu.memory_space<vmem>>
        %dma_start3A_1068 = tpu.memref_squeeze %dma_start3A_1067 : memref<1x1x80xi32, #tpu.memory_space<vmem>> -> memref<80xi32, #tpu.memory_space<vmem>>
        %dma_start3A_1069 = arith.constant 0 : i32
        %dma_start3A_1070 = arith.constant 0 : i32
        %dma_start3A_1071 = tpu.memref_slice %arg2[%dma_start3A_1069, %dma_start3A_1070] : memref<20000x128xf32, #tpu.memory_space<hbm>> -> memref<20000x128xf32, #tpu.memory_space<hbm>>
        tpu.enqueue_indirect_dma source(%dma_start3A_1071 : memref<20000x128xf32, #tpu.memory_space<hbm>>) target(%dma_start3A_1065 : memref<80x128xf32, #tpu.memory_space<vmem>>) offsets(%dma_start3A_1068 : memref<80xi32, #tpu.memory_space<vmem>>) semaphore(%arg19 : memref<!tpu.dma_semaphore, #tpu.memory_space<semaphore_mem>>)
      } else {
      }
      %lt3A_1031 = arith.constant 123 : i32
      %lt3A_1032 = arith.cmpi slt, %add3A_999, %lt3A_1031 : i32
      %convert_element_type3A_1033 = arith.extui %lt3A_1032 : i1 to i32
      %cond3A_1034 = arith.constant 0 : i32
      %cond3A_1035 = arith.cmpi ne, %convert_element_type3A_1033, %cond3A_1034 : i32
      scf.if %cond3A_1035 {
        %add3A_1036 = arith.constant 5 : i32
        %add3A_1037 = arith.addi %add3A_999, %add3A_1036 : i32
        %dma_start3A_1038 = arith.constant 4 : i32
        %dma_start3A_1039 = arith.constant 0 : i32
        %dma_start3A_1040 = arith.constant 0 : i32
        %dma_start3A_1041 = tpu.memref_slice %arg5[%dma_start3A_1038, %dma_start3A_1039, %dma_start3A_1040] : memref<8x2x80xi32, #tpu.memory_space<vmem>> -> memref<1x2x80xi32, #tpu.memory_space<vmem>>
        %dma_start3A_1042 = tpu.memref_squeeze %dma_start3A_1041 : memref<1x2x80xi32, #tpu.memory_space<vmem>> -> memref<2x80xi32, #tpu.memory_space<vmem>>
        %dma_start3A_1043 = arith.constant 0 : i32
        %dma_start3A_1044 = arith.constant 0 : i32
        %dma_start3A_1045 = tpu.memref_slice %arg3[%arg0, %arg1, %add3A_1037, %dma_start3A_1043, %dma_start3A_1044] : memref<2x16x128x2x80xi32, #tpu.memory_space<hbm>> -> memref<1x1x1x2x80xi32, #tpu.memory_space<hbm>>
        %dma_start3A_1046 = tpu.memref_squeeze %dma_start3A_1045 : memref<1x1x1x2x80xi32, #tpu.memory_space<hbm>> -> memref<2x80xi32, #tpu.memory_space<hbm>>
        %dma_start3A_1047 = arith.constant 0 : i32
        %dma_start3A_1048 = arith.constant 0 : i32
        %dma_start3A_1049 = tpu.memref_slice %arg5[%dma_start3A_1038, %dma_start3A_1047, %dma_start3A_1048] : memref<8x2x80xi32, #tpu.memory_space<vmem>> -> memref<1x2x80xi32, #tpu.memory_space<vmem>>
        %dma_start3A_1050 = tpu.memref_squeeze %dma_start3A_1049 : memref<1x2x80xi32, #tpu.memory_space<vmem>> -> memref<2x80xi32, #tpu.memory_space<vmem>>
        %dma_start3A_1051 = arith.constant 0 : i32
        %dma_start3A_1052 = arith.constant 0 : i32
        %dma_start3A_1053 = tpu.memref_slice %arg3[%arg0, %arg1, %add3A_1037, %dma_start3A_1051, %dma_start3A_1052] : memref<2x16x128x2x80xi32, #tpu.memory_space<hbm>> -> memref<1x1x1x2x80xi32, #tpu.memory_space<hbm>>
        %dma_start3A_1054 = tpu.memref_squeeze %dma_start3A_1053 : memref<1x1x1x2x80xi32, #tpu.memory_space<hbm>> -> memref<2x80xi32, #tpu.memory_space<hbm>>
        tpu.enqueue_dma source(%dma_start3A_1054 : memref<2x80xi32, #tpu.memory_space<hbm>>) target(%dma_start3A_1050 : memref<2x80xi32, #tpu.memory_space<vmem>>) target_semaphore(%arg13 : memref<!tpu.dma_semaphore, #tpu.memory_space<semaphore_mem>>)
      } else {
      }
    }
    %scan3A_665 = arith.constant 16 : i32
    %dma_wait3A_666 = arith.constant 0 : i32
    %dma_wait3A_667 = arith.constant 4 : i32
    %dma_wait3A_668 = arith.constant 1 : i32
    %dma_wait3A_669 = arith.constant 0 : i32
    %dma_wait3A_670 = arith.constant 0 : i32
    %dma_wait3A_671 = tpu.memref_slice %arg6[%dma_wait3A_666, %dma_wait3A_669, %dma_wait3A_670] : memref<4x80x128xf32, #tpu.memory_space<vmem>> -> memref<1x80x128xf32, #tpu.memory_space<vmem>>
    %dma_wait3A_672 = tpu.memref_squeeze %dma_wait3A_671 : memref<1x80x128xf32, #tpu.memory_space<vmem>> -> memref<80x128xf32, #tpu.memory_space<vmem>>
    %dma_wait3A_673 = arith.constant 0 : i32
    %dma_wait3A_674 = tpu.memref_slice %arg5[%dma_wait3A_667, %dma_wait3A_668, %dma_wait3A_673] : memref<8x2x80xi32, #tpu.memory_space<vmem>> -> memref<1x1x80xi32, #tpu.memory_space<vmem>>
    %dma_wait3A_675 = tpu.memref_squeeze %dma_wait3A_674 : memref<1x1x80xi32, #tpu.memory_space<vmem>> -> memref<80xi32, #tpu.memory_space<vmem>>
    %dma_wait3A_676 = arith.constant 0 : i32
    %dma_wait3A_677 = arith.constant 0 : i32
    %dma_wait3A_678 = tpu.memref_slice %arg8[%dma_wait3A_676, %dma_wait3A_677] : memref<10008x128xf32, #tpu.memory_space<vmem_shared>> -> memref<10008x128xf32, #tpu.memory_space<vmem_shared>>
    tpu.wait_indirect_dma semaphore(%arg21 : memref<!tpu.dma_semaphore, #tpu.memory_space<semaphore_mem>>) src(%dma_wait3A_672 : memref<80x128xf32, #tpu.memory_space<vmem>>) dst(%dma_wait3A_678 : memref<10008x128xf32, #tpu.memory_space<vmem_shared>>)
    %dma_wait3A_679 = arith.constant 1 : i32
    %dma_wait3A_680 = arith.constant 5 : i32
    %dma_wait3A_681 = arith.constant 1 : i32
    %dma_wait3A_682 = arith.constant 0 : i32
    %dma_wait3A_683 = arith.constant 0 : i32
    %dma_wait3A_684 = tpu.memref_slice %arg6[%dma_wait3A_679, %dma_wait3A_682, %dma_wait3A_683] : memref<4x80x128xf32, #tpu.memory_space<vmem>> -> memref<1x80x128xf32, #tpu.memory_space<vmem>>
    %dma_wait3A_685 = tpu.memref_squeeze %dma_wait3A_684 : memref<1x80x128xf32, #tpu.memory_space<vmem>> -> memref<80x128xf32, #tpu.memory_space<vmem>>
    %dma_wait3A_686 = arith.constant 0 : i32
    %dma_wait3A_687 = tpu.memref_slice %arg5[%dma_wait3A_680, %dma_wait3A_681, %dma_wait3A_686] : memref<8x2x80xi32, #tpu.memory_space<vmem>> -> memref<1x1x80xi32, #tpu.memory_space<vmem>>
    %dma_wait3A_688 = tpu.memref_squeeze %dma_wait3A_687 : memref<1x1x80xi32, #tpu.memory_space<vmem>> -> memref<80xi32, #tpu.memory_space<vmem>>
    %dma_wait3A_689 = arith.constant 0 : i32
    %dma_wait3A_690 = arith.constant 0 : i32
    %dma_wait3A_691 = tpu.memref_slice %arg8[%dma_wait3A_689, %dma_wait3A_690] : memref<10008x128xf32, #tpu.memory_space<vmem_shared>> -> memref<10008x128xf32, #tpu.memory_space<vmem_shared>>
    tpu.wait_indirect_dma semaphore(%arg22 : memref<!tpu.dma_semaphore, #tpu.memory_space<semaphore_mem>>) src(%dma_wait3A_685 : memref<80x128xf32, #tpu.memory_space<vmem>>) dst(%dma_wait3A_691 : memref<10008x128xf32, #tpu.memory_space<vmem_shared>>)
    %dma_wait3A_692 = arith.constant 2 : i32
    %dma_wait3A_693 = arith.constant 6 : i32
    %dma_wait3A_694 = arith.constant 1 : i32
    %dma_wait3A_695 = arith.constant 0 : i32
    %dma_wait3A_696 = arith.constant 0 : i32
    %dma_wait3A_697 = tpu.memref_slice %arg6[%dma_wait3A_692, %dma_wait3A_695, %dma_wait3A_696] : memref<4x80x128xf32, #tpu.memory_space<vmem>> -> memref<1x80x128xf32, #tpu.memory_space<vmem>>
    %dma_wait3A_698 = tpu.memref_squeeze %dma_wait3A_697 : memref<1x80x128xf32, #tpu.memory_space<vmem>> -> memref<80x128xf32, #tpu.memory_space<vmem>>
    %dma_wait3A_699 = arith.constant 0 : i32
    %dma_wait3A_700 = tpu.memref_slice %arg5[%dma_wait3A_693, %dma_wait3A_694, %dma_wait3A_699] : memref<8x2x80xi32, #tpu.memory_space<vmem>> -> memref<1x1x80xi32, #tpu.memory_space<vmem>>
    %dma_wait3A_701 = tpu.memref_squeeze %dma_wait3A_700 : memref<1x1x80xi32, #tpu.memory_space<vmem>> -> memref<80xi32, #tpu.memory_space<vmem>>
    %dma_wait3A_702 = arith.constant 0 : i32
    %dma_wait3A_703 = arith.constant 0 : i32
    %dma_wait3A_704 = tpu.memref_slice %arg8[%dma_wait3A_702, %dma_wait3A_703] : memref<10008x128xf32, #tpu.memory_space<vmem_shared>> -> memref<10008x128xf32, #tpu.memory_space<vmem_shared>>
    tpu.wait_indirect_dma semaphore(%arg23 : memref<!tpu.dma_semaphore, #tpu.memory_space<semaphore_mem>>) src(%dma_wait3A_698 : memref<80x128xf32, #tpu.memory_space<vmem>>) dst(%dma_wait3A_704 : memref<10008x128xf32, #tpu.memory_space<vmem_shared>>)
    %dma_wait3A_705 = arith.constant 3 : i32
    %dma_wait3A_706 = arith.constant 7 : i32
    %dma_wait3A_707 = arith.constant 1 : i32
    %dma_wait3A_708 = arith.constant 0 : i32
    %dma_wait3A_709 = arith.constant 0 : i32
    %dma_wait3A_710 = tpu.memref_slice %arg6[%dma_wait3A_705, %dma_wait3A_708, %dma_wait3A_709] : memref<4x80x128xf32, #tpu.memory_space<vmem>> -> memref<1x80x128xf32, #tpu.memory_space<vmem>>
    %dma_wait3A_711 = tpu.memref_squeeze %dma_wait3A_710 : memref<1x80x128xf32, #tpu.memory_space<vmem>> -> memref<80x128xf32, #tpu.memory_space<vmem>>
    %dma_wait3A_712 = arith.constant 0 : i32
    %dma_wait3A_713 = tpu.memref_slice %arg5[%dma_wait3A_706, %dma_wait3A_707, %dma_wait3A_712] : memref<8x2x80xi32, #tpu.memory_space<vmem>> -> memref<1x1x80xi32, #tpu.memory_space<vmem>>
    %dma_wait3A_714 = tpu.memref_squeeze %dma_wait3A_713 : memref<1x1x80xi32, #tpu.memory_space<vmem>> -> memref<80xi32, #tpu.memory_space<vmem>>
    %dma_wait3A_715 = arith.constant 0 : i32
    %dma_wait3A_716 = arith.constant 0 : i32
    %dma_wait3A_717 = tpu.memref_slice %arg8[%dma_wait3A_715, %dma_wait3A_716] : memref<10008x128xf32, #tpu.memory_space<vmem_shared>> -> memref<10008x128xf32, #tpu.memory_space<vmem_shared>>
    tpu.wait_indirect_dma semaphore(%arg24 : memref<!tpu.dma_semaphore, #tpu.memory_space<semaphore_mem>>) src(%dma_wait3A_711 : memref<80x128xf32, #tpu.memory_space<vmem>>) dst(%dma_wait3A_717 : memref<10008x128xf32, #tpu.memory_space<vmem_shared>>)
    %barrier3A_718 = arith.constant 0 : index
    tpu.barrier barrier_id(%barrier3A_718)
    %lt3A_719 = arith.constant 15 : i32
    %lt3A_720 = arith.cmpi slt, %arg1, %lt3A_719 : i32
    %convert_element_type3A_721 = arith.extui %lt3A_720 : i1 to i32
    %cond3A_722 = arith.constant 0 : i32
    %cond3A_723 = arith.cmpi ne, %convert_element_type3A_721, %cond3A_722 : i32
    scf.if %cond3A_723 {
      %mul3A = arith.constant 640 : i32
      %mul3A_729 = arith.muli %arg1, %mul3A : i32
      %mul3A_730 = arith.constant 640 : i32
      %mul3A_731 = arith.muli %arg1, %mul3A_730 : i32
      "tpu.region"() ({
        %run_scoped3A_732 = tpu.sem_alloc : memref<!tpu.dma_semaphore, #tpu.memory_space<semaphore_mem>>
        %dma_start3A_733 = arith.constant 0 : i32
        %dma_start3A_734 = tpu.memref_slice %arg4[%arg0, %mul3A_731, %dma_start3A_733] : memref<2x10000x128xf32, #tpu.memory_space<hbm>> -> memref<1x640x128xf32, #tpu.memory_space<hbm>>
        %dma_start3A_735 = tpu.memref_squeeze %dma_start3A_734 : memref<1x640x128xf32, #tpu.memory_space<hbm>> -> memref<640x128xf32, #tpu.memory_space<hbm>>
        %dma_start3A_736 = arith.constant 0 : i32
        %dma_start3A_737 = tpu.memref_slice %arg8[%mul3A_729, %dma_start3A_736] : memref<10008x128xf32, #tpu.memory_space<vmem_shared>> -> memref<640x128xf32, #tpu.memory_space<vmem_shared>>
        tpu.enqueue_dma source(%dma_start3A_737 : memref<640x128xf32, #tpu.memory_space<vmem_shared>>) target(%dma_start3A_735 : memref<640x128xf32, #tpu.memory_space<hbm>>) target_semaphore(%run_scoped3A_732 : memref<!tpu.dma_semaphore, #tpu.memory_space<semaphore_mem>>)
        %dma_wait3A_738 = arith.constant 0 : i32
        %dma_wait3A_739 = tpu.memref_slice %arg4[%arg0, %mul3A_731, %dma_wait3A_738] : memref<2x10000x128xf32, #tpu.memory_space<hbm>> -> memref<1x640x128xf32, #tpu.memory_space<hbm>>
        %dma_wait3A_740 = tpu.memref_squeeze %dma_wait3A_739 : memref<1x640x128xf32, #tpu.memory_space<hbm>> -> memref<640x128xf32, #tpu.memory_space<hbm>>
        %dma_wait3A_741 = arith.constant 0 : i32
        %dma_wait3A_742 = tpu.memref_slice %arg8[%mul3A_729, %dma_wait3A_741] : memref<10008x128xf32, #tpu.memory_space<vmem_shared>> -> memref<640x128xf32, #tpu.memory_space<vmem_shared>>
        tpu.wait_dma2 semaphore(%run_scoped3A_732 : memref<!tpu.dma_semaphore, #tpu.memory_space<semaphore_mem>>) src(%dma_wait3A_742 : memref<640x128xf32, #tpu.memory_space<vmem_shared>>) dst(%dma_wait3A_740 : memref<640x128xf32, #tpu.memory_space<hbm>>)
        tpu.yield
      }) : () -> ()
    } else {
    }
    %eq3A_724 = arith.constant 15 : i32
    %eq3A_725 = arith.cmpi eq, %arg1, %eq3A_724 : i32
    %convert_element_type3A_726 = arith.extui %eq3A_725 : i1 to i32
    %cond3A_727 = arith.constant 0 : i32
    %cond3A_728 = arith.cmpi ne, %convert_element_type3A_726, %cond3A_727 : i32
    scf.if %cond3A_728 {
      "tpu.region"() ({
        %run_scoped3A_729 = tpu.sem_alloc : memref<!tpu.dma_semaphore, #tpu.memory_space<semaphore_mem>>
        %dma_start3A_730 = arith.constant 9600 : i32
        %dma_start3A_731 = arith.constant 0 : i32
        %dma_start3A_732 = tpu.memref_slice %arg4[%arg0, %dma_start3A_730, %dma_start3A_731] : memref<2x10000x128xf32, #tpu.memory_space<hbm>> -> memref<1x400x128xf32, #tpu.memory_space<hbm>>
        %dma_start3A_733 = tpu.memref_squeeze %dma_start3A_732 : memref<1x400x128xf32, #tpu.memory_space<hbm>> -> memref<400x128xf32, #tpu.memory_space<hbm>>
        %dma_start3A_734 = arith.constant 9600 : i32
        %dma_start3A_735 = arith.constant 0 : i32
        %dma_start3A_736 = tpu.memref_slice %arg8[%dma_start3A_734, %dma_start3A_735] : memref<10008x128xf32, #tpu.memory_space<vmem_shared>> -> memref<400x128xf32, #tpu.memory_space<vmem_shared>>
        tpu.enqueue_dma source(%dma_start3A_736 : memref<400x128xf32, #tpu.memory_space<vmem_shared>>) target(%dma_start3A_733 : memref<400x128xf32, #tpu.memory_space<hbm>>) target_semaphore(%run_scoped3A_729 : memref<!tpu.dma_semaphore, #tpu.memory_space<semaphore_mem>>)
        %dma_wait3A_737 = arith.constant 9600 : i32
        %dma_wait3A_738 = arith.constant 0 : i32
        %dma_wait3A_739 = tpu.memref_slice %arg4[%arg0, %dma_wait3A_737, %dma_wait3A_738] : memref<2x10000x128xf32, #tpu.memory_space<hbm>> -> memref<1x400x128xf32, #tpu.memory_space<hbm>>
        %dma_wait3A_740 = tpu.memref_squeeze %dma_wait3A_739 : memref<1x400x128xf32, #tpu.memory_space<hbm>> -> memref<400x128xf32, #tpu.memory_space<hbm>>
        %dma_wait3A_741 = arith.constant 9600 : i32
        %dma_wait3A_742 = arith.constant 0 : i32
        %dma_wait3A_743 = tpu.memref_slice %arg8[%dma_wait3A_741, %dma_wait3A_742] : memref<10008x128xf32, #tpu.memory_space<vmem_shared>> -> memref<400x128xf32, #tpu.memory_space<vmem_shared>>
        tpu.wait_dma2 semaphore(%run_scoped3A_729 : memref<!tpu.dma_semaphore, #tpu.memory_space<semaphore_mem>>) src(%dma_wait3A_743 : memref<400x128xf32, #tpu.memory_space<vmem_shared>>) dst(%dma_wait3A_740 : memref<400x128xf32, #tpu.memory_space<hbm>>)
        tpu.yield
      }) : () -> ()
    } else {
    }
    return
  }
}

module attributes {stable_mosaic.version = 14 : i64} {
  func.func @_mm_split_body(%arg0: i32, %arg1: memref<2000x256xf32, #tpu.memory_space<vmem>>, %arg2: memref<256x256xf32, #tpu.memory_space<vmem>>, %arg3: memref<2x2000x128xf32, #tpu.memory_space<vmem>>) attributes {dimension_semantics = [#tpu.dimension_semantics<arbitrary>], iteration_bounds = array<i64: 5>, scalar_prefetch = 0 : i64, scratch_operands = 0 : i64, tpu.core_type = #tpu.core_type<tc>, window_params = [{transform_indices = @transform_0, window_bounds = array<i64: 2000, 256>}, {pipeline_mode = #tpu.pipeline_mode<synchronous>, transform_indices = @transform_1, window_bounds = array<i64: 256, 256>}, {transform_indices = @transform_2, window_bounds = array<i64: 2, 2000, 128>}]} {
    %get3A = arith.constant 0 : index
    %get3A_0 = arith.constant 0 : index
    %get3A_1 = vector.load %arg1[%get3A, %get3A_0] : memref<2000x256xf32, #tpu.memory_space<vmem>>, vector<2000x256xf32>
    %get3A_2 = arith.constant 0 : index
    %get3A_3 = arith.constant 0 : index
    %get3A_4 = vector.load %arg2[%get3A_2, %get3A_3] : memref<256x256xf32, #tpu.memory_space<vmem>>, vector<256x256xf32>
    %dot_general3A = arith.constant dense<0.000000e+00> : vector<2000x256xf32>
    %dot_general3A_5 = tpu.matmul %get3A_1, %get3A_4, %dot_general3A {dimension_numbers = #tpu.dot_dimension_numbers<[1], [0], [0], [1], [0, 0, 1, 1], [], []>, transpose_lhs_hint = false} : vector<2000x256xf32>, vector<256x256xf32>, vector<2000x256xf32> -> vector<2000x256xf32>
    %slice3A = vector.extract_strided_slice %dot_general3A_5 {offsets = [0, 0], sizes = [2000, 128], strides = [1, 1]} : vector<2000x256xf32> to vector<2000x128xf32>
    %swap3A = arith.constant 0 : index
    %swap3A_6 = arith.constant 0 : index
    %swap3A_7 = arith.constant 0 : index
    %swap3A_8 = vector.load %arg3[%swap3A, %swap3A_6, %swap3A_7] : memref<2x2000x128xf32, #tpu.memory_space<vmem>>, vector<1x2000x128xf32>
    %swap3A_9 = vector.shape_cast %swap3A_8 : vector<1x2000x128xf32> to vector<2000x128xf32>
    %swap3A_10 = vector.shape_cast %slice3A : vector<2000x128xf32> to vector<1x2000x128xf32>
    tpu.vector_store %arg3[%swap3A, %swap3A_6, %swap3A_7], %swap3A_10 {strides = array<i32>} : memref<2x2000x128xf32, #tpu.memory_space<vmem>>, vector<1x2000x128xf32>,
    %slice3A_11 = vector.extract_strided_slice %dot_general3A_5 {offsets = [0, 128], sizes = [2000, 128], strides = [1, 1]} : vector<2000x256xf32> to vector<2000x128xf32>
    %swap3A_12 = arith.constant 1 : index
    %swap3A_13 = arith.constant 0 : index
    %swap3A_14 = arith.constant 0 : index
    %swap3A_15 = vector.load %arg3[%swap3A_12, %swap3A_13, %swap3A_14] : memref<2x2000x128xf32, #tpu.memory_space<vmem>>, vector<1x2000x128xf32>
    %swap3A_16 = vector.shape_cast %swap3A_15 : vector<1x2000x128xf32> to vector<2000x128xf32>
    %swap3A_17 = vector.shape_cast %slice3A_11 : vector<2000x128xf32> to vector<1x2000x128xf32>
    tpu.vector_store %arg3[%swap3A_12, %swap3A_13, %swap3A_14], %swap3A_17 {strides = array<i32>} : memref<2x2000x128xf32, #tpu.memory_space<vmem>>, vector<1x2000x128xf32>,
    return
  }
  func.func @transform_0(%arg0: i32) -> (i32, i32) {
    %c0_i32 = arith.constant 0 : i32
    %c0_i32_0 = arith.constant 0 : i32
    return %arg0, %c0_i32 : i32, i32
  }
  func.func @transform_1(%arg0: i32) -> (i32, i32) {
    %c0_i32 = arith.constant 0 : i32
    %c0_i32_0 = arith.constant 0 : i32
    %c0_i32_1 = arith.constant 0 : i32
    return %c0_i32, %c0_i32_0 : i32, i32
  }
  func.func @transform_2(%arg0: i32) -> (i32, i32, i32) {
    %c0_i32 = arith.constant 0 : i32
    %c0_i32_0 = arith.constant 0 : i32
    %c0_i32_1 = arith.constant 0 : i32
    return %c0_i32, %arg0, %c0_i32_0 : i32, i32, i32
  }
}

module attributes {stable_mosaic.version = 14 : i64} {
  func.func @_norm_mm_body(%arg0: i32, %arg1: memref<2x2000x128xf32, #tpu.memory_space<vmem>>, %arg2: memref<1x256xf32, #tpu.memory_space<vmem>>, %arg3: memref<256x256xf32, #tpu.memory_space<vmem>>, %arg4: memref<2x2000x128xf32, #tpu.memory_space<vmem>>) attributes {dimension_semantics = [#tpu.dimension_semantics<arbitrary>], iteration_bounds = array<i64: 5>, scalar_prefetch = 0 : i64, scratch_operands = 0 : i64, tpu.core_type = #tpu.core_type<tc>, window_params = [{transform_indices = @transform_0, window_bounds = array<i64: 2, 2000, 128>}, {pipeline_mode = #tpu.pipeline_mode<synchronous>, transform_indices = @transform_1, window_bounds = array<i64: 1, 256>}, {pipeline_mode = #tpu.pipeline_mode<synchronous>, transform_indices = @transform_2, window_bounds = array<i64: 256, 256>}, {transform_indices = @transform_3, window_bounds = array<i64: 2, 2000, 128>}]} {
    %get3A = arith.constant 0 : index
    %get3A_0 = arith.constant 0 : index
    %get3A_1 = arith.constant 0 : index
    %get3A_2 = vector.load %arg1[%get3A, %get3A_0, %get3A_1] : memref<2x2000x128xf32, #tpu.memory_space<vmem>>, vector<1x2000x128xf32>
    %get3A_3 = vector.shape_cast %get3A_2 : vector<1x2000x128xf32> to vector<2000x128xf32>
    %get3A_4 = arith.constant 1 : index
    %get3A_5 = arith.constant 0 : index
    %get3A_6 = arith.constant 0 : index
    %get3A_7 = vector.load %arg1[%get3A_4, %get3A_5, %get3A_6] : memref<2x2000x128xf32, #tpu.memory_space<vmem>>, vector<1x2000x128xf32>
    %get3A_8 = vector.shape_cast %get3A_7 : vector<1x2000x128xf32> to vector<2000x128xf32>
    %concatenate3A = tpu.concatenate %get3A_3, %get3A_8 in 1 : vector<2000x128xf32>, vector<2000x128xf32> -> vector<2000x256xf32>
    %get3A_9 = arith.constant 0 : index
    %get3A_10 = arith.constant 0 : index
    %get3A_11 = vector.load %arg2[%get3A_9, %get3A_10] : memref<1x256xf32, #tpu.memory_space<vmem>>, vector<1x256xf32>
    %add3A = vector.broadcast %get3A_11 : vector<1x256xf32> to vector<2000x256xf32>
    %add3A_12 = arith.addf %concatenate3A, %add3A : vector<2000x256xf32>
    %max3A = arith.constant 0.000000e+00 : f32
    %max3A_13 = vector.broadcast %max3A : f32 to vector<2000x256xf32>
    %max3A_14 = arith.maximumf %add3A_12, %max3A_13 : vector<2000x256xf32>
    %mul3A = arith.mulf %max3A_14, %max3A_14 : vector<2000x256xf32>
    %reduce_sum3A = arith.constant dense<0.000000e+00> : vector<2000xf32>
    %reduce_sum3A_15 = vector.multi_reduction <add>, %mul3A, %reduce_sum3A [1] : vector<2000x256xf32> to vector<2000xf32>
    %broadcast_in_dim3A = vector.shape_cast %reduce_sum3A_15 : vector<2000xf32> to vector<2000x1xf32>
    %sqrt3A = math.sqrt %broadcast_in_dim3A : vector<2000x1xf32>
    %max3A_16 = arith.constant 9.99999996E-13 : f32
    %max3A_17 = vector.broadcast %max3A_16 : f32 to vector<2000x1xf32>
    %max3A_18 = arith.maximumf %sqrt3A, %max3A_17 : vector<2000x1xf32>
    %div3A = vector.broadcast %max3A_18 : vector<2000x1xf32> to vector<2000x256xf32>
    %div3A_19 = arith.divf %max3A_14, %div3A : vector<2000x256xf32>
    %get3A_20 = arith.constant 0 : index
    %get3A_21 = arith.constant 0 : index
    %get3A_22 = vector.load %arg3[%get3A_20, %get3A_21] : memref<256x256xf32, #tpu.memory_space<vmem>>, vector<256x256xf32>
    %dot_general3A = arith.constant dense<0.000000e+00> : vector<2000x256xf32>
    %dot_general3A_23 = tpu.matmul %div3A_19, %get3A_22, %dot_general3A {dimension_numbers = #tpu.dot_dimension_numbers<[1], [0], [0], [1], [0, 0, 1, 1], [], []>, transpose_lhs_hint = false} : vector<2000x256xf32>, vector<256x256xf32>, vector<2000x256xf32> -> vector<2000x256xf32>
    %slice3A = vector.extract_strided_slice %dot_general3A_23 {offsets = [0, 0], sizes = [2000, 128], strides = [1, 1]} : vector<2000x256xf32> to vector<2000x128xf32>
    %swap3A = arith.constant 0 : index
    %swap3A_24 = arith.constant 0 : index
    %swap3A_25 = arith.constant 0 : index
    %swap3A_26 = vector.load %arg4[%swap3A, %swap3A_24, %swap3A_25] : memref<2x2000x128xf32, #tpu.memory_space<vmem>>, vector<1x2000x128xf32>
    %swap3A_27 = vector.shape_cast %swap3A_26 : vector<1x2000x128xf32> to vector<2000x128xf32>
    %swap3A_28 = vector.shape_cast %slice3A : vector<2000x128xf32> to vector<1x2000x128xf32>
    tpu.vector_store %arg4[%swap3A, %swap3A_24, %swap3A_25], %swap3A_28 {strides = array<i32>} : memref<2x2000x128xf32, #tpu.memory_space<vmem>>, vector<1x2000x128xf32>,
    %slice3A_29 = vector.extract_strided_slice %dot_general3A_23 {offsets = [0, 128], sizes = [2000, 128], strides = [1, 1]} : vector<2000x256xf32> to vector<2000x128xf32>
    %swap3A_30 = arith.constant 1 : index
    %swap3A_31 = arith.constant 0 : index
    %swap3A_32 = arith.constant 0 : index
    %swap3A_33 = vector.load %arg4[%swap3A_30, %swap3A_31, %swap3A_32] : memref<2x2000x128xf32, #tpu.memory_space<vmem>>, vector<1x2000x128xf32>
    %swap3A_34 = vector.shape_cast %swap3A_33 : vector<1x2000x128xf32> to vector<2000x128xf32>
    %swap3A_35 = vector.shape_cast %slice3A_29 : vector<2000x128xf32> to vector<1x2000x128xf32>
    tpu.vector_store %arg4[%swap3A_30, %swap3A_31, %swap3A_32], %swap3A_35 {strides = array<i32>} : memref<2x2000x128xf32, #tpu.memory_space<vmem>>, vector<1x2000x128xf32>,
    return
  }
  func.func @transform_0(%arg0: i32) -> (i32, i32, i32) {
    %c0_i32 = arith.constant 0 : i32
    %c0_i32_0 = arith.constant 0 : i32
    %c0_i32_1 = arith.constant 0 : i32
    return %c0_i32, %arg0, %c0_i32_0 : i32, i32, i32
  }
  func.func @transform_1(%arg0: i32) -> (i32, i32) {
    %c0_i32 = arith.constant 0 : i32
    %c0_i32_0 = arith.constant 0 : i32
    %c0_i32_1 = arith.constant 0 : i32
    return %c0_i32, %c0_i32_0 : i32, i32
  }
  func.func @transform_2(%arg0: i32) -> (i32, i32) {
    %c0_i32 = arith.constant 0 : i32
    %c0_i32_0 = arith.constant 0 : i32
    %c0_i32_1 = arith.constant 0 : i32
    return %c0_i32, %c0_i32_0 : i32, i32
  }
  func.func @transform_3(%arg0: i32) -> (i32, i32, i32) {
    %c0_i32 = arith.constant 0 : i32
    %c0_i32_0 = arith.constant 0 : i32
    %c0_i32_1 = arith.constant 0 : i32
    return %c0_i32, %arg0, %c0_i32_0 : i32, i32, i32
  }
}

module attributes {stable_mosaic.version = 14 : i64} {
  func.func @_pool_mlp_body(%arg0: i32, %arg1: memref<2x2000x128xf32, #tpu.memory_space<vmem>>, %arg2: memref<1x256xf32, #tpu.memory_space<vmem>>, %arg3: memref<1x1x2000xi32, #tpu.memory_space<vmem>>, %arg4: memref<256x256xf32, #tpu.memory_space<vmem>>, %arg5: memref<1x256xf32, #tpu.memory_space<vmem>>, %arg6: memref<256x128xf32, #tpu.memory_space<vmem>>, %arg7: memref<1x128xf32, #tpu.memory_space<vmem>>, %arg8: memref<128x1xf32, #tpu.memory_space<vmem>>, %arg9: memref<1x1xf32, #tpu.memory_space<vmem>>, %arg10: memref<64x1xf32, #tpu.memory_space<vmem>>, %arg11: memref<64x256xf32, #tpu.memory_space<vmem>>, %arg12: memref<64x128xf32, #tpu.memory_space<vmem>>) attributes {dimension_semantics = [#tpu.dimension_semantics<arbitrary>], iteration_bounds = array<i64: 5>, scalar_prefetch = 0 : i64, scratch_operands = 2 : i64, tpu.core_type = #tpu.core_type<tc>, window_params = [{transform_indices = @transform_0, window_bounds = array<i64: 2, 2000, 128>}, {pipeline_mode = #tpu.pipeline_mode<synchronous>, transform_indices = @transform_1, window_bounds = array<i64: 1, 256>}, {transform_indices = @transform_2, window_bounds = array<i64: 1, 1, 2000>}, {pipeline_mode = #tpu.pipeline_mode<synchronous>, transform_indices = @transform_3, window_bounds = array<i64: 256, 256>}, {pipeline_mode = #tpu.pipeline_mode<synchronous>, transform_indices = @transform_4, window_bounds = array<i64: 1, 256>}, {pipeline_mode = #tpu.pipeline_mode<synchronous>, transform_indices = @transform_5, window_bounds = array<i64: 256, 128>}, {pipeline_mode = #tpu.pipeline_mode<synchronous>, transform_indices = @transform_6, window_bounds = array<i64: 1, 128>}, {pipeline_mode = #tpu.pipeline_mode<synchronous>, transform_indices = @transform_7, window_bounds = array<i64: 128, 1>}, {pipeline_mode = #tpu.pipeline_mode<synchronous>, transform_indices = @transform_8, window_bounds = array<i64: 1, 1>}, {pipeline_mode = #tpu.pipeline_mode<synchronous>, transform_indices = @transform_9, window_bounds = array<i64: 64, 1>}]} {
    %get3A = arith.constant 0 : index
    %get3A_0 = arith.constant 0 : index
    %get3A_1 = arith.constant 0 : index
    %get3A_2 = vector.load %arg1[%get3A, %get3A_0, %get3A_1] : memref<2x2000x128xf32, #tpu.memory_space<vmem>>, vector<1x2000x128xf32>
    %get3A_3 = vector.shape_cast %get3A_2 : vector<1x2000x128xf32> to vector<2000x128xf32>
    %get3A_4 = arith.constant 1 : index
    %get3A_5 = arith.constant 0 : index
    %get3A_6 = arith.constant 0 : index
    %get3A_7 = vector.load %arg1[%get3A_4, %get3A_5, %get3A_6] : memref<2x2000x128xf32, #tpu.memory_space<vmem>>, vector<1x2000x128xf32>
    %get3A_8 = vector.shape_cast %get3A_7 : vector<1x2000x128xf32> to vector<2000x128xf32>
    %concatenate3A = tpu.concatenate %get3A_3, %get3A_8 in 1 : vector<2000x128xf32>, vector<2000x128xf32> -> vector<2000x256xf32>
    %get3A_9 = arith.constant 0 : index
    %get3A_10 = arith.constant 0 : index
    %get3A_11 = vector.load %arg2[%get3A_9, %get3A_10] : memref<1x256xf32, #tpu.memory_space<vmem>>, vector<1x256xf32>
    %add3A = vector.broadcast %get3A_11 : vector<1x256xf32> to vector<2000x256xf32>
    %add3A_12 = arith.addf %concatenate3A, %add3A : vector<2000x256xf32>
    %max3A = arith.constant 0.000000e+00 : f32
    %max3A_13 = vector.broadcast %max3A : f32 to vector<2000x256xf32>
    %max3A_14 = arith.maximumf %add3A_12, %max3A_13 : vector<2000x256xf32>
    %mul3A = arith.mulf %max3A_14, %max3A_14 : vector<2000x256xf32>
    %reduce_sum3A = arith.constant dense<0.000000e+00> : vector<2000xf32>
    %reduce_sum3A_15 = vector.multi_reduction <add>, %mul3A, %reduce_sum3A [1] : vector<2000x256xf32> to vector<2000xf32>
    %broadcast_in_dim3A = vector.shape_cast %reduce_sum3A_15 : vector<2000xf32> to vector<2000x1xf32>
    %sqrt3A = math.sqrt %broadcast_in_dim3A : vector<2000x1xf32>
    %max3A_16 = arith.constant 9.99999996E-13 : f32
    %max3A_17 = vector.broadcast %max3A_16 : f32 to vector<2000x1xf32>
    %max3A_18 = arith.maximumf %sqrt3A, %max3A_17 : vector<2000x1xf32>
    %div3A = vector.broadcast %max3A_18 : vector<2000x1xf32> to vector<2000x256xf32>
    %div3A_19 = arith.divf %max3A_14, %div3A : vector<2000x256xf32>
    %get3A_20 = arith.constant 0 : index
    %get3A_21 = arith.constant 0 : index
    %get3A_22 = arith.constant 0 : index
    %get3A_23 = vector.load %arg3[%get3A_20, %get3A_21, %get3A_22] : memref<1x1x2000xi32, #tpu.memory_space<vmem>>, vector<1x1x2000xi32>
    %get3A_24 = vector.shape_cast %get3A_23 : vector<1x1x2000xi32> to vector<2000xi32>
    %broadcast_in_dim3A_25 = vector.shape_cast %get3A_24 : vector<2000xi32> to vector<2000x1xi32>
    %iota3A = tpu.iota {dimensions = array<i32: 1>} : vector<2000x64xi32>
    %eq3A = vector.broadcast %broadcast_in_dim3A_25 : vector<2000x1xi32> to vector<2000x64xi32>
    %eq3A_26 = arith.cmpi eq, %eq3A, %iota3A : vector<2000x64xi32>
    %convert_element_type3A = arith.extui %eq3A_26 : vector<2000x64xi1> to vector<2000x64xi32>
    %convert_element_type3A_27 = arith.sitofp %convert_element_type3A : vector<2000x64xi32> to vector<2000x64xf32>
    %eq3A_28 = arith.constant 0 : i32
    %eq3A_29 = arith.cmpi eq, %arg0, %eq3A_28 : i32
    %convert_element_type3A_30 = arith.extui %eq3A_29 : i1 to i32
    %cond3A = arith.constant 0 : i32
    %cond3A_31 = arith.cmpi ne, %convert_element_type3A_30, %cond3A : i32
    scf.if %cond3A_31 {
      %broadcast_in_dim3A_55 = arith.constant 0.000000e+00 : f32
      %broadcast_in_dim3A_56 = vector.broadcast %broadcast_in_dim3A_55 : f32 to vector<64x256xf32>
      %swap3A_57 = arith.constant 0 : index
      %swap3A_58 = arith.constant 0 : index
      %swap3A_59 = vector.load %arg11[%swap3A_57, %swap3A_58] : memref<64x256xf32, #tpu.memory_space<vmem>>, vector<64x256xf32>
      tpu.vector_store %arg11[%swap3A_57, %swap3A_58], %broadcast_in_dim3A_56 {strides = array<i32>} : memref<64x256xf32, #tpu.memory_space<vmem>>, vector<64x256xf32>,
      %broadcast_in_dim3A_60 = arith.constant 0.000000e+00 : f32
      %broadcast_in_dim3A_61 = vector.broadcast %broadcast_in_dim3A_60 : f32 to vector<64x128xf32>
      %swap3A_62 = arith.constant 0 : index
      %swap3A_63 = arith.constant 0 : index
      %swap3A_64 = vector.load %arg12[%swap3A_62, %swap3A_63] : memref<64x128xf32, #tpu.memory_space<vmem>>, vector<64x128xf32>
      tpu.vector_store %arg12[%swap3A_62, %swap3A_63], %broadcast_in_dim3A_61 {strides = array<i32>} : memref<64x128xf32, #tpu.memory_space<vmem>>, vector<64x128xf32>,
    } else {
    }
    %get3A_32 = arith.constant 0 : index
    %get3A_33 = arith.constant 0 : index
    %get3A_34 = vector.load %arg11[%get3A_32, %get3A_33] : memref<64x256xf32, #tpu.memory_space<vmem>>, vector<64x256xf32>
    %dot_general3A = arith.constant dense<0.000000e+00> : vector<64x256xf32>
    %dot_general3A_35 = tpu.matmul %convert_element_type3A_27, %div3A_19, %dot_general3A {dimension_numbers = #tpu.dot_dimension_numbers<[0], [0], [1], [1], [0, 1, 1, 1], [], []>, precision = #tpu.contract_precision<fp32>, transpose_lhs_hint = false} : vector<2000x64xf32>, vector<2000x256xf32>, vector<64x256xf32> -> vector<64x256xf32>
    %add3A_36 = arith.addf %get3A_34, %dot_general3A_35 : vector<64x256xf32>
    %swap3A = arith.constant 0 : index
    %swap3A_37 = arith.constant 0 : index
    %swap3A_38 = vector.load %arg11[%swap3A, %swap3A_37] : memref<64x256xf32, #tpu.memory_space<vmem>>, vector<64x256xf32>
    tpu.vector_store %arg11[%swap3A, %swap3A_37], %add3A_36 {strides = array<i32>} : memref<64x256xf32, #tpu.memory_space<vmem>>, vector<64x256xf32>,
    %get3A_39 = arith.constant 0 : index
    %get3A_40 = arith.constant 0 : index
    %get3A_41 = vector.load %arg12[%get3A_39, %get3A_40] : memref<64x128xf32, #tpu.memory_space<vmem>>, vector<64x128xf32>
    %broadcast_in_dim3A_42 = arith.constant 1.000000e+00 : f32
    %broadcast_in_dim3A_43 = vector.broadcast %broadcast_in_dim3A_42 : f32 to vector<2000x128xf32>
    %dot_general3A_44 = arith.constant dense<0.000000e+00> : vector<64x128xf32>
    %dot_general3A_45 = tpu.matmul %convert_element_type3A_27, %broadcast_in_dim3A_43, %dot_general3A_44 {dimension_numbers = #tpu.dot_dimension_numbers<[0], [0], [1], [1], [0, 1, 1, 1], [], []>, precision = #tpu.contract_precision<fp32>, transpose_lhs_hint = false} : vector<2000x64xf32>, vector<2000x128xf32>, vector<64x128xf32> -> vector<64x128xf32>
    %add3A_46 = arith.addf %get3A_41, %dot_general3A_45 : vector<64x128xf32>
    %swap3A_47 = arith.constant 0 : index
    %swap3A_48 = arith.constant 0 : index
    %swap3A_49 = vector.load %arg12[%swap3A_47, %swap3A_48] : memref<64x128xf32, #tpu.memory_space<vmem>>, vector<64x128xf32>
    tpu.vector_store %arg12[%swap3A_47, %swap3A_48], %add3A_46 {strides = array<i32>} : memref<64x128xf32, #tpu.memory_space<vmem>>, vector<64x128xf32>,
    %eq3A_50 = arith.constant 4 : i32
    %eq3A_51 = arith.cmpi eq, %arg0, %eq3A_50 : i32
    %convert_element_type3A_52 = arith.extui %eq3A_51 : i1 to i32
    %cond3A_53 = arith.constant 0 : i32
    %cond3A_54 = arith.cmpi ne, %convert_element_type3A_52, %cond3A_53 : i32
    scf.if %cond3A_54 {
      %get3A_55 = arith.constant 0 : index
      %get3A_56 = arith.constant 0 : index
      %get3A_57 = vector.load %arg11[%get3A_55, %get3A_56] : memref<64x256xf32, #tpu.memory_space<vmem>>, vector<64x256xf32>
      %get3A_58 = arith.constant 0 : index
      %get3A_59 = arith.constant 0 : index
      %get3A_60 = vector.load %arg12[%get3A_58, %get3A_59] : memref<64x128xf32, #tpu.memory_space<vmem>>, vector<64x128xf32>
      %slice3A = vector.extract_strided_slice %get3A_60 {offsets = [0, 0], sizes = [64, 1], strides = [1, 1]} : vector<64x128xf32> to vector<64x1xf32>
      %max3A_61 = arith.constant 1.000000e+00 : f32
      %max3A_62 = vector.broadcast %max3A_61 : f32 to vector<64x1xf32>
      %max3A_63 = arith.maximumf %slice3A, %max3A_62 : vector<64x1xf32>
      %div3A_64 = vector.broadcast %max3A_63 : vector<64x1xf32> to vector<64x256xf32>
      %div3A_65 = arith.divf %get3A_57, %div3A_64 : vector<64x256xf32>
      %get3A_66 = arith.constant 0 : index
      %get3A_67 = arith.constant 0 : index
      %get3A_68 = vector.load %arg4[%get3A_66, %get3A_67] : memref<256x256xf32, #tpu.memory_space<vmem>>, vector<256x256xf32>
      %dot_general3A_69 = arith.constant dense<0.000000e+00> : vector<64x256xf32>
      %dot_general3A_70 = tpu.matmul %div3A_65, %get3A_68, %dot_general3A_69 {dimension_numbers = #tpu.dot_dimension_numbers<[1], [0], [0], [1], [0, 0, 1, 1], [], []>, transpose_lhs_hint = false} : vector<64x256xf32>, vector<256x256xf32>, vector<64x256xf32> -> vector<64x256xf32>
      %get3A_71 = arith.constant 0 : index
      %get3A_72 = arith.constant 0 : index
      %get3A_73 = vector.load %arg5[%get3A_71, %get3A_72] : memref<1x256xf32, #tpu.memory_space<vmem>>, vector<1x256xf32>
      %add3A_74 = vector.broadcast %get3A_73 : vector<1x256xf32> to vector<64x256xf32>
      %add3A_75 = arith.addf %dot_general3A_70, %add3A_74 : vector<64x256xf32>
      %max3A_76 = arith.constant 0.000000e+00 : f32
      %max3A_77 = vector.broadcast %max3A_76 : f32 to vector<64x256xf32>
      %max3A_78 = arith.maximumf %add3A_75, %max3A_77 : vector<64x256xf32>
      %get3A_79 = arith.constant 0 : index
      %get3A_80 = arith.constant 0 : index
      %get3A_81 = vector.load %arg6[%get3A_79, %get3A_80] : memref<256x128xf32, #tpu.memory_space<vmem>>, vector<256x128xf32>
      %dot_general3A_82 = arith.constant dense<0.000000e+00> : vector<64x128xf32>
      %dot_general3A_83 = tpu.matmul %max3A_78, %get3A_81, %dot_general3A_82 {dimension_numbers = #tpu.dot_dimension_numbers<[1], [0], [0], [1], [0, 0, 1, 1], [], []>, transpose_lhs_hint = false} : vector<64x256xf32>, vector<256x128xf32>, vector<64x128xf32> -> vector<64x128xf32>
      %get3A_84 = arith.constant 0 : index
      %get3A_85 = arith.constant 0 : index
      %get3A_86 = vector.load %arg7[%get3A_84, %get3A_85] : memref<1x128xf32, #tpu.memory_space<vmem>>, vector<1x128xf32>
      %add3A_87 = vector.broadcast %get3A_86 : vector<1x128xf32> to vector<64x128xf32>
      %add3A_88 = arith.addf %dot_general3A_83, %add3A_87 : vector<64x128xf32>
      %max3A_89 = arith.constant 0.000000e+00 : f32
      %max3A_90 = vector.broadcast %max3A_89 : f32 to vector<64x128xf32>
      %max3A_91 = arith.maximumf %add3A_88, %max3A_90 : vector<64x128xf32>
      %get3A_92 = arith.constant 0 : index
      %get3A_93 = arith.constant 0 : index
      %get3A_94 = vector.load %arg8[%get3A_92, %get3A_93] : memref<128x1xf32, #tpu.memory_space<vmem>>, vector<128x1xf32>
      %dot_general3A_95 = arith.constant dense<0.000000e+00> : vector<64x1xf32>
      %dot_general3A_96 = tpu.matmul %max3A_91, %get3A_94, %dot_general3A_95 {dimension_numbers = #tpu.dot_dimension_numbers<[1], [0], [0], [1], [0, 0, 1, 1], [], []>, transpose_lhs_hint = false} : vector<64x128xf32>, vector<128x1xf32>, vector<64x1xf32> -> vector<64x1xf32>
      %get3A_97 = arith.constant 0 : index
      %get3A_98 = arith.constant 0 : index
      %get3A_99 = vector.load %arg9[%get3A_97, %get3A_98] : memref<1x1xf32, #tpu.memory_space<vmem>>, vector<1x1xf32>
      %add3A_100 = vector.broadcast %get3A_99 : vector<1x1xf32> to vector<64x1xf32>
      %add3A_101 = arith.addf %dot_general3A_96, %add3A_100 : vector<64x1xf32>
      %swap3A_102 = arith.constant 0 : index
      %swap3A_103 = arith.constant 0 : index
      %swap3A_104 = vector.load %arg10[%swap3A_102, %swap3A_103] : memref<64x1xf32, #tpu.memory_space<vmem>>, vector<64x1xf32>
      tpu.vector_store %arg10[%swap3A_102, %swap3A_103], %add3A_101 {strides = array<i32>} : memref<64x1xf32, #tpu.memory_space<vmem>>, vector<64x1xf32>,
    } else {
    }
    return
  }
  func.func @transform_0(%arg0: i32) -> (i32, i32, i32) {
    %c0_i32 = arith.constant 0 : i32
    %c0_i32_0 = arith.constant 0 : i32
    %c0_i32_1 = arith.constant 0 : i32
    return %c0_i32, %arg0, %c0_i32_0 : i32, i32, i32
  }
  func.func @transform_1(%arg0: i32) -> (i32, i32) {
    %c0_i32 = arith.constant 0 : i32
    %c0_i32_0 = arith.constant 0 : i32
    %c0_i32_1 = arith.constant 0 : i32
    return %c0_i32, %c0_i32_0 : i32, i32
  }
  func.func @transform_2(%arg0: i32) -> (i32, i32, i32) {
    %c0_i32 = arith.constant 0 : i32
    %c0_i32_0 = arith.constant 0 : i32
    %c0_i32_1 = arith.constant 0 : i32
    return %arg0, %c0_i32, %c0_i32_0 : i32, i32, i32
  }
  func.func @transform_3(%arg0: i32) -> (i32, i32) {
    %c0_i32 = arith.constant 0 : i32
    %c0_i32_0 = arith.constant 0 : i32
    %c0_i32_1 = arith.constant 0 : i32
    return %c0_i32, %c0_i32_0 : i32, i32
  }
  func.func @transform_4(%arg0: i32) -> (i32, i32) {
    %c0_i32 = arith.constant 0 : i32
    %c0_i32_0 = arith.constant 0 : i32
    %c0_i32_1 = arith.constant 0 : i32
    return %c0_i32, %c0_i32_0 : i32, i32
  }
  func.func @transform_5(%arg0: i32) -> (i32, i32) {
    %c0_i32 = arith.constant 0 : i32
    %c0_i32_0 = arith.constant 0 : i32
    %c0_i32_1 = arith.constant 0 : i32
    return %c0_i32, %c0_i32_0 : i32, i32
  }
  func.func @transform_6(%arg0: i32) -> (i32, i32) {
    %c0_i32 = arith.constant 0 : i32
    %c0_i32_0 = arith.constant 0 : i32
    %c0_i32_1 = arith.constant 0 : i32
    return %c0_i32, %c0_i32_0 : i32, i32
  }
  func.func @transform_7(%arg0: i32) -> (i32, i32) {
    %c0_i32 = arith.constant 0 : i32
    %c0_i32_0 = arith.constant 0 : i32
    %c0_i32_1 = arith.constant 0 : i32
    return %c0_i32, %c0_i32_0 : i32, i32
  }
  func.func @transform_8(%arg0: i32) -> (i32, i32) {
    %c0_i32 = arith.constant 0 : i32
    %c0_i32_0 = arith.constant 0 : i32
    %c0_i32_1 = arith.constant 0 : i32
    return %c0_i32, %c0_i32_0 : i32, i32
  }
  func.func @transform_9(%arg0: i32) -> (i32, i32) {
    %c0_i32 = arith.constant 0 : i32
    %c0_i32_0 = arith.constant 0 : i32
    %c0_i32_1 = arith.constant 0 : i32
    return %c0_i32, %c0_i32_0 : i32, i32
  }
}

</mosaic_0001>

<sc_bundles>
// kernel: kernel.10.cloned.1.call-start
scs
__scs_entry_jumppad:
0x0: {  	(pc) =	sbr.rel $0x88, $3  }
0x1: {  	(tag) =	ssettag $0x0;
	lr =	simm.s32 $0x1  }
0x2: {  	[smem:$0x3F94] =	sst lr;
	_ =	strace $0xD0000000  }
0x3: {  	_ = 	snop  }
0x4: {  	_ = 	snop  }
0x5: {  	_ = 	snop  }
0x6: {  	_ = 	snop  }
0x7: {  	_ = 	snop  }
__scs_overlays_trampoline_lowered:
0x8: {  	[smem:$0x3FA3] =	sst s0  }
0x9: {  	[smem:$0x3FA4] =	sst s1  }
0xa: {  	[smem:$0x3FA5] =	sst s2  }
0xb: {  	[smem:$0x3FA6] =	sst s3  }
0xc: {  	[smem:$0x3FA7] =	sst s4  }
0xd: {  	[smem:$0x3FA8] =	sst s5  }
0xe: {  	[smem:$0x3FA9] =	sst s6  }
0xf: {  	[smem:$0x3FAA] =	sst s7  }
0x10: {  	[smem:$0x3FAB] =	sst s8  }
0x11: {  	[smem:$0x3FAC] =	sst s9;
	s0 =	simm.s32 @!p0 $0x0  }
0x12: {  	s1 =	sld [smem:$0x3F92];
	s0 =	simm.s32 @p0 $0x1  }
0x13: {  	[smem:$0x3FAD] =	sst s0;
	s0 =	simm.s32 @!p1 $0x0  }
0x14: {  	s2 =	sld [smem:$0x3F91];
	s0 =	simm.s32 @p1 $0x1  }
0x15: {  	[smem:$0x3FAE] =	sst s0;
	s0 =	simm.s32 @!p2 $0x0  }
0x16: {  	s3 =	sld [smem:$0x3FDB];
	s0 =	simm.s32 @p2 $0x1  }
0x17: {  	s4 =	simm.s32 $0x1BF5;
	[smem:$0x3FB0] =	sst s0  }
0x18: {  	s0 =	sld [smem:$0x3F93];
	_ =	swait.ge [sflag:s4], $0x0  }
0x19: {  	s7 =	sld [smem:$0x3F94]  }
0x1a: {  	s8 =	sadd.s32 $0xFFFFE003, lr  }
0x1b: {  	s9 =	sadd.s32 $0xFFFFFEF7, lr;
	s5 =	simm.s32 $0xFFFFFFFF;
	p2 =	slt.u32 s8, $0xFFFFF086  }
0x1c: {  	p1 =	slt.u32 s9, $0xF7A;
	s5 =	simm.s32 @!p2 $0x0  }
0x1d: {  	s5 =	simm.s32 @p1 $0x1;
	p0 =	seq.s32 s7, s2  }
0x1e: {  	s7 =	smul.u32 @!p0 $0xF7A, s2;
	p2 =	seq.s32 @!p0 s5, $0x0  }
0x1f: {  	s9 =	smul.u32 $0xF7A, s1;
	s8 =	simm.s32 @!p0 $0x1BF5;
	p2 =	por !p2, p0  }
0x20: {  	[sflag:s8] =	ssyncset.s32 @!p0 $0xFFFFF086;
	s6 =	sadd.s32 @!p0 s3, s7;
	s7 =	simm.s32 @!p0 $0x108  }
0x21: {  	s3 =	sadd.s32 s3, s9;
	s6 =	sadd.s32 @!p0 $0x88, s6;
	s7 =	simm.s32 @p2 $0x1082  }
0x22: {  	[simem:s7], [sflag:s8] =	dma.local @!p0 [hbm:s6], $0xF7A  }
0x23: {  	s9 =	sor.u32 $0xD0000000, s2;
	s6 =	simm.s32 $0x108;
	_ =	swait.ge @!p0 [sflag:s8], $0x0  }
0x24: {  	s3 =	sadd.s32 $0x88, s3;
	s6 =	simm.s32 @!p1 $0x1082;
	[sflag:s4] =	ssyncset.s32 $0xFFFFF086  }
0x25: {  	[simem:s6], [sflag:s4] =	dma.local [hbm:s3], $0xF7A  }
0x26: {  	[smem:$0x3F94] =	sst s1;
	(tag) =	ssettag s2;
	_ =	strace s9  }
0x27: {  	s1 =	sld [smem:$0x3FA4]  }
0x28: {  	s2 =	sld [smem:$0x3FA5]  }
0x29: {  	s4 =	sld [smem:$0x3FA7]  }
0x2a: {  	p0 =	seq.s32 s5, $0x0;
	s5 =	sld [smem:$0x3FA8]  }
0x2b: {  	s6 =	sld [smem:$0x3FA9]  }
0x2c: {  	s7 =	sld [smem:$0x3FAA]  }
0x2d: {  	s3 =	simm.s32 $0x108;
	s8 =	sld [smem:$0x3FAB]  }
0x2e: {  	s3 =	simm.s32 @!p0 $0x1082;
	s9 =	sld [smem:$0x3FAC]  }
0x2f: {  	lr =	sadd.s32 s0, s3;
	s0 =	sld [smem:$0x3FA3]  }
0x30: {  	s3 =	sld [smem:$0x3FA6]  }
0x31: {  	[smem:$0x3FAF] =	sst s10  }
0x32: {  	s10 =	sld [smem:$0x3FAD];
	_ =	sdelay $0x3  }
0x33: {  	p0 =	seq.s32 s10, $0x1;
	s10 =	sld [smem:$0x3FAF];
	_ =	sdelay $0x3  }
0x34: {  	[smem:$0x3FAF] =	sst s10  }
0x35: {  	s10 =	sld [smem:$0x3FAE];
	_ =	sdelay $0x3  }
0x36: {  	p1 =	seq.s32 s10, $0x1;
	s10 =	sld [smem:$0x3FAF];
	_ =	sdelay $0x3  }
0x37: {  	[smem:$0x3FAF] =	sst s10  }
0x38: {  	s10 =	sld [smem:$0x3FB0]  }
0x39: {  	_ = 	snop;
	(pc) =	sbr.ind lr, $3  }
0x3a: {  	_ = 	snop  }
0x3b: {  	_ = 	snop  }
0x3c: {  	p2 =	seq.s32 s10, $0x1;
	s10 =	sld [smem:$0x3FAF]  }
0x3d: {  	_ =	shalt  }
0x3e: {  	_ =	shalt  }
0x3f: {  	_ =	shalt  }
0x40: {  	_ =	shalt  }
0x41: {  	_ =	shalt  }
0x42: {  	_ =	shalt  }
0x43: {  	_ =	shalt  }
0x44: {  	_ =	shalt  }
0x45: {  	_ =	shalt  }
0x46: {  	_ =	shalt  }
0x47: {  	_ =	shalt  }
0x48: {  	_ =	shalt  }
0x49: {  	_ =	shalt  }
0x4a: {  	_ =	shalt  }
0x4b: {  	_ =	shalt  }
0x4c: {  	_ =	shalt  }
0x4d: {  	_ =	shalt  }
0x4e: {  	_ =	shalt  }
0x4f: {  	_ =	shalt  }
0x50: {  	_ =	shalt  }
0x51: {  	_ =	shalt  }
0x52: {  	_ =	shalt  }
0x53: {  	_ =	shalt  }
0x54: {  	_ =	shalt  }
0x55: {  	_ =	shalt  }
0x56: {  	_ =	shalt  }
0x57: {  	_ =	shalt  }
0x58: {  	_ =	shalt  }
0x59: {  	_ =	shalt  }
0x5a: {  	_ =	shalt  }
0x5b: {  	_ =	shalt  }
0x5c: {  	_ =	shalt  }
0x5d: {  	_ =	shalt  }
0x5e: {  	_ =	shalt  }
0x5f: {  	_ =	shalt  }
0x60: {  	_ =	shalt  }
0x61: {  	_ =	shalt  }
0x62: {  	_ =	shalt  }
0x63: {  	_ =	shalt  }
0x64: {  	_ =	shalt  }
0x65: {  	_ =	shalt  }
0x66: {  	_ =	shalt  }
0x67: {  	_ =	shalt  }
0x68: {  	_ =	shalt  }
0x69: {  	_ =	shalt  }
0x6a: {  	_ =	shalt  }
0x6b: {  	_ =	shalt  }
0x6c: {  	_ =	shalt  }
0x6d: {  	_ =	shalt  }
0x6e: {  	_ =	shalt  }
0x6f: {  	_ =	shalt  }
0x70: {  	_ =	shalt  }
0x71: {  	_ =	shalt  }
0x72: {  	_ =	shalt  }
0x73: {  	_ =	shalt  }
0x74: {  	_ =	shalt  }
0x75: {  	_ =	shalt  }
0x76: {  	_ =	shalt  }
0x77: {  	_ =	shalt  }
0x78: {  	_ =	shalt  }
0x79: {  	_ =	shalt  }
0x7a: {  	_ =	shalt  }
0x7b: {  	_ =	shalt  }
0x7c: {  	_ =	shalt  }
0x7d: {  	_ =	shalt  }
0x7e: {  	_ =	shalt  }
0x7f: {  	_ =	shalt  }
0x80: {  	_ =	shalt  }
0x81: {  	_ =	shalt  }
0x82: {  	_ =	shalt  }
0x83: {  	_ =	shalt  }
0x84: {  	_ =	shalt  }
0x85: {  	_ =	shalt  }
0x86: {  	_ =	shalt  }
0x87: {  	_ =	shalt  }
.Lfunc_end0:
.L_simem_size_0:
called_computation.1_lowered:
.L_overlay_start_0:
0x88: {  	s2 =	sld [smem:$0x3FD9]  }
0x89: {  	s3 =	sld [smem:$0x3FFE];
	_ =	sdelay $0x1  }
0x8a: {  	s1 =	srdreg.scid  }
0x8b: {  	s0 =	sand.u32 $0x1, s1  }
0x8c: {  	s16 =	sshll.u32 s0, $0xA;
	s2 =	sadd.s32 s3, s2  }
0x8d: {  	s2 =	sadd.s32 s2, s16  }
0x8e: {  	[smem:$0x3FBB] =	sst s2  }
0x8f: {  	_ = 	snop  }
0x90: {  	(tm) =	ssettm $0x1  }
0x91: {  	s17 =	sld [smem:$0x3FFB];
	_ =	sdelay $0x3  }
0x92: {  	_ =	strace s17  }
0x93: {  	s2 =	sld [smem:$0x3FFC];
	_ =	sdelay $0x3  }
0x94: {  	_ =	strace s2  }
0x95: {  	s2 =	sld [smem:$0x3FFD];
	_ =	sdelay $0x3  }
0x96: {  	_ =	strace s2  }
0x97: {  	_ =	strace $0x8FFFFFFF  }
0x98: {  	s18 =	sld [smem:$0x3FDB];
	_ =	sdelay $0x1  }
0x99: {  	s19 =	simm.s32 $_scs_section_size  }
0x9a: {  	s4 =	simm.s32 $_size__tile_overlayer_lowered;
	s5 =	simm.s32 $_tile_overlayer_lowered  }
0x9b: {  	s22 =	simm.s32 $0x1BFF;
	s21 =	sshll.u32 s5, $0x1;
	s2 =	sadd.s32 s19, s18  }
0x9c: {  	s6 =	simm.s32 $0x0;
	s20 =	sshll.u32 s4, $0x1;
	s4 =	sadd.s32 s21, s2  }
0x9d: {  	[timem:s6], [sflag:s22] =	dma.local [hbm:s4], s20  }
0x9e: {  	_ =	swait.ge [sflag:s22], s20  }
0x9f: {  	s3 =	ssub.s32 $0x0, s20;
	[sflag:s22] =	ssyncset.done $0x0  }
0xa0: {  	[sflag:s22] =	ssyncadd.s32 s3;
	_ =	sdelay $0x1  }
0xa1: {  	s23 =	simm.s32 $0x1B8B  }
0xa2: {  	_ =	swait.ge [sflag:s23], $0x1  }
0xa3: {  	[sflag:s23] =	ssyncset.done $0x0  }
0xa4: {  	s25 =	simm.s32 $0x1B8E;
	s24 =	sld [smem:$0x3FFE];
	[sflag:s23] =	ssyncadd.s32 $0xFFFFFFFF  }
0xa5: {  	s26 =	simm.s32 $execute0_lowered;
	[smem:$0x3FD2] =	sst s25  }
0xa6: {  	s4 =	sshll.u32 s26, $0x1;
	_ =	strace $0x80000049;
	[dreg:$0x1] =	wrdreg $0xFFFFFFFF  }
0xa7: {  	s28 =	simm.s32 $_size_execute0_lowered;
	s2 =	sadd.s32 s2, s4;
	[dreg:$0x0] =	wrdreg $0x0  }
0xa8: {  	s4 =	sshll.u32 s28, $0x1;
	[dreg:$0x2] =	wrdreg s2  }
0xa9: {  	[dreg:$0x3] =	wrdreg s4  }
0xaa: {  	[dreg:$0x4] =	wrdreg $0xC0  }
0xab: {  	_ =	task [dreg:s6], $0x5FFFF  }
0xac: {  	[dreg:$0x1] =	wrdreg $0xFFFFFFFF  }
0xad: {  	[dreg:$0x0] =	wrdreg $0x60  }
0xae: {  	[dreg:$0x2] =	wrdreg s24  }
0xaf: {  	[dreg:$0x3] =	wrdreg $0xAC000  }
0xb0: {  	[dreg:$0x4] =	wrdreg $0x9  }
0xb1: {  	_ =	task.clear_ibuf [dreg:s6], $0x5FFFF;
	_ =	strace $0x90000049  }
0xb2: {  	s29 =	simm.s32 $0x9;
	_ =	strace $0x8000004B  }
0xb3: {  	_ =	swait.ge [sflag:s29], $0x1  }
0xb4: {  	[sflag:s29] =	ssyncadd.s32 $0xFFFFFFFF  }
0xb5: {  	_ =	strace $0x9000004B  }
0xb6: {  	_ =	sfence  }
0xb7: {  	s30 =	sld [smem:$0x0];
	_ =	sdelay $0x2  }
0xb8: {  	s31 =	sshll.u32 s1, $0xD;
	s1 =	sshrl.u32 s1, $0x2  }
0xb9: {  	s3 =	sand.u32 $0x4000, s31;
	s1 =	sadd.s32 s1, s30  }
0xba: {  	s0 =	sor.u32 s3, s0;
	s1 =	sshll.u32 s1, $0x11  }
0xbb: {  	s0 =	sor.u32 s1, s0  }
0xbc: {  	s0 =	sadd.s32 $0x8F2B, s0  }
0xbd: {  	[sflag:s0] =	ssyncadd.remote.s32 $0x1  }
0xbe: {  	_ =	sfence.sel $0xFFFF  }
0xbf: {  	[dreg:$0x0] =	wrdreg $0xFFFFFFFF;
	(pc) =	sbr.abs _section_cstart, $3  }
0xc0: {  	[dreg:$0x1] =	wrdreg $0xFFFFFFFF  }
0xc1: {  	_ =	task.clear_ibuf [dreg:s6], $0x2FFFF;
	_ =	strace $0x9FFFFFFF  }
0xc2: {  	(tm) =	ssettm $0x7FFFFFFF  }
0xc3: {  	_ =	shalt  }
tec
execute0_lowered:
.L_overlay_start_1:
0x0: {  	(tag) =	ssettag $0x1  }
0x1: {  	s0 =	rddreg [dreg:$0x0]  }
0x2: {  	s1 =	rddreg [dreg:$0x1];
	s2 =	simm.s32 $0x0;
	s3 =	srdreg.scid  }
0x3: {  	s11 =	stileid.u32;
	s28 =	simm.s32 $0x9;
	s30 =	simm.s32 $0x8000  }
0x4: {  	s29 =	simm.s32 $0xF;
	s31 =	simm.s32 $0x7;
	[smem:$0x7FF] =	sst s2  }
0x5: {  	s4 =	sadd.s32 $0x2000, s0;
	s5 =	sadd.s32 $0x50200, s0;
	s3 =	sand.u32 $0x1, s3  }
0x6: {  	s0 =	sadd.s32 $0x70200, s0;
	s7 =	sshll.u32 s11, $0xF;
	s14 =	smul.u32 $0x50000, s11  }
0x7: {  	s15 =	smul.u32 $0x14000, s11;
	p0 =	seq.s32 s11, $0xF;
	s11 =	simm.s32 $0x500  }
0x8: {  	_ =	strace $0x8000004A;
	s6 =	sshll.u32 s3, $0x13;
	s8 =	ssub.s32 $0x2, s3  }
0x9: {  	s3 =	smul.u32 $0x138800, s3;
	s6 =	sor.u32 s7, s6;
	s9 =	sshrl.u32 s8, $0x1  }
0xa: {  	s7 =	sshrl.u32 s14, $0x2;
	s14 =	simm.s32 $0x80;
	s10 =	sshrl.u32 s6, $0x3  }
0xb: {  	s8 =	ssub.s32 s8, s9;
	s9 =	sadd.s32 s15, s3;
	s13 =	sadd.s32 s7, s1  }
0xc: {  	s3 =	sshrl.u32 s3, $0x3;
	s20 =	sor.u32 $0xC00, s6;
	s22 =	sor.u32 $0xB00, s6  }
0xd: {  	s15 =	sadd.s32 $0x12C000, s1;
	s24 =	sor.u32 $0xA00, s6;
	s26 =	sor.u32 $0x900, s6  }
0xe: {  	s6 =	sor.u32 $0x800, s6;
	[dreg:$0x8] =	wrdreg s14;
	s14 =	simm.s32 $0x5  }
0xf: {  	s12 =	sadd.s32 s10, s5;
	s19 =	sshrl.u32 s9, $0x3;
	[dreg:$0x15] =	wrdreg s13  }
0x10: {  	s21 =	sshrl.u32 s20, $0x3;
	s9 =	smax.u32 s8, $0x1;
	[dreg:$0x18] =	wrdreg s15  }
0x11: {  	s25 =	sshrl.u32 s24, $0x3;
	s24 =	simm.s32 $0x580;
	[dreg:$0x19] =	wrdreg s9  }
0x12: {  	s20 =	simm.s32 $0x50;
	s8 =	simm.s32 $0xB;
	[dreg:$0xd] =	wrdreg s24  }
0x13: {  	s10 =	sadd.s32 $0x20, s12;
	s16 =	sadd.s32 $0x40, s12;
	[dreg:$0x10] =	wrdreg s12  }
0x14: {  	s17 =	sadd.s32 $0x60, s12;
	s18 =	sadd.s32 $0x80, s12;
	[dreg:$0x11] =	wrdreg s10  }
0x15: {  	s7 =	sadd.s32 s0, s19;
	s0 =	sadd.s32 s0, s3;
	[dreg:$0x12] =	wrdreg s16  }
0x16: {  	s3 =	sshrl.u32 s22, $0x3;
	s19 =	simm.s32 $0x300;
	[dreg:$0x13] =	wrdreg s17  }
0x17: {  	s22 =	simm.s32 $0x480;
	s9 =	simm.s32 $0x4;
	[dreg:$0x14] =	wrdreg s18  }
0x18: {  	s24 =	simm.s32 $0xE;
	[dreg:$0x16] =	wrdreg s7;
	s0 =	sadd.s32 $0x25800, s0  }
0x19: {  	s23 =	sadd.s32 s3, s5;
	s3 =	sshrl.u32 s26, $0x3;
	[dreg:$0xc] =	wrdreg s22  }
0x1a: {  	s7 =	sshrl.u32 s6, $0x3;
	s16 =	simm.s32 $0x180;
	[dreg:$0x17] =	wrdreg s0  }
0x1b: {  	s17 =	simm.s32 $0x280;
	s18 =	simm.s32 $0x380;
	[dreg:$0x4] =	wrdreg s23  }
0x1c: {  	s26 =	simm.s32 $0x780;
	s6 =	simm.s32 $0x5800;
	[dreg:$0x9] =	wrdreg s16  }
0x1d: {  	s22 =	simm.s32 $0x600;
	s0 =	sadd.s32 s21, s5;
	[dreg:$0xa] =	wrdreg s17  }
0x1e: {  	s3 =	sadd.s32 s3, s5;
	s10 =	sadd.s32 s7, s5;
	[dreg:$0xb] =	wrdreg s18  }
0x1f: {  	s7 =	simm.s32 $0x11;
	s21 =	simm.s32 $0x400;
	[dreg:$0xf] =	wrdreg s26  }
0x20: {  	s23 =	simm.s32 $0x800;
	s17 =	simm.s32 $0xD;
	[dreg:$0x3] =	wrdreg s0  }
0x21: {  	s26 =	simm.s32 $0x6;
	s16 =	simm.s32 $0xC;
	[dreg:$0x6] =	wrdreg s3  }
0x22: {  	s0 =	sadd.s32 s25, s5;
	[dreg:$0x7] =	wrdreg s10;
	s3 =	simm.s32 $0x3000  }
0x23: {  	s25 =	simm.s32 $0x680;
	s10 =	simm.s32 $0x0;
	[dreg:$0x5] =	wrdreg s0  }
0x24: {  	v0 =	vimm.f32 $0.0e+00;
	[dreg:$0xe] =	wrdreg s25;
	s25 =	simm.s32 $0xA800;
	s0 =	simm.s32 $0xA  }
.LBB2_1:
0x25: {  	[dreg:$0x1a] =	wrdreg s10  }
0x26: {  	[tilespmem:s2], [sflag:$0x11] =	stream.linear.gather [hbm4b:s12+s2], $0x100, $0x38;
	[tilespmem:$0x1E4C0] =	vst v63  }
0x27: {  	_ =	swait.ge [sflag:s7], $0x100  }
0x28: {  	[sflag:s7] =	ssyncset.done $0x0  }
0x29: {  	s10 =	simm.s32 $0x100;
	s5 =	rddreg [dreg:$0x11];
	[sflag:s7] =	ssyncadd.s32 $0xFFFFFF00  }
0x2a: {  	[tilespmem:s10], [sflag:$0x2] =	stream.linear.gather [hbm4b:s5+s2], $0x100, $0x38;
	[tilespmem:$0x1E4C0] =	vst v63  }
0x2b: {  	s18 =	simm.s32 $0x200;
	s5 =	rddreg [dreg:$0x12]  }
0x2c: {  	[tilespmem:s18], [sflag:$0x3] =	stream.linear.gather [hbm4b:s5+s2], $0x100, $0x38;
	[tilespmem:$0x1E4C0] =	vst v63  }
0x2d: {  	s5 =	rddreg [dreg:$0x13]  }
0x2e: {  	[tilespmem:s19], [sflag:$0x4] =	stream.linear.gather [hbm4b:s5+s2], $0x100, $0x38;
	[tilespmem:$0x1E4C0] =	vst v63  }
0x2f: {  	s5 =	rddreg [dreg:$0x14]  }
0x30: {  	[tilespmem:s21], [sflag:$0x5] =	stream.linear.gather [hbm4b:s5+s2], $0x100, $0x38;
	[tilespmem:$0x1E4C0] =	vst v63  }
0x31: {  	s5 =	simm.s32 $0x2  }
0x32: {  	[tilespmem:s23], [sflag:$0x9] =	stream.indirect.gather [hbm4b:s4+s20], $0x80, s2, s20, $0xb8;
	[tilespmem:$0x1E4C0] =	vst v63  }
0x33: {  	_ =	swait.ge [sflag:s5], $0x100  }
0x34: {  	[sflag:s5] =	ssyncset.done $0x0  }
0x35: {  	[sflag:s5] =	ssyncadd.s32 $0xFFFFFF00  }
0x36: {  	[tilespmem:s3], [sflag:$0xA] =	stream.indirect.gather [hbm4b:s4+s20], $0x80, s10, s20, $0xb8;
	[tilespmem:$0x1E4C0] =	vst v63  }
0x37: {  	s10 =	simm.s32 $0x3  }
0x38: {  	_ =	swait.ge [sflag:s10], $0x100  }
0x39: {  	[sflag:s10] =	ssyncset.done $0x0  }
0x3a: {  	[sflag:s10] =	ssyncadd.s32 $0xFFFFFF00  }
0x3b: {  	[tilespmem:s6], [sflag:$0xB] =	stream.indirect.gather [hbm4b:s4+s20], $0x80, s18, s20, $0xb8;
	[tilespmem:$0x1E4C0] =	vst v63  }
0x3c: {  	[tilespmem:$0xA800] =	vst v0  }
0x3d: {  	[tilespmem:$0xA880] =	vst v0  }
0x3e: {  	[tilespmem:$0xA900] =	vst v0  }
0x3f: {  	[tilespmem:$0xA980] =	vst v0  }
0x40: {  	[tilespmem:$0xAA00] =	vst v0  }
0x41: {  	[tilespmem:$0xAA80] =	vst v0  }
0x42: {  	[tilespmem:$0xAB00] =	vst v0  }
0x43: {  	[tilespmem:$0xAB80] =	vst v0  }
0x44: {  	[tilespmem:$0xA810] =	vst v0  }
0x45: {  	[tilespmem:$0xA890] =	vst v0  }
0x46: {  	[tilespmem:$0xA910] =	vst v0  }
0x47: {  	[tilespmem:$0xA990] =	vst v0  }
0x48: {  	[tilespmem:$0xAA10] =	vst v0  }
0x49: {  	[tilespmem:$0xAA90] =	vst v0  }
0x4a: {  	[tilespmem:$0xAB10] =	vst v0  }
0x4b: {  	[tilespmem:$0xAB90] =	vst v0  }
0x4c: {  	[tilespmem:$0xA820] =	vst v0  }
0x4d: {  	[tilespmem:$0xA8A0] =	vst v0  }
0x4e: {  	[tilespmem:$0xA920] =	vst v0  }
0x4f: {  	[tilespmem:$0xA9A0] =	vst v0  }
0x50: {  	[tilespmem:$0xAA20] =	vst v0  }
0x51: {  	[tilespmem:$0xAAA0] =	vst v0  }
0x52: {  	[tilespmem:$0xAB20] =	vst v0  }
0x53: {  	[tilespmem:$0xABA0] =	vst v0  }
0x54: {  	[tilespmem:$0xA830] =	vst v0  }
0x55: {  	[tilespmem:$0xA8B0] =	vst v0  }
0x56: {  	[tilespmem:$0xA930] =	vst v0  }
0x57: {  	[tilespmem:$0xA9B0] =	vst v0  }
0x58: {  	[tilespmem:$0xAA30] =	vst v0  }
0x59: {  	[tilespmem:$0xAAB0] =	vst v0  }
0x5a: {  	[tilespmem:$0xAB30] =	vst v0  }
0x5b: {  	[tilespmem:$0xABB0] =	vst v0  }
0x5c: {  	[tilespmem:$0xA840] =	vst v0  }
0x5d: {  	[tilespmem:$0xA8C0] =	vst v0  }
0x5e: {  	[tilespmem:$0xA940] =	vst v0  }
0x5f: {  	[tilespmem:$0xA9C0] =	vst v0  }
0x60: {  	[tilespmem:$0xAA40] =	vst v0  }
0x61: {  	[tilespmem:$0xAAC0] =	vst v0  }
0x62: {  	[tilespmem:$0xAB40] =	vst v0  }
0x63: {  	[tilespmem:$0xABC0] =	vst v0  }
0x64: {  	[tilespmem:$0xA850] =	vst v0  }
0x65: {  	[tilespmem:$0xA8D0] =	vst v0  }
0x66: {  	[tilespmem:$0xA950] =	vst v0  }
0x67: {  	[tilespmem:$0xA9D0] =	vst v0  }
0x68: {  	[tilespmem:$0xAA50] =	vst v0  }
0x69: {  	[tilespmem:$0xAAD0] =	vst v0  }
0x6a: {  	[tilespmem:$0xAB50] =	vst v0  }
0x6b: {  	[tilespmem:$0xABD0] =	vst v0  }
0x6c: {  	[tilespmem:$0xA860] =	vst v0  }
0x6d: {  	[tilespmem:$0xA8E0] =	vst v0  }
0x6e: {  	[tilespmem:$0xA960] =	vst v0  }
0x6f: {  	[tilespmem:$0xA9E0] =	vst v0  }
0x70: {  	[tilespmem:$0xAA60] =	vst v0  }
0x71: {  	[tilespmem:$0xAAE0] =	vst v0  }
0x72: {  	[tilespmem:$0xAB60] =	vst v0  }
0x73: {  	[tilespmem:$0xABE0] =	vst v0  }
0x74: {  	[tilespmem:$0xA870] =	vst v0  }
0x75: {  	[tilespmem:$0xA8F0] =	vst v0  }
0x76: {  	[tilespmem:$0xA970] =	vst v0  }
.Ltmp0:
0x77: {  	[tilespmem:$0xA9F0] =	vst v0;
	(pc) =	sbr.rel @!p0 .LBB2_2-.Ltmp0, $4  }
0x78: {  	[tilespmem:$0xAA70] =	vst v0  }
0x79: {  	[tilespmem:$0xAAF0] =	vst v0  }
0x7a: {  	[tilespmem:$0xAB70] =	vst v0  }
0x7b: {  	s5 =	sshra.s32 s2, $0x2;
	[tilespmem:$0xABF0] =	vst v0  }
0x7c: {  	s5 =	sadd.s32 s5, s15  }
0x7d: {  	[spmem:s5] =	stream.linear.scatter [tilespmem:s25], [sflag:$0x11], $0x400, $0x38;
	[tilespmem:$0x1E4C0] =	vst v63  }
0x7e: {  	s13 =	simm.s32 $0x700;
	s5 =	sadd.s32 $0x1000, s2;
	_ =	swait.ge [sflag:s7], $0x400  }
.LBB2_6:
0x7f: {  	s10 =	sshra.s32 s5, $0x2;
	[sflag:s7] =	ssyncset.done $0x0;
	p1 =	sne.s32 s5, $0x32000  }
.Ltmp1:
0x80: {  	s10 =	sadd.s32 s10, s15;
	[sflag:s7] =	ssyncadd.s32 $0xFFFFFC00;
	(pc) =	sbr.rel @p1 .LBB2_6-.Ltmp1, $3  }
0x81: {  	[spmem:s10] =	stream.linear.scatter [tilespmem:s25], [sflag:$0x11], $0x400, $0x38;
	[tilespmem:$0x1E4C0] =	vst v63  }
0x82: {  	s5 =	sadd.s32 $0x1000, s5;
	_ =	sdelay $0x1  }
0x83: {  	_ =	swait.ge [sflag:s7], $0x400  }
.Ltmp2:
0x84: {  	(pc) =	sbr.rel .LBB2_8-.Ltmp2, $3  }
0x85: {  	_ =	sdelay $0x1  }
0x86: {  	[sflag:s7] =	ssyncset.done $0x0  }
0x87: {  	s15 =	simm.s32 $0x8;
	[sflag:s7] =	ssyncadd.s32 $0xFFFFFC00  }
.LBB2_2:
0x88: {  	s5 =	sadd.s32 s5, s13  }
0x89: {  	[spmem:s5] =	stream.linear.scatter [tilespmem:s25], [sflag:$0x11], $0x400, $0x38;
	[tilespmem:$0x1E4C0] =	vst v63  }
0x8a: {  	s15 =	simm.s32 $0x8;
	s5 =	sadd.s32 $0x1000, s2;
	_ =	swait.ge [sflag:s7], $0x400  }
.LBB2_3:
0x8b: {  	s10 =	sshra.s32 s5, $0x2;
	[sflag:s7] =	ssyncset.done $0x0;
	p1 =	seq.s32 s5, $0x4F000  }
.Ltmp3:
0x8c: {  	s10 =	sadd.s32 s10, s13;
	[sflag:s7] =	ssyncadd.s32 $0xFFFFFC00;
	(pc) =	sbr.rel @!p1 .LBB2_3-.Ltmp3, $3  }
0x8d: {  	[spmem:s10] =	stream.linear.scatter [tilespmem:s25], [sflag:$0x11], $0x400, $0x38;
	[tilespmem:$0x1E4C0] =	vst v63  }
0x8e: {  	s5 =	sadd.s32 $0x1000, s5;
	_ =	sdelay $0x1  }
0x8f: {  	_ =	swait.ge [sflag:s7], $0x400  }
0x90: {  	[sflag:s7] =	ssyncset.done $0x0  }
0x91: {  	s13 =	simm.s32 $0x700;
	[sflag:s7] =	ssyncadd.s32 $0xFFFFFC00  }
.LBB2_8:
0x92: {  	[bflag:$0x0] =	sbarrier.arrive $0xFFFF  }
0x93: {  	_ =	swait.ge [sflag:s28], $0x2800  }
0x94: {  	p1 =	por $0x1, $0x1;
	[sflag:s28] =	ssyncset.done $0x0  }
0x95: {  	s10 =	simm.s32 @!p1 $0x10;
	s5 =	rddreg [dreg:$0x8];
	[sflag:s28] =	ssyncadd.s32 $0xFFFFD800  }
0x96: {  	[spmem:s1] =	stream.indirect.scatter.add.f32 [tilespmem:s23], [sflag:$0xD], $0x80, s5, s20, $0xb8;
	[tilespmem:$0x1E4C0] =	vst v63  }
0x97: {  	_ =	swait.ge @!p1 [sflag:s10], $0x2800  }
0x98: {  	[sflag:s10] =	ssyncset.done @!p1 $0x0  }
0x99: {  	[sflag:s10] =	ssyncadd.s32 @!p1 $0xFFFFD800  }
0x9a: {  	_ =	swait.ge [sflag:s9], $0x100  }
0x9b: {  	[sflag:s9] =	ssyncset.done $0x0  }
0x9c: {  	s7 =	sadd.s32 $0x0, s12;
	[sflag:s9] =	ssyncadd.s32 $0xFFFFFF00  }
0x9d: {  	[tilespmem:s30], [sflag:$0xC] =	stream.indirect.gather [hbm4b:s4+s20], $0x80, s19, s20, $0xb8;
	[tilespmem:$0x1E4C0] =	vst v63  }
0x9e: {  	s9 =	sadd.s32 $0xA0, s7  }
0x9f: {  	[tilespmem:s11], [sflag:$0x6] =	stream.linear.gather [hbm4b:s9+s2], $0x100, $0x38;
	[tilespmem:$0x1E4C0] =	vst v63  }
0xa0: {  	_ =	swait.ge [sflag:s0], $0x2800  }
0xa1: {  	[sflag:s0] =	ssyncset.done $0x0  }
0xa2: {  	s12 =	rddreg [dreg:$0x9];
	[sflag:s0] =	ssyncadd.s32 $0xFFFFD800  }
0xa3: {  	[spmem:s1] =	stream.indirect.scatter.add.f32 [tilespmem:s3], [sflag:$0xE], $0x80, s12, s20, $0xb8;
	[tilespmem:$0x1E4C0] =	vst v63  }
0xa4: {  	_ =	swait.ge [sflag:s17], $0x2800  }
0xa5: {  	[sflag:s17] =	ssyncset.done $0x0  }
0xa6: {  	[sflag:s17] =	ssyncadd.s32 $0xFFFFD800  }
0xa7: {  	_ =	swait.ge [sflag:s14], $0x100  }
0xa8: {  	[sflag:s14] =	ssyncset.done $0x0  }
0xa9: {  	[sflag:s14] =	ssyncadd.s32 $0xFFFFFF00  }
0xaa: {  	[tilespmem:s23], [sflag:$0x9] =	stream.indirect.gather [hbm4b:s4+s20], $0x80, s21, s20, $0xb8;
	[tilespmem:$0x1E4C0] =	vst v63  }
0xab: {  	s18 =	sadd.s32 $0xC0, s7  }
0xac: {  	[tilespmem:s22], [sflag:$0x7] =	stream.linear.gather [hbm4b:s18+s2], $0x100, $0x38;
	[tilespmem:$0x1E4C0] =	vst v63  }
0xad: {  	_ =	swait.ge [sflag:s8], $0x2800  }
0xae: {  	[sflag:s8] =	ssyncset.done $0x0  }
0xaf: {  	s19 =	rddreg [dreg:$0xa];
	[sflag:s8] =	ssyncadd.s32 $0xFFFFD800  }
0xb0: {  	[spmem:s1] =	stream.indirect.scatter.add.f32 [tilespmem:s6], [sflag:$0xF], $0x80, s19, s20, $0xb8;
	[tilespmem:$0x1E4C0] =	vst v63  }
0xb1: {  	_ =	swait.ge [sflag:s24], $0x2800  }
0xb2: {  	[sflag:s24] =	ssyncset.done $0x0  }
0xb3: {  	[sflag:s24] =	ssyncadd.s32 $0xFFFFD800  }
0xb4: {  	_ =	swait.ge [sflag:s26], $0x100  }
0xb5: {  	[sflag:s26] =	ssyncset.done $0x0  }
0xb6: {  	[sflag:s26] =	ssyncadd.s32 $0xFFFFFF00  }
0xb7: {  	[tilespmem:s3], [sflag:$0xA] =	stream.indirect.gather [hbm4b:s4+s20], $0x80, s11, s20, $0xb8;
	[tilespmem:$0x1E4C0] =	vst v63  }
0xb8: {  	s5 =	sadd.s32 $0xE0, s7  }
0xb9: {  	[tilespmem:s13], [sflag:$0x8] =	stream.linear.gather [hbm4b:s5+s2], $0x100, $0x38;
	[tilespmem:$0x1E4C0] =	vst v63  }
0xba: {  	_ =	swait.ge [sflag:s16], $0x2800  }
0xbb: {  	[sflag:s16] =	ssyncset.done $0x0  }
0xbc: {  	s21 =	rddreg [dreg:$0xb];
	[sflag:s16] =	ssyncadd.s32 $0xFFFFD800  }
0xbd: {  	[spmem:s1] =	stream.indirect.scatter.add.f32 [tilespmem:s30], [sflag:$0x10], $0x80, s21, s20, $0xb8;
	[tilespmem:$0x1E4C0] =	vst v63  }
0xbe: {  	_ =	swait.ge [sflag:s29], $0x2800  }
0xbf: {  	[sflag:s29] =	ssyncset.done $0x0  }
0xc0: {  	[sflag:s29] =	ssyncadd.s32 $0xFFFFD800  }
0xc1: {  	_ =	swait.ge [sflag:s31], $0x100  }
0xc2: {  	[sflag:s31] =	ssyncset.done $0x0  }
0xc3: {  	p1 =	por $0x0, $0x0;
	s5 =	rddreg [dreg:$0x7];
	[sflag:s31] =	ssyncadd.s32 $0xFFFFFF00  }
0xc4: {  	[tilespmem:s6], [sflag:$0xB] =	stream.indirect.gather [hbm4b:s4+s20], $0x80, s22, s20, $0xb8;
	[tilespmem:$0x1E4C0] =	vst v63  }
0xc5: {  	s10 =	simm.s32 @!p1 $0x0;
	s5 =	sadd.s32 @!p1 $0x0, s5  }
0xc6: {  	[tilespmem:s10], [sflag:$0x1] =	stream.linear.gather @!p1 [hbm4b:s5+s10], $0x100, $0x38;
	[tilespmem:$0x1E4C0] =	vst v63  }
0xc7: {  	_ =	swait.ge [sflag:s28], $0x2800  }
0xc8: {  	[sflag:s28] =	ssyncset.done $0x0  }
0xc9: {  	s22 =	rddreg [dreg:$0xc];
	[sflag:s28] =	ssyncadd.s32 $0xFFFFD800  }
0xca: {  	[spmem:s1] =	stream.indirect.scatter.add.f32 [tilespmem:s23], [sflag:$0xD], $0x80, s22, s20, $0xb8;
	[tilespmem:$0x1E4C0] =	vst v63  }
0xcb: {  	s23 =	simm.s32 $0x10  }
0xcc: {  	_ =	swait.ge [sflag:s23], $0x2800  }
0xcd: {  	[sflag:s23] =	ssyncset.done $0x0  }
0xce: {  	[sflag:s23] =	ssyncadd.s32 $0xFFFFD800  }
0xcf: {  	_ =	swait.ge [sflag:s15], $0x100  }
0xd0: {  	[sflag:s15] =	ssyncset.done $0x0  }
0xd1: {  	s5 =	rddreg [dreg:$0x6];
	[sflag:s15] =	ssyncadd.s32 $0xFFFFFF00  }
0xd2: {  	[tilespmem:s30], [sflag:$0xC] =	stream.indirect.gather [hbm4b:s4+s20], $0x80, s13, s20, $0xb8;
	[tilespmem:$0x1E4C0] =	vst v63  }
0xd3: {  	s5 =	sadd.s32 @!p1 $0x0, s5;
	s13 =	simm.s32 @!p1 $0x100  }
0xd4: {  	[tilespmem:s13], [sflag:$0x2] =	stream.linear.gather @!p1 [hbm4b:s5+s10], $0x100, $0x38;
	[tilespmem:$0x1E4C0] =	vst v63  }
0xd5: {  	_ =	swait.ge [sflag:s0], $0x2800  }
0xd6: {  	p1 =	por $0x0, $0x0;
	[sflag:s0] =	ssyncset.done $0x0  }
0xd7: {  	s10 =	simm.s32 @!p1 $0xD;
	s24 =	rddreg [dreg:$0xd];
	[sflag:s0] =	ssyncadd.s32 $0xFFFFD800  }
0xd8: {  	[spmem:s1] =	stream.indirect.scatter.add.f32 [tilespmem:s3], [sflag:$0xE], $0x80, s24, s20, $0xb8;
	[tilespmem:$0x1E4C0] =	vst v63  }
0xd9: {  	_ =	swait.ge @!p1 [sflag:s10], $0x2800  }
0xda: {  	s9 =	simm.s32 $0x4;
	s17 =	simm.s32 $0xD;
	[sflag:s10] =	ssyncset.done @!p1 $0x0  }
0xdb: {  	s14 =	simm.s32 $0x5;
	s5 =	simm.s32 @!p1 $0x1;
	[sflag:s10] =	ssyncadd.s32 @!p1 $0xFFFFD800  }
0xdc: {  	p2 =	por @!p1 $0x0, $0x0;
	s18 =	simm.s32 @!p1 $0x800;
	_ =	swait.ge @!p1 [sflag:s5], $0x100  }
0xdd: {  	p2 =	por p2, p1;
	s10 =	simm.s32 @!p1 $0x0;
	[sflag:s5] =	ssyncset.done @!p1 $0x0  }
0xde: {  	s13 =	rddreg [dreg:$0x5];
	[sflag:s5] =	ssyncadd.s32 @!p1 $0xFFFFFF00;
	s5 =	simm.s32 @!p1 $0x50  }
0xdf: {  	[tilespmem:s18], [sflag:$0x9] =	stream.indirect.gather @!p1 [hbm4b:s4+s5], $0x80, s10, s5, $0xb8;
	[tilespmem:$0x1E4C0] =	vst v63  }
0xe0: {  	s13 =	sadd.s32 @!p2 $0x0, s13;
	s5 =	simm.s32 @!p2 $0x0;
	s10 =	simm.s32 @!p2 $0x200  }
0xe1: {  	[tilespmem:s10], [sflag:$0x3] =	stream.linear.gather @!p2 [hbm4b:s13+s5], $0x100, $0x38;
	[tilespmem:$0x1E4C0] =	vst v63  }
0xe2: {  	s19 =	simm.s32 $0x1;
	s11 =	simm.s32 $0x8000;
	_ =	swait.ge [sflag:s8], $0x2800  }
0xe3: {  	s29 =	simm.s32 $0x800;
	p1 =	por $0x0, $0x0;
	[sflag:s8] =	ssyncset.done $0x0  }
0xe4: {  	s10 =	simm.s32 @!p1 $0xE;
	s25 =	rddreg [dreg:$0xe];
	[sflag:s8] =	ssyncadd.s32 $0xFFFFD800  }
0xe5: {  	[spmem:s1] =	stream.indirect.scatter.add.f32 [tilespmem:s6], [sflag:$0xF], $0x80, s25, s20, $0xb8;
	[tilespmem:$0x1E4C0] =	vst v63  }
0xe6: {  	s22 =	simm.s32 $0x7;
	s23 =	simm.s32 $0x0;
	_ =	swait.ge @!p1 [sflag:s10], $0x2800  }
0xe7: {  	s3 =	simm.s32 $0x3000;
	s24 =	simm.s32 $0x8;
	[sflag:s10] =	ssyncset.done @!p1 $0x0  }
0xe8: {  	p2 =	por @!p1 $0x0, $0x0;
	s5 =	simm.s32 @!p1 $0x2;
	[sflag:s10] =	ssyncadd.s32 @!p1 $0xFFFFD800  }
0xe9: {  	s18 =	simm.s32 @!p1 $0x100;
	p2 =	por p2, p1;
	_ =	swait.ge @!p1 [sflag:s5], $0x100  }
0xea: {  	s25 =	simm.s32 $0x6;
	s10 =	simm.s32 @!p1 $0x3000;
	[sflag:s5] =	ssyncset.done @!p1 $0x0  }
0xeb: {  	s13 =	rddreg [dreg:$0x4];
	[sflag:s5] =	ssyncadd.s32 @!p1 $0xFFFFFF00;
	s5 =	simm.s32 @!p1 $0x50  }
0xec: {  	[tilespmem:s10], [sflag:$0xA] =	stream.indirect.gather @!p1 [hbm4b:s4+s5], $0x80, s18, s5, $0xb8;
	[tilespmem:$0x1E4C0] =	vst v63  }
0xed: {  	s5 =	simm.s32 @!p2 $0x300;
	s10 =	sadd.s32 @!p2 $0x0, s13;
	s13 =	simm.s32 @!p2 $0x0  }
0xee: {  	[tilespmem:s5], [sflag:$0x4] =	stream.linear.gather @!p2 [hbm4b:s10+s13], $0x100, $0x38;
	[tilespmem:$0x1E4C0] =	vst v63  }
0xef: {  	s6 =	simm.s32 $0x5800;
	s18 =	simm.s32 $0xF;
	s10 =	simm.s32 $0x0  }
0xf0: {  	p2 =	por $0x0, $0x0;
	s13 =	simm.s32 $0x100;
	_ =	swait.ge [sflag:s16], $0x2800  }
0xf1: {  	s5 =	simm.s32 @!p2 $0xF;
	p3 =	por @!p2 $0x0, $0x0;
	[sflag:s16] =	ssyncset.done $0x0  }
0xf2: {  	s31 =	simm.s32 @!p2 $0x3;
	s26 =	rddreg [dreg:$0xf];
	[sflag:s16] =	ssyncadd.s32 $0xFFFFD800  }
0xf3: {  	[spmem:s1] =	stream.indirect.scatter.add.f32 [tilespmem:s30], [sflag:$0x10], $0x80, s26, s20, $0xb8;
	[tilespmem:$0x1E4C0] =	vst v63  }
0xf4: {  	s26 =	simm.s32 @!p2 $0x50;
	s30 =	simm.s32 $0xF;
	_ =	swait.ge @!p2 [sflag:s5], $0x2800  }
.LBB2_9:
0xf5: {  	[sflag:s5] =	ssyncset.done @!p2 $0x0  }
0xf6: {  	[sflag:s5] =	ssyncadd.s32 @!p2 $0xFFFFD800  }
0xf7: {  	_ =	swait.ge @!p2 [sflag:s31], $0x100  }
0xf8: {  	s7 =	simm.s32 @!p2 $0x200;
	s12 =	simm.s32 @!p2 $0x5800;
	[sflag:s31] =	ssyncset.done @!p2 $0x0  }
0xf9: {  	p4 =	por p3, p2;
	s21 =	rddreg [dreg:$0x3];
	[sflag:s31] =	ssyncadd.s32 @!p2 $0xFFFFFF00  }
0xfa: {  	[tilespmem:s12], [sflag:$0xB] =	stream.indirect.gather @!p2 [hbm4b:s4+s26], $0x80, s7, s26, $0xb8;
	[tilespmem:$0x1E4C0] =	vst v63  }
0xfb: {  	s5 =	simm.s32 @!p4 $0x0;
	s15 =	simm.s32 @!p4 $0x400;
	s12 =	sadd.s32 @!p4 s10, s21  }
0xfc: {  	[tilespmem:s15], [sflag:$0x5] =	stream.linear.gather @!p4 [hbm4b:s12+s5], $0x100, $0x38;
	[tilespmem:$0x1E4C0] =	vst v63  }
0xfd: {  	s2 =	smov.u32 s13;
	_ =	swait.ge [sflag:s28], $0x2800  }
0xfe: {  	p3 =	seq.s32 s2, $0x0;
	[sflag:s28] =	ssyncset.done $0x0  }
0xff: {  	s7 =	simm.s32 @!p3 $0x10;
	s26 =	rddreg [dreg:$0x8];
	[sflag:s28] =	ssyncadd.s32 $0xFFFFD800  }
0x100: {  	[spmem:s1] =	stream.indirect.scatter.add.f32 [tilespmem:s29], [sflag:$0xD], $0x80, s26, s20, $0xb8;
	[tilespmem:$0x1E4C0] =	vst v63  }
0x101: {  	_ =	swait.ge @!p3 [sflag:s7], $0x2800  }
0x102: {  	[sflag:s7] =	ssyncset.done @!p3 $0x0  }
0x103: {  	[sflag:s7] =	ssyncadd.s32 @!p3 $0xFFFFD800  }
0x104: {  	s5 =	rddreg [dreg:$0x10];
	_ =	swait.ge [sflag:s9], $0x100  }
0x105: {  	s10 =	smov.u32 s2;
	[sflag:s9] =	ssyncset.done $0x0  }
0x106: {  	s2 =	sadd.s32 s10, s5;
	s7 =	simm.s32 $0x300;
	[sflag:s9] =	ssyncadd.s32 $0xFFFFFF00  }
0x107: {  	[tilespmem:s11], [sflag:$0xC] =	stream.indirect.gather [hbm4b:s4+s20], $0x80, s7, s20, $0xb8;
	[tilespmem:$0x1E4C0] =	vst v63  }
0x108: {  	s12 =	sadd.s32 $0xA0, s2;
	s7 =	simm.s32 $0x500  }
0x109: {  	[tilespmem:s7], [sflag:$0x6] =	stream.linear.gather [hbm4b:s12+s23], $0x100, $0x38;
	[tilespmem:$0x1E4C0] =	vst v63  }
0x10a: {  	_ =	swait.ge [sflag:s0], $0x2800  }
0x10b: {  	[sflag:s0] =	ssyncset.done $0x0  }
0x10c: {  	s15 =	rddreg [dreg:$0x9];
	[sflag:s0] =	ssyncadd.s32 $0xFFFFD800  }
0x10d: {  	[spmem:s1] =	stream.indirect.scatter.add.f32 [tilespmem:s3], [sflag:$0xE], $0x80, s15, s20, $0xb8;
	[tilespmem:$0x1E4C0] =	vst v63  }
0x10e: {  	_ =	swait.ge [sflag:s17], $0x2800  }
0x10f: {  	[sflag:s17] =	ssyncset.done $0x0  }
0x110: {  	[sflag:s17] =	ssyncadd.s32 $0xFFFFD800  }
0x111: {  	_ =	swait.ge [sflag:s14], $0x100  }
0x112: {  	[sflag:s14] =	ssyncset.done $0x0  }
0x113: {  	s26 =	simm.s32 $0x400;
	[sflag:s14] =	ssyncadd.s32 $0xFFFFFF00  }
0x114: {  	[tilespmem:s29], [sflag:$0x9] =	stream.indirect.gather [hbm4b:s4+s20], $0x80, s26, s20, $0xb8;
	[tilespmem:$0x1E4C0] =	vst v63  }
0x115: {  	s21 =	sadd.s32 $0xC0, s2;
	s15 =	simm.s32 $0x600  }
0x116: {  	[tilespmem:s15], [sflag:$0x7] =	stream.linear.gather [hbm4b:s21+s23], $0x100, $0x38;
	[tilespmem:$0x1E4C0] =	vst v63  }
0x117: {  	_ =	swait.ge [sflag:s8], $0x2800  }
0x118: {  	[sflag:s8] =	ssyncset.done $0x0  }
0x119: {  	s21 =	simm.s32 $0xE;
	s12 =	rddreg [dreg:$0xa];
	[sflag:s8] =	ssyncadd.s32 $0xFFFFD800  }
0x11a: {  	[spmem:s1] =	stream.indirect.scatter.add.f32 [tilespmem:s6], [sflag:$0xF], $0x80, s12, s20, $0xb8;
	[tilespmem:$0x1E4C0] =	vst v63  }
0x11b: {  	_ =	swait.ge [sflag:s21], $0x2800  }
0x11c: {  	[sflag:s21] =	ssyncset.done $0x0  }
0x11d: {  	[sflag:s21] =	ssyncadd.s32 $0xFFFFD800  }
0x11e: {  	_ =	swait.ge [sflag:s25], $0x100  }
0x11f: {  	[sflag:s25] =	ssyncset.done $0x0  }
0x120: {  	[sflag:s25] =	ssyncadd.s32 $0xFFFFFF00  }
0x121: {  	[tilespmem:s3], [sflag:$0xA] =	stream.indirect.gather [hbm4b:s4+s20], $0x80, s7, s20, $0xb8;
	[tilespmem:$0x1E4C0] =	vst v63  }
0x122: {  	s2 =	sadd.s32 $0xE0, s2;
	s26 =	simm.s32 $0x700  }
0x123: {  	[tilespmem:s26], [sflag:$0x8] =	stream.linear.gather [hbm4b:s2+s23], $0x100, $0x38;
	[tilespmem:$0x1E4C0] =	vst v63  }
0x124: {  	_ =	swait.ge [sflag:s16], $0x2800  }
0x125: {  	[sflag:s16] =	ssyncset.done $0x0  }
0x126: {  	s7 =	rddreg [dreg:$0xb];
	[sflag:s16] =	ssyncadd.s32 $0xFFFFD800  }
0x127: {  	[spmem:s1] =	stream.indirect.scatter.add.f32 [tilespmem:s11], [sflag:$0x10], $0x80, s7, s20, $0xb8;
	[tilespmem:$0x1E4C0] =	vst v63  }
0x128: {  	_ =	swait.ge [sflag:s30], $0x2800  }
0x129: {  	[sflag:s30] =	ssyncset.done $0x0  }
0x12a: {  	[sflag:s30] =	ssyncadd.s32 $0xFFFFD800  }
0x12b: {  	_ =	swait.ge [sflag:s22], $0x100  }
0x12c: {  	[sflag:s22] =	ssyncset.done $0x0  }
0x12d: {  	p2 =	sgt.u32 s19, $0xE;
	s2 =	rddreg [dreg:$0x7];
	[sflag:s22] =	ssyncadd.s32 $0xFFFFFF00  }
0x12e: {  	[tilespmem:s6], [sflag:$0xB] =	stream.indirect.gather [hbm4b:s4+s20], $0x80, s15, s20, $0xb8;
	[tilespmem:$0x1E4C0] =	vst v63  }
0x12f: {  	s5 =	simm.s32 @!p2 $0x0;
	s2 =	sadd.s32 @!p2 s10, s2  }
0x130: {  	[tilespmem:s5], [sflag:$0x1] =	stream.linear.gather @!p2 [hbm4b:s2+s5], $0x100, $0x38;
	[tilespmem:$0x1E4C0] =	vst v63  }
0x131: {  	_ =	swait.ge [sflag:s28], $0x2800  }
0x132: {  	[sflag:s28] =	ssyncset.done $0x0  }
0x133: {  	s21 =	simm.s32 $0x10;
	s15 =	rddreg [dreg:$0xc];
	[sflag:s28] =	ssyncadd.s32 $0xFFFFD800  }
0x134: {  	[spmem:s1] =	stream.indirect.scatter.add.f32 [tilespmem:s29], [sflag:$0xD], $0x80, s15, s20, $0xb8;
	[tilespmem:$0x1E4C0] =	vst v63  }
0x135: {  	_ =	swait.ge [sflag:s21], $0x2800  }
0x136: {  	[sflag:s21] =	ssyncset.done $0x0  }
0x137: {  	[sflag:s21] =	ssyncadd.s32 $0xFFFFD800  }
0x138: {  	_ =	swait.ge [sflag:s24], $0x100  }
0x139: {  	[sflag:s24] =	ssyncset.done $0x0  }
0x13a: {  	s7 =	rddreg [dreg:$0x6];
	[sflag:s24] =	ssyncadd.s32 $0xFFFFFF00  }
0x13b: {  	[tilespmem:s11], [sflag:$0xC] =	stream.indirect.gather [hbm4b:s4+s20], $0x80, s26, s20, $0xb8;
	[tilespmem:$0x1E4C0] =	vst v63  }
0x13c: {  	s2 =	simm.s32 @!p2 $0x100;
	s7 =	sadd.s32 @!p2 s10, s7  }
0x13d: {  	[tilespmem:s2], [sflag:$0x2] =	stream.linear.gather @!p2 [hbm4b:s7+s5], $0x100, $0x38;
	[tilespmem:$0x1E4C0] =	vst v63  }
0x13e: {  	s12 =	sadd.s32 $0xFFFFFFFE, s18;
	_ =	swait.ge [sflag:s0], $0x2800  }
0x13f: {  	p2 =	sgt.u32 s12, $0x7C;
	[sflag:s0] =	ssyncset.done $0x0  }
0x140: {  	s7 =	simm.s32 @!p2 $0xD;
	s26 =	rddreg [dreg:$0xd];
	[sflag:s0] =	ssyncadd.s32 $0xFFFFD800  }
0x141: {  	[spmem:s1] =	stream.indirect.scatter.add.f32 [tilespmem:s3], [sflag:$0xE], $0x80, s26, s20, $0xb8;
	[tilespmem:$0x1E4C0] =	vst v63  }
0x142: {  	_ =	swait.ge @!p2 [sflag:s7], $0x2800  }
0x143: {  	[sflag:s7] =	ssyncset.done @!p2 $0x0  }
0x144: {  	s5 =	simm.s32 @!p2 $0x1;
	[sflag:s7] =	ssyncadd.s32 @!p2 $0xFFFFD800  }
0x145: {  	p3 =	sgt.u32 @!p2 s12, $0x7A;
	s15 =	simm.s32 @!p2 $0x0;
	_ =	swait.ge @!p2 [sflag:s5], $0x100  }
0x146: {  	s21 =	simm.s32 @!p2 $0x800;
	p3 =	por p3, p2;
	[sflag:s5] =	ssyncset.done @!p2 $0x0  }
0x147: {  	s26 =	rddreg [dreg:$0x5];
	[sflag:s5] =	ssyncadd.s32 @!p2 $0xFFFFFF00;
	s5 =	simm.s32 @!p2 $0x50  }
0x148: {  	[tilespmem:s21], [sflag:$0x9] =	stream.indirect.gather @!p2 [hbm4b:s4+s5], $0x80, s15, s5, $0xb8;
	[tilespmem:$0x1E4C0] =	vst v63  }
0x149: {  	s2 =	simm.s32 @!p3 $0x0;
	s12 =	simm.s32 @!p3 $0x200;
	s5 =	sadd.s32 @!p3 s10, s26  }
0x14a: {  	[tilespmem:s12], [sflag:$0x3] =	stream.linear.gather @!p3 [hbm4b:s5+s2], $0x100, $0x38;
	[tilespmem:$0x1E4C0] =	vst v63  }
0x14b: {  	s7 =	sadd.s32 $0xFFFFFFFF, s18;
	_ =	swait.ge [sflag:s8], $0x2800  }
0x14c: {  	p2 =	sgt.u32 s7, $0x7C;
	[sflag:s8] =	ssyncset.done $0x0  }
0x14d: {  	s5 =	simm.s32 @!p2 $0xE;
	s15 =	rddreg [dreg:$0xe];
	[sflag:s8] =	ssyncadd.s32 $0xFFFFD800  }
0x14e: {  	[spmem:s1] =	stream.indirect.scatter.add.f32 [tilespmem:s6], [sflag:$0xF], $0x80, s15, s20, $0xb8;
	[tilespmem:$0x1E4C0] =	vst v63  }
0x14f: {  	s13 =	sadd.s32 $0x100, s13;
	_ =	swait.ge @!p2 [sflag:s5], $0x2800  }
0x150: {  	p1 =	sne.s32 s13, $0x1000;
	[sflag:s5] =	ssyncset.done @!p2 $0x0  }
0x151: {  	s19 =	sadd.s32 $0x1, s19;
	[sflag:s5] =	ssyncadd.s32 @!p2 $0xFFFFD800;
	s5 =	simm.s32 @!p2 $0x2  }
0x152: {  	p3 =	sgt.u32 @!p2 s7, $0x7A;
	s7 =	simm.s32 @!p2 $0x3000;
	_ =	swait.ge @!p2 [sflag:s5], $0x100  }
0x153: {  	p3 =	por p3, p2;
	s15 =	simm.s32 @!p2 $0x100;
	[sflag:s5] =	ssyncset.done @!p2 $0x0  }
0x154: {  	s12 =	rddreg [dreg:$0x4];
	[sflag:s5] =	ssyncadd.s32 @!p2 $0xFFFFFF00;
	s5 =	simm.s32 @!p2 $0x50  }
0x155: {  	[tilespmem:s7], [sflag:$0xA] =	stream.indirect.gather @!p2 [hbm4b:s4+s5], $0x80, s15, s5, $0xb8;
	[tilespmem:$0x1E4C0] =	vst v63  }
0x156: {  	s2 =	simm.s32 @!p3 $0x300;
	s5 =	sadd.s32 @!p3 s10, s12;
	s7 =	simm.s32 @!p3 $0x0  }
0x157: {  	[tilespmem:s2], [sflag:$0x4] =	stream.linear.gather @!p3 [hbm4b:s5+s7], $0x100, $0x38;
	[tilespmem:$0x1E4C0] =	vst v63  }
.Ltmp4:
0x158: {  	p2 =	sgt.u32 s18, $0x7C;
	_ =	swait.ge [sflag:s16], $0x2800;
	(pc) =	sbr.rel @p1 .LBB2_9-.Ltmp4, $4  }
0x159: {  	s26 =	simm.s32 @!p2 $0x50;
	s31 =	simm.s32 @!p2 $0x3;
	[sflag:s16] =	ssyncset.done $0x0  }
0x15a: {  	s5 =	simm.s32 @!p2 $0xF;
	s21 =	rddreg [dreg:$0xf];
	[sflag:s16] =	ssyncadd.s32 $0xFFFFD800  }
0x15b: {  	[spmem:s1] =	stream.indirect.scatter.add.f32 [tilespmem:s11], [sflag:$0x10], $0x80, s21, s20, $0xb8;
	[tilespmem:$0x1E4C0] =	vst v63  }
0x15c: {  	p3 =	sgt.u32 @!p2 s18, $0x7A;
	s18 =	sadd.s32 $0x8, s18;
	_ =	swait.ge @!p2 [sflag:s5], $0x2800  }
0x15d: {  	[sflag:s5] =	ssyncset.done @!p2 $0x0  }
0x15e: {  	[sflag:s5] =	ssyncadd.s32 @!p2 $0xFFFFD800  }
0x15f: {  	_ =	swait.ge @!p2 [sflag:s31], $0x100  }
0x160: {  	s2 =	simm.s32 @!p2 $0x200;
	s7 =	simm.s32 @!p2 $0x5800;
	[sflag:s31] =	ssyncset.done @!p2 $0x0  }
0x161: {  	p1 =	por p3, p2;
	s5 =	rddreg [dreg:$0x3];
	[sflag:s31] =	ssyncadd.s32 @!p2 $0xFFFFFF00  }
0x162: {  	[tilespmem:s7], [sflag:$0xB] =	stream.indirect.gather @!p2 [hbm4b:s4+s26], $0x80, s2, s26, $0xb8;
	[tilespmem:$0x1E4C0] =	vst v63  }
0x163: {  	s5 =	sadd.s32 @!p1 s10, s5;
	s2 =	simm.s32 @!p1 $0x0;
	s7 =	simm.s32 @!p1 $0x400  }
0x164: {  	[tilespmem:s7], [sflag:$0x5] =	stream.linear.gather @!p1 [hbm4b:s5+s2], $0x100, $0x38;
	[tilespmem:$0x1E4C0] =	vst v63  }
0x165: {  	_ =	swait.ge [sflag:s17], $0x2800  }
0x166: {  	[sflag:s17] =	ssyncset.done $0x0  }
0x167: {  	s23 =	simm.s32 $0xE;
	[sflag:s17] =	ssyncadd.s32 $0xFFFFD800  }
0x168: {  	_ =	swait.ge [sflag:s23], $0x2800  }
0x169: {  	[sflag:s23] =	ssyncset.done $0x0  }
0x16a: {  	[sflag:s23] =	ssyncadd.s32 $0xFFFFD800  }
0x16b: {  	_ =	swait.ge [sflag:s30], $0x2800  }
0x16c: {  	[sflag:s30] =	ssyncset.done $0x0  }
0x16d: {  	s24 =	simm.s32 $0x10;
	[sflag:s30] =	ssyncadd.s32 $0xFFFFD800  }
0x16e: {  	_ =	swait.ge [sflag:s24], $0x2800  }
0x16f: {  	[sflag:s24] =	ssyncset.done $0x0  }
0x170: {  	[sflag:s24] =	ssyncadd.s32 $0xFFFFD800  }
0x171: {  	[bflag:$0x0] =	sbarrier.arrive $0xFFFF  }
0x172: {  	s15 =	rddreg [dreg:$0x18]  }
0x173: {  	s5 =	simm.s32 @p0 $0x1FD1;
	s7 =	rddreg [dreg:$0x17];
	s2 =	sshrl.u32 @p0 s15, $0x3  }
0x174: {  	[hbm:s7], [sflag:s5] =	dma.local @p0 [spmem:s2], $0x1900  }
0x175: {  	s2 =	simm.s32 @p0 $0x11  }
0x176: {  	_ =	swait.ge @p0 [sflag:s2], $0x1900  }
0x177: {  	s5 =	stileid.u32;
	s13 =	rddreg [dreg:$0x15]  }
0x178: {  	s5 =	sshll.u32 @!p0 s5, $0x6;
	[sflag:s2] =	ssyncset.done @p0 $0x0;
	s7 =	rddreg [dreg:$0x16]  }
0x179: {  	[sflag:s2] =	ssyncadd.s32 @p0 $0xFFFFE700;
	s2 =	sor.u32 @!p0 $0x1C11, s5;
	s5 =	sshrl.u32 @!p0 s13, $0x3  }
0x17a: {  	[hbm:s7], [sflag:s2] =	dma.local @!p0 [spmem:s5], $0x2800  }
0x17b: {  	s2 =	simm.s32 @!p0 $0x11  }
0x17c: {  	s19 =	simm.s32 $0x300;
	s21 =	simm.s32 $0x400;
	_ =	swait.ge @!p0 [sflag:s2], $0x2800  }
0x17d: {  	s3 =	simm.s32 $0x3000;
	s6 =	simm.s32 $0x5800;
	s25 =	rddreg [dreg:$0x1a]  }
0x17e: {  	s9 =	simm.s32 $0x4;
	s26 =	rddreg [dreg:$0x19];
	s10 =	sadd.s32 $0x1, s25  }
0x17f: {  	s11 =	simm.s32 $0x500;
	s14 =	simm.s32 $0x5;
	p1 =	sne.s32 s10, s26  }
.Ltmp5:
0x180: {  	s22 =	simm.s32 $0x600;
	s29 =	simm.s32 $0xF;
	(pc) =	sbr.rel @p1 .LBB2_1-.Ltmp5, $4  }
0x181: {  	s31 =	simm.s32 $0x7;
	s17 =	simm.s32 $0xD;
	s23 =	simm.s32 $0x800  }
0x182: {  	s30 =	simm.s32 $0x8000;
	s24 =	simm.s32 $0xE;
	[sflag:s2] =	ssyncset.done @!p0 $0x0  }
0x183: {  	s7 =	simm.s32 $0x11;
	s12 =	rddreg [dreg:$0x10];
	[sflag:s2] =	ssyncadd.s32 @!p0 $0xFFFFD800  }
0x184: {  	s2 =	simm.s32 $0x0;
	s25 =	simm.s32 $0xA800;
	s26 =	simm.s32 $0x6  }
0x185: {  	_ =	sfence.sel $0x180000  }
0x186: {  	[bflag:$0x0] =	sbarrier.arrive $0xFFFF  }
0x187: {  	_ =	strace $0x9000004A  }
0x188: {  	s0 =	stileid.u32;
	[bflag:$0x2] =	sbarrier.arrive $0xFFFF  }
0x189: {  	p0 =	sne.s32 s0, $0x0;
	s0 =	rddreg [dreg:$0x2]  }
0x18a: {  	s0 =	sadd.s32 @!p0 $0x100000, s0  }
0x18b: {  	[sflag:s0] =	ssyncadd.tile.s32 @!p0 $0x1;
	_ =	shalt  }
.Lfunc_end2:
_tile_overlayer_lowered:
.L_overlay_start_2:
0x18c: {  	(tag) =	ssettag $0x2  }
0x18d: {  	s0 =	rddreg [dreg:$0x0];
	s2 =	stileid.u32  }
0x18e: {  	s1 =	rddreg [dreg:$0x1];
	p0 =	sne.s32 s2, $0x0  }
0x18f: {  	s3 =	rddreg [dreg:$0x2];
	[bflag:$0x3] =	sbarrier.arrive $0xFFFF;
	s2 =	simm.s32 @!p0 $0x1C11  }
0x190: {  	[timem:s3], [sflag:s2] =	dma.local @!p0 [hbm:s0], s1  }
0x191: {  	s0 =	simm.s32 @!p0 $0x11  }
0x192: {  	_ =	swait.ge @!p0 [sflag:s0], s1  }
0x193: {  	s1 =	ssub.s32 @!p0 $0x0, s1;
	[sflag:s0] =	ssyncset.done @!p0 $0x0  }
0x194: {  	[sflag:s0] =	ssyncadd.s32 @!p0 s1  }
0x195: {  	[bflag:$0x3] =	sbarrier.arrive $0xFFFF  }
0x196: {  	_ =	shalt  }

// kernel: kernel.7.cloned.1.call-start
scs
__scs_entry_jumppad:
0x0: {  	(pc) =	sbr.rel $0x88, $3  }
0x1: {  	(tag) =	ssettag $0x0;
	lr =	simm.s32 $0x1  }
0x2: {  	[smem:$0x3F94] =	sst lr;
	_ =	strace $0xD0000000  }
0x3: {  	_ = 	snop  }
0x4: {  	_ = 	snop  }
0x5: {  	_ = 	snop  }
0x6: {  	_ = 	snop  }
0x7: {  	_ = 	snop  }
__scs_overlays_trampoline_lowered:
0x8: {  	[smem:$0x3FA3] =	sst s0  }
0x9: {  	[smem:$0x3FA4] =	sst s1  }
0xa: {  	[smem:$0x3FA5] =	sst s2  }
0xb: {  	[smem:$0x3FA6] =	sst s3  }
0xc: {  	[smem:$0x3FA7] =	sst s4  }
0xd: {  	[smem:$0x3FA8] =	sst s5  }
0xe: {  	[smem:$0x3FA9] =	sst s6  }
0xf: {  	[smem:$0x3FAA] =	sst s7  }
0x10: {  	[smem:$0x3FAB] =	sst s8  }
0x11: {  	[smem:$0x3FAC] =	sst s9;
	s0 =	simm.s32 @!p0 $0x0  }
0x12: {  	s1 =	sld [smem:$0x3F92];
	s0 =	simm.s32 @p0 $0x1  }
0x13: {  	[smem:$0x3FAD] =	sst s0;
	s0 =	simm.s32 @!p1 $0x0  }
0x14: {  	s2 =	sld [smem:$0x3F91];
	s0 =	simm.s32 @p1 $0x1  }
0x15: {  	[smem:$0x3FAE] =	sst s0;
	s0 =	simm.s32 @!p2 $0x0  }
0x16: {  	s3 =	sld [smem:$0x3FDB];
	s0 =	simm.s32 @p2 $0x1  }
0x17: {  	s4 =	simm.s32 $0x1BF5;
	[smem:$0x3FB0] =	sst s0  }
0x18: {  	s0 =	sld [smem:$0x3F93];
	_ =	swait.ge [sflag:s4], $0x0  }
0x19: {  	s7 =	sld [smem:$0x3F94]  }
0x1a: {  	s8 =	sadd.s32 $0xFFFFE003, lr  }
0x1b: {  	s9 =	sadd.s32 $0xFFFFFEF7, lr;
	s5 =	simm.s32 $0xFFFFFFFF;
	p2 =	slt.u32 s8, $0xFFFFF086  }
0x1c: {  	p1 =	slt.u32 s9, $0xF7A;
	s5 =	simm.s32 @!p2 $0x0  }
0x1d: {  	s5 =	simm.s32 @p1 $0x1;
	p0 =	seq.s32 s7, s2  }
0x1e: {  	s7 =	smul.u32 @!p0 $0xF7A, s2;
	p2 =	seq.s32 @!p0 s5, $0x0  }
0x1f: {  	s9 =	smul.u32 $0xF7A, s1;
	s8 =	simm.s32 @!p0 $0x1BF5;
	p2 =	por !p2, p0  }
0x20: {  	[sflag:s8] =	ssyncset.s32 @!p0 $0xFFFFF086;
	s6 =	sadd.s32 @!p0 s3, s7;
	s7 =	simm.s32 @!p0 $0x108  }
0x21: {  	s3 =	sadd.s32 s3, s9;
	s6 =	sadd.s32 @!p0 $0x88, s6;
	s7 =	simm.s32 @p2 $0x1082  }
0x22: {  	[simem:s7], [sflag:s8] =	dma.local @!p0 [hbm:s6], $0xF7A  }
0x23: {  	s9 =	sor.u32 $0xD0000000, s2;
	s6 =	simm.s32 $0x108;
	_ =	swait.ge @!p0 [sflag:s8], $0x0  }
0x24: {  	s3 =	sadd.s32 $0x88, s3;
	s6 =	simm.s32 @!p1 $0x1082;
	[sflag:s4] =	ssyncset.s32 $0xFFFFF086  }
0x25: {  	[simem:s6], [sflag:s4] =	dma.local [hbm:s3], $0xF7A  }
0x26: {  	[smem:$0x3F94] =	sst s1;
	(tag) =	ssettag s2;
	_ =	strace s9  }
0x27: {  	s1 =	sld [smem:$0x3FA4]  }
0x28: {  	s2 =	sld [smem:$0x3FA5]  }
0x29: {  	s4 =	sld [smem:$0x3FA7]  }
0x2a: {  	p0 =	seq.s32 s5, $0x0;
	s5 =	sld [smem:$0x3FA8]  }
0x2b: {  	s6 =	sld [smem:$0x3FA9]  }
0x2c: {  	s7 =	sld [smem:$0x3FAA]  }
0x2d: {  	s3 =	simm.s32 $0x108;
	s8 =	sld [smem:$0x3FAB]  }
0x2e: {  	s3 =	simm.s32 @!p0 $0x1082;
	s9 =	sld [smem:$0x3FAC]  }
0x2f: {  	lr =	sadd.s32 s0, s3;
	s0 =	sld [smem:$0x3FA3]  }
0x30: {  	s3 =	sld [smem:$0x3FA6]  }
0x31: {  	[smem:$0x3FAF] =	sst s10  }
0x32: {  	s10 =	sld [smem:$0x3FAD];
	_ =	sdelay $0x3  }
0x33: {  	p0 =	seq.s32 s10, $0x1;
	s10 =	sld [smem:$0x3FAF];
	_ =	sdelay $0x3  }
0x34: {  	[smem:$0x3FAF] =	sst s10  }
0x35: {  	s10 =	sld [smem:$0x3FAE];
	_ =	sdelay $0x3  }
0x36: {  	p1 =	seq.s32 s10, $0x1;
	s10 =	sld [smem:$0x3FAF];
	_ =	sdelay $0x3  }
0x37: {  	[smem:$0x3FAF] =	sst s10  }
0x38: {  	s10 =	sld [smem:$0x3FB0]  }
0x39: {  	_ = 	snop;
	(pc) =	sbr.ind lr, $3  }
0x3a: {  	_ = 	snop  }
0x3b: {  	_ = 	snop  }
0x3c: {  	p2 =	seq.s32 s10, $0x1;
	s10 =	sld [smem:$0x3FAF]  }
0x3d: {  	_ =	shalt  }
0x3e: {  	_ =	shalt  }
0x3f: {  	_ =	shalt  }
0x40: {  	_ =	shalt  }
0x41: {  	_ =	shalt  }
0x42: {  	_ =	shalt  }
0x43: {  	_ =	shalt  }
0x44: {  	_ =	shalt  }
0x45: {  	_ =	shalt  }
0x46: {  	_ =	shalt  }
0x47: {  	_ =	shalt  }
0x48: {  	_ =	shalt  }
0x49: {  	_ =	shalt  }
0x4a: {  	_ =	shalt  }
0x4b: {  	_ =	shalt  }
0x4c: {  	_ =	shalt  }
0x4d: {  	_ =	shalt  }
0x4e: {  	_ =	shalt  }
0x4f: {  	_ =	shalt  }
0x50: {  	_ =	shalt  }
0x51: {  	_ =	shalt  }
0x52: {  	_ =	shalt  }
0x53: {  	_ =	shalt  }
0x54: {  	_ =	shalt  }
0x55: {  	_ =	shalt  }
0x56: {  	_ =	shalt  }
0x57: {  	_ =	shalt  }
0x58: {  	_ =	shalt  }
0x59: {  	_ =	shalt  }
0x5a: {  	_ =	shalt  }
0x5b: {  	_ =	shalt  }
0x5c: {  	_ =	shalt  }
0x5d: {  	_ =	shalt  }
0x5e: {  	_ =	shalt  }
0x5f: {  	_ =	shalt  }
0x60: {  	_ =	shalt  }
0x61: {  	_ =	shalt  }
0x62: {  	_ =	shalt  }
0x63: {  	_ =	shalt  }
0x64: {  	_ =	shalt  }
0x65: {  	_ =	shalt  }
0x66: {  	_ =	shalt  }
0x67: {  	_ =	shalt  }
0x68: {  	_ =	shalt  }
0x69: {  	_ =	shalt  }
0x6a: {  	_ =	shalt  }
0x6b: {  	_ =	shalt  }
0x6c: {  	_ =	shalt  }
0x6d: {  	_ =	shalt  }
0x6e: {  	_ =	shalt  }
0x6f: {  	_ =	shalt  }
0x70: {  	_ =	shalt  }
0x71: {  	_ =	shalt  }
0x72: {  	_ =	shalt  }
0x73: {  	_ =	shalt  }
0x74: {  	_ =	shalt  }
0x75: {  	_ =	shalt  }
0x76: {  	_ =	shalt  }
0x77: {  	_ =	shalt  }
0x78: {  	_ =	shalt  }
0x79: {  	_ =	shalt  }
0x7a: {  	_ =	shalt  }
0x7b: {  	_ =	shalt  }
0x7c: {  	_ =	shalt  }
0x7d: {  	_ =	shalt  }
0x7e: {  	_ =	shalt  }
0x7f: {  	_ =	shalt  }
0x80: {  	_ =	shalt  }
0x81: {  	_ =	shalt  }
0x82: {  	_ =	shalt  }
0x83: {  	_ =	shalt  }
0x84: {  	_ =	shalt  }
0x85: {  	_ =	shalt  }
0x86: {  	_ =	shalt  }
0x87: {  	_ =	shalt  }
.Lfunc_end0:
.L_simem_size_0:
called_computation_lowered:
.L_overlay_start_0:
0x88: {  	s2 =	sld [smem:$0x3FD9]  }
0x89: {  	s3 =	sld [smem:$0x3FFE];
	_ =	sdelay $0x1  }
0x8a: {  	s1 =	srdreg.scid  }
0x8b: {  	s0 =	sand.u32 $0x1, s1  }
0x8c: {  	s16 =	sshll.u32 s0, $0xA;
	s2 =	sadd.s32 s3, s2  }
0x8d: {  	s2 =	sadd.s32 s2, s16  }
0x8e: {  	[smem:$0x3FBB] =	sst s2  }
0x8f: {  	_ = 	snop  }
0x90: {  	(tm) =	ssettm $0x1  }
0x91: {  	s17 =	sld [smem:$0x3FFB];
	_ =	sdelay $0x3  }
0x92: {  	_ =	strace s17  }
0x93: {  	s2 =	sld [smem:$0x3FFC];
	_ =	sdelay $0x3  }
0x94: {  	_ =	strace s2  }
0x95: {  	s2 =	sld [smem:$0x3FFD];
	_ =	sdelay $0x3  }
0x96: {  	_ =	strace s2  }
0x97: {  	_ =	strace $0x8FFFFFFF  }
0x98: {  	s18 =	sld [smem:$0x3FDB];
	_ =	sdelay $0x1  }
0x99: {  	s19 =	simm.s32 $_scs_section_size  }
0x9a: {  	s4 =	simm.s32 $_size__tile_overlayer_lowered;
	s5 =	simm.s32 $_tile_overlayer_lowered  }
0x9b: {  	s22 =	simm.s32 $0x1BFF;
	s21 =	sshll.u32 s5, $0x1;
	s2 =	sadd.s32 s19, s18  }
0x9c: {  	s6 =	simm.s32 $0x0;
	s20 =	sshll.u32 s4, $0x1;
	s4 =	sadd.s32 s21, s2  }
0x9d: {  	[timem:s6], [sflag:s22] =	dma.local [hbm:s4], s20  }
0x9e: {  	_ =	swait.ge [sflag:s22], s20  }
0x9f: {  	s3 =	ssub.s32 $0x0, s20;
	[sflag:s22] =	ssyncset.done $0x0  }
0xa0: {  	[sflag:s22] =	ssyncadd.s32 s3;
	_ =	sdelay $0x1  }
0xa1: {  	s23 =	simm.s32 $0x1B8B  }
0xa2: {  	_ =	swait.ge [sflag:s23], $0x1  }
0xa3: {  	[sflag:s23] =	ssyncset.done $0x0  }
0xa4: {  	s25 =	simm.s32 $0x1B8E;
	s24 =	sld [smem:$0x3FFE];
	[sflag:s23] =	ssyncadd.s32 $0xFFFFFFFF  }
0xa5: {  	s26 =	simm.s32 $execute0_lowered;
	[smem:$0x3FD2] =	sst s25  }
0xa6: {  	s4 =	sshll.u32 s26, $0x1;
	_ =	strace $0x80000046;
	[dreg:$0x1] =	wrdreg $0xFFFFFFFF  }
0xa7: {  	s28 =	simm.s32 $_size_execute0_lowered;
	s2 =	sadd.s32 s2, s4;
	[dreg:$0x0] =	wrdreg $0x0  }
0xa8: {  	s4 =	sshll.u32 s28, $0x1;
	[dreg:$0x2] =	wrdreg s2  }
0xa9: {  	[dreg:$0x3] =	wrdreg s4  }
0xaa: {  	[dreg:$0x4] =	wrdreg $0xC0  }
0xab: {  	_ =	task [dreg:s6], $0x5FFFF  }
0xac: {  	[dreg:$0x1] =	wrdreg $0xFFFFFFFF  }
0xad: {  	[dreg:$0x0] =	wrdreg $0x60  }
0xae: {  	[dreg:$0x2] =	wrdreg s24  }
0xaf: {  	[dreg:$0x3] =	wrdreg $0xAC000  }
0xb0: {  	[dreg:$0x4] =	wrdreg $0x9  }
0xb1: {  	_ =	task.clear_ibuf [dreg:s6], $0x5FFFF;
	_ =	strace $0x90000046  }
0xb2: {  	s29 =	simm.s32 $0x9;
	_ =	strace $0x80000048  }
0xb3: {  	_ =	swait.ge [sflag:s29], $0x1  }
0xb4: {  	[sflag:s29] =	ssyncadd.s32 $0xFFFFFFFF  }
0xb5: {  	_ =	strace $0x90000048  }
0xb6: {  	_ =	sfence  }
0xb7: {  	s30 =	sld [smem:$0x0];
	_ =	sdelay $0x2  }
0xb8: {  	s31 =	sshll.u32 s1, $0xD;
	s1 =	sshrl.u32 s1, $0x2  }
0xb9: {  	s3 =	sand.u32 $0x4000, s31;
	s1 =	sadd.s32 s1, s30  }
0xba: {  	s0 =	sor.u32 s3, s0;
	s1 =	sshll.u32 s1, $0x11  }
0xbb: {  	s0 =	sor.u32 s1, s0  }
0xbc: {  	s0 =	sadd.s32 $0x8F2B, s0  }
0xbd: {  	[sflag:s0] =	ssyncadd.remote.s32 $0x1  }
0xbe: {  	_ =	sfence.sel $0xFFFF  }
0xbf: {  	[dreg:$0x0] =	wrdreg $0xFFFFFFFF;
	(pc) =	sbr.abs _section_cstart, $3  }
0xc0: {  	[dreg:$0x1] =	wrdreg $0xFFFFFFFF  }
0xc1: {  	_ =	task.clear_ibuf [dreg:s6], $0x2FFFF;
	_ =	strace $0x9FFFFFFF  }
0xc2: {  	(tm) =	ssettm $0x7FFFFFFF  }
0xc3: {  	_ =	shalt  }
tec
execute0_lowered:
.L_overlay_start_1:
0x0: {  	(tag) =	ssettag $0x1  }
0x1: {  	s0 =	rddreg [dreg:$0x0]  }
0x2: {  	s1 =	rddreg [dreg:$0x1];
	s2 =	simm.s32 $0x0;
	s3 =	srdreg.scid  }
0x3: {  	s11 =	stileid.u32;
	s28 =	simm.s32 $0x9;
	s30 =	simm.s32 $0x8000  }
0x4: {  	s29 =	simm.s32 $0xF;
	s31 =	simm.s32 $0x7;
	[smem:$0x7FF] =	sst s2  }
0x5: {  	s4 =	sadd.s32 $0x2000, s0;
	s5 =	sadd.s32 $0x50200, s0;
	s3 =	sand.u32 $0x1, s3  }
0x6: {  	s0 =	sadd.s32 $0x70200, s0;
	s7 =	sshll.u32 s11, $0xF;
	s14 =	smul.u32 $0x50000, s11  }
0x7: {  	s15 =	smul.u32 $0x14000, s11;
	p0 =	seq.s32 s11, $0xF;
	s11 =	simm.s32 $0x500  }
0x8: {  	_ =	strace $0x80000047;
	s6 =	sshll.u32 s3, $0x13;
	s8 =	ssub.s32 $0x2, s3  }
0x9: {  	s3 =	smul.u32 $0x138800, s3;
	s6 =	sor.u32 s7, s6;
	s9 =	sshrl.u32 s8, $0x1  }
0xa: {  	s7 =	sshrl.u32 s14, $0x2;
	s14 =	simm.s32 $0x80;
	s10 =	sshrl.u32 s6, $0x3  }
0xb: {  	s8 =	ssub.s32 s8, s9;
	s9 =	sadd.s32 s15, s3;
	s13 =	sadd.s32 s7, s1  }
0xc: {  	s3 =	sshrl.u32 s3, $0x3;
	s20 =	sor.u32 $0xC00, s6;
	s22 =	sor.u32 $0xB00, s6  }
0xd: {  	s15 =	sadd.s32 $0x12C000, s1;
	s24 =	sor.u32 $0xA00, s6;
	s26 =	sor.u32 $0x900, s6  }
0xe: {  	s6 =	sor.u32 $0x800, s6;
	[dreg:$0x8] =	wrdreg s14;
	s14 =	simm.s32 $0x5  }
0xf: {  	s12 =	sadd.s32 s10, s5;
	s19 =	sshrl.u32 s9, $0x3;
	[dreg:$0x15] =	wrdreg s13  }
0x10: {  	s21 =	sshrl.u32 s20, $0x3;
	s9 =	smax.u32 s8, $0x1;
	[dreg:$0x18] =	wrdreg s15  }
0x11: {  	s25 =	sshrl.u32 s24, $0x3;
	s24 =	simm.s32 $0x580;
	[dreg:$0x19] =	wrdreg s9  }
0x12: {  	s20 =	simm.s32 $0x50;
	s8 =	simm.s32 $0xB;
	[dreg:$0xd] =	wrdreg s24  }
0x13: {  	s10 =	sadd.s32 $0x20, s12;
	s16 =	sadd.s32 $0x40, s12;
	[dreg:$0x10] =	wrdreg s12  }
0x14: {  	s17 =	sadd.s32 $0x60, s12;
	s18 =	sadd.s32 $0x80, s12;
	[dreg:$0x11] =	wrdreg s10  }
0x15: {  	s7 =	sadd.s32 s0, s19;
	s0 =	sadd.s32 s0, s3;
	[dreg:$0x12] =	wrdreg s16  }
0x16: {  	s3 =	sshrl.u32 s22, $0x3;
	s19 =	simm.s32 $0x300;
	[dreg:$0x13] =	wrdreg s17  }
0x17: {  	s22 =	simm.s32 $0x480;
	s9 =	simm.s32 $0x4;
	[dreg:$0x14] =	wrdreg s18  }
0x18: {  	s24 =	simm.s32 $0xE;
	[dreg:$0x16] =	wrdreg s7;
	s0 =	sadd.s32 $0x25800, s0  }
0x19: {  	s23 =	sadd.s32 s3, s5;
	s3 =	sshrl.u32 s26, $0x3;
	[dreg:$0xc] =	wrdreg s22  }
0x1a: {  	s7 =	sshrl.u32 s6, $0x3;
	s16 =	simm.s32 $0x180;
	[dreg:$0x17] =	wrdreg s0  }
0x1b: {  	s17 =	simm.s32 $0x280;
	s18 =	simm.s32 $0x380;
	[dreg:$0x4] =	wrdreg s23  }
0x1c: {  	s26 =	simm.s32 $0x780;
	s6 =	simm.s32 $0x5800;
	[dreg:$0x9] =	wrdreg s16  }
0x1d: {  	s22 =	simm.s32 $0x600;
	s0 =	sadd.s32 s21, s5;
	[dreg:$0xa] =	wrdreg s17  }
0x1e: {  	s3 =	sadd.s32 s3, s5;
	s10 =	sadd.s32 s7, s5;
	[dreg:$0xb] =	wrdreg s18  }
0x1f: {  	s7 =	simm.s32 $0x11;
	s21 =	simm.s32 $0x400;
	[dreg:$0xf] =	wrdreg s26  }
0x20: {  	s23 =	simm.s32 $0x800;
	s17 =	simm.s32 $0xD;
	[dreg:$0x3] =	wrdreg s0  }
0x21: {  	s26 =	simm.s32 $0x6;
	s16 =	simm.s32 $0xC;
	[dreg:$0x6] =	wrdreg s3  }
0x22: {  	s0 =	sadd.s32 s25, s5;
	[dreg:$0x7] =	wrdreg s10;
	s3 =	simm.s32 $0x3000  }
0x23: {  	s25 =	simm.s32 $0x680;
	s10 =	simm.s32 $0x0;
	[dreg:$0x5] =	wrdreg s0  }
0x24: {  	v0 =	vimm.f32 $0.0e+00;
	[dreg:$0xe] =	wrdreg s25;
	s25 =	simm.s32 $0xA800;
	s0 =	simm.s32 $0xA  }
.LBB2_1:
0x25: {  	[dreg:$0x1a] =	wrdreg s10  }
0x26: {  	[tilespmem:s2], [sflag:$0x11] =	stream.linear.gather [hbm4b:s12+s2], $0x100, $0x38;
	[tilespmem:$0x1E4C0] =	vst v63  }
0x27: {  	_ =	swait.ge [sflag:s7], $0x100  }
0x28: {  	[sflag:s7] =	ssyncset.done $0x0  }
0x29: {  	s10 =	simm.s32 $0x100;
	s5 =	rddreg [dreg:$0x11];
	[sflag:s7] =	ssyncadd.s32 $0xFFFFFF00  }
0x2a: {  	[tilespmem:s10], [sflag:$0x2] =	stream.linear.gather [hbm4b:s5+s2], $0x100, $0x38;
	[tilespmem:$0x1E4C0] =	vst v63  }
0x2b: {  	s18 =	simm.s32 $0x200;
	s5 =	rddreg [dreg:$0x12]  }
0x2c: {  	[tilespmem:s18], [sflag:$0x3] =	stream.linear.gather [hbm4b:s5+s2], $0x100, $0x38;
	[tilespmem:$0x1E4C0] =	vst v63  }
0x2d: {  	s5 =	rddreg [dreg:$0x13]  }
0x2e: {  	[tilespmem:s19], [sflag:$0x4] =	stream.linear.gather [hbm4b:s5+s2], $0x100, $0x38;
	[tilespmem:$0x1E4C0] =	vst v63  }
0x2f: {  	s5 =	rddreg [dreg:$0x14]  }
0x30: {  	[tilespmem:s21], [sflag:$0x5] =	stream.linear.gather [hbm4b:s5+s2], $0x100, $0x38;
	[tilespmem:$0x1E4C0] =	vst v63  }
0x31: {  	s5 =	simm.s32 $0x2  }
0x32: {  	[tilespmem:s23], [sflag:$0x9] =	stream.indirect.gather [hbm4b:s4+s20], $0x80, s2, s20, $0xb8;
	[tilespmem:$0x1E4C0] =	vst v63  }
0x33: {  	_ =	swait.ge [sflag:s5], $0x100  }
0x34: {  	[sflag:s5] =	ssyncset.done $0x0  }
0x35: {  	[sflag:s5] =	ssyncadd.s32 $0xFFFFFF00  }
0x36: {  	[tilespmem:s3], [sflag:$0xA] =	stream.indirect.gather [hbm4b:s4+s20], $0x80, s10, s20, $0xb8;
	[tilespmem:$0x1E4C0] =	vst v63  }
0x37: {  	s10 =	simm.s32 $0x3  }
0x38: {  	_ =	swait.ge [sflag:s10], $0x100  }
0x39: {  	[sflag:s10] =	ssyncset.done $0x0  }
0x3a: {  	[sflag:s10] =	ssyncadd.s32 $0xFFFFFF00  }
0x3b: {  	[tilespmem:s6], [sflag:$0xB] =	stream.indirect.gather [hbm4b:s4+s20], $0x80, s18, s20, $0xb8;
	[tilespmem:$0x1E4C0] =	vst v63  }
0x3c: {  	[tilespmem:$0xA800] =	vst v0  }
0x3d: {  	[tilespmem:$0xA880] =	vst v0  }
0x3e: {  	[tilespmem:$0xA900] =	vst v0  }
0x3f: {  	[tilespmem:$0xA980] =	vst v0  }
0x40: {  	[tilespmem:$0xAA00] =	vst v0  }
0x41: {  	[tilespmem:$0xAA80] =	vst v0  }
0x42: {  	[tilespmem:$0xAB00] =	vst v0  }
0x43: {  	[tilespmem:$0xAB80] =	vst v0  }
0x44: {  	[tilespmem:$0xA810] =	vst v0  }
0x45: {  	[tilespmem:$0xA890] =	vst v0  }
0x46: {  	[tilespmem:$0xA910] =	vst v0  }
0x47: {  	[tilespmem:$0xA990] =	vst v0  }
0x48: {  	[tilespmem:$0xAA10] =	vst v0  }
0x49: {  	[tilespmem:$0xAA90] =	vst v0  }
0x4a: {  	[tilespmem:$0xAB10] =	vst v0  }
0x4b: {  	[tilespmem:$0xAB90] =	vst v0  }
0x4c: {  	[tilespmem:$0xA820] =	vst v0  }
0x4d: {  	[tilespmem:$0xA8A0] =	vst v0  }
0x4e: {  	[tilespmem:$0xA920] =	vst v0  }
0x4f: {  	[tilespmem:$0xA9A0] =	vst v0  }
0x50: {  	[tilespmem:$0xAA20] =	vst v0  }
0x51: {  	[tilespmem:$0xAAA0] =	vst v0  }
0x52: {  	[tilespmem:$0xAB20] =	vst v0  }
0x53: {  	[tilespmem:$0xABA0] =	vst v0  }
0x54: {  	[tilespmem:$0xA830] =	vst v0  }
0x55: {  	[tilespmem:$0xA8B0] =	vst v0  }
0x56: {  	[tilespmem:$0xA930] =	vst v0  }
0x57: {  	[tilespmem:$0xA9B0] =	vst v0  }
0x58: {  	[tilespmem:$0xAA30] =	vst v0  }
0x59: {  	[tilespmem:$0xAAB0] =	vst v0  }
0x5a: {  	[tilespmem:$0xAB30] =	vst v0  }
0x5b: {  	[tilespmem:$0xABB0] =	vst v0  }
0x5c: {  	[tilespmem:$0xA840] =	vst v0  }
0x5d: {  	[tilespmem:$0xA8C0] =	vst v0  }
0x5e: {  	[tilespmem:$0xA940] =	vst v0  }
0x5f: {  	[tilespmem:$0xA9C0] =	vst v0  }
0x60: {  	[tilespmem:$0xAA40] =	vst v0  }
0x61: {  	[tilespmem:$0xAAC0] =	vst v0  }
0x62: {  	[tilespmem:$0xAB40] =	vst v0  }
0x63: {  	[tilespmem:$0xABC0] =	vst v0  }
0x64: {  	[tilespmem:$0xA850] =	vst v0  }
0x65: {  	[tilespmem:$0xA8D0] =	vst v0  }
0x66: {  	[tilespmem:$0xA950] =	vst v0  }
0x67: {  	[tilespmem:$0xA9D0] =	vst v0  }
0x68: {  	[tilespmem:$0xAA50] =	vst v0  }
0x69: {  	[tilespmem:$0xAAD0] =	vst v0  }
0x6a: {  	[tilespmem:$0xAB50] =	vst v0  }
0x6b: {  	[tilespmem:$0xABD0] =	vst v0  }
0x6c: {  	[tilespmem:$0xA860] =	vst v0  }
0x6d: {  	[tilespmem:$0xA8E0] =	vst v0  }
0x6e: {  	[tilespmem:$0xA960] =	vst v0  }
0x6f: {  	[tilespmem:$0xA9E0] =	vst v0  }
0x70: {  	[tilespmem:$0xAA60] =	vst v0  }
0x71: {  	[tilespmem:$0xAAE0] =	vst v0  }
0x72: {  	[tilespmem:$0xAB60] =	vst v0  }
0x73: {  	[tilespmem:$0xABE0] =	vst v0  }
0x74: {  	[tilespmem:$0xA870] =	vst v0  }
0x75: {  	[tilespmem:$0xA8F0] =	vst v0  }
0x76: {  	[tilespmem:$0xA970] =	vst v0  }
.Ltmp0:
0x77: {  	[tilespmem:$0xA9F0] =	vst v0;
	(pc) =	sbr.rel @!p0 .LBB2_2-.Ltmp0, $4  }
0x78: {  	[tilespmem:$0xAA70] =	vst v0  }
0x79: {  	[tilespmem:$0xAAF0] =	vst v0  }
0x7a: {  	[tilespmem:$0xAB70] =	vst v0  }
0x7b: {  	s5 =	sshra.s32 s2, $0x2;
	[tilespmem:$0xABF0] =	vst v0  }
0x7c: {  	s5 =	sadd.s32 s5, s15  }
0x7d: {  	[spmem:s5] =	stream.linear.scatter [tilespmem:s25], [sflag:$0x11], $0x400, $0x38;
	[tilespmem:$0x1E4C0] =	vst v63  }
0x7e: {  	s13 =	simm.s32 $0x700;
	s5 =	sadd.s32 $0x1000, s2;
	_ =	swait.ge [sflag:s7], $0x400  }
.LBB2_6:
0x7f: {  	s10 =	sshra.s32 s5, $0x2;
	[sflag:s7] =	ssyncset.done $0x0;
	p1 =	sne.s32 s5, $0x32000  }
.Ltmp1:
0x80: {  	s10 =	sadd.s32 s10, s15;
	[sflag:s7] =	ssyncadd.s32 $0xFFFFFC00;
	(pc) =	sbr.rel @p1 .LBB2_6-.Ltmp1, $3  }
0x81: {  	[spmem:s10] =	stream.linear.scatter [tilespmem:s25], [sflag:$0x11], $0x400, $0x38;
	[tilespmem:$0x1E4C0] =	vst v63  }
0x82: {  	s5 =	sadd.s32 $0x1000, s5;
	_ =	sdelay $0x1  }
0x83: {  	_ =	swait.ge [sflag:s7], $0x400  }
.Ltmp2:
0x84: {  	(pc) =	sbr.rel .LBB2_8-.Ltmp2, $3  }
0x85: {  	_ =	sdelay $0x1  }
0x86: {  	[sflag:s7] =	ssyncset.done $0x0  }
0x87: {  	s15 =	simm.s32 $0x8;
	[sflag:s7] =	ssyncadd.s32 $0xFFFFFC00  }
.LBB2_2:
0x88: {  	s5 =	sadd.s32 s5, s13  }
0x89: {  	[spmem:s5] =	stream.linear.scatter [tilespmem:s25], [sflag:$0x11], $0x400, $0x38;
	[tilespmem:$0x1E4C0] =	vst v63  }
0x8a: {  	s15 =	simm.s32 $0x8;
	s5 =	sadd.s32 $0x1000, s2;
	_ =	swait.ge [sflag:s7], $0x400  }
.LBB2_3:
0x8b: {  	s10 =	sshra.s32 s5, $0x2;
	[sflag:s7] =	ssyncset.done $0x0;
	p1 =	seq.s32 s5, $0x4F000  }
.Ltmp3:
0x8c: {  	s10 =	sadd.s32 s10, s13;
	[sflag:s7] =	ssyncadd.s32 $0xFFFFFC00;
	(pc) =	sbr.rel @!p1 .LBB2_3-.Ltmp3, $3  }
0x8d: {  	[spmem:s10] =	stream.linear.scatter [tilespmem:s25], [sflag:$0x11], $0x400, $0x38;
	[tilespmem:$0x1E4C0] =	vst v63  }
0x8e: {  	s5 =	sadd.s32 $0x1000, s5;
	_ =	sdelay $0x1  }
0x8f: {  	_ =	swait.ge [sflag:s7], $0x400  }
0x90: {  	[sflag:s7] =	ssyncset.done $0x0  }
0x91: {  	s13 =	simm.s32 $0x700;
	[sflag:s7] =	ssyncadd.s32 $0xFFFFFC00  }
.LBB2_8:
0x92: {  	[bflag:$0x0] =	sbarrier.arrive $0xFFFF  }
0x93: {  	_ =	swait.ge [sflag:s28], $0x2800  }
0x94: {  	p1 =	por $0x1, $0x1;
	[sflag:s28] =	ssyncset.done $0x0  }
0x95: {  	s10 =	simm.s32 @!p1 $0x10;
	s5 =	rddreg [dreg:$0x8];
	[sflag:s28] =	ssyncadd.s32 $0xFFFFD800  }
0x96: {  	[spmem:s1] =	stream.indirect.scatter.add.f32 [tilespmem:s23], [sflag:$0xD], $0x80, s5, s20, $0xb8;
	[tilespmem:$0x1E4C0] =	vst v63  }
0x97: {  	_ =	swait.ge @!p1 [sflag:s10], $0x2800  }
0x98: {  	[sflag:s10] =	ssyncset.done @!p1 $0x0  }
0x99: {  	[sflag:s10] =	ssyncadd.s32 @!p1 $0xFFFFD800  }
0x9a: {  	_ =	swait.ge [sflag:s9], $0x100  }
0x9b: {  	[sflag:s9] =	ssyncset.done $0x0  }
0x9c: {  	s7 =	sadd.s32 $0x0, s12;
	[sflag:s9] =	ssyncadd.s32 $0xFFFFFF00  }
0x9d: {  	[tilespmem:s30], [sflag:$0xC] =	stream.indirect.gather [hbm4b:s4+s20], $0x80, s19, s20, $0xb8;
	[tilespmem:$0x1E4C0] =	vst v63  }
0x9e: {  	s9 =	sadd.s32 $0xA0, s7  }
0x9f: {  	[tilespmem:s11], [sflag:$0x6] =	stream.linear.gather [hbm4b:s9+s2], $0x100, $0x38;
	[tilespmem:$0x1E4C0] =	vst v63  }
0xa0: {  	_ =	swait.ge [sflag:s0], $0x2800  }
0xa1: {  	[sflag:s0] =	ssyncset.done $0x0  }
0xa2: {  	s12 =	rddreg [dreg:$0x9];
	[sflag:s0] =	ssyncadd.s32 $0xFFFFD800  }
0xa3: {  	[spmem:s1] =	stream.indirect.scatter.add.f32 [tilespmem:s3], [sflag:$0xE], $0x80, s12, s20, $0xb8;
	[tilespmem:$0x1E4C0] =	vst v63  }
0xa4: {  	_ =	swait.ge [sflag:s17], $0x2800  }
0xa5: {  	[sflag:s17] =	ssyncset.done $0x0  }
0xa6: {  	[sflag:s17] =	ssyncadd.s32 $0xFFFFD800  }
0xa7: {  	_ =	swait.ge [sflag:s14], $0x100  }
0xa8: {  	[sflag:s14] =	ssyncset.done $0x0  }
0xa9: {  	[sflag:s14] =	ssyncadd.s32 $0xFFFFFF00  }
0xaa: {  	[tilespmem:s23], [sflag:$0x9] =	stream.indirect.gather [hbm4b:s4+s20], $0x80, s21, s20, $0xb8;
	[tilespmem:$0x1E4C0] =	vst v63  }
0xab: {  	s18 =	sadd.s32 $0xC0, s7  }
0xac: {  	[tilespmem:s22], [sflag:$0x7] =	stream.linear.gather [hbm4b:s18+s2], $0x100, $0x38;
	[tilespmem:$0x1E4C0] =	vst v63  }
0xad: {  	_ =	swait.ge [sflag:s8], $0x2800  }
0xae: {  	[sflag:s8] =	ssyncset.done $0x0  }
0xaf: {  	s19 =	rddreg [dreg:$0xa];
	[sflag:s8] =	ssyncadd.s32 $0xFFFFD800  }
0xb0: {  	[spmem:s1] =	stream.indirect.scatter.add.f32 [tilespmem:s6], [sflag:$0xF], $0x80, s19, s20, $0xb8;
	[tilespmem:$0x1E4C0] =	vst v63  }
0xb1: {  	_ =	swait.ge [sflag:s24], $0x2800  }
0xb2: {  	[sflag:s24] =	ssyncset.done $0x0  }
0xb3: {  	[sflag:s24] =	ssyncadd.s32 $0xFFFFD800  }
0xb4: {  	_ =	swait.ge [sflag:s26], $0x100  }
0xb5: {  	[sflag:s26] =	ssyncset.done $0x0  }
0xb6: {  	[sflag:s26] =	ssyncadd.s32 $0xFFFFFF00  }
0xb7: {  	[tilespmem:s3], [sflag:$0xA] =	stream.indirect.gather [hbm4b:s4+s20], $0x80, s11, s20, $0xb8;
	[tilespmem:$0x1E4C0] =	vst v63  }
0xb8: {  	s5 =	sadd.s32 $0xE0, s7  }
0xb9: {  	[tilespmem:s13], [sflag:$0x8] =	stream.linear.gather [hbm4b:s5+s2], $0x100, $0x38;
	[tilespmem:$0x1E4C0] =	vst v63  }
0xba: {  	_ =	swait.ge [sflag:s16], $0x2800  }
0xbb: {  	[sflag:s16] =	ssyncset.done $0x0  }
0xbc: {  	s21 =	rddreg [dreg:$0xb];
	[sflag:s16] =	ssyncadd.s32 $0xFFFFD800  }
0xbd: {  	[spmem:s1] =	stream.indirect.scatter.add.f32 [tilespmem:s30], [sflag:$0x10], $0x80, s21, s20, $0xb8;
	[tilespmem:$0x1E4C0] =	vst v63  }
0xbe: {  	_ =	swait.ge [sflag:s29], $0x2800  }
0xbf: {  	[sflag:s29] =	ssyncset.done $0x0  }
0xc0: {  	[sflag:s29] =	ssyncadd.s32 $0xFFFFD800  }
0xc1: {  	_ =	swait.ge [sflag:s31], $0x100  }
0xc2: {  	[sflag:s31] =	ssyncset.done $0x0  }
0xc3: {  	p1 =	por $0x0, $0x0;
	s5 =	rddreg [dreg:$0x7];
	[sflag:s31] =	ssyncadd.s32 $0xFFFFFF00  }
0xc4: {  	[tilespmem:s6], [sflag:$0xB] =	stream.indirect.gather [hbm4b:s4+s20], $0x80, s22, s20, $0xb8;
	[tilespmem:$0x1E4C0] =	vst v63  }
0xc5: {  	s10 =	simm.s32 @!p1 $0x0;
	s5 =	sadd.s32 @!p1 $0x0, s5  }
0xc6: {  	[tilespmem:s10], [sflag:$0x1] =	stream.linear.gather @!p1 [hbm4b:s5+s10], $0x100, $0x38;
	[tilespmem:$0x1E4C0] =	vst v63  }
0xc7: {  	_ =	swait.ge [sflag:s28], $0x2800  }
0xc8: {  	[sflag:s28] =	ssyncset.done $0x0  }
0xc9: {  	s22 =	rddreg [dreg:$0xc];
	[sflag:s28] =	ssyncadd.s32 $0xFFFFD800  }
0xca: {  	[spmem:s1] =	stream.indirect.scatter.add.f32 [tilespmem:s23], [sflag:$0xD], $0x80, s22, s20, $0xb8;
	[tilespmem:$0x1E4C0] =	vst v63  }
0xcb: {  	s23 =	simm.s32 $0x10  }
0xcc: {  	_ =	swait.ge [sflag:s23], $0x2800  }
0xcd: {  	[sflag:s23] =	ssyncset.done $0x0  }
0xce: {  	[sflag:s23] =	ssyncadd.s32 $0xFFFFD800  }
0xcf: {  	_ =	swait.ge [sflag:s15], $0x100  }
0xd0: {  	[sflag:s15] =	ssyncset.done $0x0  }
0xd1: {  	s5 =	rddreg [dreg:$0x6];
	[sflag:s15] =	ssyncadd.s32 $0xFFFFFF00  }
0xd2: {  	[tilespmem:s30], [sflag:$0xC] =	stream.indirect.gather [hbm4b:s4+s20], $0x80, s13, s20, $0xb8;
	[tilespmem:$0x1E4C0] =	vst v63  }
0xd3: {  	s5 =	sadd.s32 @!p1 $0x0, s5;
	s13 =	simm.s32 @!p1 $0x100  }
0xd4: {  	[tilespmem:s13], [sflag:$0x2] =	stream.linear.gather @!p1 [hbm4b:s5+s10], $0x100, $0x38;
	[tilespmem:$0x1E4C0] =	vst v63  }
0xd5: {  	_ =	swait.ge [sflag:s0], $0x2800  }
0xd6: {  	p1 =	por $0x0, $0x0;
	[sflag:s0] =	ssyncset.done $0x0  }
0xd7: {  	s10 =	simm.s32 @!p1 $0xD;
	s24 =	rddreg [dreg:$0xd];
	[sflag:s0] =	ssyncadd.s32 $0xFFFFD800  }
0xd8: {  	[spmem:s1] =	stream.indirect.scatter.add.f32 [tilespmem:s3], [sflag:$0xE], $0x80, s24, s20, $0xb8;
	[tilespmem:$0x1E4C0] =	vst v63  }
0xd9: {  	_ =	swait.ge @!p1 [sflag:s10], $0x2800  }
0xda: {  	s9 =	simm.s32 $0x4;
	s17 =	simm.s32 $0xD;
	[sflag:s10] =	ssyncset.done @!p1 $0x0  }
0xdb: {  	s14 =	simm.s32 $0x5;
	s5 =	simm.s32 @!p1 $0x1;
	[sflag:s10] =	ssyncadd.s32 @!p1 $0xFFFFD800  }
0xdc: {  	p2 =	por @!p1 $0x0, $0x0;
	s18 =	simm.s32 @!p1 $0x800;
	_ =	swait.ge @!p1 [sflag:s5], $0x100  }
0xdd: {  	p2 =	por p2, p1;
	s10 =	simm.s32 @!p1 $0x0;
	[sflag:s5] =	ssyncset.done @!p1 $0x0  }
0xde: {  	s13 =	rddreg [dreg:$0x5];
	[sflag:s5] =	ssyncadd.s32 @!p1 $0xFFFFFF00;
	s5 =	simm.s32 @!p1 $0x50  }
0xdf: {  	[tilespmem:s18], [sflag:$0x9] =	stream.indirect.gather @!p1 [hbm4b:s4+s5], $0x80, s10, s5, $0xb8;
	[tilespmem:$0x1E4C0] =	vst v63  }
0xe0: {  	s13 =	sadd.s32 @!p2 $0x0, s13;
	s5 =	simm.s32 @!p2 $0x0;
	s10 =	simm.s32 @!p2 $0x200  }
0xe1: {  	[tilespmem:s10], [sflag:$0x3] =	stream.linear.gather @!p2 [hbm4b:s13+s5], $0x100, $0x38;
	[tilespmem:$0x1E4C0] =	vst v63  }
0xe2: {  	s19 =	simm.s32 $0x1;
	s11 =	simm.s32 $0x8000;
	_ =	swait.ge [sflag:s8], $0x2800  }
0xe3: {  	s29 =	simm.s32 $0x800;
	p1 =	por $0x0, $0x0;
	[sflag:s8] =	ssyncset.done $0x0  }
0xe4: {  	s10 =	simm.s32 @!p1 $0xE;
	s25 =	rddreg [dreg:$0xe];
	[sflag:s8] =	ssyncadd.s32 $0xFFFFD800  }
0xe5: {  	[spmem:s1] =	stream.indirect.scatter.add.f32 [tilespmem:s6], [sflag:$0xF], $0x80, s25, s20, $0xb8;
	[tilespmem:$0x1E4C0] =	vst v63  }
0xe6: {  	s22 =	simm.s32 $0x7;
	s23 =	simm.s32 $0x0;
	_ =	swait.ge @!p1 [sflag:s10], $0x2800  }
0xe7: {  	s3 =	simm.s32 $0x3000;
	s24 =	simm.s32 $0x8;
	[sflag:s10] =	ssyncset.done @!p1 $0x0  }
0xe8: {  	p2 =	por @!p1 $0x0, $0x0;
	s5 =	simm.s32 @!p1 $0x2;
	[sflag:s10] =	ssyncadd.s32 @!p1 $0xFFFFD800  }
0xe9: {  	s18 =	simm.s32 @!p1 $0x100;
	p2 =	por p2, p1;
	_ =	swait.ge @!p1 [sflag:s5], $0x100  }
0xea: {  	s25 =	simm.s32 $0x6;
	s10 =	simm.s32 @!p1 $0x3000;
	[sflag:s5] =	ssyncset.done @!p1 $0x0  }
0xeb: {  	s13 =	rddreg [dreg:$0x4];
	[sflag:s5] =	ssyncadd.s32 @!p1 $0xFFFFFF00;
	s5 =	simm.s32 @!p1 $0x50  }
0xec: {  	[tilespmem:s10], [sflag:$0xA] =	stream.indirect.gather @!p1 [hbm4b:s4+s5], $0x80, s18, s5, $0xb8;
	[tilespmem:$0x1E4C0] =	vst v63  }
0xed: {  	s5 =	simm.s32 @!p2 $0x300;
	s10 =	sadd.s32 @!p2 $0x0, s13;
	s13 =	simm.s32 @!p2 $0x0  }
0xee: {  	[tilespmem:s5], [sflag:$0x4] =	stream.linear.gather @!p2 [hbm4b:s10+s13], $0x100, $0x38;
	[tilespmem:$0x1E4C0] =	vst v63  }
0xef: {  	s6 =	simm.s32 $0x5800;
	s18 =	simm.s32 $0xF;
	s10 =	simm.s32 $0x0  }
0xf0: {  	p2 =	por $0x0, $0x0;
	s13 =	simm.s32 $0x100;
	_ =	swait.ge [sflag:s16], $0x2800  }
0xf1: {  	s5 =	simm.s32 @!p2 $0xF;
	p3 =	por @!p2 $0x0, $0x0;
	[sflag:s16] =	ssyncset.done $0x0  }
0xf2: {  	s31 =	simm.s32 @!p2 $0x3;
	s26 =	rddreg [dreg:$0xf];
	[sflag:s16] =	ssyncadd.s32 $0xFFFFD800  }
0xf3: {  	[spmem:s1] =	stream.indirect.scatter.add.f32 [tilespmem:s30], [sflag:$0x10], $0x80, s26, s20, $0xb8;
	[tilespmem:$0x1E4C0] =	vst v63  }
0xf4: {  	s26 =	simm.s32 @!p2 $0x50;
	s30 =	simm.s32 $0xF;
	_ =	swait.ge @!p2 [sflag:s5], $0x2800  }
.LBB2_9:
0xf5: {  	[sflag:s5] =	ssyncset.done @!p2 $0x0  }
0xf6: {  	[sflag:s5] =	ssyncadd.s32 @!p2 $0xFFFFD800  }
0xf7: {  	_ =	swait.ge @!p2 [sflag:s31], $0x100  }
0xf8: {  	s7 =	simm.s32 @!p2 $0x200;
	s12 =	simm.s32 @!p2 $0x5800;
	[sflag:s31] =	ssyncset.done @!p2 $0x0  }
0xf9: {  	p4 =	por p3, p2;
	s21 =	rddreg [dreg:$0x3];
	[sflag:s31] =	ssyncadd.s32 @!p2 $0xFFFFFF00  }
0xfa: {  	[tilespmem:s12], [sflag:$0xB] =	stream.indirect.gather @!p2 [hbm4b:s4+s26], $0x80, s7, s26, $0xb8;
	[tilespmem:$0x1E4C0] =	vst v63  }
0xfb: {  	s5 =	simm.s32 @!p4 $0x0;
	s15 =	simm.s32 @!p4 $0x400;
	s12 =	sadd.s32 @!p4 s10, s21  }
0xfc: {  	[tilespmem:s15], [sflag:$0x5] =	stream.linear.gather @!p4 [hbm4b:s12+s5], $0x100, $0x38;
	[tilespmem:$0x1E4C0] =	vst v63  }
0xfd: {  	s2 =	smov.u32 s13;
	_ =	swait.ge [sflag:s28], $0x2800  }
0xfe: {  	p3 =	seq.s32 s2, $0x0;
	[sflag:s28] =	ssyncset.done $0x0  }
0xff: {  	s7 =	simm.s32 @!p3 $0x10;
	s26 =	rddreg [dreg:$0x8];
	[sflag:s28] =	ssyncadd.s32 $0xFFFFD800  }
0x100: {  	[spmem:s1] =	stream.indirect.scatter.add.f32 [tilespmem:s29], [sflag:$0xD], $0x80, s26, s20, $0xb8;
	[tilespmem:$0x1E4C0] =	vst v63  }
0x101: {  	_ =	swait.ge @!p3 [sflag:s7], $0x2800  }
0x102: {  	[sflag:s7] =	ssyncset.done @!p3 $0x0  }
0x103: {  	[sflag:s7] =	ssyncadd.s32 @!p3 $0xFFFFD800  }
0x104: {  	s5 =	rddreg [dreg:$0x10];
	_ =	swait.ge [sflag:s9], $0x100  }
0x105: {  	s10 =	smov.u32 s2;
	[sflag:s9] =	ssyncset.done $0x0  }
0x106: {  	s2 =	sadd.s32 s10, s5;
	s7 =	simm.s32 $0x300;
	[sflag:s9] =	ssyncadd.s32 $0xFFFFFF00  }
0x107: {  	[tilespmem:s11], [sflag:$0xC] =	stream.indirect.gather [hbm4b:s4+s20], $0x80, s7, s20, $0xb8;
	[tilespmem:$0x1E4C0] =	vst v63  }
0x108: {  	s12 =	sadd.s32 $0xA0, s2;
	s7 =	simm.s32 $0x500  }
0x109: {  	[tilespmem:s7], [sflag:$0x6] =	stream.linear.gather [hbm4b:s12+s23], $0x100, $0x38;
	[tilespmem:$0x1E4C0] =	vst v63  }
0x10a: {  	_ =	swait.ge [sflag:s0], $0x2800  }
0x10b: {  	[sflag:s0] =	ssyncset.done $0x0  }
0x10c: {  	s15 =	rddreg [dreg:$0x9];
	[sflag:s0] =	ssyncadd.s32 $0xFFFFD800  }
0x10d: {  	[spmem:s1] =	stream.indirect.scatter.add.f32 [tilespmem:s3], [sflag:$0xE], $0x80, s15, s20, $0xb8;
	[tilespmem:$0x1E4C0] =	vst v63  }
0x10e: {  	_ =	swait.ge [sflag:s17], $0x2800  }
0x10f: {  	[sflag:s17] =	ssyncset.done $0x0  }
0x110: {  	[sflag:s17] =	ssyncadd.s32 $0xFFFFD800  }
0x111: {  	_ =	swait.ge [sflag:s14], $0x100  }
0x112: {  	[sflag:s14] =	ssyncset.done $0x0  }
0x113: {  	s26 =	simm.s32 $0x400;
	[sflag:s14] =	ssyncadd.s32 $0xFFFFFF00  }
0x114: {  	[tilespmem:s29], [sflag:$0x9] =	stream.indirect.gather [hbm4b:s4+s20], $0x80, s26, s20, $0xb8;
	[tilespmem:$0x1E4C0] =	vst v63  }
0x115: {  	s21 =	sadd.s32 $0xC0, s2;
	s15 =	simm.s32 $0x600  }
0x116: {  	[tilespmem:s15], [sflag:$0x7] =	stream.linear.gather [hbm4b:s21+s23], $0x100, $0x38;
	[tilespmem:$0x1E4C0] =	vst v63  }
0x117: {  	_ =	swait.ge [sflag:s8], $0x2800  }
0x118: {  	[sflag:s8] =	ssyncset.done $0x0  }
0x119: {  	s21 =	simm.s32 $0xE;
	s12 =	rddreg [dreg:$0xa];
	[sflag:s8] =	ssyncadd.s32 $0xFFFFD800  }
0x11a: {  	[spmem:s1] =	stream.indirect.scatter.add.f32 [tilespmem:s6], [sflag:$0xF], $0x80, s12, s20, $0xb8;
	[tilespmem:$0x1E4C0] =	vst v63  }
0x11b: {  	_ =	swait.ge [sflag:s21], $0x2800  }
0x11c: {  	[sflag:s21] =	ssyncset.done $0x0  }
0x11d: {  	[sflag:s21] =	ssyncadd.s32 $0xFFFFD800  }
0x11e: {  	_ =	swait.ge [sflag:s25], $0x100  }
0x11f: {  	[sflag:s25] =	ssyncset.done $0x0  }
0x120: {  	[sflag:s25] =	ssyncadd.s32 $0xFFFFFF00  }
0x121: {  	[tilespmem:s3], [sflag:$0xA] =	stream.indirect.gather [hbm4b:s4+s20], $0x80, s7, s20, $0xb8;
	[tilespmem:$0x1E4C0] =	vst v63  }
0x122: {  	s2 =	sadd.s32 $0xE0, s2;
	s26 =	simm.s32 $0x700  }
0x123: {  	[tilespmem:s26], [sflag:$0x8] =	stream.linear.gather [hbm4b:s2+s23], $0x100, $0x38;
	[tilespmem:$0x1E4C0] =	vst v63  }
0x124: {  	_ =	swait.ge [sflag:s16], $0x2800  }
0x125: {  	[sflag:s16] =	ssyncset.done $0x0  }
0x126: {  	s7 =	rddreg [dreg:$0xb];
	[sflag:s16] =	ssyncadd.s32 $0xFFFFD800  }
0x127: {  	[spmem:s1] =	stream.indirect.scatter.add.f32 [tilespmem:s11], [sflag:$0x10], $0x80, s7, s20, $0xb8;
	[tilespmem:$0x1E4C0] =	vst v63  }
0x128: {  	_ =	swait.ge [sflag:s30], $0x2800  }
0x129: {  	[sflag:s30] =	ssyncset.done $0x0  }
0x12a: {  	[sflag:s30] =	ssyncadd.s32 $0xFFFFD800  }
0x12b: {  	_ =	swait.ge [sflag:s22], $0x100  }
0x12c: {  	[sflag:s22] =	ssyncset.done $0x0  }
0x12d: {  	p2 =	sgt.u32 s19, $0xE;
	s2 =	rddreg [dreg:$0x7];
	[sflag:s22] =	ssyncadd.s32 $0xFFFFFF00  }
0x12e: {  	[tilespmem:s6], [sflag:$0xB] =	stream.indirect.gather [hbm4b:s4+s20], $0x80, s15, s20, $0xb8;
	[tilespmem:$0x1E4C0] =	vst v63  }
0x12f: {  	s5 =	simm.s32 @!p2 $0x0;
	s2 =	sadd.s32 @!p2 s10, s2  }
0x130: {  	[tilespmem:s5], [sflag:$0x1] =	stream.linear.gather @!p2 [hbm4b:s2+s5], $0x100, $0x38;
	[tilespmem:$0x1E4C0] =	vst v63  }
0x131: {  	_ =	swait.ge [sflag:s28], $0x2800  }
0x132: {  	[sflag:s28] =	ssyncset.done $0x0  }
0x133: {  	s21 =	simm.s32 $0x10;
	s15 =	rddreg [dreg:$0xc];
	[sflag:s28] =	ssyncadd.s32 $0xFFFFD800  }
0x134: {  	[spmem:s1] =	stream.indirect.scatter.add.f32 [tilespmem:s29], [sflag:$0xD], $0x80, s15, s20, $0xb8;
	[tilespmem:$0x1E4C0] =	vst v63  }
0x135: {  	_ =	swait.ge [sflag:s21], $0x2800  }
0x136: {  	[sflag:s21] =	ssyncset.done $0x0  }
0x137: {  	[sflag:s21] =	ssyncadd.s32 $0xFFFFD800  }
0x138: {  	_ =	swait.ge [sflag:s24], $0x100  }
0x139: {  	[sflag:s24] =	ssyncset.done $0x0  }
0x13a: {  	s7 =	rddreg [dreg:$0x6];
	[sflag:s24] =	ssyncadd.s32 $0xFFFFFF00  }
0x13b: {  	[tilespmem:s11], [sflag:$0xC] =	stream.indirect.gather [hbm4b:s4+s20], $0x80, s26, s20, $0xb8;
	[tilespmem:$0x1E4C0] =	vst v63  }
0x13c: {  	s2 =	simm.s32 @!p2 $0x100;
	s7 =	sadd.s32 @!p2 s10, s7  }
0x13d: {  	[tilespmem:s2], [sflag:$0x2] =	stream.linear.gather @!p2 [hbm4b:s7+s5], $0x100, $0x38;
	[tilespmem:$0x1E4C0] =	vst v63  }
0x13e: {  	s12 =	sadd.s32 $0xFFFFFFFE, s18;
	_ =	swait.ge [sflag:s0], $0x2800  }
0x13f: {  	p2 =	sgt.u32 s12, $0x7C;
	[sflag:s0] =	ssyncset.done $0x0  }
0x140: {  	s7 =	simm.s32 @!p2 $0xD;
	s26 =	rddreg [dreg:$0xd];
	[sflag:s0] =	ssyncadd.s32 $0xFFFFD800  }
0x141: {  	[spmem:s1] =	stream.indirect.scatter.add.f32 [tilespmem:s3], [sflag:$0xE], $0x80, s26, s20, $0xb8;
	[tilespmem:$0x1E4C0] =	vst v63  }
0x142: {  	_ =	swait.ge @!p2 [sflag:s7], $0x2800  }
0x143: {  	[sflag:s7] =	ssyncset.done @!p2 $0x0  }
0x144: {  	s5 =	simm.s32 @!p2 $0x1;
	[sflag:s7] =	ssyncadd.s32 @!p2 $0xFFFFD800  }
0x145: {  	p3 =	sgt.u32 @!p2 s12, $0x7A;
	s15 =	simm.s32 @!p2 $0x0;
	_ =	swait.ge @!p2 [sflag:s5], $0x100  }
0x146: {  	s21 =	simm.s32 @!p2 $0x800;
	p3 =	por p3, p2;
	[sflag:s5] =	ssyncset.done @!p2 $0x0  }
0x147: {  	s26 =	rddreg [dreg:$0x5];
	[sflag:s5] =	ssyncadd.s32 @!p2 $0xFFFFFF00;
	s5 =	simm.s32 @!p2 $0x50  }
0x148: {  	[tilespmem:s21], [sflag:$0x9] =	stream.indirect.gather @!p2 [hbm4b:s4+s5], $0x80, s15, s5, $0xb8;
	[tilespmem:$0x1E4C0] =	vst v63  }
0x149: {  	s2 =	simm.s32 @!p3 $0x0;
	s12 =	simm.s32 @!p3 $0x200;
	s5 =	sadd.s32 @!p3 s10, s26  }
0x14a: {  	[tilespmem:s12], [sflag:$0x3] =	stream.linear.gather @!p3 [hbm4b:s5+s2], $0x100, $0x38;
	[tilespmem:$0x1E4C0] =	vst v63  }
0x14b: {  	s7 =	sadd.s32 $0xFFFFFFFF, s18;
	_ =	swait.ge [sflag:s8], $0x2800  }
0x14c: {  	p2 =	sgt.u32 s7, $0x7C;
	[sflag:s8] =	ssyncset.done $0x0  }
0x14d: {  	s5 =	simm.s32 @!p2 $0xE;
	s15 =	rddreg [dreg:$0xe];
	[sflag:s8] =	ssyncadd.s32 $0xFFFFD800  }
0x14e: {  	[spmem:s1] =	stream.indirect.scatter.add.f32 [tilespmem:s6], [sflag:$0xF], $0x80, s15, s20, $0xb8;
	[tilespmem:$0x1E4C0] =	vst v63  }
0x14f: {  	s13 =	sadd.s32 $0x100, s13;
	_ =	swait.ge @!p2 [sflag:s5], $0x2800  }
0x150: {  	p1 =	sne.s32 s13, $0x1000;
	[sflag:s5] =	ssyncset.done @!p2 $0x0  }
0x151: {  	s19 =	sadd.s32 $0x1, s19;
	[sflag:s5] =	ssyncadd.s32 @!p2 $0xFFFFD800;
	s5 =	simm.s32 @!p2 $0x2  }
0x152: {  	p3 =	sgt.u32 @!p2 s7, $0x7A;
	s7 =	simm.s32 @!p2 $0x3000;
	_ =	swait.ge @!p2 [sflag:s5], $0x100  }
0x153: {  	p3 =	por p3, p2;
	s15 =	simm.s32 @!p2 $0x100;
	[sflag:s5] =	ssyncset.done @!p2 $0x0  }
0x154: {  	s12 =	rddreg [dreg:$0x4];
	[sflag:s5] =	ssyncadd.s32 @!p2 $0xFFFFFF00;
	s5 =	simm.s32 @!p2 $0x50  }
0x155: {  	[tilespmem:s7], [sflag:$0xA] =	stream.indirect.gather @!p2 [hbm4b:s4+s5], $0x80, s15, s5, $0xb8;
	[tilespmem:$0x1E4C0] =	vst v63  }
0x156: {  	s2 =	simm.s32 @!p3 $0x300;
	s5 =	sadd.s32 @!p3 s10, s12;
	s7 =	simm.s32 @!p3 $0x0  }
0x157: {  	[tilespmem:s2], [sflag:$0x4] =	stream.linear.gather @!p3 [hbm4b:s5+s7], $0x100, $0x38;
	[tilespmem:$0x1E4C0] =	vst v63  }
.Ltmp4:
0x158: {  	p2 =	sgt.u32 s18, $0x7C;
	_ =	swait.ge [sflag:s16], $0x2800;
	(pc) =	sbr.rel @p1 .LBB2_9-.Ltmp4, $4  }
0x159: {  	s26 =	simm.s32 @!p2 $0x50;
	s31 =	simm.s32 @!p2 $0x3;
	[sflag:s16] =	ssyncset.done $0x0  }
0x15a: {  	s5 =	simm.s32 @!p2 $0xF;
	s21 =	rddreg [dreg:$0xf];
	[sflag:s16] =	ssyncadd.s32 $0xFFFFD800  }
0x15b: {  	[spmem:s1] =	stream.indirect.scatter.add.f32 [tilespmem:s11], [sflag:$0x10], $0x80, s21, s20, $0xb8;
	[tilespmem:$0x1E4C0] =	vst v63  }
0x15c: {  	p3 =	sgt.u32 @!p2 s18, $0x7A;
	s18 =	sadd.s32 $0x8, s18;
	_ =	swait.ge @!p2 [sflag:s5], $0x2800  }
0x15d: {  	[sflag:s5] =	ssyncset.done @!p2 $0x0  }
0x15e: {  	[sflag:s5] =	ssyncadd.s32 @!p2 $0xFFFFD800  }
0x15f: {  	_ =	swait.ge @!p2 [sflag:s31], $0x100  }
0x160: {  	s2 =	simm.s32 @!p2 $0x200;
	s7 =	simm.s32 @!p2 $0x5800;
	[sflag:s31] =	ssyncset.done @!p2 $0x0  }
0x161: {  	p1 =	por p3, p2;
	s5 =	rddreg [dreg:$0x3];
	[sflag:s31] =	ssyncadd.s32 @!p2 $0xFFFFFF00  }
0x162: {  	[tilespmem:s7], [sflag:$0xB] =	stream.indirect.gather @!p2 [hbm4b:s4+s26], $0x80, s2, s26, $0xb8;
	[tilespmem:$0x1E4C0] =	vst v63  }
0x163: {  	s5 =	sadd.s32 @!p1 s10, s5;
	s2 =	simm.s32 @!p1 $0x0;
	s7 =	simm.s32 @!p1 $0x400  }
0x164: {  	[tilespmem:s7], [sflag:$0x5] =	stream.linear.gather @!p1 [hbm4b:s5+s2], $0x100, $0x38;
	[tilespmem:$0x1E4C0] =	vst v63  }
0x165: {  	_ =	swait.ge [sflag:s17], $0x2800  }
0x166: {  	[sflag:s17] =	ssyncset.done $0x0  }
0x167: {  	s23 =	simm.s32 $0xE;
	[sflag:s17] =	ssyncadd.s32 $0xFFFFD800  }
0x168: {  	_ =	swait.ge [sflag:s23], $0x2800  }
0x169: {  	[sflag:s23] =	ssyncset.done $0x0  }
0x16a: {  	[sflag:s23] =	ssyncadd.s32 $0xFFFFD800  }
0x16b: {  	_ =	swait.ge [sflag:s30], $0x2800  }
0x16c: {  	[sflag:s30] =	ssyncset.done $0x0  }
0x16d: {  	s24 =	simm.s32 $0x10;
	[sflag:s30] =	ssyncadd.s32 $0xFFFFD800  }
0x16e: {  	_ =	swait.ge [sflag:s24], $0x2800  }
0x16f: {  	[sflag:s24] =	ssyncset.done $0x0  }
0x170: {  	[sflag:s24] =	ssyncadd.s32 $0xFFFFD800  }
0x171: {  	[bflag:$0x0] =	sbarrier.arrive $0xFFFF  }
0x172: {  	s15 =	rddreg [dreg:$0x18]  }
0x173: {  	s5 =	simm.s32 @p0 $0x1FD1;
	s7 =	rddreg [dreg:$0x17];
	s2 =	sshrl.u32 @p0 s15, $0x3  }
0x174: {  	[hbm:s7], [sflag:s5] =	dma.local @p0 [spmem:s2], $0x1900  }
0x175: {  	s2 =	simm.s32 @p0 $0x11  }
0x176: {  	_ =	swait.ge @p0 [sflag:s2], $0x1900  }
0x177: {  	s5 =	stileid.u32;
	s13 =	rddreg [dreg:$0x15]  }
0x178: {  	s5 =	sshll.u32 @!p0 s5, $0x6;
	[sflag:s2] =	ssyncset.done @p0 $0x0;
	s7 =	rddreg [dreg:$0x16]  }
0x179: {  	[sflag:s2] =	ssyncadd.s32 @p0 $0xFFFFE700;
	s2 =	sor.u32 @!p0 $0x1C11, s5;
	s5 =	sshrl.u32 @!p0 s13, $0x3  }
0x17a: {  	[hbm:s7], [sflag:s2] =	dma.local @!p0 [spmem:s5], $0x2800  }
0x17b: {  	s2 =	simm.s32 @!p0 $0x11  }
0x17c: {  	s19 =	simm.s32 $0x300;
	s21 =	simm.s32 $0x400;
	_ =	swait.ge @!p0 [sflag:s2], $0x2800  }
0x17d: {  	s3 =	simm.s32 $0x3000;
	s6 =	simm.s32 $0x5800;
	s25 =	rddreg [dreg:$0x1a]  }
0x17e: {  	s9 =	simm.s32 $0x4;
	s26 =	rddreg [dreg:$0x19];
	s10 =	sadd.s32 $0x1, s25  }
0x17f: {  	s11 =	simm.s32 $0x500;
	s14 =	simm.s32 $0x5;
	p1 =	sne.s32 s10, s26  }
.Ltmp5:
0x180: {  	s22 =	simm.s32 $0x600;
	s29 =	simm.s32 $0xF;
	(pc) =	sbr.rel @p1 .LBB2_1-.Ltmp5, $4  }
0x181: {  	s31 =	simm.s32 $0x7;
	s17 =	simm.s32 $0xD;
	s23 =	simm.s32 $0x800  }
0x182: {  	s30 =	simm.s32 $0x8000;
	s24 =	simm.s32 $0xE;
	[sflag:s2] =	ssyncset.done @!p0 $0x0  }
0x183: {  	s7 =	simm.s32 $0x11;
	s12 =	rddreg [dreg:$0x10];
	[sflag:s2] =	ssyncadd.s32 @!p0 $0xFFFFD800  }
0x184: {  	s2 =	simm.s32 $0x0;
	s25 =	simm.s32 $0xA800;
	s26 =	simm.s32 $0x6  }
0x185: {  	_ =	sfence.sel $0x180000  }
0x186: {  	[bflag:$0x0] =	sbarrier.arrive $0xFFFF  }
0x187: {  	_ =	strace $0x90000047  }
0x188: {  	s0 =	stileid.u32;
	[bflag:$0x2] =	sbarrier.arrive $0xFFFF  }
0x189: {  	p0 =	sne.s32 s0, $0x0;
	s0 =	rddreg [dreg:$0x2]  }
0x18a: {  	s0 =	sadd.s32 @!p0 $0x100000, s0  }
0x18b: {  	[sflag:s0] =	ssyncadd.tile.s32 @!p0 $0x1;
	_ =	shalt  }
.Lfunc_end2:
_tile_overlayer_lowered:
.L_overlay_start_2:
0x18c: {  	(tag) =	ssettag $0x2  }
0x18d: {  	s0 =	rddreg [dreg:$0x0];
	s2 =	stileid.u32  }
0x18e: {  	s1 =	rddreg [dreg:$0x1];
	p0 =	sne.s32 s2, $0x0  }
0x18f: {  	s3 =	rddreg [dreg:$0x2];
	[bflag:$0x3] =	sbarrier.arrive $0xFFFF;
	s2 =	simm.s32 @!p0 $0x1C11  }
0x190: {  	[timem:s3], [sflag:s2] =	dma.local @!p0 [hbm:s0], s1  }
0x191: {  	s0 =	simm.s32 @!p0 $0x11  }
0x192: {  	_ =	swait.ge @!p0 [sflag:s0], s1  }
0x193: {  	s1 =	ssub.s32 @!p0 $0x0, s1;
	[sflag:s0] =	ssyncset.done @!p0 $0x0  }
0x194: {  	[sflag:s0] =	ssyncadd.s32 @!p0 s1  }
0x195: {  	[bflag:$0x3] =	sbarrier.arrive $0xFFFF  }
0x196: {  	_ =	shalt  }

</sc_bundles>
